<compile_context>
chip_gen: v7x
topology: tpu7x:2x2x1
jax: 0.10.2.dev20260603
libtpu: 0.0.44.dev20260713+nightly
codegen_flags: <defaults>
</compile_context>

<pallas_src>
import functools

import jax
import jax.numpy as jnp
from jax import lax
from jax.experimental import pallas as pl
from jax.experimental.pallas import tpu as pltpu
from jax.experimental.pallas import tpu_sc as plsc

_BIG = 1e30
_PAD = 1e17
_L = 16
_NSC = 2

_GDN = lax.GatherDimensionNumbers(
    offset_dims=(), collapsed_slice_dims=(0,), start_index_map=(0,))


def _splat(vec, l):
    idx = jnp.full((_L, 1), l, jnp.int32)
    return lax.gather(vec, idx, _GDN, (1,),
                      mode=lax.GatherScatterMode.PROMISE_IN_BOUNDS)


def _perm(vec, idx):
    return lax.gather(vec, idx.reshape(_L, 1), _GDN, (1,),
                      mode=lax.GatherScatterMode.PROMISE_IN_BOUNDS)


def _vmin16(v):
    ln = jnp.arange(_L, dtype=jnp.int32)
    for step in (8, 4, 2, 1):
        v = jnp.minimum(v, _perm(v, ln ^ step))
    return v


def _vmax16(v):
    ln = jnp.arange(_L, dtype=jnp.int32)
    for step in (8, 4, 2, 1):
        v = jnp.maximum(v, _perm(v, ln ^ step))
    return v


def _pair_hausdorff_sq(v1v, v2v, minqv, i, j, n1, n2, lanes):
    n1c = (n1 + (_L - 1)) // _L
    n2g = (n2 + (2 * _L - 1)) // (2 * _L)
    bigv = jnp.full((_L,), _BIG, jnp.float32)

    def init_q(qg, c):
        minqv[pl.ds(qg * 2 * _L, _L)] = bigv
        minqv[pl.ds(qg * 2 * _L + _L, _L)] = bigv
        return c

    lax.fori_loop(0, n2g, init_q, 0)

    def p_loop(pc, h1):
        px = v1v[i, 0, pl.ds(pc * _L, _L)]
        py = v1v[i, 1, pl.ds(pc * _L, _L)]
        pz = v1v[i, 2, pl.ds(pc * _L, _L)]

        @plsc.parallel_loop(0, n2g, 1, unroll=2, carry=(bigv,) * _L)
        def q_loop(qg, accs):
            qa = qg * 2 * _L
            qb = qa + _L
            qx0 = v2v[j, 0, pl.ds(qa, _L)]
            qy0 = v2v[j, 1, pl.ds(qa, _L)]
            qz0 = v2v[j, 2, pl.ds(qa, _L)]
            qx1 = v2v[j, 0, pl.ds(qb, _L)]
            qy1 = v2v[j, 1, pl.ds(qb, _L)]
            qz1 = v2v[j, 2, pl.ds(qb, _L)]
            mq0 = minqv[pl.ds(qa, _L)]
            mq1 = minqv[pl.ds(qb, _L)]
            new_accs = []
            for l in range(_L):
                sx = _splat(px, l)
                sy = _splat(py, l)
                sz = _splat(pz, l)
                dx0 = qx0 - sx
                dy0 = qy0 - sy
                dz0 = qz0 - sz
                d20 = dx0 * dx0 + dy0 * dy0 + dz0 * dz0
                dx1 = qx1 - sx
                dy1 = qy1 - sy
                dz1 = qz1 - sz
                d21 = dx1 * dx1 + dy1 * dy1 + dz1 * dz1
                mq0 = jnp.minimum(mq0, d20)
                mq1 = jnp.minimum(mq1, d21)
                new_accs.append(jnp.minimum(accs[l], jnp.minimum(d20, d21)))
            minqv[pl.ds(qa, _L)] = mq0
            minqv[pl.ds(qb, _L)] = mq1
            return tuple(new_accs)

        accs = q_loop
        zerov = jnp.zeros((_L,), jnp.float32)
        for l in range(_L):
            vm = _vmin16(accs[l])
            h1 = jnp.maximum(h1, jnp.where(pc * _L + l < n1, vm, zerov))
        return h1

    h1v = lax.fori_loop(0, n1c, p_loop, jnp.zeros((_L,), jnp.float32))

    def h2_loop(qc, h2v):
        mq = minqv[pl.ds(qc * _L, _L)]
        return jnp.maximum(h2v, jnp.where(lanes + qc * _L < n2, mq, -_BIG))

    n2c = jnp.where(n1 > 0, (n2 + (_L - 1)) // _L, 0)
    h2v = lax.fori_loop(0, n2c, h2_loop, jnp.full((_L,), -_BIG, jnp.float32))
    return jnp.maximum(h1v, jnp.maximum(_vmax16(h2v), 0.0))


def _sc_body(v1_hbm, v2_hbm, prm_hbm, out_hbm, v1v, v2v, prmv, minqv, outv):
    wid = lax.axis_index("c") * 16 + lax.axis_index("s")
    pltpu.sync_copy(v1_hbm, v1v)
    pltpu.sync_copy(v2_hbm, v2v)
    pltpu.sync_copy(prm_hbm.at[wid], prmv)
    lanes = lax.iota(jnp.int32, _L)
    prm = prmv[...]
    i = prm[0].astype(jnp.int32)
    j = prm[1].astype(jnp.int32)
    n1 = prm[2].astype(jnp.int32)
    n2 = prm[3].astype(jnp.int32)
    h = _pair_hausdorff_sq(v1v, v2v, minqv, i, j, n1, n2, lanes)
    outv[...] = jnp.where(lanes == 0, h, 0.0)
    pltpu.sync_copy(outv, out_hbm.at[wid])


def _tc_body(sz1_ref, sz2_ref, v1_ref, v2_ref, out_ref):
    i = pl.program_id(0)
    x = v1_ref[0]
    yf = v2_ref[...]
    L1 = x.shape[0]
    B2 = out_ref.shape[1]
    L2 = yf.shape[0] // B2
    x2 = jnp.sum(x * x, axis=1, keepdims=True)
    y2 = jnp.sum(yf * yf, axis=1, keepdims=True)
    yy = jnp.concatenate([yf, y2], axis=1)
    xx = jnp.concatenate([-2.0 * x, jnp.ones((L1, 1), jnp.float32)], axis=1)
    g = lax.dot_general(xx, yy, (((1,), (1,)), ((), ())),
                        preferred_element_type=jnp.float32)
    d2 = x2 + g

    n1 = sz1_ref[i]
    rmask = lax.broadcasted_iota(jnp.int32, (L1, 1), 0) < n1
    cios = lax.broadcasted_iota(jnp.int32, (1, L2), 1)
    for j in range(B2):
        dj = d2[:, j * L2:(j + 1) * L2]
        n2 = sz2_ref[j]
        minq = jnp.min(dj, axis=1, keepdims=True)
        minp = jnp.min(dj, axis=0, keepdims=True)
        h1 = jnp.max(jnp.where(rmask, minq, -_BIG))
        h2 = jnp.max(jnp.where(cios < n2, minp, -_BIG))
        out_ref[0, j] = jnp.full((8, 128), jnp.maximum(h1, h2), jnp.float32)


def kernel(v1, sz1, v2, sz2):
    B1, L1, _ = v1.shape
    B2, L2, _ = v2.shape
    nw = 32
    ntc = B1 - _NSC
    sz1 = sz1.astype(jnp.int32)
    sz2 = sz2.astype(jnp.int32)
    m1 = jnp.arange(L1)[None, :, None] < sz1[:, None, None]
    m2 = jnp.arange(L2)[None, :, None] < sz2[:, None, None]
    v1p = jnp.where(m1, v1, _PAD)
    v2p = jnp.where(m2, v2, _PAD)
    order = jnp.argsort(sz1)
    scr = order[:_NSC]
    tcr = order[_NSC:]

    v1t = jnp.transpose(v1p, (0, 2, 1))
    v2t = jnp.transpose(v2p, (0, 2, 1))
    t = jnp.arange(nw, dtype=jnp.int32)
    si = jnp.where(t < _NSC * B2, scr[jnp.minimum(t // B2, _NSC - 1)], 0)
    sj = t % B2
    sn1 = jnp.where(t < _NSC * B2, sz1[si], 0)
    cols = jnp.stack([si, sj, sn1, sz2[sj]], axis=1)
    prm = jnp.pad(cols, ((0, 0), (0, _L - 4))).astype(jnp.float32)

    sc = functools.partial(
        pl.kernel,
        mesh=plsc.VectorSubcoreMesh(core_axis_name="c", subcore_axis_name="s"),
        out_type=jax.ShapeDtypeStruct((nw, _L), jnp.float32),
        scratch_types=[
            pltpu.VMEM((B1, 3, L1), jnp.float32),
            pltpu.VMEM((B2, 3, L2), jnp.float32),
            pltpu.VMEM((_L,), jnp.float32),
            pltpu.VMEM((L2,), jnp.float32),
            pltpu.VMEM((_L,), jnp.float32),
        ],
    )(_sc_body)
    res_sc = sc(v1t, v2t, prm)
    sc_rows = res_sc[:_NSC * B2, 0].reshape(_NSC, B2)

    v1g = v1p[tcr]
    tc_out = pl.pallas_call(
        _tc_body,
        grid=(ntc,),
        in_specs=[
            pl.BlockSpec(memory_space=pltpu.SMEM),
            pl.BlockSpec(memory_space=pltpu.SMEM),
            pl.BlockSpec((1, L1, 3), lambda i: (i, 0, 0)),
            pl.BlockSpec((B2 * L2, 3), lambda i: (0, 0)),
        ],
        out_specs=pl.BlockSpec((1, B2, 8, 128), lambda i: (i, 0, 0, 0)),
        out_shape=jax.ShapeDtypeStruct((ntc, B2, 8, 128), jnp.float32),
    )(sz1[tcr], sz2, v1g, v2p.reshape(B2 * L2, 3))
    tc_rows = tc_out[:, :, 0, 0]

    out = jnp.zeros((B1, B2), jnp.float32)
    out = out.at[scr].set(sc_rows).at[tcr].set(tc_rows)
    return jnp.sqrt(jnp.maximum(out, 0.0))

# --- scband reference (transcript-rebuilt; emitter-appended) ---
"""Pipeline reference for scband-hd-35399120454206 (READ-ONLY COPY).

The authoritative reference and input builder live on the scoring server;
editing this copy changes nothing except your own understanding.
"""

import jax, jax.numpy as jnp
import numpy as np


def setup_inputs(seed: int = 0) -> dict:
    key = jax.random.key(seed)
    k1, k2, k3, k4 = jax.random.split(key, 4)
    v1 = jax.random.normal(k1, (8, 512, 3), dtype=jnp.float32)
    v2 = jax.random.normal(k2, (8, 512, 3), dtype=jnp.float32)
    sz1 = jax.random.randint(k3, (8,), 1, 513, dtype=jnp.int64 if jax.config.jax_enable_x64 else jnp.int32)
    sz2 = jax.random.randint(k4, (8,), 1, 513, dtype=jnp.int64 if jax.config.jax_enable_x64 else jnp.int32)
    return {"v1": v1, "sz1": sz1, "v2": v2, "sz2": sz2}


def reference(v1, sz1, v2, sz2):
    # Pairwise Hausdorff distance between ragged point sets.
    # Original torch code loops over (i, j) pairs and slices v1[i, :sz1[i]],
    # v2[j, :sz2[j]]; here we vectorize with validity masks.
    B1, L1, D = v1.shape
    B2, L2, _ = v2.shape
    m1 = jnp.arange(L1)[None, :] < sz1[:, None]  # [B1, L1] valid points in v1
    m2 = jnp.arange(L2)[None, :] < sz2[:, None]  # [B2, L2] valid points in v2
    # Euclidean distances via the |x|^2 + |y|^2 - 2 x.y identity (avoids a
    # [B1,B2,L1,L2,D] intermediate).
    x2 = jnp.sum(v1 * v1, axis=-1)               # [B1, L1]
    y2 = jnp.sum(v2 * v2, axis=-1)               # [B2, L2]
    xy = jnp.einsum('ipd,jqd->ijpq', v1, v2)     # [B1, B2, L1, L2]
    d2 = x2[:, None, :, None] + y2[None, :, None, :] - 2.0 * xy
    d = jnp.sqrt(jnp.maximum(d2, 0.0))           # [B1, B2, L1, L2]
    valid = m1[:, None, :, None] & m2[None, :, None, :]
    BIG = jnp.float32(1e30)
    dm = jnp.where(valid, d, BIG)
    # directed distances: for each valid point, min over the other set
    mins_q = jnp.min(dm, axis=3)                 # [B1, B2, L1] min over v2 points
    mins_p = jnp.min(dm, axis=2)                 # [B1, B2, L2] min over v1 points
    # max only over valid rows
    mins_q = jnp.where(m1[:, None, :], mins_q, -BIG)
    mins_p = jnp.where(m2[None, :, :], mins_p, -BIG)
    h1 = jnp.max(mins_q, axis=2)                 # sup_x inf_y d(x,y)
    h2 = jnp.max(mins_p, axis=2)                 # sup_y inf_x d(x,y)
    return jnp.maximum(h1, h2)                   # [B1, B2]

if __name__ == "__main__":
    import jax
    _d = setup_inputs()
    print(jax.jit(kernel)(*tuple(_d.values())))

</pallas_src>

<mosaic_0001>
#map = affine_map<(d0, d1) -> (0, 0, 0)>
#map1 = affine_map<(d0, d1) -> (0, 0)>
module attributes {stable_mosaic.version = 14 : i64} {
  func.func @_sc_body(%arg0: i32, %arg1: i32, %arg2: memref<8x3x512xf32, #tpu.memory_space<hbm>>, %arg3: memref<8x3x512xf32, #tpu.memory_space<hbm>>, %arg4: memref<32x16xf32, #tpu.memory_space<hbm>>, %arg5: memref<32x16xf32, #tpu.memory_space<hbm>>, %arg6: memref<8x3x512xf32, #tpu.memory_space<vmem>>, %arg7: memref<8x3x512xf32, #tpu.memory_space<vmem>>, %arg8: memref<16xf32, #tpu.memory_space<vmem>>, %arg9: memref<512xf32, #tpu.memory_space<vmem>>, %arg10: memref<16xf32, #tpu.memory_space<vmem>>) attributes {dimension_semantics = [#tpu.dimension_semantics<core_parallel>, #tpu.dimension_semantics<subcore_parallel>], iteration_bounds = array<i64: 2, 16>, scalar_prefetch = 0 : i64, scratch_operands = 5 : i64, tpu.core_type = #tpu.core_type<sc_vector_subcore>, window_params = [{transform_indices = #map}, {transform_indices = #map}, {transform_indices = #map1}, {transform_indices = #map1}]} {
    %mul3A = arith.constant 16 : i32
    %mul3A_0 = arith.muli %arg0, %mul3A : i32
    %add3A = arith.addi %mul3A_0, %arg1 : i32
    "tpu.region"() ({
      %run_scoped3A = tpu.sem_alloc : memref<!tpu.dma_semaphore, #tpu.memory_space<semaphore_mem>>
      tpu.enqueue_dma source(%arg2 : memref<8x3x512xf32, #tpu.memory_space<hbm>>) target(%arg6 : memref<8x3x512xf32, #tpu.memory_space<vmem>>) target_semaphore(%run_scoped3A : memref<!tpu.dma_semaphore, #tpu.memory_space<semaphore_mem>>)
      tpu.wait_dma2 semaphore(%run_scoped3A : memref<!tpu.dma_semaphore, #tpu.memory_space<semaphore_mem>>) src(%arg2 : memref<8x3x512xf32, #tpu.memory_space<hbm>>) dst(%arg6 : memref<8x3x512xf32, #tpu.memory_space<vmem>>)
      tpu.yield
    }) : () -> ()
    "tpu.region"() ({
      %run_scoped3A = tpu.sem_alloc : memref<!tpu.dma_semaphore, #tpu.memory_space<semaphore_mem>>
      tpu.enqueue_dma source(%arg3 : memref<8x3x512xf32, #tpu.memory_space<hbm>>) target(%arg7 : memref<8x3x512xf32, #tpu.memory_space<vmem>>) target_semaphore(%run_scoped3A : memref<!tpu.dma_semaphore, #tpu.memory_space<semaphore_mem>>)
      tpu.wait_dma2 semaphore(%run_scoped3A : memref<!tpu.dma_semaphore, #tpu.memory_space<semaphore_mem>>) src(%arg3 : memref<8x3x512xf32, #tpu.memory_space<hbm>>) dst(%arg7 : memref<8x3x512xf32, #tpu.memory_space<vmem>>)
      tpu.yield
    }) : () -> ()
    "tpu.region"() ({
      %run_scoped3A = tpu.sem_alloc : memref<!tpu.dma_semaphore, #tpu.memory_space<semaphore_mem>>
      %dma_start3A = arith.constant 0 : i32
      %dma_start3A_158 = tpu.memref_slice %arg4[%add3A, %dma_start3A] : memref<32x16xf32, #tpu.memory_space<hbm>> -> memref<1x16xf32, #tpu.memory_space<hbm>>
      %dma_start3A_159 = tpu.memref_squeeze %dma_start3A_158 : memref<1x16xf32, #tpu.memory_space<hbm>> -> memref<16xf32, #tpu.memory_space<hbm>>
      %dma_start3A_160 = arith.constant 0 : i32
      %dma_start3A_161 = tpu.memref_slice %arg4[%add3A, %dma_start3A_160] : memref<32x16xf32, #tpu.memory_space<hbm>> -> memref<1x16xf32, #tpu.memory_space<hbm>>
      %dma_start3A_162 = tpu.memref_squeeze %dma_start3A_161 : memref<1x16xf32, #tpu.memory_space<hbm>> -> memref<16xf32, #tpu.memory_space<hbm>>
      tpu.enqueue_dma source(%dma_start3A_162 : memref<16xf32, #tpu.memory_space<hbm>>) target(%arg8 : memref<16xf32, #tpu.memory_space<vmem>>) target_semaphore(%run_scoped3A : memref<!tpu.dma_semaphore, #tpu.memory_space<semaphore_mem>>)
      %dma_wait3A = arith.constant 0 : i32
      %dma_wait3A_163 = tpu.memref_slice %arg4[%add3A, %dma_wait3A] : memref<32x16xf32, #tpu.memory_space<hbm>> -> memref<1x16xf32, #tpu.memory_space<hbm>>
      %dma_wait3A_164 = tpu.memref_squeeze %dma_wait3A_163 : memref<1x16xf32, #tpu.memory_space<hbm>> -> memref<16xf32, #tpu.memory_space<hbm>>
      %dma_wait3A_165 = arith.constant 0 : i32
      %dma_wait3A_166 = tpu.memref_slice %arg4[%add3A, %dma_wait3A_165] : memref<32x16xf32, #tpu.memory_space<hbm>> -> memref<1x16xf32, #tpu.memory_space<hbm>>
      %dma_wait3A_167 = tpu.memref_squeeze %dma_wait3A_166 : memref<1x16xf32, #tpu.memory_space<hbm>> -> memref<16xf32, #tpu.memory_space<hbm>>
      tpu.wait_dma2 semaphore(%run_scoped3A : memref<!tpu.dma_semaphore, #tpu.memory_space<semaphore_mem>>) src(%dma_wait3A_167 : memref<16xf32, #tpu.memory_space<hbm>>) dst(%arg8 : memref<16xf32, #tpu.memory_space<vmem>>)
      tpu.yield
    }) : () -> ()
    %iota3A = tpu.iota {dimensions = array<i32: 0>} : vector<16xi32>
    %get3A = arith.constant 0 : index
    %get3A_1 = tpu.vector_load %arg8[%get3A] {strides = array<i32>} : memref<16xf32, #tpu.memory_space<vmem>>, vector<16xf32>,
    %get3A_2 = vector.shape_cast %get3A_1 : vector<16xf32> to vector<16xf32>
    %slice3A = vector.extract_strided_slice %get3A_2 {offsets = [0], sizes = [1], strides = [1]} : vector<16xf32> to vector<1xf32>
    %squeeze3A = vector.extract %slice3A[0] : f32 from vector<1xf32>
    %convert_element_type3A = arith.fptosi %squeeze3A : f32 to i32
    %slice3A_3 = vector.extract_strided_slice %get3A_2 {offsets = [1], sizes = [1], strides = [1]} : vector<16xf32> to vector<1xf32>
    %squeeze3A_4 = vector.extract %slice3A_3[0] : f32 from vector<1xf32>
    %convert_element_type3A_5 = arith.fptosi %squeeze3A_4 : f32 to i32
    %slice3A_6 = vector.extract_strided_slice %get3A_2 {offsets = [2], sizes = [1], strides = [1]} : vector<16xf32> to vector<1xf32>
    %squeeze3A_7 = vector.extract %slice3A_6[0] : f32 from vector<1xf32>
    %convert_element_type3A_8 = arith.fptosi %squeeze3A_7 : f32 to i32
    %slice3A_9 = vector.extract_strided_slice %get3A_2 {offsets = [3], sizes = [1], strides = [1]} : vector<16xf32> to vector<1xf32>
    %squeeze3A_10 = vector.extract %slice3A_9[0] : f32 from vector<1xf32>
    %convert_element_type3A_11 = arith.fptosi %squeeze3A_10 : f32 to i32
    %add3A_12 = arith.constant 15 : i32
    %add3A_13 = arith.addi %convert_element_type3A_8, %add3A_12 : i32
    %jit3A = arith.constant 16 : i32
    %div3A = arith.divsi %add3A_13, %jit3A : i32
    %sign3A = arith.constant 0 : i32
    %sign3A_14 = arith.cmpi sgt, %add3A_13, %sign3A : i32
    %sign3A_15 = arith.extui %sign3A_14 : i1 to i32
    %sign3A_16 = arith.constant 0 : i32
    %sign3A_17 = arith.cmpi slt, %add3A_13, %sign3A_16 : i32
    %sign3A_18 = arith.extui %sign3A_17 : i1 to i32
    %sign3A_19 = arith.subi %sign3A_15, %sign3A_18 : i32
    %sign3A_20 = arith.constant 0 : i32
    %sign3A_21 = arith.cmpi sgt, %jit3A, %sign3A_20 : i32
    %sign3A_22 = arith.extui %sign3A_21 : i1 to i32
    %sign3A_23 = arith.constant 0 : i32
    %sign3A_24 = arith.cmpi slt, %jit3A, %sign3A_23 : i32
    %sign3A_25 = arith.extui %sign3A_24 : i1 to i32
    %sign3A_26 = arith.subi %sign3A_22, %sign3A_25 : i32
    %ne3A = arith.cmpi ne, %sign3A_19, %sign3A_26 : i32
    %rem3A = arith.remsi %add3A_13, %jit3A : i32
    %ne3A_27 = arith.constant 0 : i32
    %ne3A_28 = arith.cmpi ne, %rem3A, %ne3A_27 : i32
    %and3A = arith.andi %ne3A, %ne3A_28 : i1
    %sub3A = arith.constant 1 : i32
    %sub3A_29 = arith.subi %div3A, %sub3A : i32
    %select_n3A = arith.select %and3A, %sub3A_29, %div3A : i32
    %add3A_30 = arith.constant 31 : i32
    %add3A_31 = arith.addi %convert_element_type3A_11, %add3A_30 : i32
    %jit3A_32 = arith.constant 32 : i32
    %div3A_33 = arith.divsi %add3A_31, %jit3A_32 : i32
    %sign3A_34 = arith.constant 0 : i32
    %sign3A_35 = arith.cmpi sgt, %add3A_31, %sign3A_34 : i32
    %sign3A_36 = arith.extui %sign3A_35 : i1 to i32
    %sign3A_37 = arith.constant 0 : i32
    %sign3A_38 = arith.cmpi slt, %add3A_31, %sign3A_37 : i32
    %sign3A_39 = arith.extui %sign3A_38 : i1 to i32
    %sign3A_40 = arith.subi %sign3A_36, %sign3A_39 : i32
    %sign3A_41 = arith.constant 0 : i32
    %sign3A_42 = arith.cmpi sgt, %jit3A_32, %sign3A_41 : i32
    %sign3A_43 = arith.extui %sign3A_42 : i1 to i32
    %sign3A_44 = arith.constant 0 : i32
    %sign3A_45 = arith.cmpi slt, %jit3A_32, %sign3A_44 : i32
    %sign3A_46 = arith.extui %sign3A_45 : i1 to i32
    %sign3A_47 = arith.subi %sign3A_43, %sign3A_46 : i32
    %ne3A_48 = arith.cmpi ne, %sign3A_40, %sign3A_47 : i32
    %rem3A_49 = arith.remsi %add3A_31, %jit3A_32 : i32
    %ne3A_50 = arith.constant 0 : i32
    %ne3A_51 = arith.cmpi ne, %rem3A_49, %ne3A_50 : i32
    %and3A_52 = arith.andi %ne3A_48, %ne3A_51 : i1
    %sub3A_53 = arith.constant 1 : i32
    %sub3A_54 = arith.subi %div3A_33, %sub3A_53 : i32
    %select_n3A_55 = arith.select %and3A_52, %sub3A_54, %div3A_33 : i32
    %broadcast_in_dim3A = arith.constant 1.000000e+30 : f32
    %broadcast_in_dim3A_56 = vector.broadcast %broadcast_in_dim3A : f32 to vector<16xf32>
    %while3A = arith.constant 0 : i32
    %while3A_57 = arith.constant 0 : i32
    %while3A_58 = arith.subi %select_n3A_55, %while3A_57 : i32
    %while3A_59 = arith.addi %while3A_57, %while3A_58 : i32
    %while3A_60 = arith.constant 1 : i32
    %while3A_61 = arith.divsi %while3A_58, %while3A_60 : i32
    %while3A_62 = arith.muli %while3A_61, %while3A_60 : i32
    %while3A_63 = arith.addi %while3A_57, %while3A_62 : i32
    %while3A_64 = arith.constant 1 : i32
    scf.for %while3A_158 = %while3A_57 to %while3A_63 step %while3A_64  : i32 {
      %mul3A_159 = arith.constant 2 : i32
      %mul3A_160 = arith.muli %while3A_158, %mul3A_159 : i32
      %mul3A_161 = arith.constant 16 : i32
      %mul3A_162 = arith.muli %mul3A_160, %mul3A_161 : i32
      %swap3A_163 = arith.index_cast %mul3A_162 : i32 to index
      %swap3A_164 = tpu.vector_load %arg9[%swap3A_163] {strides = array<i32>} : memref<512xf32, #tpu.memory_space<vmem>>, vector<16xf32>,
      %swap3A_165 = vector.shape_cast %swap3A_164 : vector<16xf32> to vector<16xf32>
      %swap3A_166 = vector.shape_cast %broadcast_in_dim3A_56 : vector<16xf32> to vector<16xf32>
      tpu.vector_store %arg9[%swap3A_163], %swap3A_166 {strides = array<i32>} : memref<512xf32, #tpu.memory_space<vmem>>, vector<16xf32>,
      %mul3A_167 = arith.constant 2 : i32
      %mul3A_168 = arith.muli %while3A_158, %mul3A_167 : i32
      %mul3A_169 = arith.constant 16 : i32
      %mul3A_170 = arith.muli %mul3A_168, %mul3A_169 : i32
      %add3A_171 = arith.constant 16 : i32
      %add3A_172 = arith.addi %mul3A_170, %add3A_171 : i32
      %swap3A_173 = arith.index_cast %add3A_172 : i32 to index
      %swap3A_174 = tpu.vector_load %arg9[%swap3A_173] {strides = array<i32>} : memref<512xf32, #tpu.memory_space<vmem>>, vector<16xf32>,
      %swap3A_175 = vector.shape_cast %swap3A_174 : vector<16xf32> to vector<16xf32>
      %swap3A_176 = vector.shape_cast %broadcast_in_dim3A_56 : vector<16xf32> to vector<16xf32>
      tpu.vector_store %arg9[%swap3A_173], %swap3A_176 {strides = array<i32>} : memref<512xf32, #tpu.memory_space<vmem>>, vector<16xf32>,
    }
    %while3A_65 = arith.constant 1 : i32
    scf.for %while3A_158 = %while3A_63 to %while3A_59 step %while3A_65  : i32 {
      %mul3A_159 = arith.constant 2 : i32
      %mul3A_160 = arith.muli %while3A_158, %mul3A_159 : i32
      %mul3A_161 = arith.constant 16 : i32
      %mul3A_162 = arith.muli %mul3A_160, %mul3A_161 : i32
      %swap3A_163 = arith.index_cast %mul3A_162 : i32 to index
      %swap3A_164 = tpu.vector_load %arg9[%swap3A_163] {strides = array<i32>} : memref<512xf32, #tpu.memory_space<vmem>>, vector<16xf32>,
      %swap3A_165 = vector.shape_cast %swap3A_164 : vector<16xf32> to vector<16xf32>
      %swap3A_166 = vector.shape_cast %broadcast_in_dim3A_56 : vector<16xf32> to vector<16xf32>
      tpu.vector_store %arg9[%swap3A_163], %swap3A_166 {strides = array<i32>} : memref<512xf32, #tpu.memory_space<vmem>>, vector<16xf32>,
      %mul3A_167 = arith.constant 2 : i32
      %mul3A_168 = arith.muli %while3A_158, %mul3A_167 : i32
      %mul3A_169 = arith.constant 16 : i32
      %mul3A_170 = arith.muli %mul3A_168, %mul3A_169 : i32
      %add3A_171 = arith.constant 16 : i32
      %add3A_172 = arith.addi %mul3A_170, %add3A_171 : i32
      %swap3A_173 = arith.index_cast %add3A_172 : i32 to index
      %swap3A_174 = tpu.vector_load %arg9[%swap3A_173] {strides = array<i32>} : memref<512xf32, #tpu.memory_space<vmem>>, vector<16xf32>,
      %swap3A_175 = vector.shape_cast %swap3A_174 : vector<16xf32> to vector<16xf32>
      %swap3A_176 = vector.shape_cast %broadcast_in_dim3A_56 : vector<16xf32> to vector<16xf32>
      tpu.vector_store %arg9[%swap3A_173], %swap3A_176 {strides = array<i32>} : memref<512xf32, #tpu.memory_space<vmem>>, vector<16xf32>,
    }
    %broadcast_in_dim3A_66 = arith.constant 0.000000e+00 : f32
    %broadcast_in_dim3A_67 = vector.broadcast %broadcast_in_dim3A_66 : f32 to vector<16xf32>
    %while3A_68 = arith.constant 0 : i32
    %while3A_69 = arith.subi %select_n3A, %while3A_68 : i32
    %while3A_70 = arith.addi %while3A_68, %while3A_69 : i32
    %while3A_71 = arith.constant 1 : i32
    %while3A_72 = arith.divsi %while3A_69, %while3A_71 : i32
    %while3A_73 = arith.muli %while3A_72, %while3A_71 : i32
    %while3A_74 = arith.addi %while3A_68, %while3A_73 : i32
    %while3A_75 = arith.constant 1 : i32
    %while3A_76 = scf.for %while3A_158 = %while3A_68 to %while3A_74 step %while3A_75 iter_args(%while3A_159 = %broadcast_in_dim3A_67) -> (vector<16xf32>)  : i32 {
      %mul3A_160 = arith.constant 16 : i32
      %mul3A_161 = arith.muli %while3A_158, %mul3A_160 : i32
      %get3A_162 = arith.constant 0 : i32
      %get3A_163 = arith.index_cast %convert_element_type3A : i32 to index
      %get3A_164 = arith.index_cast %get3A_162 : i32 to index
      %get3A_165 = arith.index_cast %mul3A_161 : i32 to index
      %get3A_166 = tpu.vector_load %arg6[%get3A_163, %get3A_164, %get3A_165] {strides = array<i32>} : memref<8x3x512xf32, #tpu.memory_space<vmem>>, vector<1x1x16xf32>,
      %get3A_167 = vector.shape_cast %get3A_166 : vector<1x1x16xf32> to vector<16xf32>
      %mul3A_168 = arith.constant 16 : i32
      %mul3A_169 = arith.muli %while3A_158, %mul3A_168 : i32
      %get3A_170 = arith.constant 1 : i32
      %get3A_171 = arith.index_cast %convert_element_type3A : i32 to index
      %get3A_172 = arith.index_cast %get3A_170 : i32 to index
      %get3A_173 = arith.index_cast %mul3A_169 : i32 to index
      %get3A_174 = tpu.vector_load %arg6[%get3A_171, %get3A_172, %get3A_173] {strides = array<i32>} : memref<8x3x512xf32, #tpu.memory_space<vmem>>, vector<1x1x16xf32>,
      %get3A_175 = vector.shape_cast %get3A_174 : vector<1x1x16xf32> to vector<16xf32>
      %mul3A_176 = arith.constant 16 : i32
      %mul3A_177 = arith.muli %while3A_158, %mul3A_176 : i32
      %get3A_178 = arith.constant 2 : i32
      %get3A_179 = arith.index_cast %convert_element_type3A : i32 to index
      %get3A_180 = arith.index_cast %get3A_178 : i32 to index
      %get3A_181 = arith.index_cast %mul3A_177 : i32 to index
      %get3A_182 = tpu.vector_load %arg6[%get3A_179, %get3A_180, %get3A_181] {strides = array<i32>} : memref<8x3x512xf32, #tpu.memory_space<vmem>>, vector<1x1x16xf32>,
      %get3A_183 = vector.shape_cast %get3A_182 : vector<1x1x16xf32> to vector<16xf32>
      %parallel_loop3A = arith.constant 0 : i32
      %parallel_loop3A_184 = arith.constant 1 : i32
      %parallel_loop3A_185:16 = scf.for %parallel_loop3A_762 = %parallel_loop3A to %select_n3A_55 step %parallel_loop3A_184 iter_args(%parallel_loop3A_763 = %broadcast_in_dim3A_56, %parallel_loop3A_764 = %broadcast_in_dim3A_56, %parallel_loop3A_765 = %broadcast_in_dim3A_56, %parallel_loop3A_766 = %broadcast_in_dim3A_56, %parallel_loop3A_767 = %broadcast_in_dim3A_56, %parallel_loop3A_768 = %broadcast_in_dim3A_56, %parallel_loop3A_769 = %broadcast_in_dim3A_56, %parallel_loop3A_770 = %broadcast_in_dim3A_56, %parallel_loop3A_771 = %broadcast_in_dim3A_56, %parallel_loop3A_772 = %broadcast_in_dim3A_56, %parallel_loop3A_773 = %broadcast_in_dim3A_56, %parallel_loop3A_774 = %broadcast_in_dim3A_56, %parallel_loop3A_775 = %broadcast_in_dim3A_56, %parallel_loop3A_776 = %broadcast_in_dim3A_56, %parallel_loop3A_777 = %broadcast_in_dim3A_56, %parallel_loop3A_778 = %broadcast_in_dim3A_56) -> (vector<16xf32>, vector<16xf32>, vector<16xf32>, vector<16xf32>, vector<16xf32>, vector<16xf32>, vector<16xf32>, vector<16xf32>, vector<16xf32>, vector<16xf32>, vector<16xf32>, vector<16xf32>, vector<16xf32>, vector<16xf32>, vector<16xf32>, vector<16xf32>)  : i32 {
        %parallel_loop3A_779 = arith.constant 2 : i32
        %parallel_loop3A_780 = arith.muli %parallel_loop3A_762, %parallel_loop3A_779 : i32
        %parallel_loop3A_781 = arith.constant 16 : i32
        %parallel_loop3A_782 = arith.muli %parallel_loop3A_780, %parallel_loop3A_781 : i32
        %parallel_loop3A_783 = arith.constant 16 : i32
        %parallel_loop3A_784 = arith.addi %parallel_loop3A_782, %parallel_loop3A_783 : i32
        %parallel_loop3A_785 = arith.constant 0 : i32
        %parallel_loop3A_786 = arith.index_cast %convert_element_type3A_5 : i32 to index
        %parallel_loop3A_787 = arith.index_cast %parallel_loop3A_785 : i32 to index
        %parallel_loop3A_788 = arith.index_cast %parallel_loop3A_782 : i32 to index
        %parallel_loop3A_789 = tpu.vector_load %arg7[%parallel_loop3A_786, %parallel_loop3A_787, %parallel_loop3A_788] {strides = array<i32>} : memref<8x3x512xf32, #tpu.memory_space<vmem>>, vector<1x1x16xf32>,
        %parallel_loop3A_790 = vector.shape_cast %parallel_loop3A_789 : vector<1x1x16xf32> to vector<16xf32>
        %parallel_loop3A_791 = arith.constant 1 : i32
        %parallel_loop3A_792 = arith.index_cast %convert_element_type3A_5 : i32 to index
        %parallel_loop3A_793 = arith.index_cast %parallel_loop3A_791 : i32 to index
        %parallel_loop3A_794 = arith.index_cast %parallel_loop3A_782 : i32 to index
        %parallel_loop3A_795 = tpu.vector_load %arg7[%parallel_loop3A_792, %parallel_loop3A_793, %parallel_loop3A_794] {strides = array<i32>} : memref<8x3x512xf32, #tpu.memory_space<vmem>>, vector<1x1x16xf32>,
        %parallel_loop3A_796 = vector.shape_cast %parallel_loop3A_795 : vector<1x1x16xf32> to vector<16xf32>
        %parallel_loop3A_797 = arith.constant 2 : i32
        %parallel_loop3A_798 = arith.index_cast %convert_element_type3A_5 : i32 to index
        %parallel_loop3A_799 = arith.index_cast %parallel_loop3A_797 : i32 to index
        %parallel_loop3A_800 = arith.index_cast %parallel_loop3A_782 : i32 to index
        %parallel_loop3A_801 = tpu.vector_load %arg7[%parallel_loop3A_798, %parallel_loop3A_799, %parallel_loop3A_800] {strides = array<i32>} : memref<8x3x512xf32, #tpu.memory_space<vmem>>, vector<1x1x16xf32>,
        %parallel_loop3A_802 = vector.shape_cast %parallel_loop3A_801 : vector<1x1x16xf32> to vector<16xf32>
        %parallel_loop3A_803 = arith.constant 0 : i32
        %parallel_loop3A_804 = arith.index_cast %convert_element_type3A_5 : i32 to index
        %parallel_loop3A_805 = arith.index_cast %parallel_loop3A_803 : i32 to index
        %parallel_loop3A_806 = arith.index_cast %parallel_loop3A_784 : i32 to index
        %parallel_loop3A_807 = tpu.vector_load %arg7[%parallel_loop3A_804, %parallel_loop3A_805, %parallel_loop3A_806] {strides = array<i32>} : memref<8x3x512xf32, #tpu.memory_space<vmem>>, vector<1x1x16xf32>,
        %parallel_loop3A_808 = vector.shape_cast %parallel_loop3A_807 : vector<1x1x16xf32> to vector<16xf32>
        %parallel_loop3A_809 = arith.constant 1 : i32
        %parallel_loop3A_810 = arith.index_cast %convert_element_type3A_5 : i32 to index
        %parallel_loop3A_811 = arith.index_cast %parallel_loop3A_809 : i32 to index
        %parallel_loop3A_812 = arith.index_cast %parallel_loop3A_784 : i32 to index
        %parallel_loop3A_813 = tpu.vector_load %arg7[%parallel_loop3A_810, %parallel_loop3A_811, %parallel_loop3A_812] {strides = array<i32>} : memref<8x3x512xf32, #tpu.memory_space<vmem>>, vector<1x1x16xf32>,
        %parallel_loop3A_814 = vector.shape_cast %parallel_loop3A_813 : vector<1x1x16xf32> to vector<16xf32>
        %parallel_loop3A_815 = arith.constant 2 : i32
        %parallel_loop3A_816 = arith.index_cast %convert_element_type3A_5 : i32 to index
        %parallel_loop3A_817 = arith.index_cast %parallel_loop3A_815 : i32 to index
        %parallel_loop3A_818 = arith.index_cast %parallel_loop3A_784 : i32 to index
        %parallel_loop3A_819 = tpu.vector_load %arg7[%parallel_loop3A_816, %parallel_loop3A_817, %parallel_loop3A_818] {strides = array<i32>} : memref<8x3x512xf32, #tpu.memory_space<vmem>>, vector<1x1x16xf32>,
        %parallel_loop3A_820 = vector.shape_cast %parallel_loop3A_819 : vector<1x1x16xf32> to vector<16xf32>
        %parallel_loop3A_821 = arith.index_cast %parallel_loop3A_782 : i32 to index
        %parallel_loop3A_822 = tpu.vector_load %arg9[%parallel_loop3A_821] {strides = array<i32>} : memref<512xf32, #tpu.memory_space<vmem>>, vector<16xf32>,
        %parallel_loop3A_823 = vector.shape_cast %parallel_loop3A_822 : vector<16xf32> to vector<16xf32>
        %parallel_loop3A_824 = arith.index_cast %parallel_loop3A_784 : i32 to index
        %parallel_loop3A_825 = tpu.vector_load %arg9[%parallel_loop3A_824] {strides = array<i32>} : memref<512xf32, #tpu.memory_space<vmem>>, vector<16xf32>,
        %parallel_loop3A_826 = vector.shape_cast %parallel_loop3A_825 : vector<16xf32> to vector<16xf32>
        %parallel_loop3A_827 = arith.constant 0 : i32
        %parallel_loop3A_828 = vector.broadcast %parallel_loop3A_827 : i32 to vector<16x1xi32>
        %parallel_loop3A_829 = vector.shape_cast %parallel_loop3A_828 : vector<16x1xi32> to vector<16xi32>
        %parallel_loop3A_830 = tpu.dynamic_gather %get3A_167[%parallel_loop3A_829] in [0] : vector<16xf32>, vector<16xi32> -> vector<16xf32>
        %parallel_loop3A_831 = arith.constant 0 : i32
        %parallel_loop3A_832 = vector.broadcast %parallel_loop3A_831 : i32 to vector<16x1xi32>
        %parallel_loop3A_833 = vector.shape_cast %parallel_loop3A_832 : vector<16x1xi32> to vector<16xi32>
        %parallel_loop3A_834 = tpu.dynamic_gather %get3A_175[%parallel_loop3A_833] in [0] : vector<16xf32>, vector<16xi32> -> vector<16xf32>
        %parallel_loop3A_835 = arith.constant 0 : i32
        %parallel_loop3A_836 = vector.broadcast %parallel_loop3A_835 : i32 to vector<16x1xi32>
        %parallel_loop3A_837 = vector.shape_cast %parallel_loop3A_836 : vector<16x1xi32> to vector<16xi32>
        %parallel_loop3A_838 = tpu.dynamic_gather %get3A_183[%parallel_loop3A_837] in [0] : vector<16xf32>, vector<16xi32> -> vector<16xf32>
        %parallel_loop3A_839 = arith.subf %parallel_loop3A_790, %parallel_loop3A_830 : vector<16xf32>
        %parallel_loop3A_840 = arith.subf %parallel_loop3A_796, %parallel_loop3A_834 : vector<16xf32>
        %parallel_loop3A_841 = arith.subf %parallel_loop3A_802, %parallel_loop3A_838 : vector<16xf32>
        %parallel_loop3A_842 = arith.mulf %parallel_loop3A_839, %parallel_loop3A_839 : vector<16xf32>
        %parallel_loop3A_843 = arith.mulf %parallel_loop3A_840, %parallel_loop3A_840 : vector<16xf32>
        %parallel_loop3A_844 = arith.addf %parallel_loop3A_842, %parallel_loop3A_843 : vector<16xf32>
        %parallel_loop3A_845 = arith.mulf %parallel_loop3A_841, %parallel_loop3A_841 : vector<16xf32>
        %parallel_loop3A_846 = arith.addf %parallel_loop3A_844, %parallel_loop3A_845 : vector<16xf32>
        %parallel_loop3A_847 = arith.subf %parallel_loop3A_808, %parallel_loop3A_830 : vector<16xf32>
        %parallel_loop3A_848 = arith.subf %parallel_loop3A_814, %parallel_loop3A_834 : vector<16xf32>
        %parallel_loop3A_849 = arith.subf %parallel_loop3A_820, %parallel_loop3A_838 : vector<16xf32>
        %parallel_loop3A_850 = arith.mulf %parallel_loop3A_847, %parallel_loop3A_847 : vector<16xf32>
        %parallel_loop3A_851 = arith.mulf %parallel_loop3A_848, %parallel_loop3A_848 : vector<16xf32>
        %parallel_loop3A_852 = arith.addf %parallel_loop3A_850, %parallel_loop3A_851 : vector<16xf32>
        %parallel_loop3A_853 = arith.mulf %parallel_loop3A_849, %parallel_loop3A_849 : vector<16xf32>
        %parallel_loop3A_854 = arith.addf %parallel_loop3A_852, %parallel_loop3A_853 : vector<16xf32>
        %parallel_loop3A_855 = arith.minimumf %parallel_loop3A_823, %parallel_loop3A_846 : vector<16xf32>
        %parallel_loop3A_856 = arith.minimumf %parallel_loop3A_826, %parallel_loop3A_854 : vector<16xf32>
        %parallel_loop3A_857 = arith.minimumf %parallel_loop3A_846, %parallel_loop3A_854 : vector<16xf32>
        %parallel_loop3A_858 = arith.minimumf %parallel_loop3A_763, %parallel_loop3A_857 : vector<16xf32>
        %parallel_loop3A_859 = arith.constant 1 : i32
        %parallel_loop3A_860 = vector.broadcast %parallel_loop3A_859 : i32 to vector<16x1xi32>
        %parallel_loop3A_861 = vector.shape_cast %parallel_loop3A_860 : vector<16x1xi32> to vector<16xi32>
        %parallel_loop3A_862 = tpu.dynamic_gather %get3A_167[%parallel_loop3A_861] in [0] : vector<16xf32>, vector<16xi32> -> vector<16xf32>
        %parallel_loop3A_863 = arith.constant 1 : i32
        %parallel_loop3A_864 = vector.broadcast %parallel_loop3A_863 : i32 to vector<16x1xi32>
        %parallel_loop3A_865 = vector.shape_cast %parallel_loop3A_864 : vector<16x1xi32> to vector<16xi32>
        %parallel_loop3A_866 = tpu.dynamic_gather %get3A_175[%parallel_loop3A_865] in [0] : vector<16xf32>, vector<16xi32> -> vector<16xf32>
        %parallel_loop3A_867 = arith.constant 1 : i32
        %parallel_loop3A_868 = vector.broadcast %parallel_loop3A_867 : i32 to vector<16x1xi32>
        %parallel_loop3A_869 = vector.shape_cast %parallel_loop3A_868 : vector<16x1xi32> to vector<16xi32>
        %parallel_loop3A_870 = tpu.dynamic_gather %get3A_183[%parallel_loop3A_869] in [0] : vector<16xf32>, vector<16xi32> -> vector<16xf32>
        %parallel_loop3A_871 = arith.subf %parallel_loop3A_790, %parallel_loop3A_862 : vector<16xf32>
        %parallel_loop3A_872 = arith.subf %parallel_loop3A_796, %parallel_loop3A_866 : vector<16xf32>
        %parallel_loop3A_873 = arith.subf %parallel_loop3A_802, %parallel_loop3A_870 : vector<16xf32>
        %parallel_loop3A_874 = arith.mulf %parallel_loop3A_871, %parallel_loop3A_871 : vector<16xf32>
        %parallel_loop3A_875 = arith.mulf %parallel_loop3A_872, %parallel_loop3A_872 : vector<16xf32>
        %parallel_loop3A_876 = arith.addf %parallel_loop3A_874, %parallel_loop3A_875 : vector<16xf32>
        %parallel_loop3A_877 = arith.mulf %parallel_loop3A_873, %parallel_loop3A_873 : vector<16xf32>
        %parallel_loop3A_878 = arith.addf %parallel_loop3A_876, %parallel_loop3A_877 : vector<16xf32>
        %parallel_loop3A_879 = arith.subf %parallel_loop3A_808, %parallel_loop3A_862 : vector<16xf32>
        %parallel_loop3A_880 = arith.subf %parallel_loop3A_814, %parallel_loop3A_866 : vector<16xf32>
        %parallel_loop3A_881 = arith.subf %parallel_loop3A_820, %parallel_loop3A_870 : vector<16xf32>
        %parallel_loop3A_882 = arith.mulf %parallel_loop3A_879, %parallel_loop3A_879 : vector<16xf32>
        %parallel_loop3A_883 = arith.mulf %parallel_loop3A_880, %parallel_loop3A_880 : vector<16xf32>
        %parallel_loop3A_884 = arith.addf %parallel_loop3A_882, %parallel_loop3A_883 : vector<16xf32>
        %parallel_loop3A_885 = arith.mulf %parallel_loop3A_881, %parallel_loop3A_881 : vector<16xf32>
        %parallel_loop3A_886 = arith.addf %parallel_loop3A_884, %parallel_loop3A_885 : vector<16xf32>
        %parallel_loop3A_887 = arith.minimumf %parallel_loop3A_855, %parallel_loop3A_878 : vector<16xf32>
        %parallel_loop3A_888 = arith.minimumf %parallel_loop3A_856, %parallel_loop3A_886 : vector<16xf32>
        %parallel_loop3A_889 = arith.minimumf %parallel_loop3A_878, %parallel_loop3A_886 : vector<16xf32>
        %parallel_loop3A_890 = arith.minimumf %parallel_loop3A_764, %parallel_loop3A_889 : vector<16xf32>
        %parallel_loop3A_891 = arith.constant 2 : i32
        %parallel_loop3A_892 = vector.broadcast %parallel_loop3A_891 : i32 to vector<16x1xi32>
        %parallel_loop3A_893 = vector.shape_cast %parallel_loop3A_892 : vector<16x1xi32> to vector<16xi32>
        %parallel_loop3A_894 = tpu.dynamic_gather %get3A_167[%parallel_loop3A_893] in [0] : vector<16xf32>, vector<16xi32> -> vector<16xf32>
        %parallel_loop3A_895 = arith.constant 2 : i32
        %parallel_loop3A_896 = vector.broadcast %parallel_loop3A_895 : i32 to vector<16x1xi32>
        %parallel_loop3A_897 = vector.shape_cast %parallel_loop3A_896 : vector<16x1xi32> to vector<16xi32>
        %parallel_loop3A_898 = tpu.dynamic_gather %get3A_175[%parallel_loop3A_897] in [0] : vector<16xf32>, vector<16xi32> -> vector<16xf32>
        %parallel_loop3A_899 = arith.constant 2 : i32
        %parallel_loop3A_900 = vector.broadcast %parallel_loop3A_899 : i32 to vector<16x1xi32>
        %parallel_loop3A_901 = vector.shape_cast %parallel_loop3A_900 : vector<16x1xi32> to vector<16xi32>
        %parallel_loop3A_902 = tpu.dynamic_gather %get3A_183[%parallel_loop3A_901] in [0] : vector<16xf32>, vector<16xi32> -> vector<16xf32>
        %parallel_loop3A_903 = arith.subf %parallel_loop3A_790, %parallel_loop3A_894 : vector<16xf32>
        %parallel_loop3A_904 = arith.subf %parallel_loop3A_796, %parallel_loop3A_898 : vector<16xf32>
        %parallel_loop3A_905 = arith.subf %parallel_loop3A_802, %parallel_loop3A_902 : vector<16xf32>
        %parallel_loop3A_906 = arith.mulf %parallel_loop3A_903, %parallel_loop3A_903 : vector<16xf32>
        %parallel_loop3A_907 = arith.mulf %parallel_loop3A_904, %parallel_loop3A_904 : vector<16xf32>
        %parallel_loop3A_908 = arith.addf %parallel_loop3A_906, %parallel_loop3A_907 : vector<16xf32>
        %parallel_loop3A_909 = arith.mulf %parallel_loop3A_905, %parallel_loop3A_905 : vector<16xf32>
        %parallel_loop3A_910 = arith.addf %parallel_loop3A_908, %parallel_loop3A_909 : vector<16xf32>
        %parallel_loop3A_911 = arith.subf %parallel_loop3A_808, %parallel_loop3A_894 : vector<16xf32>
        %parallel_loop3A_912 = arith.subf %parallel_loop3A_814, %parallel_loop3A_898 : vector<16xf32>
        %parallel_loop3A_913 = arith.subf %parallel_loop3A_820, %parallel_loop3A_902 : vector<16xf32>
        %parallel_loop3A_914 = arith.mulf %parallel_loop3A_911, %parallel_loop3A_911 : vector<16xf32>
        %parallel_loop3A_915 = arith.mulf %parallel_loop3A_912, %parallel_loop3A_912 : vector<16xf32>
        %parallel_loop3A_916 = arith.addf %parallel_loop3A_914, %parallel_loop3A_915 : vector<16xf32>
        %parallel_loop3A_917 = arith.mulf %parallel_loop3A_913, %parallel_loop3A_913 : vector<16xf32>
        %parallel_loop3A_918 = arith.addf %parallel_loop3A_916, %parallel_loop3A_917 : vector<16xf32>
        %parallel_loop3A_919 = arith.minimumf %parallel_loop3A_887, %parallel_loop3A_910 : vector<16xf32>
        %parallel_loop3A_920 = arith.minimumf %parallel_loop3A_888, %parallel_loop3A_918 : vector<16xf32>
        %parallel_loop3A_921 = arith.minimumf %parallel_loop3A_910, %parallel_loop3A_918 : vector<16xf32>
        %parallel_loop3A_922 = arith.minimumf %parallel_loop3A_765, %parallel_loop3A_921 : vector<16xf32>
        %parallel_loop3A_923 = arith.constant 3 : i32
        %parallel_loop3A_924 = vector.broadcast %parallel_loop3A_923 : i32 to vector<16x1xi32>
        %parallel_loop3A_925 = vector.shape_cast %parallel_loop3A_924 : vector<16x1xi32> to vector<16xi32>
        %parallel_loop3A_926 = tpu.dynamic_gather %get3A_167[%parallel_loop3A_925] in [0] : vector<16xf32>, vector<16xi32> -> vector<16xf32>
        %parallel_loop3A_927 = arith.constant 3 : i32
        %parallel_loop3A_928 = vector.broadcast %parallel_loop3A_927 : i32 to vector<16x1xi32>
        %parallel_loop3A_929 = vector.shape_cast %parallel_loop3A_928 : vector<16x1xi32> to vector<16xi32>
        %parallel_loop3A_930 = tpu.dynamic_gather %get3A_175[%parallel_loop3A_929] in [0] : vector<16xf32>, vector<16xi32> -> vector<16xf32>
        %parallel_loop3A_931 = arith.constant 3 : i32
        %parallel_loop3A_932 = vector.broadcast %parallel_loop3A_931 : i32 to vector<16x1xi32>
        %parallel_loop3A_933 = vector.shape_cast %parallel_loop3A_932 : vector<16x1xi32> to vector<16xi32>
        %parallel_loop3A_934 = tpu.dynamic_gather %get3A_183[%parallel_loop3A_933] in [0] : vector<16xf32>, vector<16xi32> -> vector<16xf32>
        %parallel_loop3A_935 = arith.subf %parallel_loop3A_790, %parallel_loop3A_926 : vector<16xf32>
        %parallel_loop3A_936 = arith.subf %parallel_loop3A_796, %parallel_loop3A_930 : vector<16xf32>
        %parallel_loop3A_937 = arith.subf %parallel_loop3A_802, %parallel_loop3A_934 : vector<16xf32>
        %parallel_loop3A_938 = arith.mulf %parallel_loop3A_935, %parallel_loop3A_935 : vector<16xf32>
        %parallel_loop3A_939 = arith.mulf %parallel_loop3A_936, %parallel_loop3A_936 : vector<16xf32>
        %parallel_loop3A_940 = arith.addf %parallel_loop3A_938, %parallel_loop3A_939 : vector<16xf32>
        %parallel_loop3A_941 = arith.mulf %parallel_loop3A_937, %parallel_loop3A_937 : vector<16xf32>
        %parallel_loop3A_942 = arith.addf %parallel_loop3A_940, %parallel_loop3A_941 : vector<16xf32>
        %parallel_loop3A_943 = arith.subf %parallel_loop3A_808, %parallel_loop3A_926 : vector<16xf32>
        %parallel_loop3A_944 = arith.subf %parallel_loop3A_814, %parallel_loop3A_930 : vector<16xf32>
        %parallel_loop3A_945 = arith.subf %parallel_loop3A_820, %parallel_loop3A_934 : vector<16xf32>
        %parallel_loop3A_946 = arith.mulf %parallel_loop3A_943, %parallel_loop3A_943 : vector<16xf32>
        %parallel_loop3A_947 = arith.mulf %parallel_loop3A_944, %parallel_loop3A_944 : vector<16xf32>
        %parallel_loop3A_948 = arith.addf %parallel_loop3A_946, %parallel_loop3A_947 : vector<16xf32>
        %parallel_loop3A_949 = arith.mulf %parallel_loop3A_945, %parallel_loop3A_945 : vector<16xf32>
        %parallel_loop3A_950 = arith.addf %parallel_loop3A_948, %parallel_loop3A_949 : vector<16xf32>
        %parallel_loop3A_951 = arith.minimumf %parallel_loop3A_919, %parallel_loop3A_942 : vector<16xf32>
        %parallel_loop3A_952 = arith.minimumf %parallel_loop3A_920, %parallel_loop3A_950 : vector<16xf32>
        %parallel_loop3A_953 = arith.minimumf %parallel_loop3A_942, %parallel_loop3A_950 : vector<16xf32>
        %parallel_loop3A_954 = arith.minimumf %parallel_loop3A_766, %parallel_loop3A_953 : vector<16xf32>
        %parallel_loop3A_955 = arith.constant 4 : i32
        %parallel_loop3A_956 = vector.broadcast %parallel_loop3A_955 : i32 to vector<16x1xi32>
        %parallel_loop3A_957 = vector.shape_cast %parallel_loop3A_956 : vector<16x1xi32> to vector<16xi32>
        %parallel_loop3A_958 = tpu.dynamic_gather %get3A_167[%parallel_loop3A_957] in [0] : vector<16xf32>, vector<16xi32> -> vector<16xf32>
        %parallel_loop3A_959 = arith.constant 4 : i32
        %parallel_loop3A_960 = vector.broadcast %parallel_loop3A_959 : i32 to vector<16x1xi32>
        %parallel_loop3A_961 = vector.shape_cast %parallel_loop3A_960 : vector<16x1xi32> to vector<16xi32>
        %parallel_loop3A_962 = tpu.dynamic_gather %get3A_175[%parallel_loop3A_961] in [0] : vector<16xf32>, vector<16xi32> -> vector<16xf32>
        %parallel_loop3A_963 = arith.constant 4 : i32
        %parallel_loop3A_964 = vector.broadcast %parallel_loop3A_963 : i32 to vector<16x1xi32>
        %parallel_loop3A_965 = vector.shape_cast %parallel_loop3A_964 : vector<16x1xi32> to vector<16xi32>
        %parallel_loop3A_966 = tpu.dynamic_gather %get3A_183[%parallel_loop3A_965] in [0] : vector<16xf32>, vector<16xi32> -> vector<16xf32>
        %parallel_loop3A_967 = arith.subf %parallel_loop3A_790, %parallel_loop3A_958 : vector<16xf32>
        %parallel_loop3A_968 = arith.subf %parallel_loop3A_796, %parallel_loop3A_962 : vector<16xf32>
        %parallel_loop3A_969 = arith.subf %parallel_loop3A_802, %parallel_loop3A_966 : vector<16xf32>
        %parallel_loop3A_970 = arith.mulf %parallel_loop3A_967, %parallel_loop3A_967 : vector<16xf32>
        %parallel_loop3A_971 = arith.mulf %parallel_loop3A_968, %parallel_loop3A_968 : vector<16xf32>
        %parallel_loop3A_972 = arith.addf %parallel_loop3A_970, %parallel_loop3A_971 : vector<16xf32>
        %parallel_loop3A_973 = arith.mulf %parallel_loop3A_969, %parallel_loop3A_969 : vector<16xf32>
        %parallel_loop3A_974 = arith.addf %parallel_loop3A_972, %parallel_loop3A_973 : vector<16xf32>
        %parallel_loop3A_975 = arith.subf %parallel_loop3A_808, %parallel_loop3A_958 : vector<16xf32>
        %parallel_loop3A_976 = arith.subf %parallel_loop3A_814, %parallel_loop3A_962 : vector<16xf32>
        %parallel_loop3A_977 = arith.subf %parallel_loop3A_820, %parallel_loop3A_966 : vector<16xf32>
        %parallel_loop3A_978 = arith.mulf %parallel_loop3A_975, %parallel_loop3A_975 : vector<16xf32>
        %parallel_loop3A_979 = arith.mulf %parallel_loop3A_976, %parallel_loop3A_976 : vector<16xf32>
        %parallel_loop3A_980 = arith.addf %parallel_loop3A_978, %parallel_loop3A_979 : vector<16xf32>
        %parallel_loop3A_981 = arith.mulf %parallel_loop3A_977, %parallel_loop3A_977 : vector<16xf32>
        %parallel_loop3A_982 = arith.addf %parallel_loop3A_980, %parallel_loop3A_981 : vector<16xf32>
        %parallel_loop3A_983 = arith.minimumf %parallel_loop3A_951, %parallel_loop3A_974 : vector<16xf32>
        %parallel_loop3A_984 = arith.minimumf %parallel_loop3A_952, %parallel_loop3A_982 : vector<16xf32>
        %parallel_loop3A_985 = arith.minimumf %parallel_loop3A_974, %parallel_loop3A_982 : vector<16xf32>
        %parallel_loop3A_986 = arith.minimumf %parallel_loop3A_767, %parallel_loop3A_985 : vector<16xf32>
        %parallel_loop3A_987 = arith.constant 5 : i32
        %parallel_loop3A_988 = vector.broadcast %parallel_loop3A_987 : i32 to vector<16x1xi32>
        %parallel_loop3A_989 = vector.shape_cast %parallel_loop3A_988 : vector<16x1xi32> to vector<16xi32>
        %parallel_loop3A_990 = tpu.dynamic_gather %get3A_167[%parallel_loop3A_989] in [0] : vector<16xf32>, vector<16xi32> -> vector<16xf32>
        %parallel_loop3A_991 = arith.constant 5 : i32
        %parallel_loop3A_992 = vector.broadcast %parallel_loop3A_991 : i32 to vector<16x1xi32>
        %parallel_loop3A_993 = vector.shape_cast %parallel_loop3A_992 : vector<16x1xi32> to vector<16xi32>
        %parallel_loop3A_994 = tpu.dynamic_gather %get3A_175[%parallel_loop3A_993] in [0] : vector<16xf32>, vector<16xi32> -> vector<16xf32>
        %parallel_loop3A_995 = arith.constant 5 : i32
        %parallel_loop3A_996 = vector.broadcast %parallel_loop3A_995 : i32 to vector<16x1xi32>
        %parallel_loop3A_997 = vector.shape_cast %parallel_loop3A_996 : vector<16x1xi32> to vector<16xi32>
        %parallel_loop3A_998 = tpu.dynamic_gather %get3A_183[%parallel_loop3A_997] in [0] : vector<16xf32>, vector<16xi32> -> vector<16xf32>
        %parallel_loop3A_999 = arith.subf %parallel_loop3A_790, %parallel_loop3A_990 : vector<16xf32>
        %parallel_loop3A_1000 = arith.subf %parallel_loop3A_796, %parallel_loop3A_994 : vector<16xf32>
        %parallel_loop3A_1001 = arith.subf %parallel_loop3A_802, %parallel_loop3A_998 : vector<16xf32>
        %parallel_loop3A_1002 = arith.mulf %parallel_loop3A_999, %parallel_loop3A_999 : vector<16xf32>
        %parallel_loop3A_1003 = arith.mulf %parallel_loop3A_1000, %parallel_loop3A_1000 : vector<16xf32>
        %parallel_loop3A_1004 = arith.addf %parallel_loop3A_1002, %parallel_loop3A_1003 : vector<16xf32>
        %parallel_loop3A_1005 = arith.mulf %parallel_loop3A_1001, %parallel_loop3A_1001 : vector<16xf32>
        %parallel_loop3A_1006 = arith.addf %parallel_loop3A_1004, %parallel_loop3A_1005 : vector<16xf32>
        %parallel_loop3A_1007 = arith.subf %parallel_loop3A_808, %parallel_loop3A_990 : vector<16xf32>
        %parallel_loop3A_1008 = arith.subf %parallel_loop3A_814, %parallel_loop3A_994 : vector<16xf32>
        %parallel_loop3A_1009 = arith.subf %parallel_loop3A_820, %parallel_loop3A_998 : vector<16xf32>
        %parallel_loop3A_1010 = arith.mulf %parallel_loop3A_1007, %parallel_loop3A_1007 : vector<16xf32>
        %parallel_loop3A_1011 = arith.mulf %parallel_loop3A_1008, %parallel_loop3A_1008 : vector<16xf32>
        %parallel_loop3A_1012 = arith.addf %parallel_loop3A_1010, %parallel_loop3A_1011 : vector<16xf32>
        %parallel_loop3A_1013 = arith.mulf %parallel_loop3A_1009, %parallel_loop3A_1009 : vector<16xf32>
        %parallel_loop3A_1014 = arith.addf %parallel_loop3A_1012, %parallel_loop3A_1013 : vector<16xf32>
        %parallel_loop3A_1015 = arith.minimumf %parallel_loop3A_983, %parallel_loop3A_1006 : vector<16xf32>
        %parallel_loop3A_1016 = arith.minimumf %parallel_loop3A_984, %parallel_loop3A_1014 : vector<16xf32>
        %parallel_loop3A_1017 = arith.minimumf %parallel_loop3A_1006, %parallel_loop3A_1014 : vector<16xf32>
        %parallel_loop3A_1018 = arith.minimumf %parallel_loop3A_768, %parallel_loop3A_1017 : vector<16xf32>
        %parallel_loop3A_1019 = arith.constant 6 : i32
        %parallel_loop3A_1020 = vector.broadcast %parallel_loop3A_1019 : i32 to vector<16x1xi32>
        %parallel_loop3A_1021 = vector.shape_cast %parallel_loop3A_1020 : vector<16x1xi32> to vector<16xi32>
        %parallel_loop3A_1022 = tpu.dynamic_gather %get3A_167[%parallel_loop3A_1021] in [0] : vector<16xf32>, vector<16xi32> -> vector<16xf32>
        %parallel_loop3A_1023 = arith.constant 6 : i32
        %parallel_loop3A_1024 = vector.broadcast %parallel_loop3A_1023 : i32 to vector<16x1xi32>
        %parallel_loop3A_1025 = vector.shape_cast %parallel_loop3A_1024 : vector<16x1xi32> to vector<16xi32>
        %parallel_loop3A_1026 = tpu.dynamic_gather %get3A_175[%parallel_loop3A_1025] in [0] : vector<16xf32>, vector<16xi32> -> vector<16xf32>
        %parallel_loop3A_1027 = arith.constant 6 : i32
        %parallel_loop3A_1028 = vector.broadcast %parallel_loop3A_1027 : i32 to vector<16x1xi32>
        %parallel_loop3A_1029 = vector.shape_cast %parallel_loop3A_1028 : vector<16x1xi32> to vector<16xi32>
        %parallel_loop3A_1030 = tpu.dynamic_gather %get3A_183[%parallel_loop3A_1029] in [0] : vector<16xf32>, vector<16xi32> -> vector<16xf32>
        %parallel_loop3A_1031 = arith.subf %parallel_loop3A_790, %parallel_loop3A_1022 : vector<16xf32>
        %parallel_loop3A_1032 = arith.subf %parallel_loop3A_796, %parallel_loop3A_1026 : vector<16xf32>
        %parallel_loop3A_1033 = arith.subf %parallel_loop3A_802, %parallel_loop3A_1030 : vector<16xf32>
        %parallel_loop3A_1034 = arith.mulf %parallel_loop3A_1031, %parallel_loop3A_1031 : vector<16xf32>
        %parallel_loop3A_1035 = arith.mulf %parallel_loop3A_1032, %parallel_loop3A_1032 : vector<16xf32>
        %parallel_loop3A_1036 = arith.addf %parallel_loop3A_1034, %parallel_loop3A_1035 : vector<16xf32>
        %parallel_loop3A_1037 = arith.mulf %parallel_loop3A_1033, %parallel_loop3A_1033 : vector<16xf32>
        %parallel_loop3A_1038 = arith.addf %parallel_loop3A_1036, %parallel_loop3A_1037 : vector<16xf32>
        %parallel_loop3A_1039 = arith.subf %parallel_loop3A_808, %parallel_loop3A_1022 : vector<16xf32>
        %parallel_loop3A_1040 = arith.subf %parallel_loop3A_814, %parallel_loop3A_1026 : vector<16xf32>
        %parallel_loop3A_1041 = arith.subf %parallel_loop3A_820, %parallel_loop3A_1030 : vector<16xf32>
        %parallel_loop3A_1042 = arith.mulf %parallel_loop3A_1039, %parallel_loop3A_1039 : vector<16xf32>
        %parallel_loop3A_1043 = arith.mulf %parallel_loop3A_1040, %parallel_loop3A_1040 : vector<16xf32>
        %parallel_loop3A_1044 = arith.addf %parallel_loop3A_1042, %parallel_loop3A_1043 : vector<16xf32>
        %parallel_loop3A_1045 = arith.mulf %parallel_loop3A_1041, %parallel_loop3A_1041 : vector<16xf32>
        %parallel_loop3A_1046 = arith.addf %parallel_loop3A_1044, %parallel_loop3A_1045 : vector<16xf32>
        %parallel_loop3A_1047 = arith.minimumf %parallel_loop3A_1015, %parallel_loop3A_1038 : vector<16xf32>
        %parallel_loop3A_1048 = arith.minimumf %parallel_loop3A_1016, %parallel_loop3A_1046 : vector<16xf32>
        %parallel_loop3A_1049 = arith.minimumf %parallel_loop3A_1038, %parallel_loop3A_1046 : vector<16xf32>
        %parallel_loop3A_1050 = arith.minimumf %parallel_loop3A_769, %parallel_loop3A_1049 : vector<16xf32>
        %parallel_loop3A_1051 = arith.constant 7 : i32
        %parallel_loop3A_1052 = vector.broadcast %parallel_loop3A_1051 : i32 to vector<16x1xi32>
        %parallel_loop3A_1053 = vector.shape_cast %parallel_loop3A_1052 : vector<16x1xi32> to vector<16xi32>
        %parallel_loop3A_1054 = tpu.dynamic_gather %get3A_167[%parallel_loop3A_1053] in [0] : vector<16xf32>, vector<16xi32> -> vector<16xf32>
        %parallel_loop3A_1055 = arith.constant 7 : i32
        %parallel_loop3A_1056 = vector.broadcast %parallel_loop3A_1055 : i32 to vector<16x1xi32>
        %parallel_loop3A_1057 = vector.shape_cast %parallel_loop3A_1056 : vector<16x1xi32> to vector<16xi32>
        %parallel_loop3A_1058 = tpu.dynamic_gather %get3A_175[%parallel_loop3A_1057] in [0] : vector<16xf32>, vector<16xi32> -> vector<16xf32>
        %parallel_loop3A_1059 = arith.constant 7 : i32
        %parallel_loop3A_1060 = vector.broadcast %parallel_loop3A_1059 : i32 to vector<16x1xi32>
        %parallel_loop3A_1061 = vector.shape_cast %parallel_loop3A_1060 : vector<16x1xi32> to vector<16xi32>
        %parallel_loop3A_1062 = tpu.dynamic_gather %get3A_183[%parallel_loop3A_1061] in [0] : vector<16xf32>, vector<16xi32> -> vector<16xf32>
        %parallel_loop3A_1063 = arith.subf %parallel_loop3A_790, %parallel_loop3A_1054 : vector<16xf32>
        %parallel_loop3A_1064 = arith.subf %parallel_loop3A_796, %parallel_loop3A_1058 : vector<16xf32>
        %parallel_loop3A_1065 = arith.subf %parallel_loop3A_802, %parallel_loop3A_1062 : vector<16xf32>
        %parallel_loop3A_1066 = arith.mulf %parallel_loop3A_1063, %parallel_loop3A_1063 : vector<16xf32>
        %parallel_loop3A_1067 = arith.mulf %parallel_loop3A_1064, %parallel_loop3A_1064 : vector<16xf32>
        %parallel_loop3A_1068 = arith.addf %parallel_loop3A_1066, %parallel_loop3A_1067 : vector<16xf32>
        %parallel_loop3A_1069 = arith.mulf %parallel_loop3A_1065, %parallel_loop3A_1065 : vector<16xf32>
        %parallel_loop3A_1070 = arith.addf %parallel_loop3A_1068, %parallel_loop3A_1069 : vector<16xf32>
        %parallel_loop3A_1071 = arith.subf %parallel_loop3A_808, %parallel_loop3A_1054 : vector<16xf32>
        %parallel_loop3A_1072 = arith.subf %parallel_loop3A_814, %parallel_loop3A_1058 : vector<16xf32>
        %parallel_loop3A_1073 = arith.subf %parallel_loop3A_820, %parallel_loop3A_1062 : vector<16xf32>
        %parallel_loop3A_1074 = arith.mulf %parallel_loop3A_1071, %parallel_loop3A_1071 : vector<16xf32>
        %parallel_loop3A_1075 = arith.mulf %parallel_loop3A_1072, %parallel_loop3A_1072 : vector<16xf32>
        %parallel_loop3A_1076 = arith.addf %parallel_loop3A_1074, %parallel_loop3A_1075 : vector<16xf32>
        %parallel_loop3A_1077 = arith.mulf %parallel_loop3A_1073, %parallel_loop3A_1073 : vector<16xf32>
        %parallel_loop3A_1078 = arith.addf %parallel_loop3A_1076, %parallel_loop3A_1077 : vector<16xf32>
        %parallel_loop3A_1079 = arith.minimumf %parallel_loop3A_1047, %parallel_loop3A_1070 : vector<16xf32>
        %parallel_loop3A_1080 = arith.minimumf %parallel_loop3A_1048, %parallel_loop3A_1078 : vector<16xf32>
        %parallel_loop3A_1081 = arith.minimumf %parallel_loop3A_1070, %parallel_loop3A_1078 : vector<16xf32>
        %parallel_loop3A_1082 = arith.minimumf %parallel_loop3A_770, %parallel_loop3A_1081 : vector<16xf32>
        %parallel_loop3A_1083 = arith.constant 8 : i32
        %parallel_loop3A_1084 = vector.broadcast %parallel_loop3A_1083 : i32 to vector<16x1xi32>
        %parallel_loop3A_1085 = vector.shape_cast %parallel_loop3A_1084 : vector<16x1xi32> to vector<16xi32>
        %parallel_loop3A_1086 = tpu.dynamic_gather %get3A_167[%parallel_loop3A_1085] in [0] : vector<16xf32>, vector<16xi32> -> vector<16xf32>
        %parallel_loop3A_1087 = arith.constant 8 : i32
        %parallel_loop3A_1088 = vector.broadcast %parallel_loop3A_1087 : i32 to vector<16x1xi32>
        %parallel_loop3A_1089 = vector.shape_cast %parallel_loop3A_1088 : vector<16x1xi32> to vector<16xi32>
        %parallel_loop3A_1090 = tpu.dynamic_gather %get3A_175[%parallel_loop3A_1089] in [0] : vector<16xf32>, vector<16xi32> -> vector<16xf32>
        %parallel_loop3A_1091 = arith.constant 8 : i32
        %parallel_loop3A_1092 = vector.broadcast %parallel_loop3A_1091 : i32 to vector<16x1xi32>
        %parallel_loop3A_1093 = vector.shape_cast %parallel_loop3A_1092 : vector<16x1xi32> to vector<16xi32>
        %parallel_loop3A_1094 = tpu.dynamic_gather %get3A_183[%parallel_loop3A_1093] in [0] : vector<16xf32>, vector<16xi32> -> vector<16xf32>
        %parallel_loop3A_1095 = arith.subf %parallel_loop3A_790, %parallel_loop3A_1086 : vector<16xf32>
        %parallel_loop3A_1096 = arith.subf %parallel_loop3A_796, %parallel_loop3A_1090 : vector<16xf32>
        %parallel_loop3A_1097 = arith.subf %parallel_loop3A_802, %parallel_loop3A_1094 : vector<16xf32>
        %parallel_loop3A_1098 = arith.mulf %parallel_loop3A_1095, %parallel_loop3A_1095 : vector<16xf32>
        %parallel_loop3A_1099 = arith.mulf %parallel_loop3A_1096, %parallel_loop3A_1096 : vector<16xf32>
        %parallel_loop3A_1100 = arith.addf %parallel_loop3A_1098, %parallel_loop3A_1099 : vector<16xf32>
        %parallel_loop3A_1101 = arith.mulf %parallel_loop3A_1097, %parallel_loop3A_1097 : vector<16xf32>
        %parallel_loop3A_1102 = arith.addf %parallel_loop3A_1100, %parallel_loop3A_1101 : vector<16xf32>
        %parallel_loop3A_1103 = arith.subf %parallel_loop3A_808, %parallel_loop3A_1086 : vector<16xf32>
        %parallel_loop3A_1104 = arith.subf %parallel_loop3A_814, %parallel_loop3A_1090 : vector<16xf32>
        %parallel_loop3A_1105 = arith.subf %parallel_loop3A_820, %parallel_loop3A_1094 : vector<16xf32>
        %parallel_loop3A_1106 = arith.mulf %parallel_loop3A_1103, %parallel_loop3A_1103 : vector<16xf32>
        %parallel_loop3A_1107 = arith.mulf %parallel_loop3A_1104, %parallel_loop3A_1104 : vector<16xf32>
        %parallel_loop3A_1108 = arith.addf %parallel_loop3A_1106, %parallel_loop3A_1107 : vector<16xf32>
        %parallel_loop3A_1109 = arith.mulf %parallel_loop3A_1105, %parallel_loop3A_1105 : vector<16xf32>
        %parallel_loop3A_1110 = arith.addf %parallel_loop3A_1108, %parallel_loop3A_1109 : vector<16xf32>
        %parallel_loop3A_1111 = arith.minimumf %parallel_loop3A_1079, %parallel_loop3A_1102 : vector<16xf32>
        %parallel_loop3A_1112 = arith.minimumf %parallel_loop3A_1080, %parallel_loop3A_1110 : vector<16xf32>
        %parallel_loop3A_1113 = arith.minimumf %parallel_loop3A_1102, %parallel_loop3A_1110 : vector<16xf32>
        %parallel_loop3A_1114 = arith.minimumf %parallel_loop3A_771, %parallel_loop3A_1113 : vector<16xf32>
        %parallel_loop3A_1115 = arith.constant 9 : i32
        %parallel_loop3A_1116 = vector.broadcast %parallel_loop3A_1115 : i32 to vector<16x1xi32>
        %parallel_loop3A_1117 = vector.shape_cast %parallel_loop3A_1116 : vector<16x1xi32> to vector<16xi32>
        %parallel_loop3A_1118 = tpu.dynamic_gather %get3A_167[%parallel_loop3A_1117] in [0] : vector<16xf32>, vector<16xi32> -> vector<16xf32>
        %parallel_loop3A_1119 = arith.constant 9 : i32
        %parallel_loop3A_1120 = vector.broadcast %parallel_loop3A_1119 : i32 to vector<16x1xi32>
        %parallel_loop3A_1121 = vector.shape_cast %parallel_loop3A_1120 : vector<16x1xi32> to vector<16xi32>
        %parallel_loop3A_1122 = tpu.dynamic_gather %get3A_175[%parallel_loop3A_1121] in [0] : vector<16xf32>, vector<16xi32> -> vector<16xf32>
        %parallel_loop3A_1123 = arith.constant 9 : i32
        %parallel_loop3A_1124 = vector.broadcast %parallel_loop3A_1123 : i32 to vector<16x1xi32>
        %parallel_loop3A_1125 = vector.shape_cast %parallel_loop3A_1124 : vector<16x1xi32> to vector<16xi32>
        %parallel_loop3A_1126 = tpu.dynamic_gather %get3A_183[%parallel_loop3A_1125] in [0] : vector<16xf32>, vector<16xi32> -> vector<16xf32>
        %parallel_loop3A_1127 = arith.subf %parallel_loop3A_790, %parallel_loop3A_1118 : vector<16xf32>
        %parallel_loop3A_1128 = arith.subf %parallel_loop3A_796, %parallel_loop3A_1122 : vector<16xf32>
        %parallel_loop3A_1129 = arith.subf %parallel_loop3A_802, %parallel_loop3A_1126 : vector<16xf32>
        %parallel_loop3A_1130 = arith.mulf %parallel_loop3A_1127, %parallel_loop3A_1127 : vector<16xf32>
        %parallel_loop3A_1131 = arith.mulf %parallel_loop3A_1128, %parallel_loop3A_1128 : vector<16xf32>
        %parallel_loop3A_1132 = arith.addf %parallel_loop3A_1130, %parallel_loop3A_1131 : vector<16xf32>
        %parallel_loop3A_1133 = arith.mulf %parallel_loop3A_1129, %parallel_loop3A_1129 : vector<16xf32>
        %parallel_loop3A_1134 = arith.addf %parallel_loop3A_1132, %parallel_loop3A_1133 : vector<16xf32>
        %parallel_loop3A_1135 = arith.subf %parallel_loop3A_808, %parallel_loop3A_1118 : vector<16xf32>
        %parallel_loop3A_1136 = arith.subf %parallel_loop3A_814, %parallel_loop3A_1122 : vector<16xf32>
        %parallel_loop3A_1137 = arith.subf %parallel_loop3A_820, %parallel_loop3A_1126 : vector<16xf32>
        %parallel_loop3A_1138 = arith.mulf %parallel_loop3A_1135, %parallel_loop3A_1135 : vector<16xf32>
        %parallel_loop3A_1139 = arith.mulf %parallel_loop3A_1136, %parallel_loop3A_1136 : vector<16xf32>
        %parallel_loop3A_1140 = arith.addf %parallel_loop3A_1138, %parallel_loop3A_1139 : vector<16xf32>
        %parallel_loop3A_1141 = arith.mulf %parallel_loop3A_1137, %parallel_loop3A_1137 : vector<16xf32>
        %parallel_loop3A_1142 = arith.addf %parallel_loop3A_1140, %parallel_loop3A_1141 : vector<16xf32>
        %parallel_loop3A_1143 = arith.minimumf %parallel_loop3A_1111, %parallel_loop3A_1134 : vector<16xf32>
        %parallel_loop3A_1144 = arith.minimumf %parallel_loop3A_1112, %parallel_loop3A_1142 : vector<16xf32>
        %parallel_loop3A_1145 = arith.minimumf %parallel_loop3A_1134, %parallel_loop3A_1142 : vector<16xf32>
        %parallel_loop3A_1146 = arith.minimumf %parallel_loop3A_772, %parallel_loop3A_1145 : vector<16xf32>
        %parallel_loop3A_1147 = arith.constant 10 : i32
        %parallel_loop3A_1148 = vector.broadcast %parallel_loop3A_1147 : i32 to vector<16x1xi32>
        %parallel_loop3A_1149 = vector.shape_cast %parallel_loop3A_1148 : vector<16x1xi32> to vector<16xi32>
        %parallel_loop3A_1150 = tpu.dynamic_gather %get3A_167[%parallel_loop3A_1149] in [0] : vector<16xf32>, vector<16xi32> -> vector<16xf32>
        %parallel_loop3A_1151 = arith.constant 10 : i32
        %parallel_loop3A_1152 = vector.broadcast %parallel_loop3A_1151 : i32 to vector<16x1xi32>
        %parallel_loop3A_1153 = vector.shape_cast %parallel_loop3A_1152 : vector<16x1xi32> to vector<16xi32>
        %parallel_loop3A_1154 = tpu.dynamic_gather %get3A_175[%parallel_loop3A_1153] in [0] : vector<16xf32>, vector<16xi32> -> vector<16xf32>
        %parallel_loop3A_1155 = arith.constant 10 : i32
        %parallel_loop3A_1156 = vector.broadcast %parallel_loop3A_1155 : i32 to vector<16x1xi32>
        %parallel_loop3A_1157 = vector.shape_cast %parallel_loop3A_1156 : vector<16x1xi32> to vector<16xi32>
        %parallel_loop3A_1158 = tpu.dynamic_gather %get3A_183[%parallel_loop3A_1157] in [0] : vector<16xf32>, vector<16xi32> -> vector<16xf32>
        %parallel_loop3A_1159 = arith.subf %parallel_loop3A_790, %parallel_loop3A_1150 : vector<16xf32>
        %parallel_loop3A_1160 = arith.subf %parallel_loop3A_796, %parallel_loop3A_1154 : vector<16xf32>
        %parallel_loop3A_1161 = arith.subf %parallel_loop3A_802, %parallel_loop3A_1158 : vector<16xf32>
        %parallel_loop3A_1162 = arith.mulf %parallel_loop3A_1159, %parallel_loop3A_1159 : vector<16xf32>
        %parallel_loop3A_1163 = arith.mulf %parallel_loop3A_1160, %parallel_loop3A_1160 : vector<16xf32>
        %parallel_loop3A_1164 = arith.addf %parallel_loop3A_1162, %parallel_loop3A_1163 : vector<16xf32>
        %parallel_loop3A_1165 = arith.mulf %parallel_loop3A_1161, %parallel_loop3A_1161 : vector<16xf32>
        %parallel_loop3A_1166 = arith.addf %parallel_loop3A_1164, %parallel_loop3A_1165 : vector<16xf32>
        %parallel_loop3A_1167 = arith.subf %parallel_loop3A_808, %parallel_loop3A_1150 : vector<16xf32>
        %parallel_loop3A_1168 = arith.subf %parallel_loop3A_814, %parallel_loop3A_1154 : vector<16xf32>
        %parallel_loop3A_1169 = arith.subf %parallel_loop3A_820, %parallel_loop3A_1158 : vector<16xf32>
        %parallel_loop3A_1170 = arith.mulf %parallel_loop3A_1167, %parallel_loop3A_1167 : vector<16xf32>
        %parallel_loop3A_1171 = arith.mulf %parallel_loop3A_1168, %parallel_loop3A_1168 : vector<16xf32>
        %parallel_loop3A_1172 = arith.addf %parallel_loop3A_1170, %parallel_loop3A_1171 : vector<16xf32>
        %parallel_loop3A_1173 = arith.mulf %parallel_loop3A_1169, %parallel_loop3A_1169 : vector<16xf32>
        %parallel_loop3A_1174 = arith.addf %parallel_loop3A_1172, %parallel_loop3A_1173 : vector<16xf32>
        %parallel_loop3A_1175 = arith.minimumf %parallel_loop3A_1143, %parallel_loop3A_1166 : vector<16xf32>
        %parallel_loop3A_1176 = arith.minimumf %parallel_loop3A_1144, %parallel_loop3A_1174 : vector<16xf32>
        %parallel_loop3A_1177 = arith.minimumf %parallel_loop3A_1166, %parallel_loop3A_1174 : vector<16xf32>
        %parallel_loop3A_1178 = arith.minimumf %parallel_loop3A_773, %parallel_loop3A_1177 : vector<16xf32>
        %parallel_loop3A_1179 = arith.constant 11 : i32
        %parallel_loop3A_1180 = vector.broadcast %parallel_loop3A_1179 : i32 to vector<16x1xi32>
        %parallel_loop3A_1181 = vector.shape_cast %parallel_loop3A_1180 : vector<16x1xi32> to vector<16xi32>
        %parallel_loop3A_1182 = tpu.dynamic_gather %get3A_167[%parallel_loop3A_1181] in [0] : vector<16xf32>, vector<16xi32> -> vector<16xf32>
        %parallel_loop3A_1183 = arith.constant 11 : i32
        %parallel_loop3A_1184 = vector.broadcast %parallel_loop3A_1183 : i32 to vector<16x1xi32>
        %parallel_loop3A_1185 = vector.shape_cast %parallel_loop3A_1184 : vector<16x1xi32> to vector<16xi32>
        %parallel_loop3A_1186 = tpu.dynamic_gather %get3A_175[%parallel_loop3A_1185] in [0] : vector<16xf32>, vector<16xi32> -> vector<16xf32>
        %parallel_loop3A_1187 = arith.constant 11 : i32
        %parallel_loop3A_1188 = vector.broadcast %parallel_loop3A_1187 : i32 to vector<16x1xi32>
        %parallel_loop3A_1189 = vector.shape_cast %parallel_loop3A_1188 : vector<16x1xi32> to vector<16xi32>
        %parallel_loop3A_1190 = tpu.dynamic_gather %get3A_183[%parallel_loop3A_1189] in [0] : vector<16xf32>, vector<16xi32> -> vector<16xf32>
        %parallel_loop3A_1191 = arith.subf %parallel_loop3A_790, %parallel_loop3A_1182 : vector<16xf32>
        %parallel_loop3A_1192 = arith.subf %parallel_loop3A_796, %parallel_loop3A_1186 : vector<16xf32>
        %parallel_loop3A_1193 = arith.subf %parallel_loop3A_802, %parallel_loop3A_1190 : vector<16xf32>
        %parallel_loop3A_1194 = arith.mulf %parallel_loop3A_1191, %parallel_loop3A_1191 : vector<16xf32>
        %parallel_loop3A_1195 = arith.mulf %parallel_loop3A_1192, %parallel_loop3A_1192 : vector<16xf32>
        %parallel_loop3A_1196 = arith.addf %parallel_loop3A_1194, %parallel_loop3A_1195 : vector<16xf32>
        %parallel_loop3A_1197 = arith.mulf %parallel_loop3A_1193, %parallel_loop3A_1193 : vector<16xf32>
        %parallel_loop3A_1198 = arith.addf %parallel_loop3A_1196, %parallel_loop3A_1197 : vector<16xf32>
        %parallel_loop3A_1199 = arith.subf %parallel_loop3A_808, %parallel_loop3A_1182 : vector<16xf32>
        %parallel_loop3A_1200 = arith.subf %parallel_loop3A_814, %parallel_loop3A_1186 : vector<16xf32>
        %parallel_loop3A_1201 = arith.subf %parallel_loop3A_820, %parallel_loop3A_1190 : vector<16xf32>
        %parallel_loop3A_1202 = arith.mulf %parallel_loop3A_1199, %parallel_loop3A_1199 : vector<16xf32>
        %parallel_loop3A_1203 = arith.mulf %parallel_loop3A_1200, %parallel_loop3A_1200 : vector<16xf32>
        %parallel_loop3A_1204 = arith.addf %parallel_loop3A_1202, %parallel_loop3A_1203 : vector<16xf32>
        %parallel_loop3A_1205 = arith.mulf %parallel_loop3A_1201, %parallel_loop3A_1201 : vector<16xf32>
        %parallel_loop3A_1206 = arith.addf %parallel_loop3A_1204, %parallel_loop3A_1205 : vector<16xf32>
        %parallel_loop3A_1207 = arith.minimumf %parallel_loop3A_1175, %parallel_loop3A_1198 : vector<16xf32>
        %parallel_loop3A_1208 = arith.minimumf %parallel_loop3A_1176, %parallel_loop3A_1206 : vector<16xf32>
        %parallel_loop3A_1209 = arith.minimumf %parallel_loop3A_1198, %parallel_loop3A_1206 : vector<16xf32>
        %parallel_loop3A_1210 = arith.minimumf %parallel_loop3A_774, %parallel_loop3A_1209 : vector<16xf32>
        %parallel_loop3A_1211 = arith.constant 12 : i32
        %parallel_loop3A_1212 = vector.broadcast %parallel_loop3A_1211 : i32 to vector<16x1xi32>
        %parallel_loop3A_1213 = vector.shape_cast %parallel_loop3A_1212 : vector<16x1xi32> to vector<16xi32>
        %parallel_loop3A_1214 = tpu.dynamic_gather %get3A_167[%parallel_loop3A_1213] in [0] : vector<16xf32>, vector<16xi32> -> vector<16xf32>
        %parallel_loop3A_1215 = arith.constant 12 : i32
        %parallel_loop3A_1216 = vector.broadcast %parallel_loop3A_1215 : i32 to vector<16x1xi32>
        %parallel_loop3A_1217 = vector.shape_cast %parallel_loop3A_1216 : vector<16x1xi32> to vector<16xi32>
        %parallel_loop3A_1218 = tpu.dynamic_gather %get3A_175[%parallel_loop3A_1217] in [0] : vector<16xf32>, vector<16xi32> -> vector<16xf32>
        %parallel_loop3A_1219 = arith.constant 12 : i32
        %parallel_loop3A_1220 = vector.broadcast %parallel_loop3A_1219 : i32 to vector<16x1xi32>
        %parallel_loop3A_1221 = vector.shape_cast %parallel_loop3A_1220 : vector<16x1xi32> to vector<16xi32>
        %parallel_loop3A_1222 = tpu.dynamic_gather %get3A_183[%parallel_loop3A_1221] in [0] : vector<16xf32>, vector<16xi32> -> vector<16xf32>
        %parallel_loop3A_1223 = arith.subf %parallel_loop3A_790, %parallel_loop3A_1214 : vector<16xf32>
        %parallel_loop3A_1224 = arith.subf %parallel_loop3A_796, %parallel_loop3A_1218 : vector<16xf32>
        %parallel_loop3A_1225 = arith.subf %parallel_loop3A_802, %parallel_loop3A_1222 : vector<16xf32>
        %parallel_loop3A_1226 = arith.mulf %parallel_loop3A_1223, %parallel_loop3A_1223 : vector<16xf32>
        %parallel_loop3A_1227 = arith.mulf %parallel_loop3A_1224, %parallel_loop3A_1224 : vector<16xf32>
        %parallel_loop3A_1228 = arith.addf %parallel_loop3A_1226, %parallel_loop3A_1227 : vector<16xf32>
        %parallel_loop3A_1229 = arith.mulf %parallel_loop3A_1225, %parallel_loop3A_1225 : vector<16xf32>
        %parallel_loop3A_1230 = arith.addf %parallel_loop3A_1228, %parallel_loop3A_1229 : vector<16xf32>
        %parallel_loop3A_1231 = arith.subf %parallel_loop3A_808, %parallel_loop3A_1214 : vector<16xf32>
        %parallel_loop3A_1232 = arith.subf %parallel_loop3A_814, %parallel_loop3A_1218 : vector<16xf32>
        %parallel_loop3A_1233 = arith.subf %parallel_loop3A_820, %parallel_loop3A_1222 : vector<16xf32>
        %parallel_loop3A_1234 = arith.mulf %parallel_loop3A_1231, %parallel_loop3A_1231 : vector<16xf32>
        %parallel_loop3A_1235 = arith.mulf %parallel_loop3A_1232, %parallel_loop3A_1232 : vector<16xf32>
        %parallel_loop3A_1236 = arith.addf %parallel_loop3A_1234, %parallel_loop3A_1235 : vector<16xf32>
        %parallel_loop3A_1237 = arith.mulf %parallel_loop3A_1233, %parallel_loop3A_1233 : vector<16xf32>
        %parallel_loop3A_1238 = arith.addf %parallel_loop3A_1236, %parallel_loop3A_1237 : vector<16xf32>
        %parallel_loop3A_1239 = arith.minimumf %parallel_loop3A_1207, %parallel_loop3A_1230 : vector<16xf32>
        %parallel_loop3A_1240 = arith.minimumf %parallel_loop3A_1208, %parallel_loop3A_1238 : vector<16xf32>
        %parallel_loop3A_1241 = arith.minimumf %parallel_loop3A_1230, %parallel_loop3A_1238 : vector<16xf32>
        %parallel_loop3A_1242 = arith.minimumf %parallel_loop3A_775, %parallel_loop3A_1241 : vector<16xf32>
        %parallel_loop3A_1243 = arith.constant 13 : i32
        %parallel_loop3A_1244 = vector.broadcast %parallel_loop3A_1243 : i32 to vector<16x1xi32>
        %parallel_loop3A_1245 = vector.shape_cast %parallel_loop3A_1244 : vector<16x1xi32> to vector<16xi32>
        %parallel_loop3A_1246 = tpu.dynamic_gather %get3A_167[%parallel_loop3A_1245] in [0] : vector<16xf32>, vector<16xi32> -> vector<16xf32>
        %parallel_loop3A_1247 = arith.constant 13 : i32
        %parallel_loop3A_1248 = vector.broadcast %parallel_loop3A_1247 : i32 to vector<16x1xi32>
        %parallel_loop3A_1249 = vector.shape_cast %parallel_loop3A_1248 : vector<16x1xi32> to vector<16xi32>
        %parallel_loop3A_1250 = tpu.dynamic_gather %get3A_175[%parallel_loop3A_1249] in [0] : vector<16xf32>, vector<16xi32> -> vector<16xf32>
        %parallel_loop3A_1251 = arith.constant 13 : i32
        %parallel_loop3A_1252 = vector.broadcast %parallel_loop3A_1251 : i32 to vector<16x1xi32>
        %parallel_loop3A_1253 = vector.shape_cast %parallel_loop3A_1252 : vector<16x1xi32> to vector<16xi32>
        %parallel_loop3A_1254 = tpu.dynamic_gather %get3A_183[%parallel_loop3A_1253] in [0] : vector<16xf32>, vector<16xi32> -> vector<16xf32>
        %parallel_loop3A_1255 = arith.subf %parallel_loop3A_790, %parallel_loop3A_1246 : vector<16xf32>
        %parallel_loop3A_1256 = arith.subf %parallel_loop3A_796, %parallel_loop3A_1250 : vector<16xf32>
        %parallel_loop3A_1257 = arith.subf %parallel_loop3A_802, %parallel_loop3A_1254 : vector<16xf32>
        %parallel_loop3A_1258 = arith.mulf %parallel_loop3A_1255, %parallel_loop3A_1255 : vector<16xf32>
        %parallel_loop3A_1259 = arith.mulf %parallel_loop3A_1256, %parallel_loop3A_1256 : vector<16xf32>
        %parallel_loop3A_1260 = arith.addf %parallel_loop3A_1258, %parallel_loop3A_1259 : vector<16xf32>
        %parallel_loop3A_1261 = arith.mulf %parallel_loop3A_1257, %parallel_loop3A_1257 : vector<16xf32>
        %parallel_loop3A_1262 = arith.addf %parallel_loop3A_1260, %parallel_loop3A_1261 : vector<16xf32>
        %parallel_loop3A_1263 = arith.subf %parallel_loop3A_808, %parallel_loop3A_1246 : vector<16xf32>
        %parallel_loop3A_1264 = arith.subf %parallel_loop3A_814, %parallel_loop3A_1250 : vector<16xf32>
        %parallel_loop3A_1265 = arith.subf %parallel_loop3A_820, %parallel_loop3A_1254 : vector<16xf32>
        %parallel_loop3A_1266 = arith.mulf %parallel_loop3A_1263, %parallel_loop3A_1263 : vector<16xf32>
        %parallel_loop3A_1267 = arith.mulf %parallel_loop3A_1264, %parallel_loop3A_1264 : vector<16xf32>
        %parallel_loop3A_1268 = arith.addf %parallel_loop3A_1266, %parallel_loop3A_1267 : vector<16xf32>
        %parallel_loop3A_1269 = arith.mulf %parallel_loop3A_1265, %parallel_loop3A_1265 : vector<16xf32>
        %parallel_loop3A_1270 = arith.addf %parallel_loop3A_1268, %parallel_loop3A_1269 : vector<16xf32>
        %parallel_loop3A_1271 = arith.minimumf %parallel_loop3A_1239, %parallel_loop3A_1262 : vector<16xf32>
        %parallel_loop3A_1272 = arith.minimumf %parallel_loop3A_1240, %parallel_loop3A_1270 : vector<16xf32>
        %parallel_loop3A_1273 = arith.minimumf %parallel_loop3A_1262, %parallel_loop3A_1270 : vector<16xf32>
        %parallel_loop3A_1274 = arith.minimumf %parallel_loop3A_776, %parallel_loop3A_1273 : vector<16xf32>
        %parallel_loop3A_1275 = arith.constant 14 : i32
        %parallel_loop3A_1276 = vector.broadcast %parallel_loop3A_1275 : i32 to vector<16x1xi32>
        %parallel_loop3A_1277 = vector.shape_cast %parallel_loop3A_1276 : vector<16x1xi32> to vector<16xi32>
        %parallel_loop3A_1278 = tpu.dynamic_gather %get3A_167[%parallel_loop3A_1277] in [0] : vector<16xf32>, vector<16xi32> -> vector<16xf32>
        %parallel_loop3A_1279 = arith.constant 14 : i32
        %parallel_loop3A_1280 = vector.broadcast %parallel_loop3A_1279 : i32 to vector<16x1xi32>
        %parallel_loop3A_1281 = vector.shape_cast %parallel_loop3A_1280 : vector<16x1xi32> to vector<16xi32>
        %parallel_loop3A_1282 = tpu.dynamic_gather %get3A_175[%parallel_loop3A_1281] in [0] : vector<16xf32>, vector<16xi32> -> vector<16xf32>
        %parallel_loop3A_1283 = arith.constant 14 : i32
        %parallel_loop3A_1284 = vector.broadcast %parallel_loop3A_1283 : i32 to vector<16x1xi32>
        %parallel_loop3A_1285 = vector.shape_cast %parallel_loop3A_1284 : vector<16x1xi32> to vector<16xi32>
        %parallel_loop3A_1286 = tpu.dynamic_gather %get3A_183[%parallel_loop3A_1285] in [0] : vector<16xf32>, vector<16xi32> -> vector<16xf32>
        %parallel_loop3A_1287 = arith.subf %parallel_loop3A_790, %parallel_loop3A_1278 : vector<16xf32>
        %parallel_loop3A_1288 = arith.subf %parallel_loop3A_796, %parallel_loop3A_1282 : vector<16xf32>
        %parallel_loop3A_1289 = arith.subf %parallel_loop3A_802, %parallel_loop3A_1286 : vector<16xf32>
        %parallel_loop3A_1290 = arith.mulf %parallel_loop3A_1287, %parallel_loop3A_1287 : vector<16xf32>
        %parallel_loop3A_1291 = arith.mulf %parallel_loop3A_1288, %parallel_loop3A_1288 : vector<16xf32>
        %parallel_loop3A_1292 = arith.addf %parallel_loop3A_1290, %parallel_loop3A_1291 : vector<16xf32>
        %parallel_loop3A_1293 = arith.mulf %parallel_loop3A_1289, %parallel_loop3A_1289 : vector<16xf32>
        %parallel_loop3A_1294 = arith.addf %parallel_loop3A_1292, %parallel_loop3A_1293 : vector<16xf32>
        %parallel_loop3A_1295 = arith.subf %parallel_loop3A_808, %parallel_loop3A_1278 : vector<16xf32>
        %parallel_loop3A_1296 = arith.subf %parallel_loop3A_814, %parallel_loop3A_1282 : vector<16xf32>
        %parallel_loop3A_1297 = arith.subf %parallel_loop3A_820, %parallel_loop3A_1286 : vector<16xf32>
        %parallel_loop3A_1298 = arith.mulf %parallel_loop3A_1295, %parallel_loop3A_1295 : vector<16xf32>
        %parallel_loop3A_1299 = arith.mulf %parallel_loop3A_1296, %parallel_loop3A_1296 : vector<16xf32>
        %parallel_loop3A_1300 = arith.addf %parallel_loop3A_1298, %parallel_loop3A_1299 : vector<16xf32>
        %parallel_loop3A_1301 = arith.mulf %parallel_loop3A_1297, %parallel_loop3A_1297 : vector<16xf32>
        %parallel_loop3A_1302 = arith.addf %parallel_loop3A_1300, %parallel_loop3A_1301 : vector<16xf32>
        %parallel_loop3A_1303 = arith.minimumf %parallel_loop3A_1271, %parallel_loop3A_1294 : vector<16xf32>
        %parallel_loop3A_1304 = arith.minimumf %parallel_loop3A_1272, %parallel_loop3A_1302 : vector<16xf32>
        %parallel_loop3A_1305 = arith.minimumf %parallel_loop3A_1294, %parallel_loop3A_1302 : vector<16xf32>
        %parallel_loop3A_1306 = arith.minimumf %parallel_loop3A_777, %parallel_loop3A_1305 : vector<16xf32>
        %parallel_loop3A_1307 = arith.constant 15 : i32
        %parallel_loop3A_1308 = vector.broadcast %parallel_loop3A_1307 : i32 to vector<16x1xi32>
        %parallel_loop3A_1309 = vector.shape_cast %parallel_loop3A_1308 : vector<16x1xi32> to vector<16xi32>
        %parallel_loop3A_1310 = tpu.dynamic_gather %get3A_167[%parallel_loop3A_1309] in [0] : vector<16xf32>, vector<16xi32> -> vector<16xf32>
        %parallel_loop3A_1311 = arith.constant 15 : i32
        %parallel_loop3A_1312 = vector.broadcast %parallel_loop3A_1311 : i32 to vector<16x1xi32>
        %parallel_loop3A_1313 = vector.shape_cast %parallel_loop3A_1312 : vector<16x1xi32> to vector<16xi32>
        %parallel_loop3A_1314 = tpu.dynamic_gather %get3A_175[%parallel_loop3A_1313] in [0] : vector<16xf32>, vector<16xi32> -> vector<16xf32>
        %parallel_loop3A_1315 = arith.constant 15 : i32
        %parallel_loop3A_1316 = vector.broadcast %parallel_loop3A_1315 : i32 to vector<16x1xi32>
        %parallel_loop3A_1317 = vector.shape_cast %parallel_loop3A_1316 : vector<16x1xi32> to vector<16xi32>
        %parallel_loop3A_1318 = tpu.dynamic_gather %get3A_183[%parallel_loop3A_1317] in [0] : vector<16xf32>, vector<16xi32> -> vector<16xf32>
        %parallel_loop3A_1319 = arith.subf %parallel_loop3A_790, %parallel_loop3A_1310 : vector<16xf32>
        %parallel_loop3A_1320 = arith.subf %parallel_loop3A_796, %parallel_loop3A_1314 : vector<16xf32>
        %parallel_loop3A_1321 = arith.subf %parallel_loop3A_802, %parallel_loop3A_1318 : vector<16xf32>
        %parallel_loop3A_1322 = arith.mulf %parallel_loop3A_1319, %parallel_loop3A_1319 : vector<16xf32>
        %parallel_loop3A_1323 = arith.mulf %parallel_loop3A_1320, %parallel_loop3A_1320 : vector<16xf32>
        %parallel_loop3A_1324 = arith.addf %parallel_loop3A_1322, %parallel_loop3A_1323 : vector<16xf32>
        %parallel_loop3A_1325 = arith.mulf %parallel_loop3A_1321, %parallel_loop3A_1321 : vector<16xf32>
        %parallel_loop3A_1326 = arith.addf %parallel_loop3A_1324, %parallel_loop3A_1325 : vector<16xf32>
        %parallel_loop3A_1327 = arith.subf %parallel_loop3A_808, %parallel_loop3A_1310 : vector<16xf32>
        %parallel_loop3A_1328 = arith.subf %parallel_loop3A_814, %parallel_loop3A_1314 : vector<16xf32>
        %parallel_loop3A_1329 = arith.subf %parallel_loop3A_820, %parallel_loop3A_1318 : vector<16xf32>
        %parallel_loop3A_1330 = arith.mulf %parallel_loop3A_1327, %parallel_loop3A_1327 : vector<16xf32>
        %parallel_loop3A_1331 = arith.mulf %parallel_loop3A_1328, %parallel_loop3A_1328 : vector<16xf32>
        %parallel_loop3A_1332 = arith.addf %parallel_loop3A_1330, %parallel_loop3A_1331 : vector<16xf32>
        %parallel_loop3A_1333 = arith.mulf %parallel_loop3A_1329, %parallel_loop3A_1329 : vector<16xf32>
        %parallel_loop3A_1334 = arith.addf %parallel_loop3A_1332, %parallel_loop3A_1333 : vector<16xf32>
        %parallel_loop3A_1335 = arith.minimumf %parallel_loop3A_1303, %parallel_loop3A_1326 : vector<16xf32>
        %parallel_loop3A_1336 = arith.minimumf %parallel_loop3A_1304, %parallel_loop3A_1334 : vector<16xf32>
        %parallel_loop3A_1337 = arith.minimumf %parallel_loop3A_1326, %parallel_loop3A_1334 : vector<16xf32>
        %parallel_loop3A_1338 = arith.minimumf %parallel_loop3A_778, %parallel_loop3A_1337 : vector<16xf32>
        %parallel_loop3A_1339 = arith.index_cast %parallel_loop3A_782 : i32 to index
        %parallel_loop3A_1340 = tpu.vector_load %arg9[%parallel_loop3A_1339] {strides = array<i32>} : memref<512xf32, #tpu.memory_space<vmem>>, vector<16xf32>,
        %parallel_loop3A_1341 = vector.shape_cast %parallel_loop3A_1340 : vector<16xf32> to vector<16xf32>
        %parallel_loop3A_1342 = vector.shape_cast %parallel_loop3A_1335 : vector<16xf32> to vector<16xf32>
        tpu.vector_store %arg9[%parallel_loop3A_1339], %parallel_loop3A_1342 {strides = array<i32>} : memref<512xf32, #tpu.memory_space<vmem>>, vector<16xf32>,
        %parallel_loop3A_1343 = arith.index_cast %parallel_loop3A_784 : i32 to index
        %parallel_loop3A_1344 = tpu.vector_load %arg9[%parallel_loop3A_1343] {strides = array<i32>} : memref<512xf32, #tpu.memory_space<vmem>>, vector<16xf32>,
        %parallel_loop3A_1345 = vector.shape_cast %parallel_loop3A_1344 : vector<16xf32> to vector<16xf32>
        %parallel_loop3A_1346 = vector.shape_cast %parallel_loop3A_1336 : vector<16xf32> to vector<16xf32>
        tpu.vector_store %arg9[%parallel_loop3A_1343], %parallel_loop3A_1346 {strides = array<i32>} : memref<512xf32, #tpu.memory_space<vmem>>, vector<16xf32>,
        scf.yield %parallel_loop3A_858, %parallel_loop3A_890, %parallel_loop3A_922, %parallel_loop3A_954, %parallel_loop3A_986, %parallel_loop3A_1018, %parallel_loop3A_1050, %parallel_loop3A_1082, %parallel_loop3A_1114, %parallel_loop3A_1146, %parallel_loop3A_1178, %parallel_loop3A_1210, %parallel_loop3A_1242, %parallel_loop3A_1274, %parallel_loop3A_1306, %parallel_loop3A_1338 : vector<16xf32>, vector<16xf32>, vector<16xf32>, vector<16xf32>, vector<16xf32>, vector<16xf32>, vector<16xf32>, vector<16xf32>, vector<16xf32>, vector<16xf32>, vector<16xf32>, vector<16xf32>, vector<16xf32>, vector<16xf32>, vector<16xf32>, vector<16xf32>
      } {sc.loop_unroll_factor = 2 : i64, sc.parallel_access}
      %broadcast_in_dim3A_186 = arith.constant 0.000000e+00 : f32
      %broadcast_in_dim3A_187 = vector.broadcast %broadcast_in_dim3A_186 : f32 to vector<16xf32>
      %iota3A_188 = tpu.iota {dimensions = array<i32: 0>} : vector<16xi32>
      %xor3A_189 = arith.constant 8 : i32
      %xor3A_190 = vector.broadcast %xor3A_189 : i32 to vector<16xi32>
      %xor3A_191 = arith.xori %iota3A_188, %xor3A_190 : vector<16xi32>
      %reshape3A_192 = vector.shape_cast %xor3A_191 : vector<16xi32> to vector<16x1xi32>
      %gather3A_193 = vector.shape_cast %reshape3A_192 : vector<16x1xi32> to vector<16xi32>
      %gather3A_194 = tpu.dynamic_gather %parallel_loop3A_185#0[%gather3A_193] in [0] : vector<16xf32>, vector<16xi32> -> vector<16xf32>
      %min3A = arith.minimumf %parallel_loop3A_185#0, %gather3A_194 : vector<16xf32>
      %xor3A_195 = arith.constant 4 : i32
      %xor3A_196 = vector.broadcast %xor3A_195 : i32 to vector<16xi32>
      %xor3A_197 = arith.xori %iota3A_188, %xor3A_196 : vector<16xi32>
      %reshape3A_198 = vector.shape_cast %xor3A_197 : vector<16xi32> to vector<16x1xi32>
      %gather3A_199 = vector.shape_cast %reshape3A_198 : vector<16x1xi32> to vector<16xi32>
      %gather3A_200 = tpu.dynamic_gather %min3A[%gather3A_199] in [0] : vector<16xf32>, vector<16xi32> -> vector<16xf32>
      %min3A_201 = arith.minimumf %min3A, %gather3A_200 : vector<16xf32>
      %xor3A_202 = arith.constant 2 : i32
      %xor3A_203 = vector.broadcast %xor3A_202 : i32 to vector<16xi32>
      %xor3A_204 = arith.xori %iota3A_188, %xor3A_203 : vector<16xi32>
      %reshape3A_205 = vector.shape_cast %xor3A_204 : vector<16xi32> to vector<16x1xi32>
      %gather3A_206 = vector.shape_cast %reshape3A_205 : vector<16x1xi32> to vector<16xi32>
      %gather3A_207 = tpu.dynamic_gather %min3A_201[%gather3A_206] in [0] : vector<16xf32>, vector<16xi32> -> vector<16xf32>
      %min3A_208 = arith.minimumf %min3A_201, %gather3A_207 : vector<16xf32>
      %xor3A_209 = arith.constant 1 : i32
      %xor3A_210 = vector.broadcast %xor3A_209 : i32 to vector<16xi32>
      %xor3A_211 = arith.xori %iota3A_188, %xor3A_210 : vector<16xi32>
      %reshape3A_212 = vector.shape_cast %xor3A_211 : vector<16xi32> to vector<16x1xi32>
      %gather3A_213 = vector.shape_cast %reshape3A_212 : vector<16x1xi32> to vector<16xi32>
      %gather3A_214 = tpu.dynamic_gather %min3A_208[%gather3A_213] in [0] : vector<16xf32>, vector<16xi32> -> vector<16xf32>
      %min3A_215 = arith.minimumf %min3A_208, %gather3A_214 : vector<16xf32>
      %mul3A_216 = arith.constant 16 : i32
      %mul3A_217 = arith.muli %while3A_158, %mul3A_216 : i32
      %add3A_218 = arith.constant 0 : i32
      %add3A_219 = arith.addi %mul3A_217, %add3A_218 : i32
      %lt3A = arith.cmpi slt, %add3A_219, %convert_element_type3A_8 : i32
      %select_n3A_220 = arith.select %lt3A, %min3A_215, %broadcast_in_dim3A_187 : vector<16xf32>
      %max3A_221 = arith.maximumf %while3A_159, %select_n3A_220 : vector<16xf32>
      %iota3A_222 = tpu.iota {dimensions = array<i32: 0>} : vector<16xi32>
      %xor3A_223 = arith.constant 8 : i32
      %xor3A_224 = vector.broadcast %xor3A_223 : i32 to vector<16xi32>
      %xor3A_225 = arith.xori %iota3A_222, %xor3A_224 : vector<16xi32>
      %reshape3A_226 = vector.shape_cast %xor3A_225 : vector<16xi32> to vector<16x1xi32>
      %gather3A_227 = vector.shape_cast %reshape3A_226 : vector<16x1xi32> to vector<16xi32>
      %gather3A_228 = tpu.dynamic_gather %parallel_loop3A_185#1[%gather3A_227] in [0] : vector<16xf32>, vector<16xi32> -> vector<16xf32>
      %min3A_229 = arith.minimumf %parallel_loop3A_185#1, %gather3A_228 : vector<16xf32>
      %xor3A_230 = arith.constant 4 : i32
      %xor3A_231 = vector.broadcast %xor3A_230 : i32 to vector<16xi32>
      %xor3A_232 = arith.xori %iota3A_222, %xor3A_231 : vector<16xi32>
      %reshape3A_233 = vector.shape_cast %xor3A_232 : vector<16xi32> to vector<16x1xi32>
      %gather3A_234 = vector.shape_cast %reshape3A_233 : vector<16x1xi32> to vector<16xi32>
      %gather3A_235 = tpu.dynamic_gather %min3A_229[%gather3A_234] in [0] : vector<16xf32>, vector<16xi32> -> vector<16xf32>
      %min3A_236 = arith.minimumf %min3A_229, %gather3A_235 : vector<16xf32>
      %xor3A_237 = arith.constant 2 : i32
      %xor3A_238 = vector.broadcast %xor3A_237 : i32 to vector<16xi32>
      %xor3A_239 = arith.xori %iota3A_222, %xor3A_238 : vector<16xi32>
      %reshape3A_240 = vector.shape_cast %xor3A_239 : vector<16xi32> to vector<16x1xi32>
      %gather3A_241 = vector.shape_cast %reshape3A_240 : vector<16x1xi32> to vector<16xi32>
      %gather3A_242 = tpu.dynamic_gather %min3A_236[%gather3A_241] in [0] : vector<16xf32>, vector<16xi32> -> vector<16xf32>
      %min3A_243 = arith.minimumf %min3A_236, %gather3A_242 : vector<16xf32>
      %xor3A_244 = arith.constant 1 : i32
      %xor3A_245 = vector.broadcast %xor3A_244 : i32 to vector<16xi32>
      %xor3A_246 = arith.xori %iota3A_222, %xor3A_245 : vector<16xi32>
      %reshape3A_247 = vector.shape_cast %xor3A_246 : vector<16xi32> to vector<16x1xi32>
      %gather3A_248 = vector.shape_cast %reshape3A_247 : vector<16x1xi32> to vector<16xi32>
      %gather3A_249 = tpu.dynamic_gather %min3A_243[%gather3A_248] in [0] : vector<16xf32>, vector<16xi32> -> vector<16xf32>
      %min3A_250 = arith.minimumf %min3A_243, %gather3A_249 : vector<16xf32>
      %mul3A_251 = arith.constant 16 : i32
      %mul3A_252 = arith.muli %while3A_158, %mul3A_251 : i32
      %add3A_253 = arith.constant 1 : i32
      %add3A_254 = arith.addi %mul3A_252, %add3A_253 : i32
      %lt3A_255 = arith.cmpi slt, %add3A_254, %convert_element_type3A_8 : i32
      %select_n3A_256 = arith.select %lt3A_255, %min3A_250, %broadcast_in_dim3A_187 : vector<16xf32>
      %max3A_257 = arith.maximumf %max3A_221, %select_n3A_256 : vector<16xf32>
      %iota3A_258 = tpu.iota {dimensions = array<i32: 0>} : vector<16xi32>
      %xor3A_259 = arith.constant 8 : i32
      %xor3A_260 = vector.broadcast %xor3A_259 : i32 to vector<16xi32>
      %xor3A_261 = arith.xori %iota3A_258, %xor3A_260 : vector<16xi32>
      %reshape3A_262 = vector.shape_cast %xor3A_261 : vector<16xi32> to vector<16x1xi32>
      %gather3A_263 = vector.shape_cast %reshape3A_262 : vector<16x1xi32> to vector<16xi32>
      %gather3A_264 = tpu.dynamic_gather %parallel_loop3A_185#2[%gather3A_263] in [0] : vector<16xf32>, vector<16xi32> -> vector<16xf32>
      %min3A_265 = arith.minimumf %parallel_loop3A_185#2, %gather3A_264 : vector<16xf32>
      %xor3A_266 = arith.constant 4 : i32
      %xor3A_267 = vector.broadcast %xor3A_266 : i32 to vector<16xi32>
      %xor3A_268 = arith.xori %iota3A_258, %xor3A_267 : vector<16xi32>
      %reshape3A_269 = vector.shape_cast %xor3A_268 : vector<16xi32> to vector<16x1xi32>
      %gather3A_270 = vector.shape_cast %reshape3A_269 : vector<16x1xi32> to vector<16xi32>
      %gather3A_271 = tpu.dynamic_gather %min3A_265[%gather3A_270] in [0] : vector<16xf32>, vector<16xi32> -> vector<16xf32>
      %min3A_272 = arith.minimumf %min3A_265, %gather3A_271 : vector<16xf32>
      %xor3A_273 = arith.constant 2 : i32
      %xor3A_274 = vector.broadcast %xor3A_273 : i32 to vector<16xi32>
      %xor3A_275 = arith.xori %iota3A_258, %xor3A_274 : vector<16xi32>
      %reshape3A_276 = vector.shape_cast %xor3A_275 : vector<16xi32> to vector<16x1xi32>
      %gather3A_277 = vector.shape_cast %reshape3A_276 : vector<16x1xi32> to vector<16xi32>
      %gather3A_278 = tpu.dynamic_gather %min3A_272[%gather3A_277] in [0] : vector<16xf32>, vector<16xi32> -> vector<16xf32>
      %min3A_279 = arith.minimumf %min3A_272, %gather3A_278 : vector<16xf32>
      %xor3A_280 = arith.constant 1 : i32
      %xor3A_281 = vector.broadcast %xor3A_280 : i32 to vector<16xi32>
      %xor3A_282 = arith.xori %iota3A_258, %xor3A_281 : vector<16xi32>
      %reshape3A_283 = vector.shape_cast %xor3A_282 : vector<16xi32> to vector<16x1xi32>
      %gather3A_284 = vector.shape_cast %reshape3A_283 : vector<16x1xi32> to vector<16xi32>
      %gather3A_285 = tpu.dynamic_gather %min3A_279[%gather3A_284] in [0] : vector<16xf32>, vector<16xi32> -> vector<16xf32>
      %min3A_286 = arith.minimumf %min3A_279, %gather3A_285 : vector<16xf32>
      %mul3A_287 = arith.constant 16 : i32
      %mul3A_288 = arith.muli %while3A_158, %mul3A_287 : i32
      %add3A_289 = arith.constant 2 : i32
      %add3A_290 = arith.addi %mul3A_288, %add3A_289 : i32
      %lt3A_291 = arith.cmpi slt, %add3A_290, %convert_element_type3A_8 : i32
      %select_n3A_292 = arith.select %lt3A_291, %min3A_286, %broadcast_in_dim3A_187 : vector<16xf32>
      %max3A_293 = arith.maximumf %max3A_257, %select_n3A_292 : vector<16xf32>
      %iota3A_294 = tpu.iota {dimensions = array<i32: 0>} : vector<16xi32>
      %xor3A_295 = arith.constant 8 : i32
      %xor3A_296 = vector.broadcast %xor3A_295 : i32 to vector<16xi32>
      %xor3A_297 = arith.xori %iota3A_294, %xor3A_296 : vector<16xi32>
      %reshape3A_298 = vector.shape_cast %xor3A_297 : vector<16xi32> to vector<16x1xi32>
      %gather3A_299 = vector.shape_cast %reshape3A_298 : vector<16x1xi32> to vector<16xi32>
      %gather3A_300 = tpu.dynamic_gather %parallel_loop3A_185#3[%gather3A_299] in [0] : vector<16xf32>, vector<16xi32> -> vector<16xf32>
      %min3A_301 = arith.minimumf %parallel_loop3A_185#3, %gather3A_300 : vector<16xf32>
      %xor3A_302 = arith.constant 4 : i32
      %xor3A_303 = vector.broadcast %xor3A_302 : i32 to vector<16xi32>
      %xor3A_304 = arith.xori %iota3A_294, %xor3A_303 : vector<16xi32>
      %reshape3A_305 = vector.shape_cast %xor3A_304 : vector<16xi32> to vector<16x1xi32>
      %gather3A_306 = vector.shape_cast %reshape3A_305 : vector<16x1xi32> to vector<16xi32>
      %gather3A_307 = tpu.dynamic_gather %min3A_301[%gather3A_306] in [0] : vector<16xf32>, vector<16xi32> -> vector<16xf32>
      %min3A_308 = arith.minimumf %min3A_301, %gather3A_307 : vector<16xf32>
      %xor3A_309 = arith.constant 2 : i32
      %xor3A_310 = vector.broadcast %xor3A_309 : i32 to vector<16xi32>
      %xor3A_311 = arith.xori %iota3A_294, %xor3A_310 : vector<16xi32>
      %reshape3A_312 = vector.shape_cast %xor3A_311 : vector<16xi32> to vector<16x1xi32>
      %gather3A_313 = vector.shape_cast %reshape3A_312 : vector<16x1xi32> to vector<16xi32>
      %gather3A_314 = tpu.dynamic_gather %min3A_308[%gather3A_313] in [0] : vector<16xf32>, vector<16xi32> -> vector<16xf32>
      %min3A_315 = arith.minimumf %min3A_308, %gather3A_314 : vector<16xf32>
      %xor3A_316 = arith.constant 1 : i32
      %xor3A_317 = vector.broadcast %xor3A_316 : i32 to vector<16xi32>
      %xor3A_318 = arith.xori %iota3A_294, %xor3A_317 : vector<16xi32>
      %reshape3A_319 = vector.shape_cast %xor3A_318 : vector<16xi32> to vector<16x1xi32>
      %gather3A_320 = vector.shape_cast %reshape3A_319 : vector<16x1xi32> to vector<16xi32>
      %gather3A_321 = tpu.dynamic_gather %min3A_315[%gather3A_320] in [0] : vector<16xf32>, vector<16xi32> -> vector<16xf32>
      %min3A_322 = arith.minimumf %min3A_315, %gather3A_321 : vector<16xf32>
      %mul3A_323 = arith.constant 16 : i32
      %mul3A_324 = arith.muli %while3A_158, %mul3A_323 : i32
      %add3A_325 = arith.constant 3 : i32
      %add3A_326 = arith.addi %mul3A_324, %add3A_325 : i32
      %lt3A_327 = arith.cmpi slt, %add3A_326, %convert_element_type3A_8 : i32
      %select_n3A_328 = arith.select %lt3A_327, %min3A_322, %broadcast_in_dim3A_187 : vector<16xf32>
      %max3A_329 = arith.maximumf %max3A_293, %select_n3A_328 : vector<16xf32>
      %iota3A_330 = tpu.iota {dimensions = array<i32: 0>} : vector<16xi32>
      %xor3A_331 = arith.constant 8 : i32
      %xor3A_332 = vector.broadcast %xor3A_331 : i32 to vector<16xi32>
      %xor3A_333 = arith.xori %iota3A_330, %xor3A_332 : vector<16xi32>
      %reshape3A_334 = vector.shape_cast %xor3A_333 : vector<16xi32> to vector<16x1xi32>
      %gather3A_335 = vector.shape_cast %reshape3A_334 : vector<16x1xi32> to vector<16xi32>
      %gather3A_336 = tpu.dynamic_gather %parallel_loop3A_185#4[%gather3A_335] in [0] : vector<16xf32>, vector<16xi32> -> vector<16xf32>
      %min3A_337 = arith.minimumf %parallel_loop3A_185#4, %gather3A_336 : vector<16xf32>
      %xor3A_338 = arith.constant 4 : i32
      %xor3A_339 = vector.broadcast %xor3A_338 : i32 to vector<16xi32>
      %xor3A_340 = arith.xori %iota3A_330, %xor3A_339 : vector<16xi32>
      %reshape3A_341 = vector.shape_cast %xor3A_340 : vector<16xi32> to vector<16x1xi32>
      %gather3A_342 = vector.shape_cast %reshape3A_341 : vector<16x1xi32> to vector<16xi32>
      %gather3A_343 = tpu.dynamic_gather %min3A_337[%gather3A_342] in [0] : vector<16xf32>, vector<16xi32> -> vector<16xf32>
      %min3A_344 = arith.minimumf %min3A_337, %gather3A_343 : vector<16xf32>
      %xor3A_345 = arith.constant 2 : i32
      %xor3A_346 = vector.broadcast %xor3A_345 : i32 to vector<16xi32>
      %xor3A_347 = arith.xori %iota3A_330, %xor3A_346 : vector<16xi32>
      %reshape3A_348 = vector.shape_cast %xor3A_347 : vector<16xi32> to vector<16x1xi32>
      %gather3A_349 = vector.shape_cast %reshape3A_348 : vector<16x1xi32> to vector<16xi32>
      %gather3A_350 = tpu.dynamic_gather %min3A_344[%gather3A_349] in [0] : vector<16xf32>, vector<16xi32> -> vector<16xf32>
      %min3A_351 = arith.minimumf %min3A_344, %gather3A_350 : vector<16xf32>
      %xor3A_352 = arith.constant 1 : i32
      %xor3A_353 = vector.broadcast %xor3A_352 : i32 to vector<16xi32>
      %xor3A_354 = arith.xori %iota3A_330, %xor3A_353 : vector<16xi32>
      %reshape3A_355 = vector.shape_cast %xor3A_354 : vector<16xi32> to vector<16x1xi32>
      %gather3A_356 = vector.shape_cast %reshape3A_355 : vector<16x1xi32> to vector<16xi32>
      %gather3A_357 = tpu.dynamic_gather %min3A_351[%gather3A_356] in [0] : vector<16xf32>, vector<16xi32> -> vector<16xf32>
      %min3A_358 = arith.minimumf %min3A_351, %gather3A_357 : vector<16xf32>
      %mul3A_359 = arith.constant 16 : i32
      %mul3A_360 = arith.muli %while3A_158, %mul3A_359 : i32
      %add3A_361 = arith.constant 4 : i32
      %add3A_362 = arith.addi %mul3A_360, %add3A_361 : i32
      %lt3A_363 = arith.cmpi slt, %add3A_362, %convert_element_type3A_8 : i32
      %select_n3A_364 = arith.select %lt3A_363, %min3A_358, %broadcast_in_dim3A_187 : vector<16xf32>
      %max3A_365 = arith.maximumf %max3A_329, %select_n3A_364 : vector<16xf32>
      %iota3A_366 = tpu.iota {dimensions = array<i32: 0>} : vector<16xi32>
      %xor3A_367 = arith.constant 8 : i32
      %xor3A_368 = vector.broadcast %xor3A_367 : i32 to vector<16xi32>
      %xor3A_369 = arith.xori %iota3A_366, %xor3A_368 : vector<16xi32>
      %reshape3A_370 = vector.shape_cast %xor3A_369 : vector<16xi32> to vector<16x1xi32>
      %gather3A_371 = vector.shape_cast %reshape3A_370 : vector<16x1xi32> to vector<16xi32>
      %gather3A_372 = tpu.dynamic_gather %parallel_loop3A_185#5[%gather3A_371] in [0] : vector<16xf32>, vector<16xi32> -> vector<16xf32>
      %min3A_373 = arith.minimumf %parallel_loop3A_185#5, %gather3A_372 : vector<16xf32>
      %xor3A_374 = arith.constant 4 : i32
      %xor3A_375 = vector.broadcast %xor3A_374 : i32 to vector<16xi32>
      %xor3A_376 = arith.xori %iota3A_366, %xor3A_375 : vector<16xi32>
      %reshape3A_377 = vector.shape_cast %xor3A_376 : vector<16xi32> to vector<16x1xi32>
      %gather3A_378 = vector.shape_cast %reshape3A_377 : vector<16x1xi32> to vector<16xi32>
      %gather3A_379 = tpu.dynamic_gather %min3A_373[%gather3A_378] in [0] : vector<16xf32>, vector<16xi32> -> vector<16xf32>
      %min3A_380 = arith.minimumf %min3A_373, %gather3A_379 : vector<16xf32>
      %xor3A_381 = arith.constant 2 : i32
      %xor3A_382 = vector.broadcast %xor3A_381 : i32 to vector<16xi32>
      %xor3A_383 = arith.xori %iota3A_366, %xor3A_382 : vector<16xi32>
      %reshape3A_384 = vector.shape_cast %xor3A_383 : vector<16xi32> to vector<16x1xi32>
      %gather3A_385 = vector.shape_cast %reshape3A_384 : vector<16x1xi32> to vector<16xi32>
      %gather3A_386 = tpu.dynamic_gather %min3A_380[%gather3A_385] in [0] : vector<16xf32>, vector<16xi32> -> vector<16xf32>
      %min3A_387 = arith.minimumf %min3A_380, %gather3A_386 : vector<16xf32>
      %xor3A_388 = arith.constant 1 : i32
      %xor3A_389 = vector.broadcast %xor3A_388 : i32 to vector<16xi32>
      %xor3A_390 = arith.xori %iota3A_366, %xor3A_389 : vector<16xi32>
      %reshape3A_391 = vector.shape_cast %xor3A_390 : vector<16xi32> to vector<16x1xi32>
      %gather3A_392 = vector.shape_cast %reshape3A_391 : vector<16x1xi32> to vector<16xi32>
      %gather3A_393 = tpu.dynamic_gather %min3A_387[%gather3A_392] in [0] : vector<16xf32>, vector<16xi32> -> vector<16xf32>
      %min3A_394 = arith.minimumf %min3A_387, %gather3A_393 : vector<16xf32>
      %mul3A_395 = arith.constant 16 : i32
      %mul3A_396 = arith.muli %while3A_158, %mul3A_395 : i32
      %add3A_397 = arith.constant 5 : i32
      %add3A_398 = arith.addi %mul3A_396, %add3A_397 : i32
      %lt3A_399 = arith.cmpi slt, %add3A_398, %convert_element_type3A_8 : i32
      %select_n3A_400 = arith.select %lt3A_399, %min3A_394, %broadcast_in_dim3A_187 : vector<16xf32>
      %max3A_401 = arith.maximumf %max3A_365, %select_n3A_400 : vector<16xf32>
      %iota3A_402 = tpu.iota {dimensions = array<i32: 0>} : vector<16xi32>
      %xor3A_403 = arith.constant 8 : i32
      %xor3A_404 = vector.broadcast %xor3A_403 : i32 to vector<16xi32>
      %xor3A_405 = arith.xori %iota3A_402, %xor3A_404 : vector<16xi32>
      %reshape3A_406 = vector.shape_cast %xor3A_405 : vector<16xi32> to vector<16x1xi32>
      %gather3A_407 = vector.shape_cast %reshape3A_406 : vector<16x1xi32> to vector<16xi32>
      %gather3A_408 = tpu.dynamic_gather %parallel_loop3A_185#6[%gather3A_407] in [0] : vector<16xf32>, vector<16xi32> -> vector<16xf32>
      %min3A_409 = arith.minimumf %parallel_loop3A_185#6, %gather3A_408 : vector<16xf32>
      %xor3A_410 = arith.constant 4 : i32
      %xor3A_411 = vector.broadcast %xor3A_410 : i32 to vector<16xi32>
      %xor3A_412 = arith.xori %iota3A_402, %xor3A_411 : vector<16xi32>
      %reshape3A_413 = vector.shape_cast %xor3A_412 : vector<16xi32> to vector<16x1xi32>
      %gather3A_414 = vector.shape_cast %reshape3A_413 : vector<16x1xi32> to vector<16xi32>
      %gather3A_415 = tpu.dynamic_gather %min3A_409[%gather3A_414] in [0] : vector<16xf32>, vector<16xi32> -> vector<16xf32>
      %min3A_416 = arith.minimumf %min3A_409, %gather3A_415 : vector<16xf32>
      %xor3A_417 = arith.constant 2 : i32
      %xor3A_418 = vector.broadcast %xor3A_417 : i32 to vector<16xi32>
      %xor3A_419 = arith.xori %iota3A_402, %xor3A_418 : vector<16xi32>
      %reshape3A_420 = vector.shape_cast %xor3A_419 : vector<16xi32> to vector<16x1xi32>
      %gather3A_421 = vector.shape_cast %reshape3A_420 : vector<16x1xi32> to vector<16xi32>
      %gather3A_422 = tpu.dynamic_gather %min3A_416[%gather3A_421] in [0] : vector<16xf32>, vector<16xi32> -> vector<16xf32>
      %min3A_423 = arith.minimumf %min3A_416, %gather3A_422 : vector<16xf32>
      %xor3A_424 = arith.constant 1 : i32
      %xor3A_425 = vector.broadcast %xor3A_424 : i32 to vector<16xi32>
      %xor3A_426 = arith.xori %iota3A_402, %xor3A_425 : vector<16xi32>
      %reshape3A_427 = vector.shape_cast %xor3A_426 : vector<16xi32> to vector<16x1xi32>
      %gather3A_428 = vector.shape_cast %reshape3A_427 : vector<16x1xi32> to vector<16xi32>
      %gather3A_429 = tpu.dynamic_gather %min3A_423[%gather3A_428] in [0] : vector<16xf32>, vector<16xi32> -> vector<16xf32>
      %min3A_430 = arith.minimumf %min3A_423, %gather3A_429 : vector<16xf32>
      %mul3A_431 = arith.constant 16 : i32
      %mul3A_432 = arith.muli %while3A_158, %mul3A_431 : i32
      %add3A_433 = arith.constant 6 : i32
      %add3A_434 = arith.addi %mul3A_432, %add3A_433 : i32
      %lt3A_435 = arith.cmpi slt, %add3A_434, %convert_element_type3A_8 : i32
      %select_n3A_436 = arith.select %lt3A_435, %min3A_430, %broadcast_in_dim3A_187 : vector<16xf32>
      %max3A_437 = arith.maximumf %max3A_401, %select_n3A_436 : vector<16xf32>
      %iota3A_438 = tpu.iota {dimensions = array<i32: 0>} : vector<16xi32>
      %xor3A_439 = arith.constant 8 : i32
      %xor3A_440 = vector.broadcast %xor3A_439 : i32 to vector<16xi32>
      %xor3A_441 = arith.xori %iota3A_438, %xor3A_440 : vector<16xi32>
      %reshape3A_442 = vector.shape_cast %xor3A_441 : vector<16xi32> to vector<16x1xi32>
      %gather3A_443 = vector.shape_cast %reshape3A_442 : vector<16x1xi32> to vector<16xi32>
      %gather3A_444 = tpu.dynamic_gather %parallel_loop3A_185#7[%gather3A_443] in [0] : vector<16xf32>, vector<16xi32> -> vector<16xf32>
      %min3A_445 = arith.minimumf %parallel_loop3A_185#7, %gather3A_444 : vector<16xf32>
      %xor3A_446 = arith.constant 4 : i32
      %xor3A_447 = vector.broadcast %xor3A_446 : i32 to vector<16xi32>
      %xor3A_448 = arith.xori %iota3A_438, %xor3A_447 : vector<16xi32>
      %reshape3A_449 = vector.shape_cast %xor3A_448 : vector<16xi32> to vector<16x1xi32>
      %gather3A_450 = vector.shape_cast %reshape3A_449 : vector<16x1xi32> to vector<16xi32>
      %gather3A_451 = tpu.dynamic_gather %min3A_445[%gather3A_450] in [0] : vector<16xf32>, vector<16xi32> -> vector<16xf32>
      %min3A_452 = arith.minimumf %min3A_445, %gather3A_451 : vector<16xf32>
      %xor3A_453 = arith.constant 2 : i32
      %xor3A_454 = vector.broadcast %xor3A_453 : i32 to vector<16xi32>
      %xor3A_455 = arith.xori %iota3A_438, %xor3A_454 : vector<16xi32>
      %reshape3A_456 = vector.shape_cast %xor3A_455 : vector<16xi32> to vector<16x1xi32>
      %gather3A_457 = vector.shape_cast %reshape3A_456 : vector<16x1xi32> to vector<16xi32>
      %gather3A_458 = tpu.dynamic_gather %min3A_452[%gather3A_457] in [0] : vector<16xf32>, vector<16xi32> -> vector<16xf32>
      %min3A_459 = arith.minimumf %min3A_452, %gather3A_458 : vector<16xf32>
      %xor3A_460 = arith.constant 1 : i32
      %xor3A_461 = vector.broadcast %xor3A_460 : i32 to vector<16xi32>
      %xor3A_462 = arith.xori %iota3A_438, %xor3A_461 : vector<16xi32>
      %reshape3A_463 = vector.shape_cast %xor3A_462 : vector<16xi32> to vector<16x1xi32>
      %gather3A_464 = vector.shape_cast %reshape3A_463 : vector<16x1xi32> to vector<16xi32>
      %gather3A_465 = tpu.dynamic_gather %min3A_459[%gather3A_464] in [0] : vector<16xf32>, vector<16xi32> -> vector<16xf32>
      %min3A_466 = arith.minimumf %min3A_459, %gather3A_465 : vector<16xf32>
      %mul3A_467 = arith.constant 16 : i32
      %mul3A_468 = arith.muli %while3A_158, %mul3A_467 : i32
      %add3A_469 = arith.constant 7 : i32
      %add3A_470 = arith.addi %mul3A_468, %add3A_469 : i32
      %lt3A_471 = arith.cmpi slt, %add3A_470, %convert_element_type3A_8 : i32
      %select_n3A_472 = arith.select %lt3A_471, %min3A_466, %broadcast_in_dim3A_187 : vector<16xf32>
      %max3A_473 = arith.maximumf %max3A_437, %select_n3A_472 : vector<16xf32>
      %iota3A_474 = tpu.iota {dimensions = array<i32: 0>} : vector<16xi32>
      %xor3A_475 = arith.constant 8 : i32
      %xor3A_476 = vector.broadcast %xor3A_475 : i32 to vector<16xi32>
      %xor3A_477 = arith.xori %iota3A_474, %xor3A_476 : vector<16xi32>
      %reshape3A_478 = vector.shape_cast %xor3A_477 : vector<16xi32> to vector<16x1xi32>
      %gather3A_479 = vector.shape_cast %reshape3A_478 : vector<16x1xi32> to vector<16xi32>
      %gather3A_480 = tpu.dynamic_gather %parallel_loop3A_185#8[%gather3A_479] in [0] : vector<16xf32>, vector<16xi32> -> vector<16xf32>
      %min3A_481 = arith.minimumf %parallel_loop3A_185#8, %gather3A_480 : vector<16xf32>
      %xor3A_482 = arith.constant 4 : i32
      %xor3A_483 = vector.broadcast %xor3A_482 : i32 to vector<16xi32>
      %xor3A_484 = arith.xori %iota3A_474, %xor3A_483 : vector<16xi32>
      %reshape3A_485 = vector.shape_cast %xor3A_484 : vector<16xi32> to vector<16x1xi32>
      %gather3A_486 = vector.shape_cast %reshape3A_485 : vector<16x1xi32> to vector<16xi32>
      %gather3A_487 = tpu.dynamic_gather %min3A_481[%gather3A_486] in [0] : vector<16xf32>, vector<16xi32> -> vector<16xf32>
      %min3A_488 = arith.minimumf %min3A_481, %gather3A_487 : vector<16xf32>
      %xor3A_489 = arith.constant 2 : i32
      %xor3A_490 = vector.broadcast %xor3A_489 : i32 to vector<16xi32>
      %xor3A_491 = arith.xori %iota3A_474, %xor3A_490 : vector<16xi32>
      %reshape3A_492 = vector.shape_cast %xor3A_491 : vector<16xi32> to vector<16x1xi32>
      %gather3A_493 = vector.shape_cast %reshape3A_492 : vector<16x1xi32> to vector<16xi32>
      %gather3A_494 = tpu.dynamic_gather %min3A_488[%gather3A_493] in [0] : vector<16xf32>, vector<16xi32> -> vector<16xf32>
      %min3A_495 = arith.minimumf %min3A_488, %gather3A_494 : vector<16xf32>
      %xor3A_496 = arith.constant 1 : i32
      %xor3A_497 = vector.broadcast %xor3A_496 : i32 to vector<16xi32>
      %xor3A_498 = arith.xori %iota3A_474, %xor3A_497 : vector<16xi32>
      %reshape3A_499 = vector.shape_cast %xor3A_498 : vector<16xi32> to vector<16x1xi32>
      %gather3A_500 = vector.shape_cast %reshape3A_499 : vector<16x1xi32> to vector<16xi32>
      %gather3A_501 = tpu.dynamic_gather %min3A_495[%gather3A_500] in [0] : vector<16xf32>, vector<16xi32> -> vector<16xf32>
      %min3A_502 = arith.minimumf %min3A_495, %gather3A_501 : vector<16xf32>
      %mul3A_503 = arith.constant 16 : i32
      %mul3A_504 = arith.muli %while3A_158, %mul3A_503 : i32
      %add3A_505 = arith.constant 8 : i32
      %add3A_506 = arith.addi %mul3A_504, %add3A_505 : i32
      %lt3A_507 = arith.cmpi slt, %add3A_506, %convert_element_type3A_8 : i32
      %select_n3A_508 = arith.select %lt3A_507, %min3A_502, %broadcast_in_dim3A_187 : vector<16xf32>
      %max3A_509 = arith.maximumf %max3A_473, %select_n3A_508 : vector<16xf32>
      %iota3A_510 = tpu.iota {dimensions = array<i32: 0>} : vector<16xi32>
      %xor3A_511 = arith.constant 8 : i32
      %xor3A_512 = vector.broadcast %xor3A_511 : i32 to vector<16xi32>
      %xor3A_513 = arith.xori %iota3A_510, %xor3A_512 : vector<16xi32>
      %reshape3A_514 = vector.shape_cast %xor3A_513 : vector<16xi32> to vector<16x1xi32>
      %gather3A_515 = vector.shape_cast %reshape3A_514 : vector<16x1xi32> to vector<16xi32>
      %gather3A_516 = tpu.dynamic_gather %parallel_loop3A_185#9[%gather3A_515] in [0] : vector<16xf32>, vector<16xi32> -> vector<16xf32>
      %min3A_517 = arith.minimumf %parallel_loop3A_185#9, %gather3A_516 : vector<16xf32>
      %xor3A_518 = arith.constant 4 : i32
      %xor3A_519 = vector.broadcast %xor3A_518 : i32 to vector<16xi32>
      %xor3A_520 = arith.xori %iota3A_510, %xor3A_519 : vector<16xi32>
      %reshape3A_521 = vector.shape_cast %xor3A_520 : vector<16xi32> to vector<16x1xi32>
      %gather3A_522 = vector.shape_cast %reshape3A_521 : vector<16x1xi32> to vector<16xi32>
      %gather3A_523 = tpu.dynamic_gather %min3A_517[%gather3A_522] in [0] : vector<16xf32>, vector<16xi32> -> vector<16xf32>
      %min3A_524 = arith.minimumf %min3A_517, %gather3A_523 : vector<16xf32>
      %xor3A_525 = arith.constant 2 : i32
      %xor3A_526 = vector.broadcast %xor3A_525 : i32 to vector<16xi32>
      %xor3A_527 = arith.xori %iota3A_510, %xor3A_526 : vector<16xi32>
      %reshape3A_528 = vector.shape_cast %xor3A_527 : vector<16xi32> to vector<16x1xi32>
      %gather3A_529 = vector.shape_cast %reshape3A_528 : vector<16x1xi32> to vector<16xi32>
      %gather3A_530 = tpu.dynamic_gather %min3A_524[%gather3A_529] in [0] : vector<16xf32>, vector<16xi32> -> vector<16xf32>
      %min3A_531 = arith.minimumf %min3A_524, %gather3A_530 : vector<16xf32>
      %xor3A_532 = arith.constant 1 : i32
      %xor3A_533 = vector.broadcast %xor3A_532 : i32 to vector<16xi32>
      %xor3A_534 = arith.xori %iota3A_510, %xor3A_533 : vector<16xi32>
      %reshape3A_535 = vector.shape_cast %xor3A_534 : vector<16xi32> to vector<16x1xi32>
      %gather3A_536 = vector.shape_cast %reshape3A_535 : vector<16x1xi32> to vector<16xi32>
      %gather3A_537 = tpu.dynamic_gather %min3A_531[%gather3A_536] in [0] : vector<16xf32>, vector<16xi32> -> vector<16xf32>
      %min3A_538 = arith.minimumf %min3A_531, %gather3A_537 : vector<16xf32>
      %mul3A_539 = arith.constant 16 : i32
      %mul3A_540 = arith.muli %while3A_158, %mul3A_539 : i32
      %add3A_541 = arith.constant 9 : i32
      %add3A_542 = arith.addi %mul3A_540, %add3A_541 : i32
      %lt3A_543 = arith.cmpi slt, %add3A_542, %convert_element_type3A_8 : i32
      %select_n3A_544 = arith.select %lt3A_543, %min3A_538, %broadcast_in_dim3A_187 : vector<16xf32>
      %max3A_545 = arith.maximumf %max3A_509, %select_n3A_544 : vector<16xf32>
      %iota3A_546 = tpu.iota {dimensions = array<i32: 0>} : vector<16xi32>
      %xor3A_547 = arith.constant 8 : i32
      %xor3A_548 = vector.broadcast %xor3A_547 : i32 to vector<16xi32>
      %xor3A_549 = arith.xori %iota3A_546, %xor3A_548 : vector<16xi32>
      %reshape3A_550 = vector.shape_cast %xor3A_549 : vector<16xi32> to vector<16x1xi32>
      %gather3A_551 = vector.shape_cast %reshape3A_550 : vector<16x1xi32> to vector<16xi32>
      %gather3A_552 = tpu.dynamic_gather %parallel_loop3A_185#10[%gather3A_551] in [0] : vector<16xf32>, vector<16xi32> -> vector<16xf32>
      %min3A_553 = arith.minimumf %parallel_loop3A_185#10, %gather3A_552 : vector<16xf32>
      %xor3A_554 = arith.constant 4 : i32
      %xor3A_555 = vector.broadcast %xor3A_554 : i32 to vector<16xi32>
      %xor3A_556 = arith.xori %iota3A_546, %xor3A_555 : vector<16xi32>
      %reshape3A_557 = vector.shape_cast %xor3A_556 : vector<16xi32> to vector<16x1xi32>
      %gather3A_558 = vector.shape_cast %reshape3A_557 : vector<16x1xi32> to vector<16xi32>
      %gather3A_559 = tpu.dynamic_gather %min3A_553[%gather3A_558] in [0] : vector<16xf32>, vector<16xi32> -> vector<16xf32>
      %min3A_560 = arith.minimumf %min3A_553, %gather3A_559 : vector<16xf32>
      %xor3A_561 = arith.constant 2 : i32
      %xor3A_562 = vector.broadcast %xor3A_561 : i32 to vector<16xi32>
      %xor3A_563 = arith.xori %iota3A_546, %xor3A_562 : vector<16xi32>
      %reshape3A_564 = vector.shape_cast %xor3A_563 : vector<16xi32> to vector<16x1xi32>
      %gather3A_565 = vector.shape_cast %reshape3A_564 : vector<16x1xi32> to vector<16xi32>
      %gather3A_566 = tpu.dynamic_gather %min3A_560[%gather3A_565] in [0] : vector<16xf32>, vector<16xi32> -> vector<16xf32>
      %min3A_567 = arith.minimumf %min3A_560, %gather3A_566 : vector<16xf32>
      %xor3A_568 = arith.constant 1 : i32
      %xor3A_569 = vector.broadcast %xor3A_568 : i32 to vector<16xi32>
      %xor3A_570 = arith.xori %iota3A_546, %xor3A_569 : vector<16xi32>
      %reshape3A_571 = vector.shape_cast %xor3A_570 : vector<16xi32> to vector<16x1xi32>
      %gather3A_572 = vector.shape_cast %reshape3A_571 : vector<16x1xi32> to vector<16xi32>
      %gather3A_573 = tpu.dynamic_gather %min3A_567[%gather3A_572] in [0] : vector<16xf32>, vector<16xi32> -> vector<16xf32>
      %min3A_574 = arith.minimumf %min3A_567, %gather3A_573 : vector<16xf32>
      %mul3A_575 = arith.constant 16 : i32
      %mul3A_576 = arith.muli %while3A_158, %mul3A_575 : i32
      %add3A_577 = arith.constant 10 : i32
      %add3A_578 = arith.addi %mul3A_576, %add3A_577 : i32
      %lt3A_579 = arith.cmpi slt, %add3A_578, %convert_element_type3A_8 : i32
      %select_n3A_580 = arith.select %lt3A_579, %min3A_574, %broadcast_in_dim3A_187 : vector<16xf32>
      %max3A_581 = arith.maximumf %max3A_545, %select_n3A_580 : vector<16xf32>
      %iota3A_582 = tpu.iota {dimensions = array<i32: 0>} : vector<16xi32>
      %xor3A_583 = arith.constant 8 : i32
      %xor3A_584 = vector.broadcast %xor3A_583 : i32 to vector<16xi32>
      %xor3A_585 = arith.xori %iota3A_582, %xor3A_584 : vector<16xi32>
      %reshape3A_586 = vector.shape_cast %xor3A_585 : vector<16xi32> to vector<16x1xi32>
      %gather3A_587 = vector.shape_cast %reshape3A_586 : vector<16x1xi32> to vector<16xi32>
      %gather3A_588 = tpu.dynamic_gather %parallel_loop3A_185#11[%gather3A_587] in [0] : vector<16xf32>, vector<16xi32> -> vector<16xf32>
      %min3A_589 = arith.minimumf %parallel_loop3A_185#11, %gather3A_588 : vector<16xf32>
      %xor3A_590 = arith.constant 4 : i32
      %xor3A_591 = vector.broadcast %xor3A_590 : i32 to vector<16xi32>
      %xor3A_592 = arith.xori %iota3A_582, %xor3A_591 : vector<16xi32>
      %reshape3A_593 = vector.shape_cast %xor3A_592 : vector<16xi32> to vector<16x1xi32>
      %gather3A_594 = vector.shape_cast %reshape3A_593 : vector<16x1xi32> to vector<16xi32>
      %gather3A_595 = tpu.dynamic_gather %min3A_589[%gather3A_594] in [0] : vector<16xf32>, vector<16xi32> -> vector<16xf32>
      %min3A_596 = arith.minimumf %min3A_589, %gather3A_595 : vector<16xf32>
      %xor3A_597 = arith.constant 2 : i32
      %xor3A_598 = vector.broadcast %xor3A_597 : i32 to vector<16xi32>
      %xor3A_599 = arith.xori %iota3A_582, %xor3A_598 : vector<16xi32>
      %reshape3A_600 = vector.shape_cast %xor3A_599 : vector<16xi32> to vector<16x1xi32>
      %gather3A_601 = vector.shape_cast %reshape3A_600 : vector<16x1xi32> to vector<16xi32>
      %gather3A_602 = tpu.dynamic_gather %min3A_596[%gather3A_601] in [0] : vector<16xf32>, vector<16xi32> -> vector<16xf32>
      %min3A_603 = arith.minimumf %min3A_596, %gather3A_602 : vector<16xf32>
      %xor3A_604 = arith.constant 1 : i32
      %xor3A_605 = vector.broadcast %xor3A_604 : i32 to vector<16xi32>
      %xor3A_606 = arith.xori %iota3A_582, %xor3A_605 : vector<16xi32>
      %reshape3A_607 = vector.shape_cast %xor3A_606 : vector<16xi32> to vector<16x1xi32>
      %gather3A_608 = vector.shape_cast %reshape3A_607 : vector<16x1xi32> to vector<16xi32>
      %gather3A_609 = tpu.dynamic_gather %min3A_603[%gather3A_608] in [0] : vector<16xf32>, vector<16xi32> -> vector<16xf32>
      %min3A_610 = arith.minimumf %min3A_603, %gather3A_609 : vector<16xf32>
      %mul3A_611 = arith.constant 16 : i32
      %mul3A_612 = arith.muli %while3A_158, %mul3A_611 : i32
      %add3A_613 = arith.constant 11 : i32
      %add3A_614 = arith.addi %mul3A_612, %add3A_613 : i32
      %lt3A_615 = arith.cmpi slt, %add3A_614, %convert_element_type3A_8 : i32
      %select_n3A_616 = arith.select %lt3A_615, %min3A_610, %broadcast_in_dim3A_187 : vector<16xf32>
      %max3A_617 = arith.maximumf %max3A_581, %select_n3A_616 : vector<16xf32>
      %iota3A_618 = tpu.iota {dimensions = array<i32: 0>} : vector<16xi32>
      %xor3A_619 = arith.constant 8 : i32
      %xor3A_620 = vector.broadcast %xor3A_619 : i32 to vector<16xi32>
      %xor3A_621 = arith.xori %iota3A_618, %xor3A_620 : vector<16xi32>
      %reshape3A_622 = vector.shape_cast %xor3A_621 : vector<16xi32> to vector<16x1xi32>
      %gather3A_623 = vector.shape_cast %reshape3A_622 : vector<16x1xi32> to vector<16xi32>
      %gather3A_624 = tpu.dynamic_gather %parallel_loop3A_185#12[%gather3A_623] in [0] : vector<16xf32>, vector<16xi32> -> vector<16xf32>
      %min3A_625 = arith.minimumf %parallel_loop3A_185#12, %gather3A_624 : vector<16xf32>
      %xor3A_626 = arith.constant 4 : i32
      %xor3A_627 = vector.broadcast %xor3A_626 : i32 to vector<16xi32>
      %xor3A_628 = arith.xori %iota3A_618, %xor3A_627 : vector<16xi32>
      %reshape3A_629 = vector.shape_cast %xor3A_628 : vector<16xi32> to vector<16x1xi32>
      %gather3A_630 = vector.shape_cast %reshape3A_629 : vector<16x1xi32> to vector<16xi32>
      %gather3A_631 = tpu.dynamic_gather %min3A_625[%gather3A_630] in [0] : vector<16xf32>, vector<16xi32> -> vector<16xf32>
      %min3A_632 = arith.minimumf %min3A_625, %gather3A_631 : vector<16xf32>
      %xor3A_633 = arith.constant 2 : i32
      %xor3A_634 = vector.broadcast %xor3A_633 : i32 to vector<16xi32>
      %xor3A_635 = arith.xori %iota3A_618, %xor3A_634 : vector<16xi32>
      %reshape3A_636 = vector.shape_cast %xor3A_635 : vector<16xi32> to vector<16x1xi32>
      %gather3A_637 = vector.shape_cast %reshape3A_636 : vector<16x1xi32> to vector<16xi32>
      %gather3A_638 = tpu.dynamic_gather %min3A_632[%gather3A_637] in [0] : vector<16xf32>, vector<16xi32> -> vector<16xf32>
      %min3A_639 = arith.minimumf %min3A_632, %gather3A_638 : vector<16xf32>
      %xor3A_640 = arith.constant 1 : i32
      %xor3A_641 = vector.broadcast %xor3A_640 : i32 to vector<16xi32>
      %xor3A_642 = arith.xori %iota3A_618, %xor3A_641 : vector<16xi32>
      %reshape3A_643 = vector.shape_cast %xor3A_642 : vector<16xi32> to vector<16x1xi32>
      %gather3A_644 = vector.shape_cast %reshape3A_643 : vector<16x1xi32> to vector<16xi32>
      %gather3A_645 = tpu.dynamic_gather %min3A_639[%gather3A_644] in [0] : vector<16xf32>, vector<16xi32> -> vector<16xf32>
      %min3A_646 = arith.minimumf %min3A_639, %gather3A_645 : vector<16xf32>
      %mul3A_647 = arith.constant 16 : i32
      %mul3A_648 = arith.muli %while3A_158, %mul3A_647 : i32
      %add3A_649 = arith.constant 12 : i32
      %add3A_650 = arith.addi %mul3A_648, %add3A_649 : i32
      %lt3A_651 = arith.cmpi slt, %add3A_650, %convert_element_type3A_8 : i32
      %select_n3A_652 = arith.select %lt3A_651, %min3A_646, %broadcast_in_dim3A_187 : vector<16xf32>
      %max3A_653 = arith.maximumf %max3A_617, %select_n3A_652 : vector<16xf32>
      %iota3A_654 = tpu.iota {dimensions = array<i32: 0>} : vector<16xi32>
      %xor3A_655 = arith.constant 8 : i32
      %xor3A_656 = vector.broadcast %xor3A_655 : i32 to vector<16xi32>
      %xor3A_657 = arith.xori %iota3A_654, %xor3A_656 : vector<16xi32>
      %reshape3A_658 = vector.shape_cast %xor3A_657 : vector<16xi32> to vector<16x1xi32>
      %gather3A_659 = vector.shape_cast %reshape3A_658 : vector<16x1xi32> to vector<16xi32>
      %gather3A_660 = tpu.dynamic_gather %parallel_loop3A_185#13[%gather3A_659] in [0] : vector<16xf32>, vector<16xi32> -> vector<16xf32>
      %min3A_661 = arith.minimumf %parallel_loop3A_185#13, %gather3A_660 : vector<16xf32>
      %xor3A_662 = arith.constant 4 : i32
      %xor3A_663 = vector.broadcast %xor3A_662 : i32 to vector<16xi32>
      %xor3A_664 = arith.xori %iota3A_654, %xor3A_663 : vector<16xi32>
      %reshape3A_665 = vector.shape_cast %xor3A_664 : vector<16xi32> to vector<16x1xi32>
      %gather3A_666 = vector.shape_cast %reshape3A_665 : vector<16x1xi32> to vector<16xi32>
      %gather3A_667 = tpu.dynamic_gather %min3A_661[%gather3A_666] in [0] : vector<16xf32>, vector<16xi32> -> vector<16xf32>
      %min3A_668 = arith.minimumf %min3A_661, %gather3A_667 : vector<16xf32>
      %xor3A_669 = arith.constant 2 : i32
      %xor3A_670 = vector.broadcast %xor3A_669 : i32 to vector<16xi32>
      %xor3A_671 = arith.xori %iota3A_654, %xor3A_670 : vector<16xi32>
      %reshape3A_672 = vector.shape_cast %xor3A_671 : vector<16xi32> to vector<16x1xi32>
      %gather3A_673 = vector.shape_cast %reshape3A_672 : vector<16x1xi32> to vector<16xi32>
      %gather3A_674 = tpu.dynamic_gather %min3A_668[%gather3A_673] in [0] : vector<16xf32>, vector<16xi32> -> vector<16xf32>
      %min3A_675 = arith.minimumf %min3A_668, %gather3A_674 : vector<16xf32>
      %xor3A_676 = arith.constant 1 : i32
      %xor3A_677 = vector.broadcast %xor3A_676 : i32 to vector<16xi32>
      %xor3A_678 = arith.xori %iota3A_654, %xor3A_677 : vector<16xi32>
      %reshape3A_679 = vector.shape_cast %xor3A_678 : vector<16xi32> to vector<16x1xi32>
      %gather3A_680 = vector.shape_cast %reshape3A_679 : vector<16x1xi32> to vector<16xi32>
      %gather3A_681 = tpu.dynamic_gather %min3A_675[%gather3A_680] in [0] : vector<16xf32>, vector<16xi32> -> vector<16xf32>
      %min3A_682 = arith.minimumf %min3A_675, %gather3A_681 : vector<16xf32>
      %mul3A_683 = arith.constant 16 : i32
      %mul3A_684 = arith.muli %while3A_158, %mul3A_683 : i32
      %add3A_685 = arith.constant 13 : i32
      %add3A_686 = arith.addi %mul3A_684, %add3A_685 : i32
      %lt3A_687 = arith.cmpi slt, %add3A_686, %convert_element_type3A_8 : i32
      %select_n3A_688 = arith.select %lt3A_687, %min3A_682, %broadcast_in_dim3A_187 : vector<16xf32>
      %max3A_689 = arith.maximumf %max3A_653, %select_n3A_688 : vector<16xf32>
      %iota3A_690 = tpu.iota {dimensions = array<i32: 0>} : vector<16xi32>
      %xor3A_691 = arith.constant 8 : i32
      %xor3A_692 = vector.broadcast %xor3A_691 : i32 to vector<16xi32>
      %xor3A_693 = arith.xori %iota3A_690, %xor3A_692 : vector<16xi32>
      %reshape3A_694 = vector.shape_cast %xor3A_693 : vector<16xi32> to vector<16x1xi32>
      %gather3A_695 = vector.shape_cast %reshape3A_694 : vector<16x1xi32> to vector<16xi32>
      %gather3A_696 = tpu.dynamic_gather %parallel_loop3A_185#14[%gather3A_695] in [0] : vector<16xf32>, vector<16xi32> -> vector<16xf32>
      %min3A_697 = arith.minimumf %parallel_loop3A_185#14, %gather3A_696 : vector<16xf32>
      %xor3A_698 = arith.constant 4 : i32
      %xor3A_699 = vector.broadcast %xor3A_698 : i32 to vector<16xi32>
      %xor3A_700 = arith.xori %iota3A_690, %xor3A_699 : vector<16xi32>
      %reshape3A_701 = vector.shape_cast %xor3A_700 : vector<16xi32> to vector<16x1xi32>
      %gather3A_702 = vector.shape_cast %reshape3A_701 : vector<16x1xi32> to vector<16xi32>
      %gather3A_703 = tpu.dynamic_gather %min3A_697[%gather3A_702] in [0] : vector<16xf32>, vector<16xi32> -> vector<16xf32>
      %min3A_704 = arith.minimumf %min3A_697, %gather3A_703 : vector<16xf32>
      %xor3A_705 = arith.constant 2 : i32
      %xor3A_706 = vector.broadcast %xor3A_705 : i32 to vector<16xi32>
      %xor3A_707 = arith.xori %iota3A_690, %xor3A_706 : vector<16xi32>
      %reshape3A_708 = vector.shape_cast %xor3A_707 : vector<16xi32> to vector<16x1xi32>
      %gather3A_709 = vector.shape_cast %reshape3A_708 : vector<16x1xi32> to vector<16xi32>
      %gather3A_710 = tpu.dynamic_gather %min3A_704[%gather3A_709] in [0] : vector<16xf32>, vector<16xi32> -> vector<16xf32>
      %min3A_711 = arith.minimumf %min3A_704, %gather3A_710 : vector<16xf32>
      %xor3A_712 = arith.constant 1 : i32
      %xor3A_713 = vector.broadcast %xor3A_712 : i32 to vector<16xi32>
      %xor3A_714 = arith.xori %iota3A_690, %xor3A_713 : vector<16xi32>
      %reshape3A_715 = vector.shape_cast %xor3A_714 : vector<16xi32> to vector<16x1xi32>
      %gather3A_716 = vector.shape_cast %reshape3A_715 : vector<16x1xi32> to vector<16xi32>
      %gather3A_717 = tpu.dynamic_gather %min3A_711[%gather3A_716] in [0] : vector<16xf32>, vector<16xi32> -> vector<16xf32>
      %min3A_718 = arith.minimumf %min3A_711, %gather3A_717 : vector<16xf32>
      %mul3A_719 = arith.constant 16 : i32
      %mul3A_720 = arith.muli %while3A_158, %mul3A_719 : i32
      %add3A_721 = arith.constant 14 : i32
      %add3A_722 = arith.addi %mul3A_720, %add3A_721 : i32
      %lt3A_723 = arith.cmpi slt, %add3A_722, %convert_element_type3A_8 : i32
      %select_n3A_724 = arith.select %lt3A_723, %min3A_718, %broadcast_in_dim3A_187 : vector<16xf32>
      %max3A_725 = arith.maximumf %max3A_689, %select_n3A_724 : vector<16xf32>
      %iota3A_726 = tpu.iota {dimensions = array<i32: 0>} : vector<16xi32>
      %xor3A_727 = arith.constant 8 : i32
      %xor3A_728 = vector.broadcast %xor3A_727 : i32 to vector<16xi32>
      %xor3A_729 = arith.xori %iota3A_726, %xor3A_728 : vector<16xi32>
      %reshape3A_730 = vector.shape_cast %xor3A_729 : vector<16xi32> to vector<16x1xi32>
      %gather3A_731 = vector.shape_cast %reshape3A_730 : vector<16x1xi32> to vector<16xi32>
      %gather3A_732 = tpu.dynamic_gather %parallel_loop3A_185#15[%gather3A_731] in [0] : vector<16xf32>, vector<16xi32> -> vector<16xf32>
      %min3A_733 = arith.minimumf %parallel_loop3A_185#15, %gather3A_732 : vector<16xf32>
      %xor3A_734 = arith.constant 4 : i32
      %xor3A_735 = vector.broadcast %xor3A_734 : i32 to vector<16xi32>
      %xor3A_736 = arith.xori %iota3A_726, %xor3A_735 : vector<16xi32>
      %reshape3A_737 = vector.shape_cast %xor3A_736 : vector<16xi32> to vector<16x1xi32>
      %gather3A_738 = vector.shape_cast %reshape3A_737 : vector<16x1xi32> to vector<16xi32>
      %gather3A_739 = tpu.dynamic_gather %min3A_733[%gather3A_738] in [0] : vector<16xf32>, vector<16xi32> -> vector<16xf32>
      %min3A_740 = arith.minimumf %min3A_733, %gather3A_739 : vector<16xf32>
      %xor3A_741 = arith.constant 2 : i32
      %xor3A_742 = vector.broadcast %xor3A_741 : i32 to vector<16xi32>
      %xor3A_743 = arith.xori %iota3A_726, %xor3A_742 : vector<16xi32>
      %reshape3A_744 = vector.shape_cast %xor3A_743 : vector<16xi32> to vector<16x1xi32>
      %gather3A_745 = vector.shape_cast %reshape3A_744 : vector<16x1xi32> to vector<16xi32>
      %gather3A_746 = tpu.dynamic_gather %min3A_740[%gather3A_745] in [0] : vector<16xf32>, vector<16xi32> -> vector<16xf32>
      %min3A_747 = arith.minimumf %min3A_740, %gather3A_746 : vector<16xf32>
      %xor3A_748 = arith.constant 1 : i32
      %xor3A_749 = vector.broadcast %xor3A_748 : i32 to vector<16xi32>
      %xor3A_750 = arith.xori %iota3A_726, %xor3A_749 : vector<16xi32>
      %reshape3A_751 = vector.shape_cast %xor3A_750 : vector<16xi32> to vector<16x1xi32>
      %gather3A_752 = vector.shape_cast %reshape3A_751 : vector<16x1xi32> to vector<16xi32>
      %gather3A_753 = tpu.dynamic_gather %min3A_747[%gather3A_752] in [0] : vector<16xf32>, vector<16xi32> -> vector<16xf32>
      %min3A_754 = arith.minimumf %min3A_747, %gather3A_753 : vector<16xf32>
      %mul3A_755 = arith.constant 16 : i32
      %mul3A_756 = arith.muli %while3A_158, %mul3A_755 : i32
      %add3A_757 = arith.constant 15 : i32
      %add3A_758 = arith.addi %mul3A_756, %add3A_757 : i32
      %lt3A_759 = arith.cmpi slt, %add3A_758, %convert_element_type3A_8 : i32
      %select_n3A_760 = arith.select %lt3A_759, %min3A_754, %broadcast_in_dim3A_187 : vector<16xf32>
      %max3A_761 = arith.maximumf %max3A_725, %select_n3A_760 : vector<16xf32>
      scf.yield %max3A_761 : vector<16xf32>
    }
    %while3A_77 = arith.constant 1 : i32
    %while3A_78 = scf.for %while3A_158 = %while3A_74 to %while3A_70 step %while3A_77 iter_args(%while3A_159 = %while3A_76) -> (vector<16xf32>)  : i32 {
      %mul3A_160 = arith.constant 16 : i32
      %mul3A_161 = arith.muli %while3A_158, %mul3A_160 : i32
      %get3A_162 = arith.constant 0 : i32
      %get3A_163 = arith.index_cast %convert_element_type3A : i32 to index
      %get3A_164 = arith.index_cast %get3A_162 : i32 to index
      %get3A_165 = arith.index_cast %mul3A_161 : i32 to index
      %get3A_166 = tpu.vector_load %arg6[%get3A_163, %get3A_164, %get3A_165] {strides = array<i32>} : memref<8x3x512xf32, #tpu.memory_space<vmem>>, vector<1x1x16xf32>,
      %get3A_167 = vector.shape_cast %get3A_166 : vector<1x1x16xf32> to vector<16xf32>
      %mul3A_168 = arith.constant 16 : i32
      %mul3A_169 = arith.muli %while3A_158, %mul3A_168 : i32
      %get3A_170 = arith.constant 1 : i32
      %get3A_171 = arith.index_cast %convert_element_type3A : i32 to index
      %get3A_172 = arith.index_cast %get3A_170 : i32 to index
      %get3A_173 = arith.index_cast %mul3A_169 : i32 to index
      %get3A_174 = tpu.vector_load %arg6[%get3A_171, %get3A_172, %get3A_173] {strides = array<i32>} : memref<8x3x512xf32, #tpu.memory_space<vmem>>, vector<1x1x16xf32>,
      %get3A_175 = vector.shape_cast %get3A_174 : vector<1x1x16xf32> to vector<16xf32>
      %mul3A_176 = arith.constant 16 : i32
      %mul3A_177 = arith.muli %while3A_158, %mul3A_176 : i32
      %get3A_178 = arith.constant 2 : i32
      %get3A_179 = arith.index_cast %convert_element_type3A : i32 to index
      %get3A_180 = arith.index_cast %get3A_178 : i32 to index
      %get3A_181 = arith.index_cast %mul3A_177 : i32 to index
      %get3A_182 = tpu.vector_load %arg6[%get3A_179, %get3A_180, %get3A_181] {strides = array<i32>} : memref<8x3x512xf32, #tpu.memory_space<vmem>>, vector<1x1x16xf32>,
      %get3A_183 = vector.shape_cast %get3A_182 : vector<1x1x16xf32> to vector<16xf32>
      %parallel_loop3A = arith.constant 0 : i32
      %parallel_loop3A_184 = arith.constant 1 : i32
      %parallel_loop3A_185:16 = scf.for %parallel_loop3A_762 = %parallel_loop3A to %select_n3A_55 step %parallel_loop3A_184 iter_args(%parallel_loop3A_763 = %broadcast_in_dim3A_56, %parallel_loop3A_764 = %broadcast_in_dim3A_56, %parallel_loop3A_765 = %broadcast_in_dim3A_56, %parallel_loop3A_766 = %broadcast_in_dim3A_56, %parallel_loop3A_767 = %broadcast_in_dim3A_56, %parallel_loop3A_768 = %broadcast_in_dim3A_56, %parallel_loop3A_769 = %broadcast_in_dim3A_56, %parallel_loop3A_770 = %broadcast_in_dim3A_56, %parallel_loop3A_771 = %broadcast_in_dim3A_56, %parallel_loop3A_772 = %broadcast_in_dim3A_56, %parallel_loop3A_773 = %broadcast_in_dim3A_56, %parallel_loop3A_774 = %broadcast_in_dim3A_56, %parallel_loop3A_775 = %broadcast_in_dim3A_56, %parallel_loop3A_776 = %broadcast_in_dim3A_56, %parallel_loop3A_777 = %broadcast_in_dim3A_56, %parallel_loop3A_778 = %broadcast_in_dim3A_56) -> (vector<16xf32>, vector<16xf32>, vector<16xf32>, vector<16xf32>, vector<16xf32>, vector<16xf32>, vector<16xf32>, vector<16xf32>, vector<16xf32>, vector<16xf32>, vector<16xf32>, vector<16xf32>, vector<16xf32>, vector<16xf32>, vector<16xf32>, vector<16xf32>)  : i32 {
        %parallel_loop3A_779 = arith.constant 2 : i32
        %parallel_loop3A_780 = arith.muli %parallel_loop3A_762, %parallel_loop3A_779 : i32
        %parallel_loop3A_781 = arith.constant 16 : i32
        %parallel_loop3A_782 = arith.muli %parallel_loop3A_780, %parallel_loop3A_781 : i32
        %parallel_loop3A_783 = arith.constant 16 : i32
        %parallel_loop3A_784 = arith.addi %parallel_loop3A_782, %parallel_loop3A_783 : i32
        %parallel_loop3A_785 = arith.constant 0 : i32
        %parallel_loop3A_786 = arith.index_cast %convert_element_type3A_5 : i32 to index
        %parallel_loop3A_787 = arith.index_cast %parallel_loop3A_785 : i32 to index
        %parallel_loop3A_788 = arith.index_cast %parallel_loop3A_782 : i32 to index
        %parallel_loop3A_789 = tpu.vector_load %arg7[%parallel_loop3A_786, %parallel_loop3A_787, %parallel_loop3A_788] {strides = array<i32>} : memref<8x3x512xf32, #tpu.memory_space<vmem>>, vector<1x1x16xf32>,
        %parallel_loop3A_790 = vector.shape_cast %parallel_loop3A_789 : vector<1x1x16xf32> to vector<16xf32>
        %parallel_loop3A_791 = arith.constant 1 : i32
        %parallel_loop3A_792 = arith.index_cast %convert_element_type3A_5 : i32 to index
        %parallel_loop3A_793 = arith.index_cast %parallel_loop3A_791 : i32 to index
        %parallel_loop3A_794 = arith.index_cast %parallel_loop3A_782 : i32 to index
        %parallel_loop3A_795 = tpu.vector_load %arg7[%parallel_loop3A_792, %parallel_loop3A_793, %parallel_loop3A_794] {strides = array<i32>} : memref<8x3x512xf32, #tpu.memory_space<vmem>>, vector<1x1x16xf32>,
        %parallel_loop3A_796 = vector.shape_cast %parallel_loop3A_795 : vector<1x1x16xf32> to vector<16xf32>
        %parallel_loop3A_797 = arith.constant 2 : i32
        %parallel_loop3A_798 = arith.index_cast %convert_element_type3A_5 : i32 to index
        %parallel_loop3A_799 = arith.index_cast %parallel_loop3A_797 : i32 to index
        %parallel_loop3A_800 = arith.index_cast %parallel_loop3A_782 : i32 to index
        %parallel_loop3A_801 = tpu.vector_load %arg7[%parallel_loop3A_798, %parallel_loop3A_799, %parallel_loop3A_800] {strides = array<i32>} : memref<8x3x512xf32, #tpu.memory_space<vmem>>, vector<1x1x16xf32>,
        %parallel_loop3A_802 = vector.shape_cast %parallel_loop3A_801 : vector<1x1x16xf32> to vector<16xf32>
        %parallel_loop3A_803 = arith.constant 0 : i32
        %parallel_loop3A_804 = arith.index_cast %convert_element_type3A_5 : i32 to index
        %parallel_loop3A_805 = arith.index_cast %parallel_loop3A_803 : i32 to index
        %parallel_loop3A_806 = arith.index_cast %parallel_loop3A_784 : i32 to index
        %parallel_loop3A_807 = tpu.vector_load %arg7[%parallel_loop3A_804, %parallel_loop3A_805, %parallel_loop3A_806] {strides = array<i32>} : memref<8x3x512xf32, #tpu.memory_space<vmem>>, vector<1x1x16xf32>,
        %parallel_loop3A_808 = vector.shape_cast %parallel_loop3A_807 : vector<1x1x16xf32> to vector<16xf32>
        %parallel_loop3A_809 = arith.constant 1 : i32
        %parallel_loop3A_810 = arith.index_cast %convert_element_type3A_5 : i32 to index
        %parallel_loop3A_811 = arith.index_cast %parallel_loop3A_809 : i32 to index
        %parallel_loop3A_812 = arith.index_cast %parallel_loop3A_784 : i32 to index
        %parallel_loop3A_813 = tpu.vector_load %arg7[%parallel_loop3A_810, %parallel_loop3A_811, %parallel_loop3A_812] {strides = array<i32>} : memref<8x3x512xf32, #tpu.memory_space<vmem>>, vector<1x1x16xf32>,
        %parallel_loop3A_814 = vector.shape_cast %parallel_loop3A_813 : vector<1x1x16xf32> to vector<16xf32>
        %parallel_loop3A_815 = arith.constant 2 : i32
        %parallel_loop3A_816 = arith.index_cast %convert_element_type3A_5 : i32 to index
        %parallel_loop3A_817 = arith.index_cast %parallel_loop3A_815 : i32 to index
        %parallel_loop3A_818 = arith.index_cast %parallel_loop3A_784 : i32 to index
        %parallel_loop3A_819 = tpu.vector_load %arg7[%parallel_loop3A_816, %parallel_loop3A_817, %parallel_loop3A_818] {strides = array<i32>} : memref<8x3x512xf32, #tpu.memory_space<vmem>>, vector<1x1x16xf32>,
        %parallel_loop3A_820 = vector.shape_cast %parallel_loop3A_819 : vector<1x1x16xf32> to vector<16xf32>
        %parallel_loop3A_821 = arith.index_cast %parallel_loop3A_782 : i32 to index
        %parallel_loop3A_822 = tpu.vector_load %arg9[%parallel_loop3A_821] {strides = array<i32>} : memref<512xf32, #tpu.memory_space<vmem>>, vector<16xf32>,
        %parallel_loop3A_823 = vector.shape_cast %parallel_loop3A_822 : vector<16xf32> to vector<16xf32>
        %parallel_loop3A_824 = arith.index_cast %parallel_loop3A_784 : i32 to index
        %parallel_loop3A_825 = tpu.vector_load %arg9[%parallel_loop3A_824] {strides = array<i32>} : memref<512xf32, #tpu.memory_space<vmem>>, vector<16xf32>,
        %parallel_loop3A_826 = vector.shape_cast %parallel_loop3A_825 : vector<16xf32> to vector<16xf32>
        %parallel_loop3A_827 = arith.constant 0 : i32
        %parallel_loop3A_828 = vector.broadcast %parallel_loop3A_827 : i32 to vector<16x1xi32>
        %parallel_loop3A_829 = vector.shape_cast %parallel_loop3A_828 : vector<16x1xi32> to vector<16xi32>
        %parallel_loop3A_830 = tpu.dynamic_gather %get3A_167[%parallel_loop3A_829] in [0] : vector<16xf32>, vector<16xi32> -> vector<16xf32>
        %parallel_loop3A_831 = arith.constant 0 : i32
        %parallel_loop3A_832 = vector.broadcast %parallel_loop3A_831 : i32 to vector<16x1xi32>
        %parallel_loop3A_833 = vector.shape_cast %parallel_loop3A_832 : vector<16x1xi32> to vector<16xi32>
        %parallel_loop3A_834 = tpu.dynamic_gather %get3A_175[%parallel_loop3A_833] in [0] : vector<16xf32>, vector<16xi32> -> vector<16xf32>
        %parallel_loop3A_835 = arith.constant 0 : i32
        %parallel_loop3A_836 = vector.broadcast %parallel_loop3A_835 : i32 to vector<16x1xi32>
        %parallel_loop3A_837 = vector.shape_cast %parallel_loop3A_836 : vector<16x1xi32> to vector<16xi32>
        %parallel_loop3A_838 = tpu.dynamic_gather %get3A_183[%parallel_loop3A_837] in [0] : vector<16xf32>, vector<16xi32> -> vector<16xf32>
        %parallel_loop3A_839 = arith.subf %parallel_loop3A_790, %parallel_loop3A_830 : vector<16xf32>
        %parallel_loop3A_840 = arith.subf %parallel_loop3A_796, %parallel_loop3A_834 : vector<16xf32>
        %parallel_loop3A_841 = arith.subf %parallel_loop3A_802, %parallel_loop3A_838 : vector<16xf32>
        %parallel_loop3A_842 = arith.mulf %parallel_loop3A_839, %parallel_loop3A_839 : vector<16xf32>
        %parallel_loop3A_843 = arith.mulf %parallel_loop3A_840, %parallel_loop3A_840 : vector<16xf32>
        %parallel_loop3A_844 = arith.addf %parallel_loop3A_842, %parallel_loop3A_843 : vector<16xf32>
        %parallel_loop3A_845 = arith.mulf %parallel_loop3A_841, %parallel_loop3A_841 : vector<16xf32>
        %parallel_loop3A_846 = arith.addf %parallel_loop3A_844, %parallel_loop3A_845 : vector<16xf32>
        %parallel_loop3A_847 = arith.subf %parallel_loop3A_808, %parallel_loop3A_830 : vector<16xf32>
        %parallel_loop3A_848 = arith.subf %parallel_loop3A_814, %parallel_loop3A_834 : vector<16xf32>
        %parallel_loop3A_849 = arith.subf %parallel_loop3A_820, %parallel_loop3A_838 : vector<16xf32>
        %parallel_loop3A_850 = arith.mulf %parallel_loop3A_847, %parallel_loop3A_847 : vector<16xf32>
        %parallel_loop3A_851 = arith.mulf %parallel_loop3A_848, %parallel_loop3A_848 : vector<16xf32>
        %parallel_loop3A_852 = arith.addf %parallel_loop3A_850, %parallel_loop3A_851 : vector<16xf32>
        %parallel_loop3A_853 = arith.mulf %parallel_loop3A_849, %parallel_loop3A_849 : vector<16xf32>
        %parallel_loop3A_854 = arith.addf %parallel_loop3A_852, %parallel_loop3A_853 : vector<16xf32>
        %parallel_loop3A_855 = arith.minimumf %parallel_loop3A_823, %parallel_loop3A_846 : vector<16xf32>
        %parallel_loop3A_856 = arith.minimumf %parallel_loop3A_826, %parallel_loop3A_854 : vector<16xf32>
        %parallel_loop3A_857 = arith.minimumf %parallel_loop3A_846, %parallel_loop3A_854 : vector<16xf32>
        %parallel_loop3A_858 = arith.minimumf %parallel_loop3A_763, %parallel_loop3A_857 : vector<16xf32>
        %parallel_loop3A_859 = arith.constant 1 : i32
        %parallel_loop3A_860 = vector.broadcast %parallel_loop3A_859 : i32 to vector<16x1xi32>
        %parallel_loop3A_861 = vector.shape_cast %parallel_loop3A_860 : vector<16x1xi32> to vector<16xi32>
        %parallel_loop3A_862 = tpu.dynamic_gather %get3A_167[%parallel_loop3A_861] in [0] : vector<16xf32>, vector<16xi32> -> vector<16xf32>
        %parallel_loop3A_863 = arith.constant 1 : i32
        %parallel_loop3A_864 = vector.broadcast %parallel_loop3A_863 : i32 to vector<16x1xi32>
        %parallel_loop3A_865 = vector.shape_cast %parallel_loop3A_864 : vector<16x1xi32> to vector<16xi32>
        %parallel_loop3A_866 = tpu.dynamic_gather %get3A_175[%parallel_loop3A_865] in [0] : vector<16xf32>, vector<16xi32> -> vector<16xf32>
        %parallel_loop3A_867 = arith.constant 1 : i32
        %parallel_loop3A_868 = vector.broadcast %parallel_loop3A_867 : i32 to vector<16x1xi32>
        %parallel_loop3A_869 = vector.shape_cast %parallel_loop3A_868 : vector<16x1xi32> to vector<16xi32>
        %parallel_loop3A_870 = tpu.dynamic_gather %get3A_183[%parallel_loop3A_869] in [0] : vector<16xf32>, vector<16xi32> -> vector<16xf32>
        %parallel_loop3A_871 = arith.subf %parallel_loop3A_790, %parallel_loop3A_862 : vector<16xf32>
        %parallel_loop3A_872 = arith.subf %parallel_loop3A_796, %parallel_loop3A_866 : vector<16xf32>
        %parallel_loop3A_873 = arith.subf %parallel_loop3A_802, %parallel_loop3A_870 : vector<16xf32>
        %parallel_loop3A_874 = arith.mulf %parallel_loop3A_871, %parallel_loop3A_871 : vector<16xf32>
        %parallel_loop3A_875 = arith.mulf %parallel_loop3A_872, %parallel_loop3A_872 : vector<16xf32>
        %parallel_loop3A_876 = arith.addf %parallel_loop3A_874, %parallel_loop3A_875 : vector<16xf32>
        %parallel_loop3A_877 = arith.mulf %parallel_loop3A_873, %parallel_loop3A_873 : vector<16xf32>
        %parallel_loop3A_878 = arith.addf %parallel_loop3A_876, %parallel_loop3A_877 : vector<16xf32>
        %parallel_loop3A_879 = arith.subf %parallel_loop3A_808, %parallel_loop3A_862 : vector<16xf32>
        %parallel_loop3A_880 = arith.subf %parallel_loop3A_814, %parallel_loop3A_866 : vector<16xf32>
        %parallel_loop3A_881 = arith.subf %parallel_loop3A_820, %parallel_loop3A_870 : vector<16xf32>
        %parallel_loop3A_882 = arith.mulf %parallel_loop3A_879, %parallel_loop3A_879 : vector<16xf32>
        %parallel_loop3A_883 = arith.mulf %parallel_loop3A_880, %parallel_loop3A_880 : vector<16xf32>
        %parallel_loop3A_884 = arith.addf %parallel_loop3A_882, %parallel_loop3A_883 : vector<16xf32>
        %parallel_loop3A_885 = arith.mulf %parallel_loop3A_881, %parallel_loop3A_881 : vector<16xf32>
        %parallel_loop3A_886 = arith.addf %parallel_loop3A_884, %parallel_loop3A_885 : vector<16xf32>
        %parallel_loop3A_887 = arith.minimumf %parallel_loop3A_855, %parallel_loop3A_878 : vector<16xf32>
        %parallel_loop3A_888 = arith.minimumf %parallel_loop3A_856, %parallel_loop3A_886 : vector<16xf32>
        %parallel_loop3A_889 = arith.minimumf %parallel_loop3A_878, %parallel_loop3A_886 : vector<16xf32>
        %parallel_loop3A_890 = arith.minimumf %parallel_loop3A_764, %parallel_loop3A_889 : vector<16xf32>
        %parallel_loop3A_891 = arith.constant 2 : i32
        %parallel_loop3A_892 = vector.broadcast %parallel_loop3A_891 : i32 to vector<16x1xi32>
        %parallel_loop3A_893 = vector.shape_cast %parallel_loop3A_892 : vector<16x1xi32> to vector<16xi32>
        %parallel_loop3A_894 = tpu.dynamic_gather %get3A_167[%parallel_loop3A_893] in [0] : vector<16xf32>, vector<16xi32> -> vector<16xf32>
        %parallel_loop3A_895 = arith.constant 2 : i32
        %parallel_loop3A_896 = vector.broadcast %parallel_loop3A_895 : i32 to vector<16x1xi32>
        %parallel_loop3A_897 = vector.shape_cast %parallel_loop3A_896 : vector<16x1xi32> to vector<16xi32>
        %parallel_loop3A_898 = tpu.dynamic_gather %get3A_175[%parallel_loop3A_897] in [0] : vector<16xf32>, vector<16xi32> -> vector<16xf32>
        %parallel_loop3A_899 = arith.constant 2 : i32
        %parallel_loop3A_900 = vector.broadcast %parallel_loop3A_899 : i32 to vector<16x1xi32>
        %parallel_loop3A_901 = vector.shape_cast %parallel_loop3A_900 : vector<16x1xi32> to vector<16xi32>
        %parallel_loop3A_902 = tpu.dynamic_gather %get3A_183[%parallel_loop3A_901] in [0] : vector<16xf32>, vector<16xi32> -> vector<16xf32>
        %parallel_loop3A_903 = arith.subf %parallel_loop3A_790, %parallel_loop3A_894 : vector<16xf32>
        %parallel_loop3A_904 = arith.subf %parallel_loop3A_796, %parallel_loop3A_898 : vector<16xf32>
        %parallel_loop3A_905 = arith.subf %parallel_loop3A_802, %parallel_loop3A_902 : vector<16xf32>
        %parallel_loop3A_906 = arith.mulf %parallel_loop3A_903, %parallel_loop3A_903 : vector<16xf32>
        %parallel_loop3A_907 = arith.mulf %parallel_loop3A_904, %parallel_loop3A_904 : vector<16xf32>
        %parallel_loop3A_908 = arith.addf %parallel_loop3A_906, %parallel_loop3A_907 : vector<16xf32>
        %parallel_loop3A_909 = arith.mulf %parallel_loop3A_905, %parallel_loop3A_905 : vector<16xf32>
        %parallel_loop3A_910 = arith.addf %parallel_loop3A_908, %parallel_loop3A_909 : vector<16xf32>
        %parallel_loop3A_911 = arith.subf %parallel_loop3A_808, %parallel_loop3A_894 : vector<16xf32>
        %parallel_loop3A_912 = arith.subf %parallel_loop3A_814, %parallel_loop3A_898 : vector<16xf32>
        %parallel_loop3A_913 = arith.subf %parallel_loop3A_820, %parallel_loop3A_902 : vector<16xf32>
        %parallel_loop3A_914 = arith.mulf %parallel_loop3A_911, %parallel_loop3A_911 : vector<16xf32>
        %parallel_loop3A_915 = arith.mulf %parallel_loop3A_912, %parallel_loop3A_912 : vector<16xf32>
        %parallel_loop3A_916 = arith.addf %parallel_loop3A_914, %parallel_loop3A_915 : vector<16xf32>
        %parallel_loop3A_917 = arith.mulf %parallel_loop3A_913, %parallel_loop3A_913 : vector<16xf32>
        %parallel_loop3A_918 = arith.addf %parallel_loop3A_916, %parallel_loop3A_917 : vector<16xf32>
        %parallel_loop3A_919 = arith.minimumf %parallel_loop3A_887, %parallel_loop3A_910 : vector<16xf32>
        %parallel_loop3A_920 = arith.minimumf %parallel_loop3A_888, %parallel_loop3A_918 : vector<16xf32>
        %parallel_loop3A_921 = arith.minimumf %parallel_loop3A_910, %parallel_loop3A_918 : vector<16xf32>
        %parallel_loop3A_922 = arith.minimumf %parallel_loop3A_765, %parallel_loop3A_921 : vector<16xf32>
        %parallel_loop3A_923 = arith.constant 3 : i32
        %parallel_loop3A_924 = vector.broadcast %parallel_loop3A_923 : i32 to vector<16x1xi32>
        %parallel_loop3A_925 = vector.shape_cast %parallel_loop3A_924 : vector<16x1xi32> to vector<16xi32>
        %parallel_loop3A_926 = tpu.dynamic_gather %get3A_167[%parallel_loop3A_925] in [0] : vector<16xf32>, vector<16xi32> -> vector<16xf32>
        %parallel_loop3A_927 = arith.constant 3 : i32
        %parallel_loop3A_928 = vector.broadcast %parallel_loop3A_927 : i32 to vector<16x1xi32>
        %parallel_loop3A_929 = vector.shape_cast %parallel_loop3A_928 : vector<16x1xi32> to vector<16xi32>
        %parallel_loop3A_930 = tpu.dynamic_gather %get3A_175[%parallel_loop3A_929] in [0] : vector<16xf32>, vector<16xi32> -> vector<16xf32>
        %parallel_loop3A_931 = arith.constant 3 : i32
        %parallel_loop3A_932 = vector.broadcast %parallel_loop3A_931 : i32 to vector<16x1xi32>
        %parallel_loop3A_933 = vector.shape_cast %parallel_loop3A_932 : vector<16x1xi32> to vector<16xi32>
        %parallel_loop3A_934 = tpu.dynamic_gather %get3A_183[%parallel_loop3A_933] in [0] : vector<16xf32>, vector<16xi32> -> vector<16xf32>
        %parallel_loop3A_935 = arith.subf %parallel_loop3A_790, %parallel_loop3A_926 : vector<16xf32>
        %parallel_loop3A_936 = arith.subf %parallel_loop3A_796, %parallel_loop3A_930 : vector<16xf32>
        %parallel_loop3A_937 = arith.subf %parallel_loop3A_802, %parallel_loop3A_934 : vector<16xf32>
        %parallel_loop3A_938 = arith.mulf %parallel_loop3A_935, %parallel_loop3A_935 : vector<16xf32>
        %parallel_loop3A_939 = arith.mulf %parallel_loop3A_936, %parallel_loop3A_936 : vector<16xf32>
        %parallel_loop3A_940 = arith.addf %parallel_loop3A_938, %parallel_loop3A_939 : vector<16xf32>
        %parallel_loop3A_941 = arith.mulf %parallel_loop3A_937, %parallel_loop3A_937 : vector<16xf32>
        %parallel_loop3A_942 = arith.addf %parallel_loop3A_940, %parallel_loop3A_941 : vector<16xf32>
        %parallel_loop3A_943 = arith.subf %parallel_loop3A_808, %parallel_loop3A_926 : vector<16xf32>
        %parallel_loop3A_944 = arith.subf %parallel_loop3A_814, %parallel_loop3A_930 : vector<16xf32>
        %parallel_loop3A_945 = arith.subf %parallel_loop3A_820, %parallel_loop3A_934 : vector<16xf32>
        %parallel_loop3A_946 = arith.mulf %parallel_loop3A_943, %parallel_loop3A_943 : vector<16xf32>
        %parallel_loop3A_947 = arith.mulf %parallel_loop3A_944, %parallel_loop3A_944 : vector<16xf32>
        %parallel_loop3A_948 = arith.addf %parallel_loop3A_946, %parallel_loop3A_947 : vector<16xf32>
        %parallel_loop3A_949 = arith.mulf %parallel_loop3A_945, %parallel_loop3A_945 : vector<16xf32>
        %parallel_loop3A_950 = arith.addf %parallel_loop3A_948, %parallel_loop3A_949 : vector<16xf32>
        %parallel_loop3A_951 = arith.minimumf %parallel_loop3A_919, %parallel_loop3A_942 : vector<16xf32>
        %parallel_loop3A_952 = arith.minimumf %parallel_loop3A_920, %parallel_loop3A_950 : vector<16xf32>
        %parallel_loop3A_953 = arith.minimumf %parallel_loop3A_942, %parallel_loop3A_950 : vector<16xf32>
        %parallel_loop3A_954 = arith.minimumf %parallel_loop3A_766, %parallel_loop3A_953 : vector<16xf32>
        %parallel_loop3A_955 = arith.constant 4 : i32
        %parallel_loop3A_956 = vector.broadcast %parallel_loop3A_955 : i32 to vector<16x1xi32>
        %parallel_loop3A_957 = vector.shape_cast %parallel_loop3A_956 : vector<16x1xi32> to vector<16xi32>
        %parallel_loop3A_958 = tpu.dynamic_gather %get3A_167[%parallel_loop3A_957] in [0] : vector<16xf32>, vector<16xi32> -> vector<16xf32>
        %parallel_loop3A_959 = arith.constant 4 : i32
        %parallel_loop3A_960 = vector.broadcast %parallel_loop3A_959 : i32 to vector<16x1xi32>
        %parallel_loop3A_961 = vector.shape_cast %parallel_loop3A_960 : vector<16x1xi32> to vector<16xi32>
        %parallel_loop3A_962 = tpu.dynamic_gather %get3A_175[%parallel_loop3A_961] in [0] : vector<16xf32>, vector<16xi32> -> vector<16xf32>
        %parallel_loop3A_963 = arith.constant 4 : i32
        %parallel_loop3A_964 = vector.broadcast %parallel_loop3A_963 : i32 to vector<16x1xi32>
        %parallel_loop3A_965 = vector.shape_cast %parallel_loop3A_964 : vector<16x1xi32> to vector<16xi32>
        %parallel_loop3A_966 = tpu.dynamic_gather %get3A_183[%parallel_loop3A_965] in [0] : vector<16xf32>, vector<16xi32> -> vector<16xf32>
        %parallel_loop3A_967 = arith.subf %parallel_loop3A_790, %parallel_loop3A_958 : vector<16xf32>
        %parallel_loop3A_968 = arith.subf %parallel_loop3A_796, %parallel_loop3A_962 : vector<16xf32>
        %parallel_loop3A_969 = arith.subf %parallel_loop3A_802, %parallel_loop3A_966 : vector<16xf32>
        %parallel_loop3A_970 = arith.mulf %parallel_loop3A_967, %parallel_loop3A_967 : vector<16xf32>
        %parallel_loop3A_971 = arith.mulf %parallel_loop3A_968, %parallel_loop3A_968 : vector<16xf32>
        %parallel_loop3A_972 = arith.addf %parallel_loop3A_970, %parallel_loop3A_971 : vector<16xf32>
        %parallel_loop3A_973 = arith.mulf %parallel_loop3A_969, %parallel_loop3A_969 : vector<16xf32>
        %parallel_loop3A_974 = arith.addf %parallel_loop3A_972, %parallel_loop3A_973 : vector<16xf32>
        %parallel_loop3A_975 = arith.subf %parallel_loop3A_808, %parallel_loop3A_958 : vector<16xf32>
        %parallel_loop3A_976 = arith.subf %parallel_loop3A_814, %parallel_loop3A_962 : vector<16xf32>
        %parallel_loop3A_977 = arith.subf %parallel_loop3A_820, %parallel_loop3A_966 : vector<16xf32>
        %parallel_loop3A_978 = arith.mulf %parallel_loop3A_975, %parallel_loop3A_975 : vector<16xf32>
        %parallel_loop3A_979 = arith.mulf %parallel_loop3A_976, %parallel_loop3A_976 : vector<16xf32>
        %parallel_loop3A_980 = arith.addf %parallel_loop3A_978, %parallel_loop3A_979 : vector<16xf32>
        %parallel_loop3A_981 = arith.mulf %parallel_loop3A_977, %parallel_loop3A_977 : vector<16xf32>
        %parallel_loop3A_982 = arith.addf %parallel_loop3A_980, %parallel_loop3A_981 : vector<16xf32>
        %parallel_loop3A_983 = arith.minimumf %parallel_loop3A_951, %parallel_loop3A_974 : vector<16xf32>
        %parallel_loop3A_984 = arith.minimumf %parallel_loop3A_952, %parallel_loop3A_982 : vector<16xf32>
        %parallel_loop3A_985 = arith.minimumf %parallel_loop3A_974, %parallel_loop3A_982 : vector<16xf32>
        %parallel_loop3A_986 = arith.minimumf %parallel_loop3A_767, %parallel_loop3A_985 : vector<16xf32>
        %parallel_loop3A_987 = arith.constant 5 : i32
        %parallel_loop3A_988 = vector.broadcast %parallel_loop3A_987 : i32 to vector<16x1xi32>
        %parallel_loop3A_989 = vector.shape_cast %parallel_loop3A_988 : vector<16x1xi32> to vector<16xi32>
        %parallel_loop3A_990 = tpu.dynamic_gather %get3A_167[%parallel_loop3A_989] in [0] : vector<16xf32>, vector<16xi32> -> vector<16xf32>
        %parallel_loop3A_991 = arith.constant 5 : i32
        %parallel_loop3A_992 = vector.broadcast %parallel_loop3A_991 : i32 to vector<16x1xi32>
        %parallel_loop3A_993 = vector.shape_cast %parallel_loop3A_992 : vector<16x1xi32> to vector<16xi32>
        %parallel_loop3A_994 = tpu.dynamic_gather %get3A_175[%parallel_loop3A_993] in [0] : vector<16xf32>, vector<16xi32> -> vector<16xf32>
        %parallel_loop3A_995 = arith.constant 5 : i32
        %parallel_loop3A_996 = vector.broadcast %parallel_loop3A_995 : i32 to vector<16x1xi32>
        %parallel_loop3A_997 = vector.shape_cast %parallel_loop3A_996 : vector<16x1xi32> to vector<16xi32>
        %parallel_loop3A_998 = tpu.dynamic_gather %get3A_183[%parallel_loop3A_997] in [0] : vector<16xf32>, vector<16xi32> -> vector<16xf32>
        %parallel_loop3A_999 = arith.subf %parallel_loop3A_790, %parallel_loop3A_990 : vector<16xf32>
        %parallel_loop3A_1000 = arith.subf %parallel_loop3A_796, %parallel_loop3A_994 : vector<16xf32>
        %parallel_loop3A_1001 = arith.subf %parallel_loop3A_802, %parallel_loop3A_998 : vector<16xf32>
        %parallel_loop3A_1002 = arith.mulf %parallel_loop3A_999, %parallel_loop3A_999 : vector<16xf32>
        %parallel_loop3A_1003 = arith.mulf %parallel_loop3A_1000, %parallel_loop3A_1000 : vector<16xf32>
        %parallel_loop3A_1004 = arith.addf %parallel_loop3A_1002, %parallel_loop3A_1003 : vector<16xf32>
        %parallel_loop3A_1005 = arith.mulf %parallel_loop3A_1001, %parallel_loop3A_1001 : vector<16xf32>
        %parallel_loop3A_1006 = arith.addf %parallel_loop3A_1004, %parallel_loop3A_1005 : vector<16xf32>
        %parallel_loop3A_1007 = arith.subf %parallel_loop3A_808, %parallel_loop3A_990 : vector<16xf32>
        %parallel_loop3A_1008 = arith.subf %parallel_loop3A_814, %parallel_loop3A_994 : vector<16xf32>
        %parallel_loop3A_1009 = arith.subf %parallel_loop3A_820, %parallel_loop3A_998 : vector<16xf32>
        %parallel_loop3A_1010 = arith.mulf %parallel_loop3A_1007, %parallel_loop3A_1007 : vector<16xf32>
        %parallel_loop3A_1011 = arith.mulf %parallel_loop3A_1008, %parallel_loop3A_1008 : vector<16xf32>
        %parallel_loop3A_1012 = arith.addf %parallel_loop3A_1010, %parallel_loop3A_1011 : vector<16xf32>
        %parallel_loop3A_1013 = arith.mulf %parallel_loop3A_1009, %parallel_loop3A_1009 : vector<16xf32>
        %parallel_loop3A_1014 = arith.addf %parallel_loop3A_1012, %parallel_loop3A_1013 : vector<16xf32>
        %parallel_loop3A_1015 = arith.minimumf %parallel_loop3A_983, %parallel_loop3A_1006 : vector<16xf32>
        %parallel_loop3A_1016 = arith.minimumf %parallel_loop3A_984, %parallel_loop3A_1014 : vector<16xf32>
        %parallel_loop3A_1017 = arith.minimumf %parallel_loop3A_1006, %parallel_loop3A_1014 : vector<16xf32>
        %parallel_loop3A_1018 = arith.minimumf %parallel_loop3A_768, %parallel_loop3A_1017 : vector<16xf32>
        %parallel_loop3A_1019 = arith.constant 6 : i32
        %parallel_loop3A_1020 = vector.broadcast %parallel_loop3A_1019 : i32 to vector<16x1xi32>
        %parallel_loop3A_1021 = vector.shape_cast %parallel_loop3A_1020 : vector<16x1xi32> to vector<16xi32>
        %parallel_loop3A_1022 = tpu.dynamic_gather %get3A_167[%parallel_loop3A_1021] in [0] : vector<16xf32>, vector<16xi32> -> vector<16xf32>
        %parallel_loop3A_1023 = arith.constant 6 : i32
        %parallel_loop3A_1024 = vector.broadcast %parallel_loop3A_1023 : i32 to vector<16x1xi32>
        %parallel_loop3A_1025 = vector.shape_cast %parallel_loop3A_1024 : vector<16x1xi32> to vector<16xi32>
        %parallel_loop3A_1026 = tpu.dynamic_gather %get3A_175[%parallel_loop3A_1025] in [0] : vector<16xf32>, vector<16xi32> -> vector<16xf32>
        %parallel_loop3A_1027 = arith.constant 6 : i32
        %parallel_loop3A_1028 = vector.broadcast %parallel_loop3A_1027 : i32 to vector<16x1xi32>
        %parallel_loop3A_1029 = vector.shape_cast %parallel_loop3A_1028 : vector<16x1xi32> to vector<16xi32>
        %parallel_loop3A_1030 = tpu.dynamic_gather %get3A_183[%parallel_loop3A_1029] in [0] : vector<16xf32>, vector<16xi32> -> vector<16xf32>
        %parallel_loop3A_1031 = arith.subf %parallel_loop3A_790, %parallel_loop3A_1022 : vector<16xf32>
        %parallel_loop3A_1032 = arith.subf %parallel_loop3A_796, %parallel_loop3A_1026 : vector<16xf32>
        %parallel_loop3A_1033 = arith.subf %parallel_loop3A_802, %parallel_loop3A_1030 : vector<16xf32>
        %parallel_loop3A_1034 = arith.mulf %parallel_loop3A_1031, %parallel_loop3A_1031 : vector<16xf32>
        %parallel_loop3A_1035 = arith.mulf %parallel_loop3A_1032, %parallel_loop3A_1032 : vector<16xf32>
        %parallel_loop3A_1036 = arith.addf %parallel_loop3A_1034, %parallel_loop3A_1035 : vector<16xf32>
        %parallel_loop3A_1037 = arith.mulf %parallel_loop3A_1033, %parallel_loop3A_1033 : vector<16xf32>
        %parallel_loop3A_1038 = arith.addf %parallel_loop3A_1036, %parallel_loop3A_1037 : vector<16xf32>
        %parallel_loop3A_1039 = arith.subf %parallel_loop3A_808, %parallel_loop3A_1022 : vector<16xf32>
        %parallel_loop3A_1040 = arith.subf %parallel_loop3A_814, %parallel_loop3A_1026 : vector<16xf32>
        %parallel_loop3A_1041 = arith.subf %parallel_loop3A_820, %parallel_loop3A_1030 : vector<16xf32>
        %parallel_loop3A_1042 = arith.mulf %parallel_loop3A_1039, %parallel_loop3A_1039 : vector<16xf32>
        %parallel_loop3A_1043 = arith.mulf %parallel_loop3A_1040, %parallel_loop3A_1040 : vector<16xf32>
        %parallel_loop3A_1044 = arith.addf %parallel_loop3A_1042, %parallel_loop3A_1043 : vector<16xf32>
        %parallel_loop3A_1045 = arith.mulf %parallel_loop3A_1041, %parallel_loop3A_1041 : vector<16xf32>
        %parallel_loop3A_1046 = arith.addf %parallel_loop3A_1044, %parallel_loop3A_1045 : vector<16xf32>
        %parallel_loop3A_1047 = arith.minimumf %parallel_loop3A_1015, %parallel_loop3A_1038 : vector<16xf32>
        %parallel_loop3A_1048 = arith.minimumf %parallel_loop3A_1016, %parallel_loop3A_1046 : vector<16xf32>
        %parallel_loop3A_1049 = arith.minimumf %parallel_loop3A_1038, %parallel_loop3A_1046 : vector<16xf32>
        %parallel_loop3A_1050 = arith.minimumf %parallel_loop3A_769, %parallel_loop3A_1049 : vector<16xf32>
        %parallel_loop3A_1051 = arith.constant 7 : i32
        %parallel_loop3A_1052 = vector.broadcast %parallel_loop3A_1051 : i32 to vector<16x1xi32>
        %parallel_loop3A_1053 = vector.shape_cast %parallel_loop3A_1052 : vector<16x1xi32> to vector<16xi32>
        %parallel_loop3A_1054 = tpu.dynamic_gather %get3A_167[%parallel_loop3A_1053] in [0] : vector<16xf32>, vector<16xi32> -> vector<16xf32>
        %parallel_loop3A_1055 = arith.constant 7 : i32
        %parallel_loop3A_1056 = vector.broadcast %parallel_loop3A_1055 : i32 to vector<16x1xi32>
        %parallel_loop3A_1057 = vector.shape_cast %parallel_loop3A_1056 : vector<16x1xi32> to vector<16xi32>
        %parallel_loop3A_1058 = tpu.dynamic_gather %get3A_175[%parallel_loop3A_1057] in [0] : vector<16xf32>, vector<16xi32> -> vector<16xf32>
        %parallel_loop3A_1059 = arith.constant 7 : i32
        %parallel_loop3A_1060 = vector.broadcast %parallel_loop3A_1059 : i32 to vector<16x1xi32>
        %parallel_loop3A_1061 = vector.shape_cast %parallel_loop3A_1060 : vector<16x1xi32> to vector<16xi32>
        %parallel_loop3A_1062 = tpu.dynamic_gather %get3A_183[%parallel_loop3A_1061] in [0] : vector<16xf32>, vector<16xi32> -> vector<16xf32>
        %parallel_loop3A_1063 = arith.subf %parallel_loop3A_790, %parallel_loop3A_1054 : vector<16xf32>
        %parallel_loop3A_1064 = arith.subf %parallel_loop3A_796, %parallel_loop3A_1058 : vector<16xf32>
        %parallel_loop3A_1065 = arith.subf %parallel_loop3A_802, %parallel_loop3A_1062 : vector<16xf32>
        %parallel_loop3A_1066 = arith.mulf %parallel_loop3A_1063, %parallel_loop3A_1063 : vector<16xf32>
        %parallel_loop3A_1067 = arith.mulf %parallel_loop3A_1064, %parallel_loop3A_1064 : vector<16xf32>
        %parallel_loop3A_1068 = arith.addf %parallel_loop3A_1066, %parallel_loop3A_1067 : vector<16xf32>
        %parallel_loop3A_1069 = arith.mulf %parallel_loop3A_1065, %parallel_loop3A_1065 : vector<16xf32>
        %parallel_loop3A_1070 = arith.addf %parallel_loop3A_1068, %parallel_loop3A_1069 : vector<16xf32>
        %parallel_loop3A_1071 = arith.subf %parallel_loop3A_808, %parallel_loop3A_1054 : vector<16xf32>
        %parallel_loop3A_1072 = arith.subf %parallel_loop3A_814, %parallel_loop3A_1058 : vector<16xf32>
        %parallel_loop3A_1073 = arith.subf %parallel_loop3A_820, %parallel_loop3A_1062 : vector<16xf32>
        %parallel_loop3A_1074 = arith.mulf %parallel_loop3A_1071, %parallel_loop3A_1071 : vector<16xf32>
        %parallel_loop3A_1075 = arith.mulf %parallel_loop3A_1072, %parallel_loop3A_1072 : vector<16xf32>
        %parallel_loop3A_1076 = arith.addf %parallel_loop3A_1074, %parallel_loop3A_1075 : vector<16xf32>
        %parallel_loop3A_1077 = arith.mulf %parallel_loop3A_1073, %parallel_loop3A_1073 : vector<16xf32>
        %parallel_loop3A_1078 = arith.addf %parallel_loop3A_1076, %parallel_loop3A_1077 : vector<16xf32>
        %parallel_loop3A_1079 = arith.minimumf %parallel_loop3A_1047, %parallel_loop3A_1070 : vector<16xf32>
        %parallel_loop3A_1080 = arith.minimumf %parallel_loop3A_1048, %parallel_loop3A_1078 : vector<16xf32>
        %parallel_loop3A_1081 = arith.minimumf %parallel_loop3A_1070, %parallel_loop3A_1078 : vector<16xf32>
        %parallel_loop3A_1082 = arith.minimumf %parallel_loop3A_770, %parallel_loop3A_1081 : vector<16xf32>
        %parallel_loop3A_1083 = arith.constant 8 : i32
        %parallel_loop3A_1084 = vector.broadcast %parallel_loop3A_1083 : i32 to vector<16x1xi32>
        %parallel_loop3A_1085 = vector.shape_cast %parallel_loop3A_1084 : vector<16x1xi32> to vector<16xi32>
        %parallel_loop3A_1086 = tpu.dynamic_gather %get3A_167[%parallel_loop3A_1085] in [0] : vector<16xf32>, vector<16xi32> -> vector<16xf32>
        %parallel_loop3A_1087 = arith.constant 8 : i32
        %parallel_loop3A_1088 = vector.broadcast %parallel_loop3A_1087 : i32 to vector<16x1xi32>
        %parallel_loop3A_1089 = vector.shape_cast %parallel_loop3A_1088 : vector<16x1xi32> to vector<16xi32>
        %parallel_loop3A_1090 = tpu.dynamic_gather %get3A_175[%parallel_loop3A_1089] in [0] : vector<16xf32>, vector<16xi32> -> vector<16xf32>
        %parallel_loop3A_1091 = arith.constant 8 : i32
        %parallel_loop3A_1092 = vector.broadcast %parallel_loop3A_1091 : i32 to vector<16x1xi32>
        %parallel_loop3A_1093 = vector.shape_cast %parallel_loop3A_1092 : vector<16x1xi32> to vector<16xi32>
        %parallel_loop3A_1094 = tpu.dynamic_gather %get3A_183[%parallel_loop3A_1093] in [0] : vector<16xf32>, vector<16xi32> -> vector<16xf32>
        %parallel_loop3A_1095 = arith.subf %parallel_loop3A_790, %parallel_loop3A_1086 : vector<16xf32>
        %parallel_loop3A_1096 = arith.subf %parallel_loop3A_796, %parallel_loop3A_1090 : vector<16xf32>
        %parallel_loop3A_1097 = arith.subf %parallel_loop3A_802, %parallel_loop3A_1094 : vector<16xf32>
        %parallel_loop3A_1098 = arith.mulf %parallel_loop3A_1095, %parallel_loop3A_1095 : vector<16xf32>
        %parallel_loop3A_1099 = arith.mulf %parallel_loop3A_1096, %parallel_loop3A_1096 : vector<16xf32>
        %parallel_loop3A_1100 = arith.addf %parallel_loop3A_1098, %parallel_loop3A_1099 : vector<16xf32>
        %parallel_loop3A_1101 = arith.mulf %parallel_loop3A_1097, %parallel_loop3A_1097 : vector<16xf32>
        %parallel_loop3A_1102 = arith.addf %parallel_loop3A_1100, %parallel_loop3A_1101 : vector<16xf32>
        %parallel_loop3A_1103 = arith.subf %parallel_loop3A_808, %parallel_loop3A_1086 : vector<16xf32>
        %parallel_loop3A_1104 = arith.subf %parallel_loop3A_814, %parallel_loop3A_1090 : vector<16xf32>
        %parallel_loop3A_1105 = arith.subf %parallel_loop3A_820, %parallel_loop3A_1094 : vector<16xf32>
        %parallel_loop3A_1106 = arith.mulf %parallel_loop3A_1103, %parallel_loop3A_1103 : vector<16xf32>
        %parallel_loop3A_1107 = arith.mulf %parallel_loop3A_1104, %parallel_loop3A_1104 : vector<16xf32>
        %parallel_loop3A_1108 = arith.addf %parallel_loop3A_1106, %parallel_loop3A_1107 : vector<16xf32>
        %parallel_loop3A_1109 = arith.mulf %parallel_loop3A_1105, %parallel_loop3A_1105 : vector<16xf32>
        %parallel_loop3A_1110 = arith.addf %parallel_loop3A_1108, %parallel_loop3A_1109 : vector<16xf32>
        %parallel_loop3A_1111 = arith.minimumf %parallel_loop3A_1079, %parallel_loop3A_1102 : vector<16xf32>
        %parallel_loop3A_1112 = arith.minimumf %parallel_loop3A_1080, %parallel_loop3A_1110 : vector<16xf32>
        %parallel_loop3A_1113 = arith.minimumf %parallel_loop3A_1102, %parallel_loop3A_1110 : vector<16xf32>
        %parallel_loop3A_1114 = arith.minimumf %parallel_loop3A_771, %parallel_loop3A_1113 : vector<16xf32>
        %parallel_loop3A_1115 = arith.constant 9 : i32
        %parallel_loop3A_1116 = vector.broadcast %parallel_loop3A_1115 : i32 to vector<16x1xi32>
        %parallel_loop3A_1117 = vector.shape_cast %parallel_loop3A_1116 : vector<16x1xi32> to vector<16xi32>
        %parallel_loop3A_1118 = tpu.dynamic_gather %get3A_167[%parallel_loop3A_1117] in [0] : vector<16xf32>, vector<16xi32> -> vector<16xf32>
        %parallel_loop3A_1119 = arith.constant 9 : i32
        %parallel_loop3A_1120 = vector.broadcast %parallel_loop3A_1119 : i32 to vector<16x1xi32>
        %parallel_loop3A_1121 = vector.shape_cast %parallel_loop3A_1120 : vector<16x1xi32> to vector<16xi32>
        %parallel_loop3A_1122 = tpu.dynamic_gather %get3A_175[%parallel_loop3A_1121] in [0] : vector<16xf32>, vector<16xi32> -> vector<16xf32>
        %parallel_loop3A_1123 = arith.constant 9 : i32
        %parallel_loop3A_1124 = vector.broadcast %parallel_loop3A_1123 : i32 to vector<16x1xi32>
        %parallel_loop3A_1125 = vector.shape_cast %parallel_loop3A_1124 : vector<16x1xi32> to vector<16xi32>
        %parallel_loop3A_1126 = tpu.dynamic_gather %get3A_183[%parallel_loop3A_1125] in [0] : vector<16xf32>, vector<16xi32> -> vector<16xf32>
        %parallel_loop3A_1127 = arith.subf %parallel_loop3A_790, %parallel_loop3A_1118 : vector<16xf32>
        %parallel_loop3A_1128 = arith.subf %parallel_loop3A_796, %parallel_loop3A_1122 : vector<16xf32>
        %parallel_loop3A_1129 = arith.subf %parallel_loop3A_802, %parallel_loop3A_1126 : vector<16xf32>
        %parallel_loop3A_1130 = arith.mulf %parallel_loop3A_1127, %parallel_loop3A_1127 : vector<16xf32>
        %parallel_loop3A_1131 = arith.mulf %parallel_loop3A_1128, %parallel_loop3A_1128 : vector<16xf32>
        %parallel_loop3A_1132 = arith.addf %parallel_loop3A_1130, %parallel_loop3A_1131 : vector<16xf32>
        %parallel_loop3A_1133 = arith.mulf %parallel_loop3A_1129, %parallel_loop3A_1129 : vector<16xf32>
        %parallel_loop3A_1134 = arith.addf %parallel_loop3A_1132, %parallel_loop3A_1133 : vector<16xf32>
        %parallel_loop3A_1135 = arith.subf %parallel_loop3A_808, %parallel_loop3A_1118 : vector<16xf32>
        %parallel_loop3A_1136 = arith.subf %parallel_loop3A_814, %parallel_loop3A_1122 : vector<16xf32>
        %parallel_loop3A_1137 = arith.subf %parallel_loop3A_820, %parallel_loop3A_1126 : vector<16xf32>
        %parallel_loop3A_1138 = arith.mulf %parallel_loop3A_1135, %parallel_loop3A_1135 : vector<16xf32>
        %parallel_loop3A_1139 = arith.mulf %parallel_loop3A_1136, %parallel_loop3A_1136 : vector<16xf32>
        %parallel_loop3A_1140 = arith.addf %parallel_loop3A_1138, %parallel_loop3A_1139 : vector<16xf32>
        %parallel_loop3A_1141 = arith.mulf %parallel_loop3A_1137, %parallel_loop3A_1137 : vector<16xf32>
        %parallel_loop3A_1142 = arith.addf %parallel_loop3A_1140, %parallel_loop3A_1141 : vector<16xf32>
        %parallel_loop3A_1143 = arith.minimumf %parallel_loop3A_1111, %parallel_loop3A_1134 : vector<16xf32>
        %parallel_loop3A_1144 = arith.minimumf %parallel_loop3A_1112, %parallel_loop3A_1142 : vector<16xf32>
        %parallel_loop3A_1145 = arith.minimumf %parallel_loop3A_1134, %parallel_loop3A_1142 : vector<16xf32>
        %parallel_loop3A_1146 = arith.minimumf %parallel_loop3A_772, %parallel_loop3A_1145 : vector<16xf32>
        %parallel_loop3A_1147 = arith.constant 10 : i32
        %parallel_loop3A_1148 = vector.broadcast %parallel_loop3A_1147 : i32 to vector<16x1xi32>
        %parallel_loop3A_1149 = vector.shape_cast %parallel_loop3A_1148 : vector<16x1xi32> to vector<16xi32>
        %parallel_loop3A_1150 = tpu.dynamic_gather %get3A_167[%parallel_loop3A_1149] in [0] : vector<16xf32>, vector<16xi32> -> vector<16xf32>
        %parallel_loop3A_1151 = arith.constant 10 : i32
        %parallel_loop3A_1152 = vector.broadcast %parallel_loop3A_1151 : i32 to vector<16x1xi32>
        %parallel_loop3A_1153 = vector.shape_cast %parallel_loop3A_1152 : vector<16x1xi32> to vector<16xi32>
        %parallel_loop3A_1154 = tpu.dynamic_gather %get3A_175[%parallel_loop3A_1153] in [0] : vector<16xf32>, vector<16xi32> -> vector<16xf32>
        %parallel_loop3A_1155 = arith.constant 10 : i32
        %parallel_loop3A_1156 = vector.broadcast %parallel_loop3A_1155 : i32 to vector<16x1xi32>
        %parallel_loop3A_1157 = vector.shape_cast %parallel_loop3A_1156 : vector<16x1xi32> to vector<16xi32>
        %parallel_loop3A_1158 = tpu.dynamic_gather %get3A_183[%parallel_loop3A_1157] in [0] : vector<16xf32>, vector<16xi32> -> vector<16xf32>
        %parallel_loop3A_1159 = arith.subf %parallel_loop3A_790, %parallel_loop3A_1150 : vector<16xf32>
        %parallel_loop3A_1160 = arith.subf %parallel_loop3A_796, %parallel_loop3A_1154 : vector<16xf32>
        %parallel_loop3A_1161 = arith.subf %parallel_loop3A_802, %parallel_loop3A_1158 : vector<16xf32>
        %parallel_loop3A_1162 = arith.mulf %parallel_loop3A_1159, %parallel_loop3A_1159 : vector<16xf32>
        %parallel_loop3A_1163 = arith.mulf %parallel_loop3A_1160, %parallel_loop3A_1160 : vector<16xf32>
        %parallel_loop3A_1164 = arith.addf %parallel_loop3A_1162, %parallel_loop3A_1163 : vector<16xf32>
        %parallel_loop3A_1165 = arith.mulf %parallel_loop3A_1161, %parallel_loop3A_1161 : vector<16xf32>
        %parallel_loop3A_1166 = arith.addf %parallel_loop3A_1164, %parallel_loop3A_1165 : vector<16xf32>
        %parallel_loop3A_1167 = arith.subf %parallel_loop3A_808, %parallel_loop3A_1150 : vector<16xf32>
        %parallel_loop3A_1168 = arith.subf %parallel_loop3A_814, %parallel_loop3A_1154 : vector<16xf32>
        %parallel_loop3A_1169 = arith.subf %parallel_loop3A_820, %parallel_loop3A_1158 : vector<16xf32>
        %parallel_loop3A_1170 = arith.mulf %parallel_loop3A_1167, %parallel_loop3A_1167 : vector<16xf32>
        %parallel_loop3A_1171 = arith.mulf %parallel_loop3A_1168, %parallel_loop3A_1168 : vector<16xf32>
        %parallel_loop3A_1172 = arith.addf %parallel_loop3A_1170, %parallel_loop3A_1171 : vector<16xf32>
        %parallel_loop3A_1173 = arith.mulf %parallel_loop3A_1169, %parallel_loop3A_1169 : vector<16xf32>
        %parallel_loop3A_1174 = arith.addf %parallel_loop3A_1172, %parallel_loop3A_1173 : vector<16xf32>
        %parallel_loop3A_1175 = arith.minimumf %parallel_loop3A_1143, %parallel_loop3A_1166 : vector<16xf32>
        %parallel_loop3A_1176 = arith.minimumf %parallel_loop3A_1144, %parallel_loop3A_1174 : vector<16xf32>
        %parallel_loop3A_1177 = arith.minimumf %parallel_loop3A_1166, %parallel_loop3A_1174 : vector<16xf32>
        %parallel_loop3A_1178 = arith.minimumf %parallel_loop3A_773, %parallel_loop3A_1177 : vector<16xf32>
        %parallel_loop3A_1179 = arith.constant 11 : i32
        %parallel_loop3A_1180 = vector.broadcast %parallel_loop3A_1179 : i32 to vector<16x1xi32>
        %parallel_loop3A_1181 = vector.shape_cast %parallel_loop3A_1180 : vector<16x1xi32> to vector<16xi32>
        %parallel_loop3A_1182 = tpu.dynamic_gather %get3A_167[%parallel_loop3A_1181] in [0] : vector<16xf32>, vector<16xi32> -> vector<16xf32>
        %parallel_loop3A_1183 = arith.constant 11 : i32
        %parallel_loop3A_1184 = vector.broadcast %parallel_loop3A_1183 : i32 to vector<16x1xi32>
        %parallel_loop3A_1185 = vector.shape_cast %parallel_loop3A_1184 : vector<16x1xi32> to vector<16xi32>
        %parallel_loop3A_1186 = tpu.dynamic_gather %get3A_175[%parallel_loop3A_1185] in [0] : vector<16xf32>, vector<16xi32> -> vector<16xf32>
        %parallel_loop3A_1187 = arith.constant 11 : i32
        %parallel_loop3A_1188 = vector.broadcast %parallel_loop3A_1187 : i32 to vector<16x1xi32>
        %parallel_loop3A_1189 = vector.shape_cast %parallel_loop3A_1188 : vector<16x1xi32> to vector<16xi32>
        %parallel_loop3A_1190 = tpu.dynamic_gather %get3A_183[%parallel_loop3A_1189] in [0] : vector<16xf32>, vector<16xi32> -> vector<16xf32>
        %parallel_loop3A_1191 = arith.subf %parallel_loop3A_790, %parallel_loop3A_1182 : vector<16xf32>
        %parallel_loop3A_1192 = arith.subf %parallel_loop3A_796, %parallel_loop3A_1186 : vector<16xf32>
        %parallel_loop3A_1193 = arith.subf %parallel_loop3A_802, %parallel_loop3A_1190 : vector<16xf32>
        %parallel_loop3A_1194 = arith.mulf %parallel_loop3A_1191, %parallel_loop3A_1191 : vector<16xf32>
        %parallel_loop3A_1195 = arith.mulf %parallel_loop3A_1192, %parallel_loop3A_1192 : vector<16xf32>
        %parallel_loop3A_1196 = arith.addf %parallel_loop3A_1194, %parallel_loop3A_1195 : vector<16xf32>
        %parallel_loop3A_1197 = arith.mulf %parallel_loop3A_1193, %parallel_loop3A_1193 : vector<16xf32>
        %parallel_loop3A_1198 = arith.addf %parallel_loop3A_1196, %parallel_loop3A_1197 : vector<16xf32>
        %parallel_loop3A_1199 = arith.subf %parallel_loop3A_808, %parallel_loop3A_1182 : vector<16xf32>
        %parallel_loop3A_1200 = arith.subf %parallel_loop3A_814, %parallel_loop3A_1186 : vector<16xf32>
        %parallel_loop3A_1201 = arith.subf %parallel_loop3A_820, %parallel_loop3A_1190 : vector<16xf32>
        %parallel_loop3A_1202 = arith.mulf %parallel_loop3A_1199, %parallel_loop3A_1199 : vector<16xf32>
        %parallel_loop3A_1203 = arith.mulf %parallel_loop3A_1200, %parallel_loop3A_1200 : vector<16xf32>
        %parallel_loop3A_1204 = arith.addf %parallel_loop3A_1202, %parallel_loop3A_1203 : vector<16xf32>
        %parallel_loop3A_1205 = arith.mulf %parallel_loop3A_1201, %parallel_loop3A_1201 : vector<16xf32>
        %parallel_loop3A_1206 = arith.addf %parallel_loop3A_1204, %parallel_loop3A_1205 : vector<16xf32>
        %parallel_loop3A_1207 = arith.minimumf %parallel_loop3A_1175, %parallel_loop3A_1198 : vector<16xf32>
        %parallel_loop3A_1208 = arith.minimumf %parallel_loop3A_1176, %parallel_loop3A_1206 : vector<16xf32>
        %parallel_loop3A_1209 = arith.minimumf %parallel_loop3A_1198, %parallel_loop3A_1206 : vector<16xf32>
        %parallel_loop3A_1210 = arith.minimumf %parallel_loop3A_774, %parallel_loop3A_1209 : vector<16xf32>
        %parallel_loop3A_1211 = arith.constant 12 : i32
        %parallel_loop3A_1212 = vector.broadcast %parallel_loop3A_1211 : i32 to vector<16x1xi32>
        %parallel_loop3A_1213 = vector.shape_cast %parallel_loop3A_1212 : vector<16x1xi32> to vector<16xi32>
        %parallel_loop3A_1214 = tpu.dynamic_gather %get3A_167[%parallel_loop3A_1213] in [0] : vector<16xf32>, vector<16xi32> -> vector<16xf32>
        %parallel_loop3A_1215 = arith.constant 12 : i32
        %parallel_loop3A_1216 = vector.broadcast %parallel_loop3A_1215 : i32 to vector<16x1xi32>
        %parallel_loop3A_1217 = vector.shape_cast %parallel_loop3A_1216 : vector<16x1xi32> to vector<16xi32>
        %parallel_loop3A_1218 = tpu.dynamic_gather %get3A_175[%parallel_loop3A_1217] in [0] : vector<16xf32>, vector<16xi32> -> vector<16xf32>
        %parallel_loop3A_1219 = arith.constant 12 : i32
        %parallel_loop3A_1220 = vector.broadcast %parallel_loop3A_1219 : i32 to vector<16x1xi32>
        %parallel_loop3A_1221 = vector.shape_cast %parallel_loop3A_1220 : vector<16x1xi32> to vector<16xi32>
        %parallel_loop3A_1222 = tpu.dynamic_gather %get3A_183[%parallel_loop3A_1221] in [0] : vector<16xf32>, vector<16xi32> -> vector<16xf32>
        %parallel_loop3A_1223 = arith.subf %parallel_loop3A_790, %parallel_loop3A_1214 : vector<16xf32>
        %parallel_loop3A_1224 = arith.subf %parallel_loop3A_796, %parallel_loop3A_1218 : vector<16xf32>
        %parallel_loop3A_1225 = arith.subf %parallel_loop3A_802, %parallel_loop3A_1222 : vector<16xf32>
        %parallel_loop3A_1226 = arith.mulf %parallel_loop3A_1223, %parallel_loop3A_1223 : vector<16xf32>
        %parallel_loop3A_1227 = arith.mulf %parallel_loop3A_1224, %parallel_loop3A_1224 : vector<16xf32>
        %parallel_loop3A_1228 = arith.addf %parallel_loop3A_1226, %parallel_loop3A_1227 : vector<16xf32>
        %parallel_loop3A_1229 = arith.mulf %parallel_loop3A_1225, %parallel_loop3A_1225 : vector<16xf32>
        %parallel_loop3A_1230 = arith.addf %parallel_loop3A_1228, %parallel_loop3A_1229 : vector<16xf32>
        %parallel_loop3A_1231 = arith.subf %parallel_loop3A_808, %parallel_loop3A_1214 : vector<16xf32>
        %parallel_loop3A_1232 = arith.subf %parallel_loop3A_814, %parallel_loop3A_1218 : vector<16xf32>
        %parallel_loop3A_1233 = arith.subf %parallel_loop3A_820, %parallel_loop3A_1222 : vector<16xf32>
        %parallel_loop3A_1234 = arith.mulf %parallel_loop3A_1231, %parallel_loop3A_1231 : vector<16xf32>
        %parallel_loop3A_1235 = arith.mulf %parallel_loop3A_1232, %parallel_loop3A_1232 : vector<16xf32>
        %parallel_loop3A_1236 = arith.addf %parallel_loop3A_1234, %parallel_loop3A_1235 : vector<16xf32>
        %parallel_loop3A_1237 = arith.mulf %parallel_loop3A_1233, %parallel_loop3A_1233 : vector<16xf32>
        %parallel_loop3A_1238 = arith.addf %parallel_loop3A_1236, %parallel_loop3A_1237 : vector<16xf32>
        %parallel_loop3A_1239 = arith.minimumf %parallel_loop3A_1207, %parallel_loop3A_1230 : vector<16xf32>
        %parallel_loop3A_1240 = arith.minimumf %parallel_loop3A_1208, %parallel_loop3A_1238 : vector<16xf32>
        %parallel_loop3A_1241 = arith.minimumf %parallel_loop3A_1230, %parallel_loop3A_1238 : vector<16xf32>
        %parallel_loop3A_1242 = arith.minimumf %parallel_loop3A_775, %parallel_loop3A_1241 : vector<16xf32>
        %parallel_loop3A_1243 = arith.constant 13 : i32
        %parallel_loop3A_1244 = vector.broadcast %parallel_loop3A_1243 : i32 to vector<16x1xi32>
        %parallel_loop3A_1245 = vector.shape_cast %parallel_loop3A_1244 : vector<16x1xi32> to vector<16xi32>
        %parallel_loop3A_1246 = tpu.dynamic_gather %get3A_167[%parallel_loop3A_1245] in [0] : vector<16xf32>, vector<16xi32> -> vector<16xf32>
        %parallel_loop3A_1247 = arith.constant 13 : i32
        %parallel_loop3A_1248 = vector.broadcast %parallel_loop3A_1247 : i32 to vector<16x1xi32>
        %parallel_loop3A_1249 = vector.shape_cast %parallel_loop3A_1248 : vector<16x1xi32> to vector<16xi32>
        %parallel_loop3A_1250 = tpu.dynamic_gather %get3A_175[%parallel_loop3A_1249] in [0] : vector<16xf32>, vector<16xi32> -> vector<16xf32>
        %parallel_loop3A_1251 = arith.constant 13 : i32
        %parallel_loop3A_1252 = vector.broadcast %parallel_loop3A_1251 : i32 to vector<16x1xi32>
        %parallel_loop3A_1253 = vector.shape_cast %parallel_loop3A_1252 : vector<16x1xi32> to vector<16xi32>
        %parallel_loop3A_1254 = tpu.dynamic_gather %get3A_183[%parallel_loop3A_1253] in [0] : vector<16xf32>, vector<16xi32> -> vector<16xf32>
        %parallel_loop3A_1255 = arith.subf %parallel_loop3A_790, %parallel_loop3A_1246 : vector<16xf32>
        %parallel_loop3A_1256 = arith.subf %parallel_loop3A_796, %parallel_loop3A_1250 : vector<16xf32>
        %parallel_loop3A_1257 = arith.subf %parallel_loop3A_802, %parallel_loop3A_1254 : vector<16xf32>
        %parallel_loop3A_1258 = arith.mulf %parallel_loop3A_1255, %parallel_loop3A_1255 : vector<16xf32>
        %parallel_loop3A_1259 = arith.mulf %parallel_loop3A_1256, %parallel_loop3A_1256 : vector<16xf32>
        %parallel_loop3A_1260 = arith.addf %parallel_loop3A_1258, %parallel_loop3A_1259 : vector<16xf32>
        %parallel_loop3A_1261 = arith.mulf %parallel_loop3A_1257, %parallel_loop3A_1257 : vector<16xf32>
        %parallel_loop3A_1262 = arith.addf %parallel_loop3A_1260, %parallel_loop3A_1261 : vector<16xf32>
        %parallel_loop3A_1263 = arith.subf %parallel_loop3A_808, %parallel_loop3A_1246 : vector<16xf32>
        %parallel_loop3A_1264 = arith.subf %parallel_loop3A_814, %parallel_loop3A_1250 : vector<16xf32>
        %parallel_loop3A_1265 = arith.subf %parallel_loop3A_820, %parallel_loop3A_1254 : vector<16xf32>
        %parallel_loop3A_1266 = arith.mulf %parallel_loop3A_1263, %parallel_loop3A_1263 : vector<16xf32>
        %parallel_loop3A_1267 = arith.mulf %parallel_loop3A_1264, %parallel_loop3A_1264 : vector<16xf32>
        %parallel_loop3A_1268 = arith.addf %parallel_loop3A_1266, %parallel_loop3A_1267 : vector<16xf32>
        %parallel_loop3A_1269 = arith.mulf %parallel_loop3A_1265, %parallel_loop3A_1265 : vector<16xf32>
        %parallel_loop3A_1270 = arith.addf %parallel_loop3A_1268, %parallel_loop3A_1269 : vector<16xf32>
        %parallel_loop3A_1271 = arith.minimumf %parallel_loop3A_1239, %parallel_loop3A_1262 : vector<16xf32>
        %parallel_loop3A_1272 = arith.minimumf %parallel_loop3A_1240, %parallel_loop3A_1270 : vector<16xf32>
        %parallel_loop3A_1273 = arith.minimumf %parallel_loop3A_1262, %parallel_loop3A_1270 : vector<16xf32>
        %parallel_loop3A_1274 = arith.minimumf %parallel_loop3A_776, %parallel_loop3A_1273 : vector<16xf32>
        %parallel_loop3A_1275 = arith.constant 14 : i32
        %parallel_loop3A_1276 = vector.broadcast %parallel_loop3A_1275 : i32 to vector<16x1xi32>
        %parallel_loop3A_1277 = vector.shape_cast %parallel_loop3A_1276 : vector<16x1xi32> to vector<16xi32>
        %parallel_loop3A_1278 = tpu.dynamic_gather %get3A_167[%parallel_loop3A_1277] in [0] : vector<16xf32>, vector<16xi32> -> vector<16xf32>
        %parallel_loop3A_1279 = arith.constant 14 : i32
        %parallel_loop3A_1280 = vector.broadcast %parallel_loop3A_1279 : i32 to vector<16x1xi32>
        %parallel_loop3A_1281 = vector.shape_cast %parallel_loop3A_1280 : vector<16x1xi32> to vector<16xi32>
        %parallel_loop3A_1282 = tpu.dynamic_gather %get3A_175[%parallel_loop3A_1281] in [0] : vector<16xf32>, vector<16xi32> -> vector<16xf32>
        %parallel_loop3A_1283 = arith.constant 14 : i32
        %parallel_loop3A_1284 = vector.broadcast %parallel_loop3A_1283 : i32 to vector<16x1xi32>
        %parallel_loop3A_1285 = vector.shape_cast %parallel_loop3A_1284 : vector<16x1xi32> to vector<16xi32>
        %parallel_loop3A_1286 = tpu.dynamic_gather %get3A_183[%parallel_loop3A_1285] in [0] : vector<16xf32>, vector<16xi32> -> vector<16xf32>
        %parallel_loop3A_1287 = arith.subf %parallel_loop3A_790, %parallel_loop3A_1278 : vector<16xf32>
        %parallel_loop3A_1288 = arith.subf %parallel_loop3A_796, %parallel_loop3A_1282 : vector<16xf32>
        %parallel_loop3A_1289 = arith.subf %parallel_loop3A_802, %parallel_loop3A_1286 : vector<16xf32>
        %parallel_loop3A_1290 = arith.mulf %parallel_loop3A_1287, %parallel_loop3A_1287 : vector<16xf32>
        %parallel_loop3A_1291 = arith.mulf %parallel_loop3A_1288, %parallel_loop3A_1288 : vector<16xf32>
        %parallel_loop3A_1292 = arith.addf %parallel_loop3A_1290, %parallel_loop3A_1291 : vector<16xf32>
        %parallel_loop3A_1293 = arith.mulf %parallel_loop3A_1289, %parallel_loop3A_1289 : vector<16xf32>
        %parallel_loop3A_1294 = arith.addf %parallel_loop3A_1292, %parallel_loop3A_1293 : vector<16xf32>
        %parallel_loop3A_1295 = arith.subf %parallel_loop3A_808, %parallel_loop3A_1278 : vector<16xf32>
        %parallel_loop3A_1296 = arith.subf %parallel_loop3A_814, %parallel_loop3A_1282 : vector<16xf32>
        %parallel_loop3A_1297 = arith.subf %parallel_loop3A_820, %parallel_loop3A_1286 : vector<16xf32>
        %parallel_loop3A_1298 = arith.mulf %parallel_loop3A_1295, %parallel_loop3A_1295 : vector<16xf32>
        %parallel_loop3A_1299 = arith.mulf %parallel_loop3A_1296, %parallel_loop3A_1296 : vector<16xf32>
        %parallel_loop3A_1300 = arith.addf %parallel_loop3A_1298, %parallel_loop3A_1299 : vector<16xf32>
        %parallel_loop3A_1301 = arith.mulf %parallel_loop3A_1297, %parallel_loop3A_1297 : vector<16xf32>
        %parallel_loop3A_1302 = arith.addf %parallel_loop3A_1300, %parallel_loop3A_1301 : vector<16xf32>
        %parallel_loop3A_1303 = arith.minimumf %parallel_loop3A_1271, %parallel_loop3A_1294 : vector<16xf32>
        %parallel_loop3A_1304 = arith.minimumf %parallel_loop3A_1272, %parallel_loop3A_1302 : vector<16xf32>
        %parallel_loop3A_1305 = arith.minimumf %parallel_loop3A_1294, %parallel_loop3A_1302 : vector<16xf32>
        %parallel_loop3A_1306 = arith.minimumf %parallel_loop3A_777, %parallel_loop3A_1305 : vector<16xf32>
        %parallel_loop3A_1307 = arith.constant 15 : i32
        %parallel_loop3A_1308 = vector.broadcast %parallel_loop3A_1307 : i32 to vector<16x1xi32>
        %parallel_loop3A_1309 = vector.shape_cast %parallel_loop3A_1308 : vector<16x1xi32> to vector<16xi32>
        %parallel_loop3A_1310 = tpu.dynamic_gather %get3A_167[%parallel_loop3A_1309] in [0] : vector<16xf32>, vector<16xi32> -> vector<16xf32>
        %parallel_loop3A_1311 = arith.constant 15 : i32
        %parallel_loop3A_1312 = vector.broadcast %parallel_loop3A_1311 : i32 to vector<16x1xi32>
        %parallel_loop3A_1313 = vector.shape_cast %parallel_loop3A_1312 : vector<16x1xi32> to vector<16xi32>
        %parallel_loop3A_1314 = tpu.dynamic_gather %get3A_175[%parallel_loop3A_1313] in [0] : vector<16xf32>, vector<16xi32> -> vector<16xf32>
        %parallel_loop3A_1315 = arith.constant 15 : i32
        %parallel_loop3A_1316 = vector.broadcast %parallel_loop3A_1315 : i32 to vector<16x1xi32>
        %parallel_loop3A_1317 = vector.shape_cast %parallel_loop3A_1316 : vector<16x1xi32> to vector<16xi32>
        %parallel_loop3A_1318 = tpu.dynamic_gather %get3A_183[%parallel_loop3A_1317] in [0] : vector<16xf32>, vector<16xi32> -> vector<16xf32>
        %parallel_loop3A_1319 = arith.subf %parallel_loop3A_790, %parallel_loop3A_1310 : vector<16xf32>
        %parallel_loop3A_1320 = arith.subf %parallel_loop3A_796, %parallel_loop3A_1314 : vector<16xf32>
        %parallel_loop3A_1321 = arith.subf %parallel_loop3A_802, %parallel_loop3A_1318 : vector<16xf32>
        %parallel_loop3A_1322 = arith.mulf %parallel_loop3A_1319, %parallel_loop3A_1319 : vector<16xf32>
        %parallel_loop3A_1323 = arith.mulf %parallel_loop3A_1320, %parallel_loop3A_1320 : vector<16xf32>
        %parallel_loop3A_1324 = arith.addf %parallel_loop3A_1322, %parallel_loop3A_1323 : vector<16xf32>
        %parallel_loop3A_1325 = arith.mulf %parallel_loop3A_1321, %parallel_loop3A_1321 : vector<16xf32>
        %parallel_loop3A_1326 = arith.addf %parallel_loop3A_1324, %parallel_loop3A_1325 : vector<16xf32>
        %parallel_loop3A_1327 = arith.subf %parallel_loop3A_808, %parallel_loop3A_1310 : vector<16xf32>
        %parallel_loop3A_1328 = arith.subf %parallel_loop3A_814, %parallel_loop3A_1314 : vector<16xf32>
        %parallel_loop3A_1329 = arith.subf %parallel_loop3A_820, %parallel_loop3A_1318 : vector<16xf32>
        %parallel_loop3A_1330 = arith.mulf %parallel_loop3A_1327, %parallel_loop3A_1327 : vector<16xf32>
        %parallel_loop3A_1331 = arith.mulf %parallel_loop3A_1328, %parallel_loop3A_1328 : vector<16xf32>
        %parallel_loop3A_1332 = arith.addf %parallel_loop3A_1330, %parallel_loop3A_1331 : vector<16xf32>
        %parallel_loop3A_1333 = arith.mulf %parallel_loop3A_1329, %parallel_loop3A_1329 : vector<16xf32>
        %parallel_loop3A_1334 = arith.addf %parallel_loop3A_1332, %parallel_loop3A_1333 : vector<16xf32>
        %parallel_loop3A_1335 = arith.minimumf %parallel_loop3A_1303, %parallel_loop3A_1326 : vector<16xf32>
        %parallel_loop3A_1336 = arith.minimumf %parallel_loop3A_1304, %parallel_loop3A_1334 : vector<16xf32>
        %parallel_loop3A_1337 = arith.minimumf %parallel_loop3A_1326, %parallel_loop3A_1334 : vector<16xf32>
        %parallel_loop3A_1338 = arith.minimumf %parallel_loop3A_778, %parallel_loop3A_1337 : vector<16xf32>
        %parallel_loop3A_1339 = arith.index_cast %parallel_loop3A_782 : i32 to index
        %parallel_loop3A_1340 = tpu.vector_load %arg9[%parallel_loop3A_1339] {strides = array<i32>} : memref<512xf32, #tpu.memory_space<vmem>>, vector<16xf32>,
        %parallel_loop3A_1341 = vector.shape_cast %parallel_loop3A_1340 : vector<16xf32> to vector<16xf32>
        %parallel_loop3A_1342 = vector.shape_cast %parallel_loop3A_1335 : vector<16xf32> to vector<16xf32>
        tpu.vector_store %arg9[%parallel_loop3A_1339], %parallel_loop3A_1342 {strides = array<i32>} : memref<512xf32, #tpu.memory_space<vmem>>, vector<16xf32>,
        %parallel_loop3A_1343 = arith.index_cast %parallel_loop3A_784 : i32 to index
        %parallel_loop3A_1344 = tpu.vector_load %arg9[%parallel_loop3A_1343] {strides = array<i32>} : memref<512xf32, #tpu.memory_space<vmem>>, vector<16xf32>,
        %parallel_loop3A_1345 = vector.shape_cast %parallel_loop3A_1344 : vector<16xf32> to vector<16xf32>
        %parallel_loop3A_1346 = vector.shape_cast %parallel_loop3A_1336 : vector<16xf32> to vector<16xf32>
        tpu.vector_store %arg9[%parallel_loop3A_1343], %parallel_loop3A_1346 {strides = array<i32>} : memref<512xf32, #tpu.memory_space<vmem>>, vector<16xf32>,
        scf.yield %parallel_loop3A_858, %parallel_loop3A_890, %parallel_loop3A_922, %parallel_loop3A_954, %parallel_loop3A_986, %parallel_loop3A_1018, %parallel_loop3A_1050, %parallel_loop3A_1082, %parallel_loop3A_1114, %parallel_loop3A_1146, %parallel_loop3A_1178, %parallel_loop3A_1210, %parallel_loop3A_1242, %parallel_loop3A_1274, %parallel_loop3A_1306, %parallel_loop3A_1338 : vector<16xf32>, vector<16xf32>, vector<16xf32>, vector<16xf32>, vector<16xf32>, vector<16xf32>, vector<16xf32>, vector<16xf32>, vector<16xf32>, vector<16xf32>, vector<16xf32>, vector<16xf32>, vector<16xf32>, vector<16xf32>, vector<16xf32>, vector<16xf32>
      } {sc.loop_unroll_factor = 2 : i64, sc.parallel_access}
      %broadcast_in_dim3A_186 = arith.constant 0.000000e+00 : f32
      %broadcast_in_dim3A_187 = vector.broadcast %broadcast_in_dim3A_186 : f32 to vector<16xf32>
      %iota3A_188 = tpu.iota {dimensions = array<i32: 0>} : vector<16xi32>
      %xor3A_189 = arith.constant 8 : i32
      %xor3A_190 = vector.broadcast %xor3A_189 : i32 to vector<16xi32>
      %xor3A_191 = arith.xori %iota3A_188, %xor3A_190 : vector<16xi32>
      %reshape3A_192 = vector.shape_cast %xor3A_191 : vector<16xi32> to vector<16x1xi32>
      %gather3A_193 = vector.shape_cast %reshape3A_192 : vector<16x1xi32> to vector<16xi32>
      %gather3A_194 = tpu.dynamic_gather %parallel_loop3A_185#0[%gather3A_193] in [0] : vector<16xf32>, vector<16xi32> -> vector<16xf32>
      %min3A = arith.minimumf %parallel_loop3A_185#0, %gather3A_194 : vector<16xf32>
      %xor3A_195 = arith.constant 4 : i32
      %xor3A_196 = vector.broadcast %xor3A_195 : i32 to vector<16xi32>
      %xor3A_197 = arith.xori %iota3A_188, %xor3A_196 : vector<16xi32>
      %reshape3A_198 = vector.shape_cast %xor3A_197 : vector<16xi32> to vector<16x1xi32>
      %gather3A_199 = vector.shape_cast %reshape3A_198 : vector<16x1xi32> to vector<16xi32>
      %gather3A_200 = tpu.dynamic_gather %min3A[%gather3A_199] in [0] : vector<16xf32>, vector<16xi32> -> vector<16xf32>
      %min3A_201 = arith.minimumf %min3A, %gather3A_200 : vector<16xf32>
      %xor3A_202 = arith.constant 2 : i32
      %xor3A_203 = vector.broadcast %xor3A_202 : i32 to vector<16xi32>
      %xor3A_204 = arith.xori %iota3A_188, %xor3A_203 : vector<16xi32>
      %reshape3A_205 = vector.shape_cast %xor3A_204 : vector<16xi32> to vector<16x1xi32>
      %gather3A_206 = vector.shape_cast %reshape3A_205 : vector<16x1xi32> to vector<16xi32>
      %gather3A_207 = tpu.dynamic_gather %min3A_201[%gather3A_206] in [0] : vector<16xf32>, vector<16xi32> -> vector<16xf32>
      %min3A_208 = arith.minimumf %min3A_201, %gather3A_207 : vector<16xf32>
      %xor3A_209 = arith.constant 1 : i32
      %xor3A_210 = vector.broadcast %xor3A_209 : i32 to vector<16xi32>
      %xor3A_211 = arith.xori %iota3A_188, %xor3A_210 : vector<16xi32>
      %reshape3A_212 = vector.shape_cast %xor3A_211 : vector<16xi32> to vector<16x1xi32>
      %gather3A_213 = vector.shape_cast %reshape3A_212 : vector<16x1xi32> to vector<16xi32>
      %gather3A_214 = tpu.dynamic_gather %min3A_208[%gather3A_213] in [0] : vector<16xf32>, vector<16xi32> -> vector<16xf32>
      %min3A_215 = arith.minimumf %min3A_208, %gather3A_214 : vector<16xf32>
      %mul3A_216 = arith.constant 16 : i32
      %mul3A_217 = arith.muli %while3A_158, %mul3A_216 : i32
      %add3A_218 = arith.constant 0 : i32
      %add3A_219 = arith.addi %mul3A_217, %add3A_218 : i32
      %lt3A = arith.cmpi slt, %add3A_219, %convert_element_type3A_8 : i32
      %select_n3A_220 = arith.select %lt3A, %min3A_215, %broadcast_in_dim3A_187 : vector<16xf32>
      %max3A_221 = arith.maximumf %while3A_159, %select_n3A_220 : vector<16xf32>
      %iota3A_222 = tpu.iota {dimensions = array<i32: 0>} : vector<16xi32>
      %xor3A_223 = arith.constant 8 : i32
      %xor3A_224 = vector.broadcast %xor3A_223 : i32 to vector<16xi32>
      %xor3A_225 = arith.xori %iota3A_222, %xor3A_224 : vector<16xi32>
      %reshape3A_226 = vector.shape_cast %xor3A_225 : vector<16xi32> to vector<16x1xi32>
      %gather3A_227 = vector.shape_cast %reshape3A_226 : vector<16x1xi32> to vector<16xi32>
      %gather3A_228 = tpu.dynamic_gather %parallel_loop3A_185#1[%gather3A_227] in [0] : vector<16xf32>, vector<16xi32> -> vector<16xf32>
      %min3A_229 = arith.minimumf %parallel_loop3A_185#1, %gather3A_228 : vector<16xf32>
      %xor3A_230 = arith.constant 4 : i32
      %xor3A_231 = vector.broadcast %xor3A_230 : i32 to vector<16xi32>
      %xor3A_232 = arith.xori %iota3A_222, %xor3A_231 : vector<16xi32>
      %reshape3A_233 = vector.shape_cast %xor3A_232 : vector<16xi32> to vector<16x1xi32>
      %gather3A_234 = vector.shape_cast %reshape3A_233 : vector<16x1xi32> to vector<16xi32>
      %gather3A_235 = tpu.dynamic_gather %min3A_229[%gather3A_234] in [0] : vector<16xf32>, vector<16xi32> -> vector<16xf32>
      %min3A_236 = arith.minimumf %min3A_229, %gather3A_235 : vector<16xf32>
      %xor3A_237 = arith.constant 2 : i32
      %xor3A_238 = vector.broadcast %xor3A_237 : i32 to vector<16xi32>
      %xor3A_239 = arith.xori %iota3A_222, %xor3A_238 : vector<16xi32>
      %reshape3A_240 = vector.shape_cast %xor3A_239 : vector<16xi32> to vector<16x1xi32>
      %gather3A_241 = vector.shape_cast %reshape3A_240 : vector<16x1xi32> to vector<16xi32>
      %gather3A_242 = tpu.dynamic_gather %min3A_236[%gather3A_241] in [0] : vector<16xf32>, vector<16xi32> -> vector<16xf32>
      %min3A_243 = arith.minimumf %min3A_236, %gather3A_242 : vector<16xf32>
      %xor3A_244 = arith.constant 1 : i32
      %xor3A_245 = vector.broadcast %xor3A_244 : i32 to vector<16xi32>
      %xor3A_246 = arith.xori %iota3A_222, %xor3A_245 : vector<16xi32>
      %reshape3A_247 = vector.shape_cast %xor3A_246 : vector<16xi32> to vector<16x1xi32>
      %gather3A_248 = vector.shape_cast %reshape3A_247 : vector<16x1xi32> to vector<16xi32>
      %gather3A_249 = tpu.dynamic_gather %min3A_243[%gather3A_248] in [0] : vector<16xf32>, vector<16xi32> -> vector<16xf32>
      %min3A_250 = arith.minimumf %min3A_243, %gather3A_249 : vector<16xf32>
      %mul3A_251 = arith.constant 16 : i32
      %mul3A_252 = arith.muli %while3A_158, %mul3A_251 : i32
      %add3A_253 = arith.constant 1 : i32
      %add3A_254 = arith.addi %mul3A_252, %add3A_253 : i32
      %lt3A_255 = arith.cmpi slt, %add3A_254, %convert_element_type3A_8 : i32
      %select_n3A_256 = arith.select %lt3A_255, %min3A_250, %broadcast_in_dim3A_187 : vector<16xf32>
      %max3A_257 = arith.maximumf %max3A_221, %select_n3A_256 : vector<16xf32>
      %iota3A_258 = tpu.iota {dimensions = array<i32: 0>} : vector<16xi32>
      %xor3A_259 = arith.constant 8 : i32
      %xor3A_260 = vector.broadcast %xor3A_259 : i32 to vector<16xi32>
      %xor3A_261 = arith.xori %iota3A_258, %xor3A_260 : vector<16xi32>
      %reshape3A_262 = vector.shape_cast %xor3A_261 : vector<16xi32> to vector<16x1xi32>
      %gather3A_263 = vector.shape_cast %reshape3A_262 : vector<16x1xi32> to vector<16xi32>
      %gather3A_264 = tpu.dynamic_gather %parallel_loop3A_185#2[%gather3A_263] in [0] : vector<16xf32>, vector<16xi32> -> vector<16xf32>
      %min3A_265 = arith.minimumf %parallel_loop3A_185#2, %gather3A_264 : vector<16xf32>
      %xor3A_266 = arith.constant 4 : i32
      %xor3A_267 = vector.broadcast %xor3A_266 : i32 to vector<16xi32>
      %xor3A_268 = arith.xori %iota3A_258, %xor3A_267 : vector<16xi32>
      %reshape3A_269 = vector.shape_cast %xor3A_268 : vector<16xi32> to vector<16x1xi32>
      %gather3A_270 = vector.shape_cast %reshape3A_269 : vector<16x1xi32> to vector<16xi32>
      %gather3A_271 = tpu.dynamic_gather %min3A_265[%gather3A_270] in [0] : vector<16xf32>, vector<16xi32> -> vector<16xf32>
      %min3A_272 = arith.minimumf %min3A_265, %gather3A_271 : vector<16xf32>
      %xor3A_273 = arith.constant 2 : i32
      %xor3A_274 = vector.broadcast %xor3A_273 : i32 to vector<16xi32>
      %xor3A_275 = arith.xori %iota3A_258, %xor3A_274 : vector<16xi32>
      %reshape3A_276 = vector.shape_cast %xor3A_275 : vector<16xi32> to vector<16x1xi32>
      %gather3A_277 = vector.shape_cast %reshape3A_276 : vector<16x1xi32> to vector<16xi32>
      %gather3A_278 = tpu.dynamic_gather %min3A_272[%gather3A_277] in [0] : vector<16xf32>, vector<16xi32> -> vector<16xf32>
      %min3A_279 = arith.minimumf %min3A_272, %gather3A_278 : vector<16xf32>
      %xor3A_280 = arith.constant 1 : i32
      %xor3A_281 = vector.broadcast %xor3A_280 : i32 to vector<16xi32>
      %xor3A_282 = arith.xori %iota3A_258, %xor3A_281 : vector<16xi32>
      %reshape3A_283 = vector.shape_cast %xor3A_282 : vector<16xi32> to vector<16x1xi32>
      %gather3A_284 = vector.shape_cast %reshape3A_283 : vector<16x1xi32> to vector<16xi32>
      %gather3A_285 = tpu.dynamic_gather %min3A_279[%gather3A_284] in [0] : vector<16xf32>, vector<16xi32> -> vector<16xf32>
      %min3A_286 = arith.minimumf %min3A_279, %gather3A_285 : vector<16xf32>
      %mul3A_287 = arith.constant 16 : i32
      %mul3A_288 = arith.muli %while3A_158, %mul3A_287 : i32
      %add3A_289 = arith.constant 2 : i32
      %add3A_290 = arith.addi %mul3A_288, %add3A_289 : i32
      %lt3A_291 = arith.cmpi slt, %add3A_290, %convert_element_type3A_8 : i32
      %select_n3A_292 = arith.select %lt3A_291, %min3A_286, %broadcast_in_dim3A_187 : vector<16xf32>
      %max3A_293 = arith.maximumf %max3A_257, %select_n3A_292 : vector<16xf32>
      %iota3A_294 = tpu.iota {dimensions = array<i32: 0>} : vector<16xi32>
      %xor3A_295 = arith.constant 8 : i32
      %xor3A_296 = vector.broadcast %xor3A_295 : i32 to vector<16xi32>
      %xor3A_297 = arith.xori %iota3A_294, %xor3A_296 : vector<16xi32>
      %reshape3A_298 = vector.shape_cast %xor3A_297 : vector<16xi32> to vector<16x1xi32>
      %gather3A_299 = vector.shape_cast %reshape3A_298 : vector<16x1xi32> to vector<16xi32>
      %gather3A_300 = tpu.dynamic_gather %parallel_loop3A_185#3[%gather3A_299] in [0] : vector<16xf32>, vector<16xi32> -> vector<16xf32>
      %min3A_301 = arith.minimumf %parallel_loop3A_185#3, %gather3A_300 : vector<16xf32>
      %xor3A_302 = arith.constant 4 : i32
      %xor3A_303 = vector.broadcast %xor3A_302 : i32 to vector<16xi32>
      %xor3A_304 = arith.xori %iota3A_294, %xor3A_303 : vector<16xi32>
      %reshape3A_305 = vector.shape_cast %xor3A_304 : vector<16xi32> to vector<16x1xi32>
      %gather3A_306 = vector.shape_cast %reshape3A_305 : vector<16x1xi32> to vector<16xi32>
      %gather3A_307 = tpu.dynamic_gather %min3A_301[%gather3A_306] in [0] : vector<16xf32>, vector<16xi32> -> vector<16xf32>
      %min3A_308 = arith.minimumf %min3A_301, %gather3A_307 : vector<16xf32>
      %xor3A_309 = arith.constant 2 : i32
      %xor3A_310 = vector.broadcast %xor3A_309 : i32 to vector<16xi32>
      %xor3A_311 = arith.xori %iota3A_294, %xor3A_310 : vector<16xi32>
      %reshape3A_312 = vector.shape_cast %xor3A_311 : vector<16xi32> to vector<16x1xi32>
      %gather3A_313 = vector.shape_cast %reshape3A_312 : vector<16x1xi32> to vector<16xi32>
      %gather3A_314 = tpu.dynamic_gather %min3A_308[%gather3A_313] in [0] : vector<16xf32>, vector<16xi32> -> vector<16xf32>
      %min3A_315 = arith.minimumf %min3A_308, %gather3A_314 : vector<16xf32>
      %xor3A_316 = arith.constant 1 : i32
      %xor3A_317 = vector.broadcast %xor3A_316 : i32 to vector<16xi32>
      %xor3A_318 = arith.xori %iota3A_294, %xor3A_317 : vector<16xi32>
      %reshape3A_319 = vector.shape_cast %xor3A_318 : vector<16xi32> to vector<16x1xi32>
      %gather3A_320 = vector.shape_cast %reshape3A_319 : vector<16x1xi32> to vector<16xi32>
      %gather3A_321 = tpu.dynamic_gather %min3A_315[%gather3A_320] in [0] : vector<16xf32>, vector<16xi32> -> vector<16xf32>
      %min3A_322 = arith.minimumf %min3A_315, %gather3A_321 : vector<16xf32>
      %mul3A_323 = arith.constant 16 : i32
      %mul3A_324 = arith.muli %while3A_158, %mul3A_323 : i32
      %add3A_325 = arith.constant 3 : i32
      %add3A_326 = arith.addi %mul3A_324, %add3A_325 : i32
      %lt3A_327 = arith.cmpi slt, %add3A_326, %convert_element_type3A_8 : i32
      %select_n3A_328 = arith.select %lt3A_327, %min3A_322, %broadcast_in_dim3A_187 : vector<16xf32>
      %max3A_329 = arith.maximumf %max3A_293, %select_n3A_328 : vector<16xf32>
      %iota3A_330 = tpu.iota {dimensions = array<i32: 0>} : vector<16xi32>
      %xor3A_331 = arith.constant 8 : i32
      %xor3A_332 = vector.broadcast %xor3A_331 : i32 to vector<16xi32>
      %xor3A_333 = arith.xori %iota3A_330, %xor3A_332 : vector<16xi32>
      %reshape3A_334 = vector.shape_cast %xor3A_333 : vector<16xi32> to vector<16x1xi32>
      %gather3A_335 = vector.shape_cast %reshape3A_334 : vector<16x1xi32> to vector<16xi32>
      %gather3A_336 = tpu.dynamic_gather %parallel_loop3A_185#4[%gather3A_335] in [0] : vector<16xf32>, vector<16xi32> -> vector<16xf32>
      %min3A_337 = arith.minimumf %parallel_loop3A_185#4, %gather3A_336 : vector<16xf32>
      %xor3A_338 = arith.constant 4 : i32
      %xor3A_339 = vector.broadcast %xor3A_338 : i32 to vector<16xi32>
      %xor3A_340 = arith.xori %iota3A_330, %xor3A_339 : vector<16xi32>
      %reshape3A_341 = vector.shape_cast %xor3A_340 : vector<16xi32> to vector<16x1xi32>
      %gather3A_342 = vector.shape_cast %reshape3A_341 : vector<16x1xi32> to vector<16xi32>
      %gather3A_343 = tpu.dynamic_gather %min3A_337[%gather3A_342] in [0] : vector<16xf32>, vector<16xi32> -> vector<16xf32>
      %min3A_344 = arith.minimumf %min3A_337, %gather3A_343 : vector<16xf32>
      %xor3A_345 = arith.constant 2 : i32
      %xor3A_346 = vector.broadcast %xor3A_345 : i32 to vector<16xi32>
      %xor3A_347 = arith.xori %iota3A_330, %xor3A_346 : vector<16xi32>
      %reshape3A_348 = vector.shape_cast %xor3A_347 : vector<16xi32> to vector<16x1xi32>
      %gather3A_349 = vector.shape_cast %reshape3A_348 : vector<16x1xi32> to vector<16xi32>
      %gather3A_350 = tpu.dynamic_gather %min3A_344[%gather3A_349] in [0] : vector<16xf32>, vector<16xi32> -> vector<16xf32>
      %min3A_351 = arith.minimumf %min3A_344, %gather3A_350 : vector<16xf32>
      %xor3A_352 = arith.constant 1 : i32
      %xor3A_353 = vector.broadcast %xor3A_352 : i32 to vector<16xi32>
      %xor3A_354 = arith.xori %iota3A_330, %xor3A_353 : vector<16xi32>
      %reshape3A_355 = vector.shape_cast %xor3A_354 : vector<16xi32> to vector<16x1xi32>
      %gather3A_356 = vector.shape_cast %reshape3A_355 : vector<16x1xi32> to vector<16xi32>
      %gather3A_357 = tpu.dynamic_gather %min3A_351[%gather3A_356] in [0] : vector<16xf32>, vector<16xi32> -> vector<16xf32>
      %min3A_358 = arith.minimumf %min3A_351, %gather3A_357 : vector<16xf32>
      %mul3A_359 = arith.constant 16 : i32
      %mul3A_360 = arith.muli %while3A_158, %mul3A_359 : i32
      %add3A_361 = arith.constant 4 : i32
      %add3A_362 = arith.addi %mul3A_360, %add3A_361 : i32
      %lt3A_363 = arith.cmpi slt, %add3A_362, %convert_element_type3A_8 : i32
      %select_n3A_364 = arith.select %lt3A_363, %min3A_358, %broadcast_in_dim3A_187 : vector<16xf32>
      %max3A_365 = arith.maximumf %max3A_329, %select_n3A_364 : vector<16xf32>
      %iota3A_366 = tpu.iota {dimensions = array<i32: 0>} : vector<16xi32>
      %xor3A_367 = arith.constant 8 : i32
      %xor3A_368 = vector.broadcast %xor3A_367 : i32 to vector<16xi32>
      %xor3A_369 = arith.xori %iota3A_366, %xor3A_368 : vector<16xi32>
      %reshape3A_370 = vector.shape_cast %xor3A_369 : vector<16xi32> to vector<16x1xi32>
      %gather3A_371 = vector.shape_cast %reshape3A_370 : vector<16x1xi32> to vector<16xi32>
      %gather3A_372 = tpu.dynamic_gather %parallel_loop3A_185#5[%gather3A_371] in [0] : vector<16xf32>, vector<16xi32> -> vector<16xf32>
      %min3A_373 = arith.minimumf %parallel_loop3A_185#5, %gather3A_372 : vector<16xf32>
      %xor3A_374 = arith.constant 4 : i32
      %xor3A_375 = vector.broadcast %xor3A_374 : i32 to vector<16xi32>
      %xor3A_376 = arith.xori %iota3A_366, %xor3A_375 : vector<16xi32>
      %reshape3A_377 = vector.shape_cast %xor3A_376 : vector<16xi32> to vector<16x1xi32>
      %gather3A_378 = vector.shape_cast %reshape3A_377 : vector<16x1xi32> to vector<16xi32>
      %gather3A_379 = tpu.dynamic_gather %min3A_373[%gather3A_378] in [0] : vector<16xf32>, vector<16xi32> -> vector<16xf32>
      %min3A_380 = arith.minimumf %min3A_373, %gather3A_379 : vector<16xf32>
      %xor3A_381 = arith.constant 2 : i32
      %xor3A_382 = vector.broadcast %xor3A_381 : i32 to vector<16xi32>
      %xor3A_383 = arith.xori %iota3A_366, %xor3A_382 : vector<16xi32>
      %reshape3A_384 = vector.shape_cast %xor3A_383 : vector<16xi32> to vector<16x1xi32>
      %gather3A_385 = vector.shape_cast %reshape3A_384 : vector<16x1xi32> to vector<16xi32>
      %gather3A_386 = tpu.dynamic_gather %min3A_380[%gather3A_385] in [0] : vector<16xf32>, vector<16xi32> -> vector<16xf32>
      %min3A_387 = arith.minimumf %min3A_380, %gather3A_386 : vector<16xf32>
      %xor3A_388 = arith.constant 1 : i32
      %xor3A_389 = vector.broadcast %xor3A_388 : i32 to vector<16xi32>
      %xor3A_390 = arith.xori %iota3A_366, %xor3A_389 : vector<16xi32>
      %reshape3A_391 = vector.shape_cast %xor3A_390 : vector<16xi32> to vector<16x1xi32>
      %gather3A_392 = vector.shape_cast %reshape3A_391 : vector<16x1xi32> to vector<16xi32>
      %gather3A_393 = tpu.dynamic_gather %min3A_387[%gather3A_392] in [0] : vector<16xf32>, vector<16xi32> -> vector<16xf32>
      %min3A_394 = arith.minimumf %min3A_387, %gather3A_393 : vector<16xf32>
      %mul3A_395 = arith.constant 16 : i32
      %mul3A_396 = arith.muli %while3A_158, %mul3A_395 : i32
      %add3A_397 = arith.constant 5 : i32
      %add3A_398 = arith.addi %mul3A_396, %add3A_397 : i32
      %lt3A_399 = arith.cmpi slt, %add3A_398, %convert_element_type3A_8 : i32
      %select_n3A_400 = arith.select %lt3A_399, %min3A_394, %broadcast_in_dim3A_187 : vector<16xf32>
      %max3A_401 = arith.maximumf %max3A_365, %select_n3A_400 : vector<16xf32>
      %iota3A_402 = tpu.iota {dimensions = array<i32: 0>} : vector<16xi32>
      %xor3A_403 = arith.constant 8 : i32
      %xor3A_404 = vector.broadcast %xor3A_403 : i32 to vector<16xi32>
      %xor3A_405 = arith.xori %iota3A_402, %xor3A_404 : vector<16xi32>
      %reshape3A_406 = vector.shape_cast %xor3A_405 : vector<16xi32> to vector<16x1xi32>
      %gather3A_407 = vector.shape_cast %reshape3A_406 : vector<16x1xi32> to vector<16xi32>
      %gather3A_408 = tpu.dynamic_gather %parallel_loop3A_185#6[%gather3A_407] in [0] : vector<16xf32>, vector<16xi32> -> vector<16xf32>
      %min3A_409 = arith.minimumf %parallel_loop3A_185#6, %gather3A_408 : vector<16xf32>
      %xor3A_410 = arith.constant 4 : i32
      %xor3A_411 = vector.broadcast %xor3A_410 : i32 to vector<16xi32>
      %xor3A_412 = arith.xori %iota3A_402, %xor3A_411 : vector<16xi32>
      %reshape3A_413 = vector.shape_cast %xor3A_412 : vector<16xi32> to vector<16x1xi32>
      %gather3A_414 = vector.shape_cast %reshape3A_413 : vector<16x1xi32> to vector<16xi32>
      %gather3A_415 = tpu.dynamic_gather %min3A_409[%gather3A_414] in [0] : vector<16xf32>, vector<16xi32> -> vector<16xf32>
      %min3A_416 = arith.minimumf %min3A_409, %gather3A_415 : vector<16xf32>
      %xor3A_417 = arith.constant 2 : i32
      %xor3A_418 = vector.broadcast %xor3A_417 : i32 to vector<16xi32>
      %xor3A_419 = arith.xori %iota3A_402, %xor3A_418 : vector<16xi32>
      %reshape3A_420 = vector.shape_cast %xor3A_419 : vector<16xi32> to vector<16x1xi32>
      %gather3A_421 = vector.shape_cast %reshape3A_420 : vector<16x1xi32> to vector<16xi32>
      %gather3A_422 = tpu.dynamic_gather %min3A_416[%gather3A_421] in [0] : vector<16xf32>, vector<16xi32> -> vector<16xf32>
      %min3A_423 = arith.minimumf %min3A_416, %gather3A_422 : vector<16xf32>
      %xor3A_424 = arith.constant 1 : i32
      %xor3A_425 = vector.broadcast %xor3A_424 : i32 to vector<16xi32>
      %xor3A_426 = arith.xori %iota3A_402, %xor3A_425 : vector<16xi32>
      %reshape3A_427 = vector.shape_cast %xor3A_426 : vector<16xi32> to vector<16x1xi32>
      %gather3A_428 = vector.shape_cast %reshape3A_427 : vector<16x1xi32> to vector<16xi32>
      %gather3A_429 = tpu.dynamic_gather %min3A_423[%gather3A_428] in [0] : vector<16xf32>, vector<16xi32> -> vector<16xf32>
      %min3A_430 = arith.minimumf %min3A_423, %gather3A_429 : vector<16xf32>
      %mul3A_431 = arith.constant 16 : i32
      %mul3A_432 = arith.muli %while3A_158, %mul3A_431 : i32
      %add3A_433 = arith.constant 6 : i32
      %add3A_434 = arith.addi %mul3A_432, %add3A_433 : i32
      %lt3A_435 = arith.cmpi slt, %add3A_434, %convert_element_type3A_8 : i32
      %select_n3A_436 = arith.select %lt3A_435, %min3A_430, %broadcast_in_dim3A_187 : vector<16xf32>
      %max3A_437 = arith.maximumf %max3A_401, %select_n3A_436 : vector<16xf32>
      %iota3A_438 = tpu.iota {dimensions = array<i32: 0>} : vector<16xi32>
      %xor3A_439 = arith.constant 8 : i32
      %xor3A_440 = vector.broadcast %xor3A_439 : i32 to vector<16xi32>
      %xor3A_441 = arith.xori %iota3A_438, %xor3A_440 : vector<16xi32>
      %reshape3A_442 = vector.shape_cast %xor3A_441 : vector<16xi32> to vector<16x1xi32>
      %gather3A_443 = vector.shape_cast %reshape3A_442 : vector<16x1xi32> to vector<16xi32>
      %gather3A_444 = tpu.dynamic_gather %parallel_loop3A_185#7[%gather3A_443] in [0] : vector<16xf32>, vector<16xi32> -> vector<16xf32>
      %min3A_445 = arith.minimumf %parallel_loop3A_185#7, %gather3A_444 : vector<16xf32>
      %xor3A_446 = arith.constant 4 : i32
      %xor3A_447 = vector.broadcast %xor3A_446 : i32 to vector<16xi32>
      %xor3A_448 = arith.xori %iota3A_438, %xor3A_447 : vector<16xi32>
      %reshape3A_449 = vector.shape_cast %xor3A_448 : vector<16xi32> to vector<16x1xi32>
      %gather3A_450 = vector.shape_cast %reshape3A_449 : vector<16x1xi32> to vector<16xi32>
      %gather3A_451 = tpu.dynamic_gather %min3A_445[%gather3A_450] in [0] : vector<16xf32>, vector<16xi32> -> vector<16xf32>
      %min3A_452 = arith.minimumf %min3A_445, %gather3A_451 : vector<16xf32>
      %xor3A_453 = arith.constant 2 : i32
      %xor3A_454 = vector.broadcast %xor3A_453 : i32 to vector<16xi32>
      %xor3A_455 = arith.xori %iota3A_438, %xor3A_454 : vector<16xi32>
      %reshape3A_456 = vector.shape_cast %xor3A_455 : vector<16xi32> to vector<16x1xi32>
      %gather3A_457 = vector.shape_cast %reshape3A_456 : vector<16x1xi32> to vector<16xi32>
      %gather3A_458 = tpu.dynamic_gather %min3A_452[%gather3A_457] in [0] : vector<16xf32>, vector<16xi32> -> vector<16xf32>
      %min3A_459 = arith.minimumf %min3A_452, %gather3A_458 : vector<16xf32>
      %xor3A_460 = arith.constant 1 : i32
      %xor3A_461 = vector.broadcast %xor3A_460 : i32 to vector<16xi32>
      %xor3A_462 = arith.xori %iota3A_438, %xor3A_461 : vector<16xi32>
      %reshape3A_463 = vector.shape_cast %xor3A_462 : vector<16xi32> to vector<16x1xi32>
      %gather3A_464 = vector.shape_cast %reshape3A_463 : vector<16x1xi32> to vector<16xi32>
      %gather3A_465 = tpu.dynamic_gather %min3A_459[%gather3A_464] in [0] : vector<16xf32>, vector<16xi32> -> vector<16xf32>
      %min3A_466 = arith.minimumf %min3A_459, %gather3A_465 : vector<16xf32>
      %mul3A_467 = arith.constant 16 : i32
      %mul3A_468 = arith.muli %while3A_158, %mul3A_467 : i32
      %add3A_469 = arith.constant 7 : i32
      %add3A_470 = arith.addi %mul3A_468, %add3A_469 : i32
      %lt3A_471 = arith.cmpi slt, %add3A_470, %convert_element_type3A_8 : i32
      %select_n3A_472 = arith.select %lt3A_471, %min3A_466, %broadcast_in_dim3A_187 : vector<16xf32>
      %max3A_473 = arith.maximumf %max3A_437, %select_n3A_472 : vector<16xf32>
      %iota3A_474 = tpu.iota {dimensions = array<i32: 0>} : vector<16xi32>
      %xor3A_475 = arith.constant 8 : i32
      %xor3A_476 = vector.broadcast %xor3A_475 : i32 to vector<16xi32>
      %xor3A_477 = arith.xori %iota3A_474, %xor3A_476 : vector<16xi32>
      %reshape3A_478 = vector.shape_cast %xor3A_477 : vector<16xi32> to vector<16x1xi32>
      %gather3A_479 = vector.shape_cast %reshape3A_478 : vector<16x1xi32> to vector<16xi32>
      %gather3A_480 = tpu.dynamic_gather %parallel_loop3A_185#8[%gather3A_479] in [0] : vector<16xf32>, vector<16xi32> -> vector<16xf32>
      %min3A_481 = arith.minimumf %parallel_loop3A_185#8, %gather3A_480 : vector<16xf32>
      %xor3A_482 = arith.constant 4 : i32
      %xor3A_483 = vector.broadcast %xor3A_482 : i32 to vector<16xi32>
      %xor3A_484 = arith.xori %iota3A_474, %xor3A_483 : vector<16xi32>
      %reshape3A_485 = vector.shape_cast %xor3A_484 : vector<16xi32> to vector<16x1xi32>
      %gather3A_486 = vector.shape_cast %reshape3A_485 : vector<16x1xi32> to vector<16xi32>
      %gather3A_487 = tpu.dynamic_gather %min3A_481[%gather3A_486] in [0] : vector<16xf32>, vector<16xi32> -> vector<16xf32>
      %min3A_488 = arith.minimumf %min3A_481, %gather3A_487 : vector<16xf32>
      %xor3A_489 = arith.constant 2 : i32
      %xor3A_490 = vector.broadcast %xor3A_489 : i32 to vector<16xi32>
      %xor3A_491 = arith.xori %iota3A_474, %xor3A_490 : vector<16xi32>
      %reshape3A_492 = vector.shape_cast %xor3A_491 : vector<16xi32> to vector<16x1xi32>
      %gather3A_493 = vector.shape_cast %reshape3A_492 : vector<16x1xi32> to vector<16xi32>
      %gather3A_494 = tpu.dynamic_gather %min3A_488[%gather3A_493] in [0] : vector<16xf32>, vector<16xi32> -> vector<16xf32>
      %min3A_495 = arith.minimumf %min3A_488, %gather3A_494 : vector<16xf32>
      %xor3A_496 = arith.constant 1 : i32
      %xor3A_497 = vector.broadcast %xor3A_496 : i32 to vector<16xi32>
      %xor3A_498 = arith.xori %iota3A_474, %xor3A_497 : vector<16xi32>
      %reshape3A_499 = vector.shape_cast %xor3A_498 : vector<16xi32> to vector<16x1xi32>
      %gather3A_500 = vector.shape_cast %reshape3A_499 : vector<16x1xi32> to vector<16xi32>
      %gather3A_501 = tpu.dynamic_gather %min3A_495[%gather3A_500] in [0] : vector<16xf32>, vector<16xi32> -> vector<16xf32>
      %min3A_502 = arith.minimumf %min3A_495, %gather3A_501 : vector<16xf32>
      %mul3A_503 = arith.constant 16 : i32
      %mul3A_504 = arith.muli %while3A_158, %mul3A_503 : i32
      %add3A_505 = arith.constant 8 : i32
      %add3A_506 = arith.addi %mul3A_504, %add3A_505 : i32
      %lt3A_507 = arith.cmpi slt, %add3A_506, %convert_element_type3A_8 : i32
      %select_n3A_508 = arith.select %lt3A_507, %min3A_502, %broadcast_in_dim3A_187 : vector<16xf32>
      %max3A_509 = arith.maximumf %max3A_473, %select_n3A_508 : vector<16xf32>
      %iota3A_510 = tpu.iota {dimensions = array<i32: 0>} : vector<16xi32>
      %xor3A_511 = arith.constant 8 : i32
      %xor3A_512 = vector.broadcast %xor3A_511 : i32 to vector<16xi32>
      %xor3A_513 = arith.xori %iota3A_510, %xor3A_512 : vector<16xi32>
      %reshape3A_514 = vector.shape_cast %xor3A_513 : vector<16xi32> to vector<16x1xi32>
      %gather3A_515 = vector.shape_cast %reshape3A_514 : vector<16x1xi32> to vector<16xi32>
      %gather3A_516 = tpu.dynamic_gather %parallel_loop3A_185#9[%gather3A_515] in [0] : vector<16xf32>, vector<16xi32> -> vector<16xf32>
      %min3A_517 = arith.minimumf %parallel_loop3A_185#9, %gather3A_516 : vector<16xf32>
      %xor3A_518 = arith.constant 4 : i32
      %xor3A_519 = vector.broadcast %xor3A_518 : i32 to vector<16xi32>
      %xor3A_520 = arith.xori %iota3A_510, %xor3A_519 : vector<16xi32>
      %reshape3A_521 = vector.shape_cast %xor3A_520 : vector<16xi32> to vector<16x1xi32>
      %gather3A_522 = vector.shape_cast %reshape3A_521 : vector<16x1xi32> to vector<16xi32>
      %gather3A_523 = tpu.dynamic_gather %min3A_517[%gather3A_522] in [0] : vector<16xf32>, vector<16xi32> -> vector<16xf32>
      %min3A_524 = arith.minimumf %min3A_517, %gather3A_523 : vector<16xf32>
      %xor3A_525 = arith.constant 2 : i32
      %xor3A_526 = vector.broadcast %xor3A_525 : i32 to vector<16xi32>
      %xor3A_527 = arith.xori %iota3A_510, %xor3A_526 : vector<16xi32>
      %reshape3A_528 = vector.shape_cast %xor3A_527 : vector<16xi32> to vector<16x1xi32>
      %gather3A_529 = vector.shape_cast %reshape3A_528 : vector<16x1xi32> to vector<16xi32>
      %gather3A_530 = tpu.dynamic_gather %min3A_524[%gather3A_529] in [0] : vector<16xf32>, vector<16xi32> -> vector<16xf32>
      %min3A_531 = arith.minimumf %min3A_524, %gather3A_530 : vector<16xf32>
      %xor3A_532 = arith.constant 1 : i32
      %xor3A_533 = vector.broadcast %xor3A_532 : i32 to vector<16xi32>
      %xor3A_534 = arith.xori %iota3A_510, %xor3A_533 : vector<16xi32>
      %reshape3A_535 = vector.shape_cast %xor3A_534 : vector<16xi32> to vector<16x1xi32>
      %gather3A_536 = vector.shape_cast %reshape3A_535 : vector<16x1xi32> to vector<16xi32>
      %gather3A_537 = tpu.dynamic_gather %min3A_531[%gather3A_536] in [0] : vector<16xf32>, vector<16xi32> -> vector<16xf32>
      %min3A_538 = arith.minimumf %min3A_531, %gather3A_537 : vector<16xf32>
      %mul3A_539 = arith.constant 16 : i32
      %mul3A_540 = arith.muli %while3A_158, %mul3A_539 : i32
      %add3A_541 = arith.constant 9 : i32
      %add3A_542 = arith.addi %mul3A_540, %add3A_541 : i32
      %lt3A_543 = arith.cmpi slt, %add3A_542, %convert_element_type3A_8 : i32
      %select_n3A_544 = arith.select %lt3A_543, %min3A_538, %broadcast_in_dim3A_187 : vector<16xf32>
      %max3A_545 = arith.maximumf %max3A_509, %select_n3A_544 : vector<16xf32>
      %iota3A_546 = tpu.iota {dimensions = array<i32: 0>} : vector<16xi32>
      %xor3A_547 = arith.constant 8 : i32
      %xor3A_548 = vector.broadcast %xor3A_547 : i32 to vector<16xi32>
      %xor3A_549 = arith.xori %iota3A_546, %xor3A_548 : vector<16xi32>
      %reshape3A_550 = vector.shape_cast %xor3A_549 : vector<16xi32> to vector<16x1xi32>
      %gather3A_551 = vector.shape_cast %reshape3A_550 : vector<16x1xi32> to vector<16xi32>
      %gather3A_552 = tpu.dynamic_gather %parallel_loop3A_185#10[%gather3A_551] in [0] : vector<16xf32>, vector<16xi32> -> vector<16xf32>
      %min3A_553 = arith.minimumf %parallel_loop3A_185#10, %gather3A_552 : vector<16xf32>
      %xor3A_554 = arith.constant 4 : i32
      %xor3A_555 = vector.broadcast %xor3A_554 : i32 to vector<16xi32>
      %xor3A_556 = arith.xori %iota3A_546, %xor3A_555 : vector<16xi32>
      %reshape3A_557 = vector.shape_cast %xor3A_556 : vector<16xi32> to vector<16x1xi32>
      %gather3A_558 = vector.shape_cast %reshape3A_557 : vector<16x1xi32> to vector<16xi32>
      %gather3A_559 = tpu.dynamic_gather %min3A_553[%gather3A_558] in [0] : vector<16xf32>, vector<16xi32> -> vector<16xf32>
      %min3A_560 = arith.minimumf %min3A_553, %gather3A_559 : vector<16xf32>
      %xor3A_561 = arith.constant 2 : i32
      %xor3A_562 = vector.broadcast %xor3A_561 : i32 to vector<16xi32>
      %xor3A_563 = arith.xori %iota3A_546, %xor3A_562 : vector<16xi32>
      %reshape3A_564 = vector.shape_cast %xor3A_563 : vector<16xi32> to vector<16x1xi32>
      %gather3A_565 = vector.shape_cast %reshape3A_564 : vector<16x1xi32> to vector<16xi32>
      %gather3A_566 = tpu.dynamic_gather %min3A_560[%gather3A_565] in [0] : vector<16xf32>, vector<16xi32> -> vector<16xf32>
      %min3A_567 = arith.minimumf %min3A_560, %gather3A_566 : vector<16xf32>
      %xor3A_568 = arith.constant 1 : i32
      %xor3A_569 = vector.broadcast %xor3A_568 : i32 to vector<16xi32>
      %xor3A_570 = arith.xori %iota3A_546, %xor3A_569 : vector<16xi32>
      %reshape3A_571 = vector.shape_cast %xor3A_570 : vector<16xi32> to vector<16x1xi32>
      %gather3A_572 = vector.shape_cast %reshape3A_571 : vector<16x1xi32> to vector<16xi32>
      %gather3A_573 = tpu.dynamic_gather %min3A_567[%gather3A_572] in [0] : vector<16xf32>, vector<16xi32> -> vector<16xf32>
      %min3A_574 = arith.minimumf %min3A_567, %gather3A_573 : vector<16xf32>
      %mul3A_575 = arith.constant 16 : i32
      %mul3A_576 = arith.muli %while3A_158, %mul3A_575 : i32
      %add3A_577 = arith.constant 10 : i32
      %add3A_578 = arith.addi %mul3A_576, %add3A_577 : i32
      %lt3A_579 = arith.cmpi slt, %add3A_578, %convert_element_type3A_8 : i32
      %select_n3A_580 = arith.select %lt3A_579, %min3A_574, %broadcast_in_dim3A_187 : vector<16xf32>
      %max3A_581 = arith.maximumf %max3A_545, %select_n3A_580 : vector<16xf32>
      %iota3A_582 = tpu.iota {dimensions = array<i32: 0>} : vector<16xi32>
      %xor3A_583 = arith.constant 8 : i32
      %xor3A_584 = vector.broadcast %xor3A_583 : i32 to vector<16xi32>
      %xor3A_585 = arith.xori %iota3A_582, %xor3A_584 : vector<16xi32>
      %reshape3A_586 = vector.shape_cast %xor3A_585 : vector<16xi32> to vector<16x1xi32>
      %gather3A_587 = vector.shape_cast %reshape3A_586 : vector<16x1xi32> to vector<16xi32>
      %gather3A_588 = tpu.dynamic_gather %parallel_loop3A_185#11[%gather3A_587] in [0] : vector<16xf32>, vector<16xi32> -> vector<16xf32>
      %min3A_589 = arith.minimumf %parallel_loop3A_185#11, %gather3A_588 : vector<16xf32>
      %xor3A_590 = arith.constant 4 : i32
      %xor3A_591 = vector.broadcast %xor3A_590 : i32 to vector<16xi32>
      %xor3A_592 = arith.xori %iota3A_582, %xor3A_591 : vector<16xi32>
      %reshape3A_593 = vector.shape_cast %xor3A_592 : vector<16xi32> to vector<16x1xi32>
      %gather3A_594 = vector.shape_cast %reshape3A_593 : vector<16x1xi32> to vector<16xi32>
      %gather3A_595 = tpu.dynamic_gather %min3A_589[%gather3A_594] in [0] : vector<16xf32>, vector<16xi32> -> vector<16xf32>
      %min3A_596 = arith.minimumf %min3A_589, %gather3A_595 : vector<16xf32>
      %xor3A_597 = arith.constant 2 : i32
      %xor3A_598 = vector.broadcast %xor3A_597 : i32 to vector<16xi32>
      %xor3A_599 = arith.xori %iota3A_582, %xor3A_598 : vector<16xi32>
      %reshape3A_600 = vector.shape_cast %xor3A_599 : vector<16xi32> to vector<16x1xi32>
      %gather3A_601 = vector.shape_cast %reshape3A_600 : vector<16x1xi32> to vector<16xi32>
      %gather3A_602 = tpu.dynamic_gather %min3A_596[%gather3A_601] in [0] : vector<16xf32>, vector<16xi32> -> vector<16xf32>
      %min3A_603 = arith.minimumf %min3A_596, %gather3A_602 : vector<16xf32>
      %xor3A_604 = arith.constant 1 : i32
      %xor3A_605 = vector.broadcast %xor3A_604 : i32 to vector<16xi32>
      %xor3A_606 = arith.xori %iota3A_582, %xor3A_605 : vector<16xi32>
      %reshape3A_607 = vector.shape_cast %xor3A_606 : vector<16xi32> to vector<16x1xi32>
      %gather3A_608 = vector.shape_cast %reshape3A_607 : vector<16x1xi32> to vector<16xi32>
      %gather3A_609 = tpu.dynamic_gather %min3A_603[%gather3A_608] in [0] : vector<16xf32>, vector<16xi32> -> vector<16xf32>
      %min3A_610 = arith.minimumf %min3A_603, %gather3A_609 : vector<16xf32>
      %mul3A_611 = arith.constant 16 : i32
      %mul3A_612 = arith.muli %while3A_158, %mul3A_611 : i32
      %add3A_613 = arith.constant 11 : i32
      %add3A_614 = arith.addi %mul3A_612, %add3A_613 : i32
      %lt3A_615 = arith.cmpi slt, %add3A_614, %convert_element_type3A_8 : i32
      %select_n3A_616 = arith.select %lt3A_615, %min3A_610, %broadcast_in_dim3A_187 : vector<16xf32>
      %max3A_617 = arith.maximumf %max3A_581, %select_n3A_616 : vector<16xf32>
      %iota3A_618 = tpu.iota {dimensions = array<i32: 0>} : vector<16xi32>
      %xor3A_619 = arith.constant 8 : i32
      %xor3A_620 = vector.broadcast %xor3A_619 : i32 to vector<16xi32>
      %xor3A_621 = arith.xori %iota3A_618, %xor3A_620 : vector<16xi32>
      %reshape3A_622 = vector.shape_cast %xor3A_621 : vector<16xi32> to vector<16x1xi32>
      %gather3A_623 = vector.shape_cast %reshape3A_622 : vector<16x1xi32> to vector<16xi32>
      %gather3A_624 = tpu.dynamic_gather %parallel_loop3A_185#12[%gather3A_623] in [0] : vector<16xf32>, vector<16xi32> -> vector<16xf32>
      %min3A_625 = arith.minimumf %parallel_loop3A_185#12, %gather3A_624 : vector<16xf32>
      %xor3A_626 = arith.constant 4 : i32
      %xor3A_627 = vector.broadcast %xor3A_626 : i32 to vector<16xi32>
      %xor3A_628 = arith.xori %iota3A_618, %xor3A_627 : vector<16xi32>
      %reshape3A_629 = vector.shape_cast %xor3A_628 : vector<16xi32> to vector<16x1xi32>
      %gather3A_630 = vector.shape_cast %reshape3A_629 : vector<16x1xi32> to vector<16xi32>
      %gather3A_631 = tpu.dynamic_gather %min3A_625[%gather3A_630] in [0] : vector<16xf32>, vector<16xi32> -> vector<16xf32>
      %min3A_632 = arith.minimumf %min3A_625, %gather3A_631 : vector<16xf32>
      %xor3A_633 = arith.constant 2 : i32
      %xor3A_634 = vector.broadcast %xor3A_633 : i32 to vector<16xi32>
      %xor3A_635 = arith.xori %iota3A_618, %xor3A_634 : vector<16xi32>
      %reshape3A_636 = vector.shape_cast %xor3A_635 : vector<16xi32> to vector<16x1xi32>
      %gather3A_637 = vector.shape_cast %reshape3A_636 : vector<16x1xi32> to vector<16xi32>
      %gather3A_638 = tpu.dynamic_gather %min3A_632[%gather3A_637] in [0] : vector<16xf32>, vector<16xi32> -> vector<16xf32>
      %min3A_639 = arith.minimumf %min3A_632, %gather3A_638 : vector<16xf32>
      %xor3A_640 = arith.constant 1 : i32
      %xor3A_641 = vector.broadcast %xor3A_640 : i32 to vector<16xi32>
      %xor3A_642 = arith.xori %iota3A_618, %xor3A_641 : vector<16xi32>
      %reshape3A_643 = vector.shape_cast %xor3A_642 : vector<16xi32> to vector<16x1xi32>
      %gather3A_644 = vector.shape_cast %reshape3A_643 : vector<16x1xi32> to vector<16xi32>
      %gather3A_645 = tpu.dynamic_gather %min3A_639[%gather3A_644] in [0] : vector<16xf32>, vector<16xi32> -> vector<16xf32>
      %min3A_646 = arith.minimumf %min3A_639, %gather3A_645 : vector<16xf32>
      %mul3A_647 = arith.constant 16 : i32
      %mul3A_648 = arith.muli %while3A_158, %mul3A_647 : i32
      %add3A_649 = arith.constant 12 : i32
      %add3A_650 = arith.addi %mul3A_648, %add3A_649 : i32
      %lt3A_651 = arith.cmpi slt, %add3A_650, %convert_element_type3A_8 : i32
      %select_n3A_652 = arith.select %lt3A_651, %min3A_646, %broadcast_in_dim3A_187 : vector<16xf32>
      %max3A_653 = arith.maximumf %max3A_617, %select_n3A_652 : vector<16xf32>
      %iota3A_654 = tpu.iota {dimensions = array<i32: 0>} : vector<16xi32>
      %xor3A_655 = arith.constant 8 : i32
      %xor3A_656 = vector.broadcast %xor3A_655 : i32 to vector<16xi32>
      %xor3A_657 = arith.xori %iota3A_654, %xor3A_656 : vector<16xi32>
      %reshape3A_658 = vector.shape_cast %xor3A_657 : vector<16xi32> to vector<16x1xi32>
      %gather3A_659 = vector.shape_cast %reshape3A_658 : vector<16x1xi32> to vector<16xi32>
      %gather3A_660 = tpu.dynamic_gather %parallel_loop3A_185#13[%gather3A_659] in [0] : vector<16xf32>, vector<16xi32> -> vector<16xf32>
      %min3A_661 = arith.minimumf %parallel_loop3A_185#13, %gather3A_660 : vector<16xf32>
      %xor3A_662 = arith.constant 4 : i32
      %xor3A_663 = vector.broadcast %xor3A_662 : i32 to vector<16xi32>
      %xor3A_664 = arith.xori %iota3A_654, %xor3A_663 : vector<16xi32>
      %reshape3A_665 = vector.shape_cast %xor3A_664 : vector<16xi32> to vector<16x1xi32>
      %gather3A_666 = vector.shape_cast %reshape3A_665 : vector<16x1xi32> to vector<16xi32>
      %gather3A_667 = tpu.dynamic_gather %min3A_661[%gather3A_666] in [0] : vector<16xf32>, vector<16xi32> -> vector<16xf32>
      %min3A_668 = arith.minimumf %min3A_661, %gather3A_667 : vector<16xf32>
      %xor3A_669 = arith.constant 2 : i32
      %xor3A_670 = vector.broadcast %xor3A_669 : i32 to vector<16xi32>
      %xor3A_671 = arith.xori %iota3A_654, %xor3A_670 : vector<16xi32>
      %reshape3A_672 = vector.shape_cast %xor3A_671 : vector<16xi32> to vector<16x1xi32>
      %gather3A_673 = vector.shape_cast %reshape3A_672 : vector<16x1xi32> to vector<16xi32>
      %gather3A_674 = tpu.dynamic_gather %min3A_668[%gather3A_673] in [0] : vector<16xf32>, vector<16xi32> -> vector<16xf32>
      %min3A_675 = arith.minimumf %min3A_668, %gather3A_674 : vector<16xf32>
      %xor3A_676 = arith.constant 1 : i32
      %xor3A_677 = vector.broadcast %xor3A_676 : i32 to vector<16xi32>
      %xor3A_678 = arith.xori %iota3A_654, %xor3A_677 : vector<16xi32>
      %reshape3A_679 = vector.shape_cast %xor3A_678 : vector<16xi32> to vector<16x1xi32>
      %gather3A_680 = vector.shape_cast %reshape3A_679 : vector<16x1xi32> to vector<16xi32>
      %gather3A_681 = tpu.dynamic_gather %min3A_675[%gather3A_680] in [0] : vector<16xf32>, vector<16xi32> -> vector<16xf32>
      %min3A_682 = arith.minimumf %min3A_675, %gather3A_681 : vector<16xf32>
      %mul3A_683 = arith.constant 16 : i32
      %mul3A_684 = arith.muli %while3A_158, %mul3A_683 : i32
      %add3A_685 = arith.constant 13 : i32
      %add3A_686 = arith.addi %mul3A_684, %add3A_685 : i32
      %lt3A_687 = arith.cmpi slt, %add3A_686, %convert_element_type3A_8 : i32
      %select_n3A_688 = arith.select %lt3A_687, %min3A_682, %broadcast_in_dim3A_187 : vector<16xf32>
      %max3A_689 = arith.maximumf %max3A_653, %select_n3A_688 : vector<16xf32>
      %iota3A_690 = tpu.iota {dimensions = array<i32: 0>} : vector<16xi32>
      %xor3A_691 = arith.constant 8 : i32
      %xor3A_692 = vector.broadcast %xor3A_691 : i32 to vector<16xi32>
      %xor3A_693 = arith.xori %iota3A_690, %xor3A_692 : vector<16xi32>
      %reshape3A_694 = vector.shape_cast %xor3A_693 : vector<16xi32> to vector<16x1xi32>
      %gather3A_695 = vector.shape_cast %reshape3A_694 : vector<16x1xi32> to vector<16xi32>
      %gather3A_696 = tpu.dynamic_gather %parallel_loop3A_185#14[%gather3A_695] in [0] : vector<16xf32>, vector<16xi32> -> vector<16xf32>
      %min3A_697 = arith.minimumf %parallel_loop3A_185#14, %gather3A_696 : vector<16xf32>
      %xor3A_698 = arith.constant 4 : i32
      %xor3A_699 = vector.broadcast %xor3A_698 : i32 to vector<16xi32>
      %xor3A_700 = arith.xori %iota3A_690, %xor3A_699 : vector<16xi32>
      %reshape3A_701 = vector.shape_cast %xor3A_700 : vector<16xi32> to vector<16x1xi32>
      %gather3A_702 = vector.shape_cast %reshape3A_701 : vector<16x1xi32> to vector<16xi32>
      %gather3A_703 = tpu.dynamic_gather %min3A_697[%gather3A_702] in [0] : vector<16xf32>, vector<16xi32> -> vector<16xf32>
      %min3A_704 = arith.minimumf %min3A_697, %gather3A_703 : vector<16xf32>
      %xor3A_705 = arith.constant 2 : i32
      %xor3A_706 = vector.broadcast %xor3A_705 : i32 to vector<16xi32>
      %xor3A_707 = arith.xori %iota3A_690, %xor3A_706 : vector<16xi32>
      %reshape3A_708 = vector.shape_cast %xor3A_707 : vector<16xi32> to vector<16x1xi32>
      %gather3A_709 = vector.shape_cast %reshape3A_708 : vector<16x1xi32> to vector<16xi32>
      %gather3A_710 = tpu.dynamic_gather %min3A_704[%gather3A_709] in [0] : vector<16xf32>, vector<16xi32> -> vector<16xf32>
      %min3A_711 = arith.minimumf %min3A_704, %gather3A_710 : vector<16xf32>
      %xor3A_712 = arith.constant 1 : i32
      %xor3A_713 = vector.broadcast %xor3A_712 : i32 to vector<16xi32>
      %xor3A_714 = arith.xori %iota3A_690, %xor3A_713 : vector<16xi32>
      %reshape3A_715 = vector.shape_cast %xor3A_714 : vector<16xi32> to vector<16x1xi32>
      %gather3A_716 = vector.shape_cast %reshape3A_715 : vector<16x1xi32> to vector<16xi32>
      %gather3A_717 = tpu.dynamic_gather %min3A_711[%gather3A_716] in [0] : vector<16xf32>, vector<16xi32> -> vector<16xf32>
      %min3A_718 = arith.minimumf %min3A_711, %gather3A_717 : vector<16xf32>
      %mul3A_719 = arith.constant 16 : i32
      %mul3A_720 = arith.muli %while3A_158, %mul3A_719 : i32
      %add3A_721 = arith.constant 14 : i32
      %add3A_722 = arith.addi %mul3A_720, %add3A_721 : i32
      %lt3A_723 = arith.cmpi slt, %add3A_722, %convert_element_type3A_8 : i32
      %select_n3A_724 = arith.select %lt3A_723, %min3A_718, %broadcast_in_dim3A_187 : vector<16xf32>
      %max3A_725 = arith.maximumf %max3A_689, %select_n3A_724 : vector<16xf32>
      %iota3A_726 = tpu.iota {dimensions = array<i32: 0>} : vector<16xi32>
      %xor3A_727 = arith.constant 8 : i32
      %xor3A_728 = vector.broadcast %xor3A_727 : i32 to vector<16xi32>
      %xor3A_729 = arith.xori %iota3A_726, %xor3A_728 : vector<16xi32>
      %reshape3A_730 = vector.shape_cast %xor3A_729 : vector<16xi32> to vector<16x1xi32>
      %gather3A_731 = vector.shape_cast %reshape3A_730 : vector<16x1xi32> to vector<16xi32>
      %gather3A_732 = tpu.dynamic_gather %parallel_loop3A_185#15[%gather3A_731] in [0] : vector<16xf32>, vector<16xi32> -> vector<16xf32>
      %min3A_733 = arith.minimumf %parallel_loop3A_185#15, %gather3A_732 : vector<16xf32>
      %xor3A_734 = arith.constant 4 : i32
      %xor3A_735 = vector.broadcast %xor3A_734 : i32 to vector<16xi32>
      %xor3A_736 = arith.xori %iota3A_726, %xor3A_735 : vector<16xi32>
      %reshape3A_737 = vector.shape_cast %xor3A_736 : vector<16xi32> to vector<16x1xi32>
      %gather3A_738 = vector.shape_cast %reshape3A_737 : vector<16x1xi32> to vector<16xi32>
      %gather3A_739 = tpu.dynamic_gather %min3A_733[%gather3A_738] in [0] : vector<16xf32>, vector<16xi32> -> vector<16xf32>
      %min3A_740 = arith.minimumf %min3A_733, %gather3A_739 : vector<16xf32>
      %xor3A_741 = arith.constant 2 : i32
      %xor3A_742 = vector.broadcast %xor3A_741 : i32 to vector<16xi32>
      %xor3A_743 = arith.xori %iota3A_726, %xor3A_742 : vector<16xi32>
      %reshape3A_744 = vector.shape_cast %xor3A_743 : vector<16xi32> to vector<16x1xi32>
      %gather3A_745 = vector.shape_cast %reshape3A_744 : vector<16x1xi32> to vector<16xi32>
      %gather3A_746 = tpu.dynamic_gather %min3A_740[%gather3A_745] in [0] : vector<16xf32>, vector<16xi32> -> vector<16xf32>
      %min3A_747 = arith.minimumf %min3A_740, %gather3A_746 : vector<16xf32>
      %xor3A_748 = arith.constant 1 : i32
      %xor3A_749 = vector.broadcast %xor3A_748 : i32 to vector<16xi32>
      %xor3A_750 = arith.xori %iota3A_726, %xor3A_749 : vector<16xi32>
      %reshape3A_751 = vector.shape_cast %xor3A_750 : vector<16xi32> to vector<16x1xi32>
      %gather3A_752 = vector.shape_cast %reshape3A_751 : vector<16x1xi32> to vector<16xi32>
      %gather3A_753 = tpu.dynamic_gather %min3A_747[%gather3A_752] in [0] : vector<16xf32>, vector<16xi32> -> vector<16xf32>
      %min3A_754 = arith.minimumf %min3A_747, %gather3A_753 : vector<16xf32>
      %mul3A_755 = arith.constant 16 : i32
      %mul3A_756 = arith.muli %while3A_158, %mul3A_755 : i32
      %add3A_757 = arith.constant 15 : i32
      %add3A_758 = arith.addi %mul3A_756, %add3A_757 : i32
      %lt3A_759 = arith.cmpi slt, %add3A_758, %convert_element_type3A_8 : i32
      %select_n3A_760 = arith.select %lt3A_759, %min3A_754, %broadcast_in_dim3A_187 : vector<16xf32>
      %max3A_761 = arith.maximumf %max3A_725, %select_n3A_760 : vector<16xf32>
      scf.yield %max3A_761 : vector<16xf32>
    }
    %gt3A = arith.constant 0 : i32
    %gt3A_79 = arith.cmpi sgt, %convert_element_type3A_8, %gt3A : i32
    %add3A_80 = arith.constant 15 : i32
    %add3A_81 = arith.addi %convert_element_type3A_11, %add3A_80 : i32
    %jit3A_82 = arith.constant 16 : i32
    %div3A_83 = arith.divsi %add3A_81, %jit3A_82 : i32
    %sign3A_84 = arith.constant 0 : i32
    %sign3A_85 = arith.cmpi sgt, %add3A_81, %sign3A_84 : i32
    %sign3A_86 = arith.extui %sign3A_85 : i1 to i32
    %sign3A_87 = arith.constant 0 : i32
    %sign3A_88 = arith.cmpi slt, %add3A_81, %sign3A_87 : i32
    %sign3A_89 = arith.extui %sign3A_88 : i1 to i32
    %sign3A_90 = arith.subi %sign3A_86, %sign3A_89 : i32
    %sign3A_91 = arith.constant 0 : i32
    %sign3A_92 = arith.cmpi sgt, %jit3A_82, %sign3A_91 : i32
    %sign3A_93 = arith.extui %sign3A_92 : i1 to i32
    %sign3A_94 = arith.constant 0 : i32
    %sign3A_95 = arith.cmpi slt, %jit3A_82, %sign3A_94 : i32
    %sign3A_96 = arith.extui %sign3A_95 : i1 to i32
    %sign3A_97 = arith.subi %sign3A_93, %sign3A_96 : i32
    %ne3A_98 = arith.cmpi ne, %sign3A_90, %sign3A_97 : i32
    %rem3A_99 = arith.remsi %add3A_81, %jit3A_82 : i32
    %ne3A_100 = arith.constant 0 : i32
    %ne3A_101 = arith.cmpi ne, %rem3A_99, %ne3A_100 : i32
    %and3A_102 = arith.andi %ne3A_98, %ne3A_101 : i1
    %sub3A_103 = arith.constant 1 : i32
    %sub3A_104 = arith.subi %div3A_83, %sub3A_103 : i32
    %select_n3A_105 = arith.select %and3A_102, %sub3A_104, %div3A_83 : i32
    %jit3A_106 = arith.constant 0 : i32
    %select_n3A_107 = arith.select %gt3A_79, %select_n3A_105, %jit3A_106 : i32
    %broadcast_in_dim3A_108 = arith.constant -1.000000e+30 : f32
    %broadcast_in_dim3A_109 = vector.broadcast %broadcast_in_dim3A_108 : f32 to vector<16xf32>
    %while3A_110 = arith.constant 0 : i32
    %while3A_111 = arith.subi %select_n3A_107, %while3A_110 : i32
    %while3A_112 = arith.addi %while3A_110, %while3A_111 : i32
    %while3A_113 = arith.constant 1 : i32
    %while3A_114 = arith.divsi %while3A_111, %while3A_113 : i32
    %while3A_115 = arith.muli %while3A_114, %while3A_113 : i32
    %while3A_116 = arith.addi %while3A_110, %while3A_115 : i32
    %while3A_117 = arith.constant 1 : i32
    %while3A_118 = scf.for %while3A_158 = %while3A_110 to %while3A_116 step %while3A_117 iter_args(%while3A_159 = %broadcast_in_dim3A_109) -> (vector<16xf32>)  : i32 {
      %mul3A_160 = arith.constant 16 : i32
      %mul3A_161 = arith.muli %while3A_158, %mul3A_160 : i32
      %get3A_162 = arith.index_cast %mul3A_161 : i32 to index
      %get3A_163 = tpu.vector_load %arg9[%get3A_162] {strides = array<i32>} : memref<512xf32, #tpu.memory_space<vmem>>, vector<16xf32>,
      %get3A_164 = vector.shape_cast %get3A_163 : vector<16xf32> to vector<16xf32>
      %mul3A_165 = arith.constant 16 : i32
      %mul3A_166 = arith.muli %while3A_158, %mul3A_165 : i32
      %add3A_167 = vector.broadcast %mul3A_166 : i32 to vector<16xi32>
      %add3A_168 = arith.addi %iota3A, %add3A_167 : vector<16xi32>
      %lt3A = vector.broadcast %convert_element_type3A_11 : i32 to vector<16xi32>
      %lt3A_169 = arith.cmpi slt, %add3A_168, %lt3A : vector<16xi32>
      %jit3A_170 = arith.constant -1.000000e+30 : f32
      %broadcast_in_dim3A_171 = vector.broadcast %jit3A_170 : f32 to vector<16xf32>
      %select_n3A_172 = arith.select %lt3A_169, %get3A_164, %broadcast_in_dim3A_171 : vector<16xi1>, vector<16xf32>
      %max3A_173 = arith.maximumf %while3A_159, %select_n3A_172 : vector<16xf32>
      scf.yield %max3A_173 : vector<16xf32>
    }
    %while3A_119 = arith.constant 1 : i32
    %while3A_120 = scf.for %while3A_158 = %while3A_116 to %while3A_112 step %while3A_119 iter_args(%while3A_159 = %while3A_118) -> (vector<16xf32>)  : i32 {
      %mul3A_160 = arith.constant 16 : i32
      %mul3A_161 = arith.muli %while3A_158, %mul3A_160 : i32
      %get3A_162 = arith.index_cast %mul3A_161 : i32 to index
      %get3A_163 = tpu.vector_load %arg9[%get3A_162] {strides = array<i32>} : memref<512xf32, #tpu.memory_space<vmem>>, vector<16xf32>,
      %get3A_164 = vector.shape_cast %get3A_163 : vector<16xf32> to vector<16xf32>
      %mul3A_165 = arith.constant 16 : i32
      %mul3A_166 = arith.muli %while3A_158, %mul3A_165 : i32
      %add3A_167 = vector.broadcast %mul3A_166 : i32 to vector<16xi32>
      %add3A_168 = arith.addi %iota3A, %add3A_167 : vector<16xi32>
      %lt3A = vector.broadcast %convert_element_type3A_11 : i32 to vector<16xi32>
      %lt3A_169 = arith.cmpi slt, %add3A_168, %lt3A : vector<16xi32>
      %jit3A_170 = arith.constant -1.000000e+30 : f32
      %broadcast_in_dim3A_171 = vector.broadcast %jit3A_170 : f32 to vector<16xf32>
      %select_n3A_172 = arith.select %lt3A_169, %get3A_164, %broadcast_in_dim3A_171 : vector<16xi1>, vector<16xf32>
      %max3A_173 = arith.maximumf %while3A_159, %select_n3A_172 : vector<16xf32>
      scf.yield %max3A_173 : vector<16xf32>
    }
    %iota3A_121 = tpu.iota {dimensions = array<i32: 0>} : vector<16xi32>
    %xor3A = arith.constant 8 : i32
    %xor3A_122 = vector.broadcast %xor3A : i32 to vector<16xi32>
    %xor3A_123 = arith.xori %iota3A_121, %xor3A_122 : vector<16xi32>
    %reshape3A = vector.shape_cast %xor3A_123 : vector<16xi32> to vector<16x1xi32>
    %gather3A = vector.shape_cast %reshape3A : vector<16x1xi32> to vector<16xi32>
    %gather3A_124 = tpu.dynamic_gather %while3A_120[%gather3A] in [0] : vector<16xf32>, vector<16xi32> -> vector<16xf32>
    %max3A = arith.maximumf %while3A_120, %gather3A_124 : vector<16xf32>
    %xor3A_125 = arith.constant 4 : i32
    %xor3A_126 = vector.broadcast %xor3A_125 : i32 to vector<16xi32>
    %xor3A_127 = arith.xori %iota3A_121, %xor3A_126 : vector<16xi32>
    %reshape3A_128 = vector.shape_cast %xor3A_127 : vector<16xi32> to vector<16x1xi32>
    %gather3A_129 = vector.shape_cast %reshape3A_128 : vector<16x1xi32> to vector<16xi32>
    %gather3A_130 = tpu.dynamic_gather %max3A[%gather3A_129] in [0] : vector<16xf32>, vector<16xi32> -> vector<16xf32>
    %max3A_131 = arith.maximumf %max3A, %gather3A_130 : vector<16xf32>
    %xor3A_132 = arith.constant 2 : i32
    %xor3A_133 = vector.broadcast %xor3A_132 : i32 to vector<16xi32>
    %xor3A_134 = arith.xori %iota3A_121, %xor3A_133 : vector<16xi32>
    %reshape3A_135 = vector.shape_cast %xor3A_134 : vector<16xi32> to vector<16x1xi32>
    %gather3A_136 = vector.shape_cast %reshape3A_135 : vector<16x1xi32> to vector<16xi32>
    %gather3A_137 = tpu.dynamic_gather %max3A_131[%gather3A_136] in [0] : vector<16xf32>, vector<16xi32> -> vector<16xf32>
    %max3A_138 = arith.maximumf %max3A_131, %gather3A_137 : vector<16xf32>
    %xor3A_139 = arith.constant 1 : i32
    %xor3A_140 = vector.broadcast %xor3A_139 : i32 to vector<16xi32>
    %xor3A_141 = arith.xori %iota3A_121, %xor3A_140 : vector<16xi32>
    %reshape3A_142 = vector.shape_cast %xor3A_141 : vector<16xi32> to vector<16x1xi32>
    %gather3A_143 = vector.shape_cast %reshape3A_142 : vector<16x1xi32> to vector<16xi32>
    %gather3A_144 = tpu.dynamic_gather %max3A_138[%gather3A_143] in [0] : vector<16xf32>, vector<16xi32> -> vector<16xf32>
    %max3A_145 = arith.maximumf %max3A_138, %gather3A_144 : vector<16xf32>
    %max3A_146 = arith.constant 0.000000e+00 : f32
    %max3A_147 = vector.broadcast %max3A_146 : f32 to vector<16xf32>
    %max3A_148 = arith.maximumf %max3A_145, %max3A_147 : vector<16xf32>
    %max3A_149 = arith.maximumf %while3A_78, %max3A_148 : vector<16xf32>
    %eq3A = arith.constant 0 : i32
    %eq3A_150 = vector.broadcast %eq3A : i32 to vector<16xi32>
    %eq3A_151 = arith.cmpi eq, %iota3A, %eq3A_150 : vector<16xi32>
    %jit3A_152 = arith.constant 0.000000e+00 : f32
    %broadcast_in_dim3A_153 = vector.broadcast %jit3A_152 : f32 to vector<16xf32>
    %select_n3A_154 = arith.select %eq3A_151, %max3A_149, %broadcast_in_dim3A_153 : vector<16xi1>, vector<16xf32>
    %swap3A = arith.constant 0 : index
    %swap3A_155 = tpu.vector_load %arg10[%swap3A] {strides = array<i32>} : memref<16xf32, #tpu.memory_space<vmem>>, vector<16xf32>,
    %swap3A_156 = vector.shape_cast %swap3A_155 : vector<16xf32> to vector<16xf32>
    %swap3A_157 = vector.shape_cast %select_n3A_154 : vector<16xf32> to vector<16xf32>
    tpu.vector_store %arg10[%swap3A], %swap3A_157 {strides = array<i32>} : memref<16xf32, #tpu.memory_space<vmem>>, vector<16xf32>,
    "tpu.region"() ({
      %run_scoped3A = tpu.sem_alloc : memref<!tpu.dma_semaphore, #tpu.memory_space<semaphore_mem>>
      %dma_start3A = arith.constant 0 : i32
      %dma_start3A_158 = tpu.memref_slice %arg5[%add3A, %dma_start3A] : memref<32x16xf32, #tpu.memory_space<hbm>> -> memref<1x16xf32, #tpu.memory_space<hbm>>
      %dma_start3A_159 = tpu.memref_squeeze %dma_start3A_158 : memref<1x16xf32, #tpu.memory_space<hbm>> -> memref<16xf32, #tpu.memory_space<hbm>>
      %dma_start3A_160 = arith.constant 0 : i32
      %dma_start3A_161 = tpu.memref_slice %arg5[%add3A, %dma_start3A_160] : memref<32x16xf32, #tpu.memory_space<hbm>> -> memref<1x16xf32, #tpu.memory_space<hbm>>
      %dma_start3A_162 = tpu.memref_squeeze %dma_start3A_161 : memref<1x16xf32, #tpu.memory_space<hbm>> -> memref<16xf32, #tpu.memory_space<hbm>>
      tpu.enqueue_dma source(%arg10 : memref<16xf32, #tpu.memory_space<vmem>>) target(%dma_start3A_162 : memref<16xf32, #tpu.memory_space<hbm>>) target_semaphore(%run_scoped3A : memref<!tpu.dma_semaphore, #tpu.memory_space<semaphore_mem>>)
      %dma_wait3A = arith.constant 0 : i32
      %dma_wait3A_163 = tpu.memref_slice %arg5[%add3A, %dma_wait3A] : memref<32x16xf32, #tpu.memory_space<hbm>> -> memref<1x16xf32, #tpu.memory_space<hbm>>
      %dma_wait3A_164 = tpu.memref_squeeze %dma_wait3A_163 : memref<1x16xf32, #tpu.memory_space<hbm>> -> memref<16xf32, #tpu.memory_space<hbm>>
      %dma_wait3A_165 = arith.constant 0 : i32
      %dma_wait3A_166 = tpu.memref_slice %arg5[%add3A, %dma_wait3A_165] : memref<32x16xf32, #tpu.memory_space<hbm>> -> memref<1x16xf32, #tpu.memory_space<hbm>>
      %dma_wait3A_167 = tpu.memref_squeeze %dma_wait3A_166 : memref<1x16xf32, #tpu.memory_space<hbm>> -> memref<16xf32, #tpu.memory_space<hbm>>
      tpu.wait_dma2 semaphore(%run_scoped3A : memref<!tpu.dma_semaphore, #tpu.memory_space<semaphore_mem>>) src(%arg10 : memref<16xf32, #tpu.memory_space<vmem>>) dst(%dma_wait3A_167 : memref<16xf32, #tpu.memory_space<hbm>>)
      tpu.yield
    }) : () -> ()
    return
  }
}

module attributes {stable_mosaic.version = 14 : i64} {
  func.func @_tc_body(%arg0: i32, %arg1: memref<6xi32, #tpu.memory_space<smem>>, %arg2: memref<8xi32, #tpu.memory_space<smem>>, %arg3: memref<1x512x3xf32, #tpu.memory_space<vmem>>, %arg4: memref<4096x3xf32, #tpu.memory_space<vmem>>, %arg5: memref<1x8x8x128xf32, #tpu.memory_space<vmem>>) attributes {dimension_semantics = [#tpu.dimension_semantics<arbitrary>], iteration_bounds = array<i64: 6>, scalar_prefetch = 0 : i64, scratch_operands = 0 : i64, tpu.core_type = #tpu.core_type<tc>, window_params = [{transform_indices = @transform_0, window_bounds = array<i64: 6>}, {transform_indices = @transform_1, window_bounds = array<i64: 8>}, {transform_indices = @transform_2, window_bounds = array<i64: 1, 512, 3>}, {pipeline_mode = #tpu.pipeline_mode<synchronous>, transform_indices = @transform_3, window_bounds = array<i64: 4096, 3>}, {transform_indices = @transform_4, window_bounds = array<i64: 1, 8, 8, 128>}]} {
    %get3A = arith.constant 0 : index
    %get3A_0 = arith.constant 0 : index
    %get3A_1 = arith.constant 0 : index
    %get3A_2 = vector.load %arg3[%get3A, %get3A_0, %get3A_1] : memref<1x512x3xf32, #tpu.memory_space<vmem>>, vector<1x512x3xf32>
    %get3A_3 = vector.shape_cast %get3A_2 : vector<1x512x3xf32> to vector<512x3xf32>
    %get3A_4 = arith.constant 0 : index
    %get3A_5 = arith.constant 0 : index
    %get3A_6 = vector.load %arg4[%get3A_4, %get3A_5] : memref<4096x3xf32, #tpu.memory_space<vmem>>, vector<4096x3xf32>
    %mul3A = arith.mulf %get3A_3, %get3A_3 : vector<512x3xf32>
    %reduce_sum3A = arith.constant dense<0.000000e+00> : vector<512xf32>
    %reduce_sum3A_7 = vector.multi_reduction <add>, %mul3A, %reduce_sum3A [1] : vector<512x3xf32> to vector<512xf32>
    %broadcast_in_dim3A = vector.shape_cast %reduce_sum3A_7 : vector<512xf32> to vector<512x1xf32>
    %mul3A_8 = arith.mulf %get3A_6, %get3A_6 : vector<4096x3xf32>
    %reduce_sum3A_9 = arith.constant dense<0.000000e+00> : vector<4096xf32>
    %reduce_sum3A_10 = vector.multi_reduction <add>, %mul3A_8, %reduce_sum3A_9 [1] : vector<4096x3xf32> to vector<4096xf32>
    %broadcast_in_dim3A_11 = vector.shape_cast %reduce_sum3A_10 : vector<4096xf32> to vector<4096x1xf32>
    %concatenate3A = tpu.concatenate %get3A_6, %broadcast_in_dim3A_11 in 1 : vector<4096x3xf32>, vector<4096x1xf32> -> vector<4096x4xf32>
    %mul3A_12 = arith.constant -2.000000e+00 : f32
    %mul3A_13 = vector.broadcast %mul3A_12 : f32 to vector<512x3xf32>
    %mul3A_14 = arith.mulf %mul3A_13, %get3A_3 : vector<512x3xf32>
    %broadcast_in_dim3A_15 = arith.constant 1.000000e+00 : f32
    %broadcast_in_dim3A_16 = vector.broadcast %broadcast_in_dim3A_15 : f32 to vector<512x1xf32>
    %concatenate3A_17 = tpu.concatenate %mul3A_14, %broadcast_in_dim3A_16 in 1 : vector<512x3xf32>, vector<512x1xf32> -> vector<512x4xf32>
    %dot_general3A = arith.constant dense<0.000000e+00> : vector<512x4096xf32>
    %dot_general3A_18 = tpu.matmul %concatenate3A_17, %concatenate3A, %dot_general3A {dimension_numbers = #tpu.dot_dimension_numbers<[1], [1], [0], [0], [0, 0, 1, 0], [], []>, transpose_lhs_hint = false} : vector<512x4xf32>, vector<4096x4xf32>, vector<512x4096xf32> -> vector<512x4096xf32>
    %add3A = vector.broadcast %broadcast_in_dim3A : vector<512x1xf32> to vector<512x4096xf32>
    %add3A_19 = arith.addf %add3A, %dot_general3A_18 : vector<512x4096xf32>
    %get3A_20 = arith.index_cast %arg0 : i32 to index
    %get3A_21 = memref.load %arg1[%get3A_20] : memref<6xi32, #tpu.memory_space<smem>>
    %iota3A = tpu.iota {dimensions = array<i32: 0>} : vector<512x1xi32>
    %lt3A = vector.broadcast %get3A_21 : i32 to vector<512x1xi32>
    %lt3A_22 = arith.cmpi slt, %iota3A, %lt3A : vector<512x1xi32>
    %iota3A_23 = tpu.iota {dimensions = array<i32: 1>} : vector<1x512xi32>
    %slice3A = vector.extract_strided_slice %add3A_19 {offsets = [0, 0], sizes = [512, 512], strides = [1, 1]} : vector<512x4096xf32> to vector<512x512xf32>
    %get3A_24 = arith.constant 0 : index
    %get3A_25 = memref.load %arg2[%get3A_24] : memref<8xi32, #tpu.memory_space<smem>>
    %reduce_min3A = arith.constant dense<0x7F800000> : vector<512xf32>
    %reduce_min3A_26 = vector.multi_reduction <minimumf>, %slice3A, %reduce_min3A [1] : vector<512x512xf32> to vector<512xf32>
    %broadcast_in_dim3A_27 = vector.shape_cast %reduce_min3A_26 : vector<512xf32> to vector<512x1xf32>
    %reduce_min3A_28 = arith.constant dense<0x7F800000> : vector<512xf32>
    %reduce_min3A_29 = vector.multi_reduction <minimumf>, %slice3A, %reduce_min3A_28 [0] : vector<512x512xf32> to vector<512xf32>
    %broadcast_in_dim3A_30 = vector.shape_cast %reduce_min3A_29 : vector<512xf32> to vector<1x512xf32>
    %jit3A = arith.constant -1.000000e+30 : f32
    %broadcast_in_dim3A_31 = vector.broadcast %jit3A : f32 to vector<512x1xf32>
    %select_n3A = arith.select %lt3A_22, %broadcast_in_dim3A_27, %broadcast_in_dim3A_31 : vector<512x1xi1>, vector<512x1xf32>
    %reduce_max3A = vector.shape_cast %select_n3A : vector<512x1xf32> to vector<1x512x1xf32>
    %reduce_max3A_32 = arith.constant dense<0xFF800000> : vector<1xf32>
    %reduce_max3A_33 = vector.multi_reduction <maximumf>, %reduce_max3A, %reduce_max3A_32 [1, 2] : vector<1x512x1xf32> to vector<1xf32>
    %reduce_max3A_34 = vector.shape_cast %reduce_max3A_33 : vector<1xf32> to vector<1x1x1xf32>
    %reduce_max3A_35 = vector.extract %reduce_max3A_34[0, 0, 0] : f32 from vector<1x1x1xf32>
    %lt3A_36 = vector.broadcast %get3A_25 : i32 to vector<1x512xi32>
    %lt3A_37 = arith.cmpi slt, %iota3A_23, %lt3A_36 : vector<1x512xi32>
    %jit3A_38 = arith.constant -1.000000e+30 : f32
    %broadcast_in_dim3A_39 = vector.broadcast %jit3A_38 : f32 to vector<1x512xf32>
    %select_n3A_40 = arith.select %lt3A_37, %broadcast_in_dim3A_30, %broadcast_in_dim3A_39 : vector<1x512xi1>, vector<1x512xf32>
    %reduce_max3A_41 = vector.shape_cast %select_n3A_40 : vector<1x512xf32> to vector<1x1x512xf32>
    %reduce_max3A_42 = arith.constant dense<0xFF800000> : vector<1xf32>
    %reduce_max3A_43 = vector.multi_reduction <maximumf>, %reduce_max3A_41, %reduce_max3A_42 [1, 2] : vector<1x1x512xf32> to vector<1xf32>
    %reduce_max3A_44 = vector.shape_cast %reduce_max3A_43 : vector<1xf32> to vector<1x1x1xf32>
    %reduce_max3A_45 = vector.extract %reduce_max3A_44[0, 0, 0] : f32 from vector<1x1x1xf32>
    %max3A = arith.maximumf %reduce_max3A_35, %reduce_max3A_45 : f32
    %broadcast_in_dim3A_46 = vector.broadcast %max3A : f32 to vector<8x128xf32>
    %swap3A = arith.constant 0 : index
    %swap3A_47 = arith.constant 0 : index
    %swap3A_48 = arith.constant 0 : index
    %swap3A_49 = arith.constant 0 : index
    %swap3A_50 = vector.load %arg5[%swap3A, %swap3A_47, %swap3A_48, %swap3A_49] : memref<1x8x8x128xf32, #tpu.memory_space<vmem>>, vector<1x1x8x128xf32>
    %swap3A_51 = vector.shape_cast %swap3A_50 : vector<1x1x8x128xf32> to vector<8x128xf32>
    %swap3A_52 = vector.shape_cast %broadcast_in_dim3A_46 : vector<8x128xf32> to vector<1x1x8x128xf32>
    tpu.vector_store %arg5[%swap3A, %swap3A_47, %swap3A_48, %swap3A_49], %swap3A_52 {strides = array<i32>} : memref<1x8x8x128xf32, #tpu.memory_space<vmem>>, vector<1x1x8x128xf32>,
    %slice3A_53 = vector.extract_strided_slice %add3A_19 {offsets = [0, 512], sizes = [512, 512], strides = [1, 1]} : vector<512x4096xf32> to vector<512x512xf32>
    %get3A_54 = arith.constant 1 : index
    %get3A_55 = memref.load %arg2[%get3A_54] : memref<8xi32, #tpu.memory_space<smem>>
    %reduce_min3A_56 = arith.constant dense<0x7F800000> : vector<512xf32>
    %reduce_min3A_57 = vector.multi_reduction <minimumf>, %slice3A_53, %reduce_min3A_56 [1] : vector<512x512xf32> to vector<512xf32>
    %broadcast_in_dim3A_58 = vector.shape_cast %reduce_min3A_57 : vector<512xf32> to vector<512x1xf32>
    %reduce_min3A_59 = arith.constant dense<0x7F800000> : vector<512xf32>
    %reduce_min3A_60 = vector.multi_reduction <minimumf>, %slice3A_53, %reduce_min3A_59 [0] : vector<512x512xf32> to vector<512xf32>
    %broadcast_in_dim3A_61 = vector.shape_cast %reduce_min3A_60 : vector<512xf32> to vector<1x512xf32>
    %jit3A_62 = arith.constant -1.000000e+30 : f32
    %broadcast_in_dim3A_63 = vector.broadcast %jit3A_62 : f32 to vector<512x1xf32>
    %select_n3A_64 = arith.select %lt3A_22, %broadcast_in_dim3A_58, %broadcast_in_dim3A_63 : vector<512x1xi1>, vector<512x1xf32>
    %reduce_max3A_65 = vector.shape_cast %select_n3A_64 : vector<512x1xf32> to vector<1x512x1xf32>
    %reduce_max3A_66 = arith.constant dense<0xFF800000> : vector<1xf32>
    %reduce_max3A_67 = vector.multi_reduction <maximumf>, %reduce_max3A_65, %reduce_max3A_66 [1, 2] : vector<1x512x1xf32> to vector<1xf32>
    %reduce_max3A_68 = vector.shape_cast %reduce_max3A_67 : vector<1xf32> to vector<1x1x1xf32>
    %reduce_max3A_69 = vector.extract %reduce_max3A_68[0, 0, 0] : f32 from vector<1x1x1xf32>
    %lt3A_70 = vector.broadcast %get3A_55 : i32 to vector<1x512xi32>
    %lt3A_71 = arith.cmpi slt, %iota3A_23, %lt3A_70 : vector<1x512xi32>
    %jit3A_72 = arith.constant -1.000000e+30 : f32
    %broadcast_in_dim3A_73 = vector.broadcast %jit3A_72 : f32 to vector<1x512xf32>
    %select_n3A_74 = arith.select %lt3A_71, %broadcast_in_dim3A_61, %broadcast_in_dim3A_73 : vector<1x512xi1>, vector<1x512xf32>
    %reduce_max3A_75 = vector.shape_cast %select_n3A_74 : vector<1x512xf32> to vector<1x1x512xf32>
    %reduce_max3A_76 = arith.constant dense<0xFF800000> : vector<1xf32>
    %reduce_max3A_77 = vector.multi_reduction <maximumf>, %reduce_max3A_75, %reduce_max3A_76 [1, 2] : vector<1x1x512xf32> to vector<1xf32>
    %reduce_max3A_78 = vector.shape_cast %reduce_max3A_77 : vector<1xf32> to vector<1x1x1xf32>
    %reduce_max3A_79 = vector.extract %reduce_max3A_78[0, 0, 0] : f32 from vector<1x1x1xf32>
    %max3A_80 = arith.maximumf %reduce_max3A_69, %reduce_max3A_79 : f32
    %broadcast_in_dim3A_81 = vector.broadcast %max3A_80 : f32 to vector<8x128xf32>
    %swap3A_82 = arith.constant 0 : index
    %swap3A_83 = arith.constant 1 : index
    %swap3A_84 = arith.constant 0 : index
    %swap3A_85 = arith.constant 0 : index
    %swap3A_86 = vector.load %arg5[%swap3A_82, %swap3A_83, %swap3A_84, %swap3A_85] : memref<1x8x8x128xf32, #tpu.memory_space<vmem>>, vector<1x1x8x128xf32>
    %swap3A_87 = vector.shape_cast %swap3A_86 : vector<1x1x8x128xf32> to vector<8x128xf32>
    %swap3A_88 = vector.shape_cast %broadcast_in_dim3A_81 : vector<8x128xf32> to vector<1x1x8x128xf32>
    tpu.vector_store %arg5[%swap3A_82, %swap3A_83, %swap3A_84, %swap3A_85], %swap3A_88 {strides = array<i32>} : memref<1x8x8x128xf32, #tpu.memory_space<vmem>>, vector<1x1x8x128xf32>,
    %slice3A_89 = vector.extract_strided_slice %add3A_19 {offsets = [0, 1024], sizes = [512, 512], strides = [1, 1]} : vector<512x4096xf32> to vector<512x512xf32>
    %get3A_90 = arith.constant 2 : index
    %get3A_91 = memref.load %arg2[%get3A_90] : memref<8xi32, #tpu.memory_space<smem>>
    %reduce_min3A_92 = arith.constant dense<0x7F800000> : vector<512xf32>
    %reduce_min3A_93 = vector.multi_reduction <minimumf>, %slice3A_89, %reduce_min3A_92 [1] : vector<512x512xf32> to vector<512xf32>
    %broadcast_in_dim3A_94 = vector.shape_cast %reduce_min3A_93 : vector<512xf32> to vector<512x1xf32>
    %reduce_min3A_95 = arith.constant dense<0x7F800000> : vector<512xf32>
    %reduce_min3A_96 = vector.multi_reduction <minimumf>, %slice3A_89, %reduce_min3A_95 [0] : vector<512x512xf32> to vector<512xf32>
    %broadcast_in_dim3A_97 = vector.shape_cast %reduce_min3A_96 : vector<512xf32> to vector<1x512xf32>
    %jit3A_98 = arith.constant -1.000000e+30 : f32
    %broadcast_in_dim3A_99 = vector.broadcast %jit3A_98 : f32 to vector<512x1xf32>
    %select_n3A_100 = arith.select %lt3A_22, %broadcast_in_dim3A_94, %broadcast_in_dim3A_99 : vector<512x1xi1>, vector<512x1xf32>
    %reduce_max3A_101 = vector.shape_cast %select_n3A_100 : vector<512x1xf32> to vector<1x512x1xf32>
    %reduce_max3A_102 = arith.constant dense<0xFF800000> : vector<1xf32>
    %reduce_max3A_103 = vector.multi_reduction <maximumf>, %reduce_max3A_101, %reduce_max3A_102 [1, 2] : vector<1x512x1xf32> to vector<1xf32>
    %reduce_max3A_104 = vector.shape_cast %reduce_max3A_103 : vector<1xf32> to vector<1x1x1xf32>
    %reduce_max3A_105 = vector.extract %reduce_max3A_104[0, 0, 0] : f32 from vector<1x1x1xf32>
    %lt3A_106 = vector.broadcast %get3A_91 : i32 to vector<1x512xi32>
    %lt3A_107 = arith.cmpi slt, %iota3A_23, %lt3A_106 : vector<1x512xi32>
    %jit3A_108 = arith.constant -1.000000e+30 : f32
    %broadcast_in_dim3A_109 = vector.broadcast %jit3A_108 : f32 to vector<1x512xf32>
    %select_n3A_110 = arith.select %lt3A_107, %broadcast_in_dim3A_97, %broadcast_in_dim3A_109 : vector<1x512xi1>, vector<1x512xf32>
    %reduce_max3A_111 = vector.shape_cast %select_n3A_110 : vector<1x512xf32> to vector<1x1x512xf32>
    %reduce_max3A_112 = arith.constant dense<0xFF800000> : vector<1xf32>
    %reduce_max3A_113 = vector.multi_reduction <maximumf>, %reduce_max3A_111, %reduce_max3A_112 [1, 2] : vector<1x1x512xf32> to vector<1xf32>
    %reduce_max3A_114 = vector.shape_cast %reduce_max3A_113 : vector<1xf32> to vector<1x1x1xf32>
    %reduce_max3A_115 = vector.extract %reduce_max3A_114[0, 0, 0] : f32 from vector<1x1x1xf32>
    %max3A_116 = arith.maximumf %reduce_max3A_105, %reduce_max3A_115 : f32
    %broadcast_in_dim3A_117 = vector.broadcast %max3A_116 : f32 to vector<8x128xf32>
    %swap3A_118 = arith.constant 0 : index
    %swap3A_119 = arith.constant 2 : index
    %swap3A_120 = arith.constant 0 : index
    %swap3A_121 = arith.constant 0 : index
    %swap3A_122 = vector.load %arg5[%swap3A_118, %swap3A_119, %swap3A_120, %swap3A_121] : memref<1x8x8x128xf32, #tpu.memory_space<vmem>>, vector<1x1x8x128xf32>
    %swap3A_123 = vector.shape_cast %swap3A_122 : vector<1x1x8x128xf32> to vector<8x128xf32>
    %swap3A_124 = vector.shape_cast %broadcast_in_dim3A_117 : vector<8x128xf32> to vector<1x1x8x128xf32>
    tpu.vector_store %arg5[%swap3A_118, %swap3A_119, %swap3A_120, %swap3A_121], %swap3A_124 {strides = array<i32>} : memref<1x8x8x128xf32, #tpu.memory_space<vmem>>, vector<1x1x8x128xf32>,
    %slice3A_125 = vector.extract_strided_slice %add3A_19 {offsets = [0, 1536], sizes = [512, 512], strides = [1, 1]} : vector<512x4096xf32> to vector<512x512xf32>
    %get3A_126 = arith.constant 3 : index
    %get3A_127 = memref.load %arg2[%get3A_126] : memref<8xi32, #tpu.memory_space<smem>>
    %reduce_min3A_128 = arith.constant dense<0x7F800000> : vector<512xf32>
    %reduce_min3A_129 = vector.multi_reduction <minimumf>, %slice3A_125, %reduce_min3A_128 [1] : vector<512x512xf32> to vector<512xf32>
    %broadcast_in_dim3A_130 = vector.shape_cast %reduce_min3A_129 : vector<512xf32> to vector<512x1xf32>
    %reduce_min3A_131 = arith.constant dense<0x7F800000> : vector<512xf32>
    %reduce_min3A_132 = vector.multi_reduction <minimumf>, %slice3A_125, %reduce_min3A_131 [0] : vector<512x512xf32> to vector<512xf32>
    %broadcast_in_dim3A_133 = vector.shape_cast %reduce_min3A_132 : vector<512xf32> to vector<1x512xf32>
    %jit3A_134 = arith.constant -1.000000e+30 : f32
    %broadcast_in_dim3A_135 = vector.broadcast %jit3A_134 : f32 to vector<512x1xf32>
    %select_n3A_136 = arith.select %lt3A_22, %broadcast_in_dim3A_130, %broadcast_in_dim3A_135 : vector<512x1xi1>, vector<512x1xf32>
    %reduce_max3A_137 = vector.shape_cast %select_n3A_136 : vector<512x1xf32> to vector<1x512x1xf32>
    %reduce_max3A_138 = arith.constant dense<0xFF800000> : vector<1xf32>
    %reduce_max3A_139 = vector.multi_reduction <maximumf>, %reduce_max3A_137, %reduce_max3A_138 [1, 2] : vector<1x512x1xf32> to vector<1xf32>
    %reduce_max3A_140 = vector.shape_cast %reduce_max3A_139 : vector<1xf32> to vector<1x1x1xf32>
    %reduce_max3A_141 = vector.extract %reduce_max3A_140[0, 0, 0] : f32 from vector<1x1x1xf32>
    %lt3A_142 = vector.broadcast %get3A_127 : i32 to vector<1x512xi32>
    %lt3A_143 = arith.cmpi slt, %iota3A_23, %lt3A_142 : vector<1x512xi32>
    %jit3A_144 = arith.constant -1.000000e+30 : f32
    %broadcast_in_dim3A_145 = vector.broadcast %jit3A_144 : f32 to vector<1x512xf32>
    %select_n3A_146 = arith.select %lt3A_143, %broadcast_in_dim3A_133, %broadcast_in_dim3A_145 : vector<1x512xi1>, vector<1x512xf32>
    %reduce_max3A_147 = vector.shape_cast %select_n3A_146 : vector<1x512xf32> to vector<1x1x512xf32>
    %reduce_max3A_148 = arith.constant dense<0xFF800000> : vector<1xf32>
    %reduce_max3A_149 = vector.multi_reduction <maximumf>, %reduce_max3A_147, %reduce_max3A_148 [1, 2] : vector<1x1x512xf32> to vector<1xf32>
    %reduce_max3A_150 = vector.shape_cast %reduce_max3A_149 : vector<1xf32> to vector<1x1x1xf32>
    %reduce_max3A_151 = vector.extract %reduce_max3A_150[0, 0, 0] : f32 from vector<1x1x1xf32>
    %max3A_152 = arith.maximumf %reduce_max3A_141, %reduce_max3A_151 : f32
    %broadcast_in_dim3A_153 = vector.broadcast %max3A_152 : f32 to vector<8x128xf32>
    %swap3A_154 = arith.constant 0 : index
    %swap3A_155 = arith.constant 3 : index
    %swap3A_156 = arith.constant 0 : index
    %swap3A_157 = arith.constant 0 : index
    %swap3A_158 = vector.load %arg5[%swap3A_154, %swap3A_155, %swap3A_156, %swap3A_157] : memref<1x8x8x128xf32, #tpu.memory_space<vmem>>, vector<1x1x8x128xf32>
    %swap3A_159 = vector.shape_cast %swap3A_158 : vector<1x1x8x128xf32> to vector<8x128xf32>
    %swap3A_160 = vector.shape_cast %broadcast_in_dim3A_153 : vector<8x128xf32> to vector<1x1x8x128xf32>
    tpu.vector_store %arg5[%swap3A_154, %swap3A_155, %swap3A_156, %swap3A_157], %swap3A_160 {strides = array<i32>} : memref<1x8x8x128xf32, #tpu.memory_space<vmem>>, vector<1x1x8x128xf32>,
    %slice3A_161 = vector.extract_strided_slice %add3A_19 {offsets = [0, 2048], sizes = [512, 512], strides = [1, 1]} : vector<512x4096xf32> to vector<512x512xf32>
    %get3A_162 = arith.constant 4 : index
    %get3A_163 = memref.load %arg2[%get3A_162] : memref<8xi32, #tpu.memory_space<smem>>
    %reduce_min3A_164 = arith.constant dense<0x7F800000> : vector<512xf32>
    %reduce_min3A_165 = vector.multi_reduction <minimumf>, %slice3A_161, %reduce_min3A_164 [1] : vector<512x512xf32> to vector<512xf32>
    %broadcast_in_dim3A_166 = vector.shape_cast %reduce_min3A_165 : vector<512xf32> to vector<512x1xf32>
    %reduce_min3A_167 = arith.constant dense<0x7F800000> : vector<512xf32>
    %reduce_min3A_168 = vector.multi_reduction <minimumf>, %slice3A_161, %reduce_min3A_167 [0] : vector<512x512xf32> to vector<512xf32>
    %broadcast_in_dim3A_169 = vector.shape_cast %reduce_min3A_168 : vector<512xf32> to vector<1x512xf32>
    %jit3A_170 = arith.constant -1.000000e+30 : f32
    %broadcast_in_dim3A_171 = vector.broadcast %jit3A_170 : f32 to vector<512x1xf32>
    %select_n3A_172 = arith.select %lt3A_22, %broadcast_in_dim3A_166, %broadcast_in_dim3A_171 : vector<512x1xi1>, vector<512x1xf32>
    %reduce_max3A_173 = vector.shape_cast %select_n3A_172 : vector<512x1xf32> to vector<1x512x1xf32>
    %reduce_max3A_174 = arith.constant dense<0xFF800000> : vector<1xf32>
    %reduce_max3A_175 = vector.multi_reduction <maximumf>, %reduce_max3A_173, %reduce_max3A_174 [1, 2] : vector<1x512x1xf32> to vector<1xf32>
    %reduce_max3A_176 = vector.shape_cast %reduce_max3A_175 : vector<1xf32> to vector<1x1x1xf32>
    %reduce_max3A_177 = vector.extract %reduce_max3A_176[0, 0, 0] : f32 from vector<1x1x1xf32>
    %lt3A_178 = vector.broadcast %get3A_163 : i32 to vector<1x512xi32>
    %lt3A_179 = arith.cmpi slt, %iota3A_23, %lt3A_178 : vector<1x512xi32>
    %jit3A_180 = arith.constant -1.000000e+30 : f32
    %broadcast_in_dim3A_181 = vector.broadcast %jit3A_180 : f32 to vector<1x512xf32>
    %select_n3A_182 = arith.select %lt3A_179, %broadcast_in_dim3A_169, %broadcast_in_dim3A_181 : vector<1x512xi1>, vector<1x512xf32>
    %reduce_max3A_183 = vector.shape_cast %select_n3A_182 : vector<1x512xf32> to vector<1x1x512xf32>
    %reduce_max3A_184 = arith.constant dense<0xFF800000> : vector<1xf32>
    %reduce_max3A_185 = vector.multi_reduction <maximumf>, %reduce_max3A_183, %reduce_max3A_184 [1, 2] : vector<1x1x512xf32> to vector<1xf32>
    %reduce_max3A_186 = vector.shape_cast %reduce_max3A_185 : vector<1xf32> to vector<1x1x1xf32>
    %reduce_max3A_187 = vector.extract %reduce_max3A_186[0, 0, 0] : f32 from vector<1x1x1xf32>
    %max3A_188 = arith.maximumf %reduce_max3A_177, %reduce_max3A_187 : f32
    %broadcast_in_dim3A_189 = vector.broadcast %max3A_188 : f32 to vector<8x128xf32>
    %swap3A_190 = arith.constant 0 : index
    %swap3A_191 = arith.constant 4 : index
    %swap3A_192 = arith.constant 0 : index
    %swap3A_193 = arith.constant 0 : index
    %swap3A_194 = vector.load %arg5[%swap3A_190, %swap3A_191, %swap3A_192, %swap3A_193] : memref<1x8x8x128xf32, #tpu.memory_space<vmem>>, vector<1x1x8x128xf32>
    %swap3A_195 = vector.shape_cast %swap3A_194 : vector<1x1x8x128xf32> to vector<8x128xf32>
    %swap3A_196 = vector.shape_cast %broadcast_in_dim3A_189 : vector<8x128xf32> to vector<1x1x8x128xf32>
    tpu.vector_store %arg5[%swap3A_190, %swap3A_191, %swap3A_192, %swap3A_193], %swap3A_196 {strides = array<i32>} : memref<1x8x8x128xf32, #tpu.memory_space<vmem>>, vector<1x1x8x128xf32>,
    %slice3A_197 = vector.extract_strided_slice %add3A_19 {offsets = [0, 2560], sizes = [512, 512], strides = [1, 1]} : vector<512x4096xf32> to vector<512x512xf32>
    %get3A_198 = arith.constant 5 : index
    %get3A_199 = memref.load %arg2[%get3A_198] : memref<8xi32, #tpu.memory_space<smem>>
    %reduce_min3A_200 = arith.constant dense<0x7F800000> : vector<512xf32>
    %reduce_min3A_201 = vector.multi_reduction <minimumf>, %slice3A_197, %reduce_min3A_200 [1] : vector<512x512xf32> to vector<512xf32>
    %broadcast_in_dim3A_202 = vector.shape_cast %reduce_min3A_201 : vector<512xf32> to vector<512x1xf32>
    %reduce_min3A_203 = arith.constant dense<0x7F800000> : vector<512xf32>
    %reduce_min3A_204 = vector.multi_reduction <minimumf>, %slice3A_197, %reduce_min3A_203 [0] : vector<512x512xf32> to vector<512xf32>
    %broadcast_in_dim3A_205 = vector.shape_cast %reduce_min3A_204 : vector<512xf32> to vector<1x512xf32>
    %jit3A_206 = arith.constant -1.000000e+30 : f32
    %broadcast_in_dim3A_207 = vector.broadcast %jit3A_206 : f32 to vector<512x1xf32>
    %select_n3A_208 = arith.select %lt3A_22, %broadcast_in_dim3A_202, %broadcast_in_dim3A_207 : vector<512x1xi1>, vector<512x1xf32>
    %reduce_max3A_209 = vector.shape_cast %select_n3A_208 : vector<512x1xf32> to vector<1x512x1xf32>
    %reduce_max3A_210 = arith.constant dense<0xFF800000> : vector<1xf32>
    %reduce_max3A_211 = vector.multi_reduction <maximumf>, %reduce_max3A_209, %reduce_max3A_210 [1, 2] : vector<1x512x1xf32> to vector<1xf32>
    %reduce_max3A_212 = vector.shape_cast %reduce_max3A_211 : vector<1xf32> to vector<1x1x1xf32>
    %reduce_max3A_213 = vector.extract %reduce_max3A_212[0, 0, 0] : f32 from vector<1x1x1xf32>
    %lt3A_214 = vector.broadcast %get3A_199 : i32 to vector<1x512xi32>
    %lt3A_215 = arith.cmpi slt, %iota3A_23, %lt3A_214 : vector<1x512xi32>
    %jit3A_216 = arith.constant -1.000000e+30 : f32
    %broadcast_in_dim3A_217 = vector.broadcast %jit3A_216 : f32 to vector<1x512xf32>
    %select_n3A_218 = arith.select %lt3A_215, %broadcast_in_dim3A_205, %broadcast_in_dim3A_217 : vector<1x512xi1>, vector<1x512xf32>
    %reduce_max3A_219 = vector.shape_cast %select_n3A_218 : vector<1x512xf32> to vector<1x1x512xf32>
    %reduce_max3A_220 = arith.constant dense<0xFF800000> : vector<1xf32>
    %reduce_max3A_221 = vector.multi_reduction <maximumf>, %reduce_max3A_219, %reduce_max3A_220 [1, 2] : vector<1x1x512xf32> to vector<1xf32>
    %reduce_max3A_222 = vector.shape_cast %reduce_max3A_221 : vector<1xf32> to vector<1x1x1xf32>
    %reduce_max3A_223 = vector.extract %reduce_max3A_222[0, 0, 0] : f32 from vector<1x1x1xf32>
    %max3A_224 = arith.maximumf %reduce_max3A_213, %reduce_max3A_223 : f32
    %broadcast_in_dim3A_225 = vector.broadcast %max3A_224 : f32 to vector<8x128xf32>
    %swap3A_226 = arith.constant 0 : index
    %swap3A_227 = arith.constant 5 : index
    %swap3A_228 = arith.constant 0 : index
    %swap3A_229 = arith.constant 0 : index
    %swap3A_230 = vector.load %arg5[%swap3A_226, %swap3A_227, %swap3A_228, %swap3A_229] : memref<1x8x8x128xf32, #tpu.memory_space<vmem>>, vector<1x1x8x128xf32>
    %swap3A_231 = vector.shape_cast %swap3A_230 : vector<1x1x8x128xf32> to vector<8x128xf32>
    %swap3A_232 = vector.shape_cast %broadcast_in_dim3A_225 : vector<8x128xf32> to vector<1x1x8x128xf32>
    tpu.vector_store %arg5[%swap3A_226, %swap3A_227, %swap3A_228, %swap3A_229], %swap3A_232 {strides = array<i32>} : memref<1x8x8x128xf32, #tpu.memory_space<vmem>>, vector<1x1x8x128xf32>,
    %slice3A_233 = vector.extract_strided_slice %add3A_19 {offsets = [0, 3072], sizes = [512, 512], strides = [1, 1]} : vector<512x4096xf32> to vector<512x512xf32>
    %get3A_234 = arith.constant 6 : index
    %get3A_235 = memref.load %arg2[%get3A_234] : memref<8xi32, #tpu.memory_space<smem>>
    %reduce_min3A_236 = arith.constant dense<0x7F800000> : vector<512xf32>
    %reduce_min3A_237 = vector.multi_reduction <minimumf>, %slice3A_233, %reduce_min3A_236 [1] : vector<512x512xf32> to vector<512xf32>
    %broadcast_in_dim3A_238 = vector.shape_cast %reduce_min3A_237 : vector<512xf32> to vector<512x1xf32>
    %reduce_min3A_239 = arith.constant dense<0x7F800000> : vector<512xf32>
    %reduce_min3A_240 = vector.multi_reduction <minimumf>, %slice3A_233, %reduce_min3A_239 [0] : vector<512x512xf32> to vector<512xf32>
    %broadcast_in_dim3A_241 = vector.shape_cast %reduce_min3A_240 : vector<512xf32> to vector<1x512xf32>
    %jit3A_242 = arith.constant -1.000000e+30 : f32
    %broadcast_in_dim3A_243 = vector.broadcast %jit3A_242 : f32 to vector<512x1xf32>
    %select_n3A_244 = arith.select %lt3A_22, %broadcast_in_dim3A_238, %broadcast_in_dim3A_243 : vector<512x1xi1>, vector<512x1xf32>
    %reduce_max3A_245 = vector.shape_cast %select_n3A_244 : vector<512x1xf32> to vector<1x512x1xf32>
    %reduce_max3A_246 = arith.constant dense<0xFF800000> : vector<1xf32>
    %reduce_max3A_247 = vector.multi_reduction <maximumf>, %reduce_max3A_245, %reduce_max3A_246 [1, 2] : vector<1x512x1xf32> to vector<1xf32>
    %reduce_max3A_248 = vector.shape_cast %reduce_max3A_247 : vector<1xf32> to vector<1x1x1xf32>
    %reduce_max3A_249 = vector.extract %reduce_max3A_248[0, 0, 0] : f32 from vector<1x1x1xf32>
    %lt3A_250 = vector.broadcast %get3A_235 : i32 to vector<1x512xi32>
    %lt3A_251 = arith.cmpi slt, %iota3A_23, %lt3A_250 : vector<1x512xi32>
    %jit3A_252 = arith.constant -1.000000e+30 : f32
    %broadcast_in_dim3A_253 = vector.broadcast %jit3A_252 : f32 to vector<1x512xf32>
    %select_n3A_254 = arith.select %lt3A_251, %broadcast_in_dim3A_241, %broadcast_in_dim3A_253 : vector<1x512xi1>, vector<1x512xf32>
    %reduce_max3A_255 = vector.shape_cast %select_n3A_254 : vector<1x512xf32> to vector<1x1x512xf32>
    %reduce_max3A_256 = arith.constant dense<0xFF800000> : vector<1xf32>
    %reduce_max3A_257 = vector.multi_reduction <maximumf>, %reduce_max3A_255, %reduce_max3A_256 [1, 2] : vector<1x1x512xf32> to vector<1xf32>
    %reduce_max3A_258 = vector.shape_cast %reduce_max3A_257 : vector<1xf32> to vector<1x1x1xf32>
    %reduce_max3A_259 = vector.extract %reduce_max3A_258[0, 0, 0] : f32 from vector<1x1x1xf32>
    %max3A_260 = arith.maximumf %reduce_max3A_249, %reduce_max3A_259 : f32
    %broadcast_in_dim3A_261 = vector.broadcast %max3A_260 : f32 to vector<8x128xf32>
    %swap3A_262 = arith.constant 0 : index
    %swap3A_263 = arith.constant 6 : index
    %swap3A_264 = arith.constant 0 : index
    %swap3A_265 = arith.constant 0 : index
    %swap3A_266 = vector.load %arg5[%swap3A_262, %swap3A_263, %swap3A_264, %swap3A_265] : memref<1x8x8x128xf32, #tpu.memory_space<vmem>>, vector<1x1x8x128xf32>
    %swap3A_267 = vector.shape_cast %swap3A_266 : vector<1x1x8x128xf32> to vector<8x128xf32>
    %swap3A_268 = vector.shape_cast %broadcast_in_dim3A_261 : vector<8x128xf32> to vector<1x1x8x128xf32>
    tpu.vector_store %arg5[%swap3A_262, %swap3A_263, %swap3A_264, %swap3A_265], %swap3A_268 {strides = array<i32>} : memref<1x8x8x128xf32, #tpu.memory_space<vmem>>, vector<1x1x8x128xf32>,
    %slice3A_269 = vector.extract_strided_slice %add3A_19 {offsets = [0, 3584], sizes = [512, 512], strides = [1, 1]} : vector<512x4096xf32> to vector<512x512xf32>
    %get3A_270 = arith.constant 7 : index
    %get3A_271 = memref.load %arg2[%get3A_270] : memref<8xi32, #tpu.memory_space<smem>>
    %reduce_min3A_272 = arith.constant dense<0x7F800000> : vector<512xf32>
    %reduce_min3A_273 = vector.multi_reduction <minimumf>, %slice3A_269, %reduce_min3A_272 [1] : vector<512x512xf32> to vector<512xf32>
    %broadcast_in_dim3A_274 = vector.shape_cast %reduce_min3A_273 : vector<512xf32> to vector<512x1xf32>
    %reduce_min3A_275 = arith.constant dense<0x7F800000> : vector<512xf32>
    %reduce_min3A_276 = vector.multi_reduction <minimumf>, %slice3A_269, %reduce_min3A_275 [0] : vector<512x512xf32> to vector<512xf32>
    %broadcast_in_dim3A_277 = vector.shape_cast %reduce_min3A_276 : vector<512xf32> to vector<1x512xf32>
    %jit3A_278 = arith.constant -1.000000e+30 : f32
    %broadcast_in_dim3A_279 = vector.broadcast %jit3A_278 : f32 to vector<512x1xf32>
    %select_n3A_280 = arith.select %lt3A_22, %broadcast_in_dim3A_274, %broadcast_in_dim3A_279 : vector<512x1xi1>, vector<512x1xf32>
    %reduce_max3A_281 = vector.shape_cast %select_n3A_280 : vector<512x1xf32> to vector<1x512x1xf32>
    %reduce_max3A_282 = arith.constant dense<0xFF800000> : vector<1xf32>
    %reduce_max3A_283 = vector.multi_reduction <maximumf>, %reduce_max3A_281, %reduce_max3A_282 [1, 2] : vector<1x512x1xf32> to vector<1xf32>
    %reduce_max3A_284 = vector.shape_cast %reduce_max3A_283 : vector<1xf32> to vector<1x1x1xf32>
    %reduce_max3A_285 = vector.extract %reduce_max3A_284[0, 0, 0] : f32 from vector<1x1x1xf32>
    %lt3A_286 = vector.broadcast %get3A_271 : i32 to vector<1x512xi32>
    %lt3A_287 = arith.cmpi slt, %iota3A_23, %lt3A_286 : vector<1x512xi32>
    %jit3A_288 = arith.constant -1.000000e+30 : f32
    %broadcast_in_dim3A_289 = vector.broadcast %jit3A_288 : f32 to vector<1x512xf32>
    %select_n3A_290 = arith.select %lt3A_287, %broadcast_in_dim3A_277, %broadcast_in_dim3A_289 : vector<1x512xi1>, vector<1x512xf32>
    %reduce_max3A_291 = vector.shape_cast %select_n3A_290 : vector<1x512xf32> to vector<1x1x512xf32>
    %reduce_max3A_292 = arith.constant dense<0xFF800000> : vector<1xf32>
    %reduce_max3A_293 = vector.multi_reduction <maximumf>, %reduce_max3A_291, %reduce_max3A_292 [1, 2] : vector<1x1x512xf32> to vector<1xf32>
    %reduce_max3A_294 = vector.shape_cast %reduce_max3A_293 : vector<1xf32> to vector<1x1x1xf32>
    %reduce_max3A_295 = vector.extract %reduce_max3A_294[0, 0, 0] : f32 from vector<1x1x1xf32>
    %max3A_296 = arith.maximumf %reduce_max3A_285, %reduce_max3A_295 : f32
    %broadcast_in_dim3A_297 = vector.broadcast %max3A_296 : f32 to vector<8x128xf32>
    %swap3A_298 = arith.constant 0 : index
    %swap3A_299 = arith.constant 7 : index
    %swap3A_300 = arith.constant 0 : index
    %swap3A_301 = arith.constant 0 : index
    %swap3A_302 = vector.load %arg5[%swap3A_298, %swap3A_299, %swap3A_300, %swap3A_301] : memref<1x8x8x128xf32, #tpu.memory_space<vmem>>, vector<1x1x8x128xf32>
    %swap3A_303 = vector.shape_cast %swap3A_302 : vector<1x1x8x128xf32> to vector<8x128xf32>
    %swap3A_304 = vector.shape_cast %broadcast_in_dim3A_297 : vector<8x128xf32> to vector<1x1x8x128xf32>
    tpu.vector_store %arg5[%swap3A_298, %swap3A_299, %swap3A_300, %swap3A_301], %swap3A_304 {strides = array<i32>} : memref<1x8x8x128xf32, #tpu.memory_space<vmem>>, vector<1x1x8x128xf32>,
    return
  }
  func.func @transform_0(%arg0: i32) -> i32 {
    %c0_i32 = arith.constant 0 : i32
    %c0_i32_0 = arith.constant 0 : i32
    return %c0_i32 : i32
  }
  func.func @transform_1(%arg0: i32) -> i32 {
    %c0_i32 = arith.constant 0 : i32
    %c0_i32_0 = arith.constant 0 : i32
    return %c0_i32 : i32
  }
  func.func @transform_2(%arg0: i32) -> (i32, i32, i32) {
    %c0_i32 = arith.constant 0 : i32
    %c0_i32_0 = arith.constant 0 : i32
    %c0_i32_1 = arith.constant 0 : i32
    return %arg0, %c0_i32, %c0_i32_0 : i32, i32, i32
  }
  func.func @transform_3(%arg0: i32) -> (i32, i32) {
    %c0_i32 = arith.constant 0 : i32
    %c0_i32_0 = arith.constant 0 : i32
    %c0_i32_1 = arith.constant 0 : i32
    return %c0_i32, %c0_i32_0 : i32, i32
  }
  func.func @transform_4(%arg0: i32) -> (i32, i32, i32, i32) {
    %c0_i32 = arith.constant 0 : i32
    %c0_i32_0 = arith.constant 0 : i32
    %c0_i32_1 = arith.constant 0 : i32
    %c0_i32_2 = arith.constant 0 : i32
    return %arg0, %c0_i32, %c0_i32_0, %c0_i32_1 : i32, i32, i32, i32
  }
}

</mosaic_0001>

<sc_bundles>
// kernel: kernel.4.cloned.1.call-start
scs
__scs_entry_jumppad:
0x0: {  	(pc) =	sbr.rel $0x88, $3  }
0x1: {  	(tag) =	ssettag $0x0;
	lr =	simm.s32 $0x1  }
0x2: {  	[smem:$0x3F9D] =	sst lr;
	_ =	strace $0xD0000000  }
0x3: {  	_ = 	snop  }
0x4: {  	_ = 	snop  }
0x5: {  	_ = 	snop  }
0x6: {  	_ = 	snop  }
0x7: {  	_ = 	snop  }
__scs_overlays_trampoline_lowered:
0x8: {  	[smem:$0x3FAC] =	sst s0  }
0x9: {  	[smem:$0x3FAD] =	sst s1  }
0xa: {  	[smem:$0x3FAE] =	sst s2  }
0xb: {  	[smem:$0x3FAF] =	sst s3  }
0xc: {  	[smem:$0x3FB0] =	sst s4  }
0xd: {  	[smem:$0x3FB1] =	sst s5  }
0xe: {  	[smem:$0x3FB2] =	sst s6  }
0xf: {  	[smem:$0x3FB3] =	sst s7  }
0x10: {  	[smem:$0x3FB4] =	sst s8  }
0x11: {  	[smem:$0x3FB5] =	sst s9;
	s0 =	simm.s32 @!p0 $0x0  }
0x12: {  	s1 =	sld [smem:$0x3F9B];
	s0 =	simm.s32 @p0 $0x1  }
0x13: {  	[smem:$0x3FB6] =	sst s0;
	s0 =	simm.s32 @!p1 $0x0  }
0x14: {  	s2 =	sld [smem:$0x3F9A];
	s0 =	simm.s32 @p1 $0x1  }
0x15: {  	[smem:$0x3FB7] =	sst s0;
	s0 =	simm.s32 @!p2 $0x0  }
0x16: {  	s3 =	sld [smem:$0x3FDB];
	s0 =	simm.s32 @p2 $0x1  }
0x17: {  	s4 =	simm.s32 $0x1BF5;
	[smem:$0x3FB9] =	sst s0  }
0x18: {  	s0 =	sld [smem:$0x3F9C];
	_ =	swait.ge [sflag:s4], $0x0  }
0x19: {  	s7 =	sld [smem:$0x3F9D]  }
0x1a: {  	s8 =	sadd.s32 $0xFFFFE003, lr  }
0x1b: {  	s9 =	sadd.s32 $0xFFFFFEF7, lr;
	s5 =	simm.s32 $0xFFFFFFFF;
	p2 =	slt.u32 s8, $0xFFFFF086  }
0x1c: {  	p1 =	slt.u32 s9, $0xF7A;
	s5 =	simm.s32 @!p2 $0x0  }
0x1d: {  	s5 =	simm.s32 @p1 $0x1;
	p0 =	seq.s32 s7, s2  }
0x1e: {  	s7 =	smul.u32 @!p0 $0xF7A, s2;
	p2 =	seq.s32 @!p0 s5, $0x0  }
0x1f: {  	s9 =	smul.u32 $0xF7A, s1;
	s8 =	simm.s32 @!p0 $0x1BF5;
	p2 =	por !p2, p0  }
0x20: {  	[sflag:s8] =	ssyncset.s32 @!p0 $0xFFFFF086;
	s6 =	sadd.s32 @!p0 s3, s7;
	s7 =	simm.s32 @!p0 $0x108  }
0x21: {  	s3 =	sadd.s32 s3, s9;
	s6 =	sadd.s32 @!p0 $0x88, s6;
	s7 =	simm.s32 @p2 $0x1082  }
0x22: {  	[simem:s7], [sflag:s8] =	dma.local @!p0 [hbm:s6], $0xF7A  }
0x23: {  	s9 =	sor.u32 $0xD0000000, s2;
	s6 =	simm.s32 $0x108;
	_ =	swait.ge @!p0 [sflag:s8], $0x0  }
0x24: {  	s3 =	sadd.s32 $0x88, s3;
	s6 =	simm.s32 @!p1 $0x1082;
	[sflag:s4] =	ssyncset.s32 $0xFFFFF086  }
0x25: {  	[simem:s6], [sflag:s4] =	dma.local [hbm:s3], $0xF7A  }
0x26: {  	[smem:$0x3F9D] =	sst s1;
	(tag) =	ssettag s2;
	_ =	strace s9  }
0x27: {  	s1 =	sld [smem:$0x3FAD]  }
0x28: {  	s2 =	sld [smem:$0x3FAE]  }
0x29: {  	s4 =	sld [smem:$0x3FB0]  }
0x2a: {  	p0 =	seq.s32 s5, $0x0;
	s5 =	sld [smem:$0x3FB1]  }
0x2b: {  	s6 =	sld [smem:$0x3FB2]  }
0x2c: {  	s7 =	sld [smem:$0x3FB3]  }
0x2d: {  	s3 =	simm.s32 $0x108;
	s8 =	sld [smem:$0x3FB4]  }
0x2e: {  	s3 =	simm.s32 @!p0 $0x1082;
	s9 =	sld [smem:$0x3FB5]  }
0x2f: {  	lr =	sadd.s32 s0, s3;
	s0 =	sld [smem:$0x3FAC]  }
0x30: {  	s3 =	sld [smem:$0x3FAF]  }
0x31: {  	[smem:$0x3FB8] =	sst s10  }
0x32: {  	s10 =	sld [smem:$0x3FB6];
	_ =	sdelay $0x3  }
0x33: {  	p0 =	seq.s32 s10, $0x1;
	s10 =	sld [smem:$0x3FB8];
	_ =	sdelay $0x3  }
0x34: {  	[smem:$0x3FB8] =	sst s10  }
0x35: {  	s10 =	sld [smem:$0x3FB7];
	_ =	sdelay $0x3  }
0x36: {  	p1 =	seq.s32 s10, $0x1;
	s10 =	sld [smem:$0x3FB8];
	_ =	sdelay $0x3  }
0x37: {  	[smem:$0x3FB8] =	sst s10  }
0x38: {  	s10 =	sld [smem:$0x3FB9]  }
0x39: {  	_ = 	snop;
	(pc) =	sbr.ind lr, $3  }
0x3a: {  	_ = 	snop  }
0x3b: {  	_ = 	snop  }
0x3c: {  	p2 =	seq.s32 s10, $0x1;
	s10 =	sld [smem:$0x3FB8]  }
0x3d: {  	_ =	shalt  }
0x3e: {  	_ =	shalt  }
0x3f: {  	_ =	shalt  }
0x40: {  	_ =	shalt  }
0x41: {  	_ =	shalt  }
0x42: {  	_ =	shalt  }
0x43: {  	_ =	shalt  }
0x44: {  	_ =	shalt  }
0x45: {  	_ =	shalt  }
0x46: {  	_ =	shalt  }
0x47: {  	_ =	shalt  }
0x48: {  	_ =	shalt  }
0x49: {  	_ =	shalt  }
0x4a: {  	_ =	shalt  }
0x4b: {  	_ =	shalt  }
0x4c: {  	_ =	shalt  }
0x4d: {  	_ =	shalt  }
0x4e: {  	_ =	shalt  }
0x4f: {  	_ =	shalt  }
0x50: {  	_ =	shalt  }
0x51: {  	_ =	shalt  }
0x52: {  	_ =	shalt  }
0x53: {  	_ =	shalt  }
0x54: {  	_ =	shalt  }
0x55: {  	_ =	shalt  }
0x56: {  	_ =	shalt  }
0x57: {  	_ =	shalt  }
0x58: {  	_ =	shalt  }
0x59: {  	_ =	shalt  }
0x5a: {  	_ =	shalt  }
0x5b: {  	_ =	shalt  }
0x5c: {  	_ =	shalt  }
0x5d: {  	_ =	shalt  }
0x5e: {  	_ =	shalt  }
0x5f: {  	_ =	shalt  }
0x60: {  	_ =	shalt  }
0x61: {  	_ =	shalt  }
0x62: {  	_ =	shalt  }
0x63: {  	_ =	shalt  }
0x64: {  	_ =	shalt  }
0x65: {  	_ =	shalt  }
0x66: {  	_ =	shalt  }
0x67: {  	_ =	shalt  }
0x68: {  	_ =	shalt  }
0x69: {  	_ =	shalt  }
0x6a: {  	_ =	shalt  }
0x6b: {  	_ =	shalt  }
0x6c: {  	_ =	shalt  }
0x6d: {  	_ =	shalt  }
0x6e: {  	_ =	shalt  }
0x6f: {  	_ =	shalt  }
0x70: {  	_ =	shalt  }
0x71: {  	_ =	shalt  }
0x72: {  	_ =	shalt  }
0x73: {  	_ =	shalt  }
0x74: {  	_ =	shalt  }
0x75: {  	_ =	shalt  }
0x76: {  	_ =	shalt  }
0x77: {  	_ =	shalt  }
0x78: {  	_ =	shalt  }
0x79: {  	_ =	shalt  }
0x7a: {  	_ =	shalt  }
0x7b: {  	_ =	shalt  }
0x7c: {  	_ =	shalt  }
0x7d: {  	_ =	shalt  }
0x7e: {  	_ =	shalt  }
0x7f: {  	_ =	shalt  }
0x80: {  	_ =	shalt  }
0x81: {  	_ =	shalt  }
0x82: {  	_ =	shalt  }
0x83: {  	_ =	shalt  }
0x84: {  	_ =	shalt  }
0x85: {  	_ =	shalt  }
0x86: {  	_ =	shalt  }
0x87: {  	_ =	shalt  }
.Lfunc_end0:
.L_simem_size_0:
called_computation_lowered:
.L_overlay_start_0:
0x88: {  	s2 =	sld [smem:$0x3FD9]  }
0x89: {  	s3 =	sld [smem:$0x3FFE];
	_ =	sdelay $0x1  }
0x8a: {  	s1 =	srdreg.scid  }
0x8b: {  	s0 =	sand.u32 $0x1, s1  }
0x8c: {  	s16 =	sshll.u32 s0, $0xA;
	s2 =	sadd.s32 s3, s2  }
0x8d: {  	s2 =	sadd.s32 s2, s16  }
0x8e: {  	[smem:$0x3FC4] =	sst s2  }
0x8f: {  	_ = 	snop  }
0x90: {  	(tm) =	ssettm $0x1  }
0x91: {  	s17 =	sld [smem:$0x3FFB];
	_ =	sdelay $0x3  }
0x92: {  	_ =	strace s17  }
0x93: {  	s2 =	sld [smem:$0x3FFC];
	_ =	sdelay $0x3  }
0x94: {  	_ =	strace s2  }
0x95: {  	s2 =	sld [smem:$0x3FFD];
	_ =	sdelay $0x3  }
0x96: {  	_ =	strace s2  }
0x97: {  	_ =	strace $0x8FFFFFFF  }
0x98: {  	s18 =	sld [smem:$0x3FDB];
	_ =	sdelay $0x1  }
0x99: {  	s19 =	simm.s32 $_scs_section_size  }
0x9a: {  	s4 =	simm.s32 $_size__tile_overlayer_lowered;
	s5 =	simm.s32 $_tile_overlayer_lowered  }
0x9b: {  	s22 =	simm.s32 $0x1BFF;
	s21 =	sshll.u32 s5, $0x1;
	s2 =	sadd.s32 s19, s18  }
0x9c: {  	s6 =	simm.s32 $0x0;
	s20 =	sshll.u32 s4, $0x1;
	s4 =	sadd.s32 s21, s2  }
0x9d: {  	[timem:s6], [sflag:s22] =	dma.local [hbm:s4], s20  }
0x9e: {  	_ =	swait.ge [sflag:s22], s20  }
0x9f: {  	s3 =	ssub.s32 $0x0, s20;
	[sflag:s22] =	ssyncset.done $0x0  }
0xa0: {  	[sflag:s22] =	ssyncadd.s32 s3;
	_ =	sdelay $0x1  }
0xa1: {  	s23 =	simm.s32 $0x1B8B  }
0xa2: {  	_ =	swait.ge [sflag:s23], $0x1  }
0xa3: {  	[sflag:s23] =	ssyncset.done $0x0  }
0xa4: {  	s25 =	simm.s32 $0x1B8E;
	s24 =	sld [smem:$0x3FFE];
	[sflag:s23] =	ssyncadd.s32 $0xFFFFFFFF  }
0xa5: {  	s26 =	simm.s32 $execute0_lowered;
	[smem:$0x3FD2] =	sst s25  }
0xa6: {  	s4 =	sshll.u32 s26, $0x1;
	_ =	strace $0x80000046;
	[dreg:$0x1] =	wrdreg $0xFFFFFFFF  }
0xa7: {  	s28 =	simm.s32 $_size_execute0_lowered;
	s2 =	sadd.s32 s2, s4;
	[dreg:$0x0] =	wrdreg $0x0  }
0xa8: {  	s4 =	sshll.u32 s28, $0x1;
	[dreg:$0x2] =	wrdreg s2  }
0xa9: {  	[dreg:$0x3] =	wrdreg s4  }
0xaa: {  	[dreg:$0x4] =	wrdreg $0xC0  }
0xab: {  	_ =	task [dreg:s6], $0x5FFFF  }
0xac: {  	[dreg:$0x1] =	wrdreg $0xFFFFFFFF  }
0xad: {  	[dreg:$0x0] =	wrdreg $0x60  }
0xae: {  	[dreg:$0x2] =	wrdreg s24  }
0xaf: {  	[dreg:$0x3] =	wrdreg $0x9  }
0xb0: {  	_ =	task.clear_ibuf [dreg:s6], $0x4FFFF;
	_ =	strace $0x90000046  }
0xb1: {  	s29 =	simm.s32 $0x9;
	_ =	strace $0x80000048  }
0xb2: {  	_ =	swait.ge [sflag:s29], $0x1  }
0xb3: {  	[sflag:s29] =	ssyncadd.s32 $0xFFFFFFFF  }
0xb4: {  	_ =	strace $0x90000048  }
0xb5: {  	_ =	sfence  }
0xb6: {  	s30 =	sld [smem:$0x0];
	_ =	sdelay $0x2  }
0xb7: {  	s31 =	sshll.u32 s1, $0xD;
	s1 =	sshrl.u32 s1, $0x2  }
0xb8: {  	s3 =	sand.u32 $0x4000, s31;
	s1 =	sadd.s32 s1, s30  }
0xb9: {  	s0 =	sor.u32 s3, s0;
	s1 =	sshll.u32 s1, $0x11  }
0xba: {  	s0 =	sor.u32 s1, s0  }
0xbb: {  	s0 =	sadd.s32 $0x8F2B, s0  }
0xbc: {  	[sflag:s0] =	ssyncadd.remote.s32 $0x1  }
0xbd: {  	_ =	sfence.sel $0xFFFF  }
0xbe: {  	[dreg:$0x0] =	wrdreg $0xFFFFFFFF;
	(pc) =	sbr.abs _section_cstart, $3  }
0xbf: {  	[dreg:$0x1] =	wrdreg $0xFFFFFFFF  }
0xc0: {  	_ =	task.clear_ibuf [dreg:s6], $0x2FFFF;
	_ =	strace $0x9FFFFFFF  }
0xc1: {  	(tm) =	ssettm $0x7FFFFFFF  }
tec
execute0_lowered:
.L_overlay_start_1:
0x0: {  	(tag) =	ssettag $0x1  }
0x1: {  	v0 =	vimm.s32 $0x76543210;
	v1 =	vimm.s32 $0xFEDCBA98;
	v2 =	vimm.s32 $0xBA98FEDC  }
0x2: {  	v3 =	vimm.s32 $0x32107654;
	v4 =	vimm.s32 $0xDCFE98BA;
	v5 =	vimm.s32 $0x54761032  }
0x3: {  	v6 =	vimm.s32 $0xEFCDAB89;
	v7 =	vimm.s32 $0x67452301;
	v0 =	vunpack.c.l.s4.s8 v0  }
0x4: {  	v1 =	vunpack.c.l.s4.s8 v1;
	v2 =	vunpack.c.l.s4.s8 v2;
	v3 =	vunpack.c.l.s4.s8 v3  }
0x5: {  	v4 =	vunpack.c.l.s4.s8 v4;
	v5 =	vunpack.c.l.s4.s8 v5;
	v6 =	vunpack.c.l.s4.s8 v6  }
0x6: {  	v7 =	vunpack.c.l.s4.s8 v7;
	v2 =	vunpack.c.0.s8.s32 v2;
	v3 =	vunpack.c.0.s8.s32 v3  }
0x7: {  	s5 =	rddreg [dreg:$0x0];
	v4 =	vunpack.c.0.s8.s32 v4;
	v5 =	vunpack.c.0.s8.s32 v5;
	v1 =	vunpack.c.0.s8.s32 v1  }
0x8: {  	s0 =	rddreg [dreg:$0x1];
	s2 =	simm.s32 $0x0;
	v6 =	vunpack.c.0.s8.s32 v6;
	v7 =	vunpack.c.0.s8.s32 v7;
	v2 =	vcombine.low v3, v2  }
0x9: {  	[smem:$0x7FF] =	sst s2;
	v0 =	vunpack.c.0.s8.s32 v0;
	v59 =	vcombine.low v5, v4  }
0xa: {  	s3 =	srdreg.scid;
	s1 =	stileid.u32;
	_ =	strace $0x80000047;
	v1 =	vand.u32 $0xF, v1;
	v60 =	vcombine.low v7, v6;
	[tilespmem:$0x1FFA0] =	vst v2  }
0xb: {  	s8 =	simm.s32 $0x1;
	s9 =	simm.s32 $0x4000;
	s10 =	simm.s32 $0x8000;
	v0 =	vcombine.low v1, v0;
	[tilespmem:$0x1FFC0] =	vst v59  }
.Ltmp0:
0xc: {  	s11 =	simm.s32 $0x8280;
	s3 =	sand.u32 $0x1, s3;
	[tilespmem:$0x1FFE0] =	vst v60;
	(pc) =	sbr.rel .LBB2_1-.Ltmp0, $4  }
0xd: {  	s6 =	sshll.u32 s1, $0x4;
	s4 =	sshll.u32 s3, $0x8;
	s7 =	ssub.s32 $0x2, s3;
	v61 =	vand.u32 $0xF, v2;
	[tilespmem:$0x1FF90] =	vst v0  }
0xe: {  	s12 =	simm.s32 $0x0;
	s4 =	sor.u32 s6, s4;
	s31 =	sshrl.u32 s7, $0x1;
	v62 =	vand.u32 $0xF, v59;
	[tilespmem:$0x1FFB0] =	vst v61  }
0xf: {  	s3 =	sadd.s32 $0xA00, s5;
	s4 =	sadd.s32 s5, s4;
	s7 =	ssub.s32 s7, s31;
	v63 =	vand.u32 $0xF, v60;
	[tilespmem:$0x1FFD0] =	vst v62  }
0x10: {  	v8 =	vimm.f32 $1.000000020e+30;
	s5 =	sadd.s32 $0x200, s5;
	s6 =	sadd.s32 $0x1200, s4;
	s7 =	smax.u32 s7, $0x1;
	[tilespmem:$0x1FFF0] =	vst v63  }
.LBB2_15:
0x11: {  	v0 =	vimm.f32 $-1.000000020e+30  }
0x12: {  	v8 =	vimm.f32 $1.000000020e+30;
	v0 =	vpsel p0, $0xF149F2CA, v0  }
.LBB2_22:
0x13: {  	v1 =	vld [tilespmem:$0x1FF90];
	_ =	sdelay $0x2  }
0x14: {  	v61 =	vld [tilespmem:$0x1FFA0];
	_ =	sdelay $0x1  }
0x15: {  	v1 =	vperm.xlane v0, v1  }
0x16: {  	v62 =	vld [tilespmem:$0x1FFC0]  }
0x17: {  	v0 =	vmax.f32 v0, v1  }
0x18: {  	v1 =	vperm.xlane v0, v61  }
0x19: {  	v63 =	vld [tilespmem:$0x1FFE0]  }
0x1a: {  	v0 =	vmax.f32 v0, v1  }
0x1b: {  	v1 =	vperm.xlane v0, v62;
	_ =	sdelay $0x1  }
0x1c: {  	v0 =	vmax.f32 v0, v1  }
0x1d: {  	v1 =	vperm.xlane v0, v63;
	_ =	sdelay $0x1  }
0x1e: {  	v0 =	vmax.f32 v0, v1  }
0x1f: {  	v0 =	vmax.f32 v0, $0.0e+00  }
0x20: {  	vm0 =	vmmov $0x1;
	s12 =	sadd.s32 $0x1, s12;
	v0 =	vmax.f32 v15, v0  }
0x21: {  	p0 =	sne.s32 s12, s7;
	v0 =	vnsel vm0, $0x0, v0  }
.Ltmp1:
0x22: {  	[tilespmem:$0x8280] =	vst v0;
	(pc) =	sbr.rel @!p0 .LBB2_23-.Ltmp1, $4  }
0x23: {  	[hbm4b:s6+s2] =	stream.linear.scatter [tilespmem:s11], [sflag:$0x1], $0x80, $0x38;
	[tilespmem:$0x8300] =	vst v63  }
0x24: {  	_ =	swait.ge [sflag:s8], $0x80  }
0x25: {  	[sflag:s8] =	ssyncset.done $0x0  }
0x26: {  	[sflag:s8] =	ssyncadd.s32 $0xFFFFFF80  }
.LBB2_1:
0x27: {  	[tilespmem:s2], [sflag:$0x1] =	stream.linear.gather [hbm4b:s3+s2], $0x4000, $0x38;
	[tilespmem:$0x8300] =	vst v63  }
0x28: {  	_ =	swait.ge [sflag:s8], $0x4000  }
0x29: {  	[sflag:s8] =	ssyncset.done $0x0  }
0x2a: {  	[sflag:s8] =	ssyncadd.s32 $0xFFFFC000  }
0x2b: {  	[tilespmem:s9], [sflag:$0x1] =	stream.linear.gather [hbm4b:s5+s2], $0x4000, $0x38;
	[tilespmem:$0x8300] =	vst v63  }
0x2c: {  	_ =	swait.ge [sflag:s8], $0x4000  }
0x2d: {  	[sflag:s8] =	ssyncset.done $0x0  }
0x2e: {  	[sflag:s8] =	ssyncadd.s32 $0xFFFFC000  }
0x2f: {  	[tilespmem:s10], [sflag:$0x1] =	stream.linear.gather [hbm4b:s4+s2], $0x80, $0x38;
	[tilespmem:$0x8300] =	vst v63  }
0x30: {  	_ =	swait.ge [sflag:s8], $0x80  }
0x31: {  	[sflag:s8] =	ssyncset.done $0x0  }
0x32: {  	[sflag:s8] =	ssyncadd.s32 $0xFFFFFF80  }
0x33: {  	v0 =	vld [tilespmem:$0x8000];
	_ =	sdelay $0x4  }
0x34: {  	(v2sf) =	vpush v0, $0x0  }
0x35: {  	(v2sf) =	vpush v0, $0x1  }
0x36: {  	(v2sf) =	vpush v0, $0x2  }
0x37: {  	(v2sf) =	vpush v0, $0x3;
	_ =	sdelay $0xb  }
0x38: {  	s17 =	spop (v2sf)  }
0x39: {  	s18 =	spop (v2sf)  }
0x3a: {  	s15 =	spop (v2sf)  }
0x3b: {  	s13 =	spop (v2sf)  }
0x3c: {  	s13 =	scvt.f32.s32 s13;
	_ =	sdelay $0x1  }
0x3d: {  	s14 =	sadd.s32 $0x1F, s13  }
0x3e: {  	s16 =	sand.u32 $0x1F, s14  }
0x3f: {  	s31 =	sshra.s32 s14, $0x1F;
	p1 =	slt.s32 s14, $0x1;
	p0 =	sne.s32 s16, $0x0  }
0x40: {  	s16 =	sshrl.u32 s31, $0x1B;
	p0 =	por !p1, !p0  }
0x41: {  	s14 =	sadd.s32 s16, s14;
	s16 =	simm.s32 $0x1;
	p0 =	por !p0, !p0  }
0x42: {  	s14 =	sshra.s32 s14, $0x5;
	s16 =	simm.s32 @!p0 $0x0  }
0x43: {  	s14 =	ssub.s32 s14, s16  }
0x44: {  	p0 =	sgt.s32 s14, $0x0  }
.Ltmp2:
0x45: {  	_ = 	snop;
	(pc) =	sbr.rel @!p0 .LBB2_2-.Ltmp2, $2  }
0x46: {  	_ =	sdelay $0x2  }
0x47: {  	s16 =	simm.s32 $0x8090  }
0x48: {  	p0 =	seq.s32 s14, $0x1  }
.Ltmp3:
0x49: {  	_ = 	snop;
	(pc) =	sbr.rel @p0 .LBB2_6-.Ltmp3, $2  }
0x4a: {  	_ =	sdelay $0x2  }
0x4b: {  	s19 =	sadd.s32 $0xFFFFFFFF, s14;
	[tilespmem:s16+$0xFFFFFFF0] =	vst v8  }
.LBB2_5:
0x4c: {  	p0 =	seq.s32 s19, $0x1  }
.Ltmp4:
0x4d: {  	_ = 	snop;
	(pc) =	sbr.rel @!p0 .LBB2_5-.Ltmp4, $3  }
0x4e: {  	_ =	sdelay $0x1  }
0x4f: {  	s19 =	sadd.s32 $0xFFFFFFFF, s19;
	[tilespmem:s16+$0x0] =	vst v8;
	s16 =	sadd.s32 $0x20, s16  }
0x50: {  	[tilespmem:s16+$0xFFFFFFF0] =	vst v8  }
.LBB2_6:
0x51: {  	[tilespmem:s16+$0x0] =	vst v8  }
.LBB2_2:
0x52: {  	s15 =	scvt.f32.s32 s15;
	_ =	sdelay $0x1  }
0x53: {  	s16 =	sadd.s32 $0xF, s15  }
0x54: {  	s19 =	sand.u32 $0xF, s16  }
0x55: {  	s20 =	sshra.s32 s16, $0x1F;
	p0 =	slt.s32 s16, $0x1;
	p1 =	sne.s32 s19, $0x0  }
0x56: {  	s31 =	sshrl.u32 s20, $0x1C;
	p0 =	por !p0, !p1  }
0x57: {  	s19 =	simm.s32 $0x1;
	s16 =	sadd.s32 s31, s16;
	p0 =	por !p0, !p0  }
0x58: {  	s16 =	sshra.s32 s16, $0x4;
	s19 =	simm.s32 @!p0 $0x0  }
0x59: {  	s16 =	ssub.s32 s16, s19  }
0x5a: {  	p0 =	slt.s32 s16, $0x1  }
.Ltmp5:
0x5b: {  	_ = 	snop;
	(pc) =	sbr.rel @p0 .LBB2_3-.Ltmp5, $1  }
0x5c: {  	_ =	sdelay $0x3  }
.Ltmp6:
0x5d: {  	s18 =	scvt.f32.s32 s18;
	(pc) =	sbr.rel .LBB2_8-.Ltmp6, $4  }
0x5e: {  	s17 =	scvt.f32.s32 s17  }
0x5f: {  	s18 =	sshll.u32 s18, $0xD  }
0x60: {  	s19 =	simm.s32 $0x0;
	s17 =	sshll.u32 s17, $0xD;
	s18 =	sshra.s32 s18, $0x2  }
0x61: {  	v15 =	vimm.f32 $0.0e+00;
	p0 =	slt.s32 s14, $0x1;
	s17 =	sshra.s32 s17, $0x2;
	s18 =	sadd.s32 $0x4000, s18  }
.LBB2_9:
0x62: {  	v23 =	vimm.f32 $1.000000020e+30  }
0x63: {  	v22 =	vimm.f32 $1.000000020e+30;
	v21 =	vimm.f32 $1.000000020e+30;
	v20 =	vimm.f32 $1.000000020e+30  }
0x64: {  	v19 =	vimm.f32 $1.000000020e+30;
	v18 =	vimm.f32 $1.000000020e+30;
	v17 =	vimm.f32 $1.000000020e+30  }
0x65: {  	v16 =	vimm.f32 $1.000000020e+30;
	v7 =	vimm.f32 $1.000000020e+30;
	v6 =	vimm.f32 $1.000000020e+30  }
0x66: {  	v5 =	vimm.f32 $1.000000020e+30;
	v4 =	vimm.f32 $1.000000020e+30;
	v2 =	vimm.f32 $1.000000020e+30  }
0x67: {  	v3 =	vimm.f32 $1.000000020e+30;
	v1 =	vimm.f32 $1.000000020e+30;
	v0 =	vimm.f32 $1.000000020e+30  }
.LBB2_13:
0x68: {  	v24 =	vld [tilespmem:$0x1FF90];
	_ =	sdelay $0x4  }
0x69: {  	v63 =	vld [tilespmem:$0x1FFB0];
	v8 =	vperm.xlane v23, v24;
	v10 =	vperm.xlane v22, v24  }
0x6a: {  	v12 =	vperm.xlane v21, v24;
	v14 =	vperm.xlane v20, v24  }
0x6b: {  	v34 =	vperm.xlane v18, v24;
	v38 =	vperm.xlane v17, v24  }
0x6c: {  	v28 =	vld [tilespmem:$0x1FFD0];
	v43 =	vperm.xlane v5, v24;
	v44 =	vperm.xlane v4, v24  }
0x6d: {  	v51 =	vperm.xlane v2, v24;
	v52 =	vperm.xlane v3, v24;
	v8 =	vmin.f32 v23, v8  }
0x6e: {  	v53 =	vperm.xlane v1, v24;
	v9 =	vperm.xlane v8, v63  }
0x6f: {  	v25 =	vld [tilespmem:$0x1FFF0];
	v55 =	vperm.xlane v0, v24;
	v27 =	vmin.f32 v22, v10;
	v12 =	vmin.f32 v21, v12  }
0x70: {  	v5 =	vmin.f32 v5, v43;
	v4 =	vmin.f32 v4, v44;
	v8 =	vmin.f32 v8, v9  }
0x71: {  	v2 =	vmin.f32 v2, v51;
	v3 =	vmin.f32 v3, v52;
	v29 =	vperm.xlane v8, v28  }
0x72: {  	v1 =	vmin.f32 v1, v53;
	v11 =	vperm.xlane v27, v63;
	v13 =	vperm.xlane v12, v63  }
0x73: {  	v48 =	vperm.xlane v4, v63;
	v54 =	vperm.xlane v2, v63;
	v8 =	vmin.f32 v8, v29  }
0x74: {  	v0 =	vmin.f32 v0, v55;
	v56 =	vperm.xlane v3, v63;
	v10 =	vperm.xlane v8, v25  }
0x75: {  	v58 =	vperm.xlane v0, v63;
	v9 =	vmin.f32 v27, v11;
	v31 =	vmin.f32 v12, v13  }
0x76: {  	p1 =	slt.s32 s20, s15;
	v12 =	vmin.f32 v20, v14;
	v4 =	vmin.f32 v4, v48;
	v8 =	vmin.f32 v8, v10  }
0x77: {  	v2 =	vmin.f32 v2, v54;
	v13 =	vperm.xlane v31, v28;
	v8 =	vpsel !p1, $0x0, v8  }
0x78: {  	v14 =	vperm.xlane v12, v63;
	v8 =	vmax.f32 v15, v8;
	v15 =	vperm.xlane v19, v24  }
0x79: {  	v11 =	vperm.xlane v9, v28;
	v50 =	vperm.xlane v4, v28;
	v32 =	vmin.f32 v31, v13  }
0x7a: {  	v33 =	vmin.f32 v12, v14;
	v12 =	vperm.xlane v32, v25;
	v14 =	vmin.f32 v19, v15  }
0x7b: {  	v9 =	vmin.f32 v9, v11;
	v13 =	vperm.xlane v33, v28;
	v15 =	vperm.xlane v14, v63  }
0x7c: {  	v57 =	vperm.xlane v2, v28;
	v30 =	vperm.xlane v9, v25;
	v35 =	vmin.f32 v32, v12  }
0x7d: {  	v36 =	vmin.f32 v33, v13;
	v13 =	vmin.f32 v18, v34;
	v12 =	vmin.f32 v14, v15  }
0x7e: {  	v3 =	vmin.f32 v3, v56;
	v15 =	vperm.xlane v13, v63;
	v14 =	vperm.xlane v12, v28  }
0x7f: {  	s21 =	sor.u32 $0x1, s20;
	v9 =	vmin.f32 v9, v30;
	v10 =	vmin.f32 v17, v38;
	v11 =	vperm.xlane v36, v25  }
0x80: {  	s26 =	sor.u32 $0x2, s20;
	p2 =	slt.s32 s21, s15;
	v40 =	vperm.xlane v10, v63;
	v39 =	vmin.f32 v12, v14;
	v12 =	vmin.f32 v13, v15  }
0x81: {  	p3 =	slt.s32 s26, s15;
	v9 =	vpsel !p2, $0x0, v9;
	v13 =	vperm.xlane v39, v25;
	v14 =	vperm.xlane v12, v28  }
0x82: {  	s28 =	sor.u32 $0x3, s20;
	v8 =	vmax.f32 v8, v9;
	v9 =	vpsel !p3, $0x0, v35;
	v37 =	vmin.f32 v36, v11  }
0x83: {  	p4 =	slt.s32 s28, s15;
	v11 =	vmin.f32 v39, v13;
	v12 =	vmin.f32 v12, v14;
	v13 =	vperm.xlane v16, v24  }
0x84: {  	v8 =	vmax.f32 v8, v9;
	v9 =	vpsel !p4, $0x0, v37;
	v14 =	vperm.xlane v12, v25  }
0x85: {  	v59 =	vperm.xlane v3, v28;
	v8 =	vmax.f32 v8, v9;
	v13 =	vmin.f32 v16, v13  }
0x86: {  	s29 =	sor.u32 $0x4, s20;
	v9 =	vmin.f32 v10, v40;
	v41 =	vmin.f32 v12, v14;
	v12 =	vperm.xlane v13, v63  }
0x87: {  	p5 =	slt.s32 s29, s15;
	v0 =	vmin.f32 v0, v58;
	v10 =	vperm.xlane v9, v28;
	v15 =	vperm.xlane v7, v24  }
0x88: {  	s30 =	sor.u32 $0x5, s20;
	v11 =	vpsel !p5, $0x0, v11;
	v14 =	vperm.xlane v6, v24;
	v12 =	vmin.f32 v13, v12  }
0x89: {  	p6 =	slt.s32 s30, s15;
	v7 =	vmin.f32 v7, v15;
	v8 =	vmax.f32 v8, v11;
	v42 =	vperm.xlane v12, v28  }
0x8a: {  	v11 =	vpsel !p6, $0x0, v41;
	v13 =	vperm.xlane v7, v63;
	v6 =	vmin.f32 v6, v14  }
0x8b: {  	v8 =	vmax.f32 v8, v11;
	v14 =	vperm.xlane v6, v63;
	v11 =	vmin.f32 v12, v42  }
0x8c: {  	v9 =	vmin.f32 v9, v10;
	v7 =	vmin.f32 v7, v13;
	v13 =	vperm.xlane v11, v25  }
0x8d: {  	v10 =	vperm.xlane v9, v25;
	v12 =	vperm.xlane v7, v28;
	v6 =	vmin.f32 v6, v14  }
0x8e: {  	v4 =	vmin.f32 v4, v50;
	v11 =	vmin.f32 v11, v13;
	v13 =	vperm.xlane v6, v28  }
0x8f: {  	s31 =	sor.u32 $0x6, s20;
	v9 =	vmin.f32 v9, v10;
	v10 =	vperm.xlane v5, v63;
	v7 =	vmin.f32 v7, v12  }
0x90: {  	s22 =	sor.u32 $0x7, s20;
	v2 =	vmin.f32 v2, v57;
	p2 =	slt.s32 s31, s15;
	v12 =	vperm.xlane v7, v25;
	v6 =	vmin.f32 v6, v13  }
0x91: {  	s23 =	sor.u32 $0x8, s20;
	p3 =	slt.s32 s22, s15;
	v9 =	vpsel !p2, $0x0, v9;
	v5 =	vmin.f32 v5, v10;
	v47 =	vperm.xlane v6, v25  }
0x92: {  	s24 =	sor.u32 $0x9, s20;
	p4 =	slt.s32 s23, s15;
	v8 =	vmax.f32 v8, v9;
	v45 =	vpsel !p3, $0x0, v11;
	v7 =	vmin.f32 v7, v12  }
0x93: {  	p5 =	slt.s32 s24, s15;
	v8 =	vmax.f32 v8, v45;
	v7 =	vpsel !p4, $0x0, v7;
	v6 =	vmin.f32 v6, v47  }
0x94: {  	v46 =	vperm.xlane v5, v28;
	v7 =	vmax.f32 v8, v7;
	v6 =	vpsel !p5, $0x0, v6  }
0x95: {  	v3 =	vmin.f32 v3, v59;
	v6 =	vmax.f32 v7, v6;
	v7 =	vperm.xlane v1, v63  }
0x96: {  	v61 =	vperm.xlane v2, v25;
	v62 =	vperm.xlane v3, v25;
	v5 =	vmin.f32 v5, v46  }
0x97: {  	v49 =	vperm.xlane v5, v25;
	v8 =	vperm.xlane v4, v25;
	v1 =	vmin.f32 v1, v7  }
0x98: {  	s25 =	sor.u32 $0xA, s20;
	s26 =	sor.u32 $0xB, s20;
	v2 =	vmin.f32 v2, v61;
	v3 =	vmin.f32 v3, v62;
	v60 =	vperm.xlane v1, v28  }
0x99: {  	p2 =	slt.s32 s26, s15;
	p6 =	slt.s32 s25, s15;
	v5 =	vmin.f32 v5, v49;
	v4 =	vmin.f32 v4, v8;
	v8 =	vperm.xlane v0, v28  }
0x9a: {  	s19 =	sadd.s32 $0x1, s19;
	s28 =	sor.u32 $0xC, s20;
	v5 =	vpsel !p6, $0x0, v5;
	v4 =	vpsel !p2, $0x0, v4;
	v1 =	vmin.f32 v1, v60  }
0x9b: {  	s29 =	sor.u32 $0xD, s20;
	p1 =	sne.s32 s19, s16;
	p3 =	slt.s32 s28, s15;
	v5 =	vmax.f32 v6, v5;
	v0 =	vmin.f32 v0, v8;
	v6 =	vperm.xlane v1, v25  }
.Ltmp7:
0x9c: {  	s30 =	sor.u32 $0xE, s20;
	v2 =	vpsel !p3, $0x0, v2;
	p4 =	slt.s32 s29, s15;
	v4 =	vmax.f32 v5, v4;
	v63 =	vperm.xlane v0, v25;
	(pc) =	sbr.rel @!p1 .LBB2_14-.Ltmp7, $4  }
0x9d: {  	s31 =	sor.u32 $0xF, s20;
	v3 =	vpsel !p4, $0x0, v3;
	p5 =	slt.s32 s30, s15;
	v2 =	vmax.f32 v4, v2;
	v1 =	vmin.f32 v1, v6  }
0x9e: {  	p6 =	slt.s32 s31, s15;
	v2 =	vmax.f32 v2, v3;
	v0 =	vmin.f32 v0, v63;
	v1 =	vpsel !p5, $0x0, v1  }
0x9f: {  	v0 =	vpsel !p6, $0x0, v0;
	v1 =	vmax.f32 v2, v1  }
0xa0: {  	v15 =	vmax.f32 v1, v0  }
.LBB2_8:
.Ltmp8:
0xa1: {  	(pc) =	sbr.rel @p0 .LBB2_9-.Ltmp8, $2  }
0xa2: {  	_ =	sdelay $0x2  }
0xa3: {  	s20 =	sshll.u32 s19, $0x4  }
0xa4: {  	s21 =	sshll.u32 s19, $0x6  }
0xa5: {  	s21 =	sand.u32 $0xFFFFFE00, s21  }
0xa6: {  	s22 =	sand.u32 $0x70, s20;
	s21 =	sadd.s32 s21, s17  }
0xa7: {  	s21 =	sadd.s32 s22, s21  }
0xa8: {  	v2 =	vld [tilespmem:s21+$0x80]  }
0xa9: {  	v3 =	vld [tilespmem:s21+$0x0]  }
0xaa: {  	v0 =	vld [tilespmem:s21+$0x100];
	_ =	sdelay $0x2  }
0xab: {  	v1 =	vimm.s32 $0x0  }
0xac: {  	v60 =	vimm.s32 $0x4;
	v52 =	vimm.s32 $0x5;
	v6 =	vperm.xlane v3, v1  }
0xad: {  	v50 =	vimm.s32 $0x9;
	v38 =	vperm.xlane v2, v1;
	v44 =	vperm.xlane v0, v1  }
0xae: {  	v59 =	vimm.s32 $0xA;
	v19 =	vperm.xlane v3, v60;
	v40 =	vperm.xlane v2, v60  }
0xaf: {  	v48 =	vimm.s32 $0xB;
	v56 =	vperm.xlane v3, v52;
	v41 =	vperm.xlane v2, v52  }
0xb0: {  	v13 =	vimm.s32 $0xE;
	v63 =	vperm.xlane v3, v50;
	v57 =	vperm.xlane v2, v50  }
0xb1: {  	v9 =	vimm.s32 $0xC;
	v33 =	vperm.xlane v3, v59;
	v58 =	vperm.xlane v2, v59  }
0xb2: {  	v34 =	vimm.s32 $0xD;
	s21 =	simm.s32 $0x0;
	v61 =	vperm.xlane v3, v48;
	v62 =	vperm.xlane v0, v13  }
0xb3: {  	v5 =	vimm.s32 $0xF;
	s23 =	sand.u32 $0x60, s21;
	s29 =	sand.u32 $0xFFFFFE00, s21;
	v25 =	vperm.xlane v2, v48;
	v26 =	vperm.xlane v0, v9  }
0xb4: {  	s24 =	sadd.s32 s29, s18;
	s30 =	sor.u32 $0x10, s23;
	v29 =	vperm.xlane v3, v34;
	v27 =	vperm.xlane v3, v5  }
0xb5: {  	s25 =	sadd.s32 s30, s24;
	v1 =	vimm.s32 $0x1;
	v28 =	vperm.xlane v3, v13;
	v30 =	vperm.xlane v3, v9  }
0xb6: {  	v4 =	vld [tilespmem:s25+$0x0];
	v23 =	vperm.xlane v2, v34;
	v21 =	vperm.xlane v3, v1  }
0xb7: {  	v39 =	vperm.xlane v2, v1;
	v53 =	vperm.xlane v0, v1;
	v1 =	vimm.s32 $0x2  }
0xb8: {  	v5 =	vimm.s32 $0xF;
	v24 =	vperm.xlane v2, v13;
	v49 =	vperm.xlane v3, v1  }
0xb9: {  	v35 =	vperm.xlane v2, v1;
	v54 =	vperm.xlane v0, v1;
	v1 =	vimm.s32 $0x3  }
0xba: {  	[tilespmem:$0x1FB40] =	vst v15;
	v15 =	vld [tilespmem:s25+$0x80];
	v32 =	vperm.xlane v2, v5;
	v20 =	vperm.xlane v3, v1  }
0xbb: {  	v37 =	vperm.xlane v2, v1;
	v55 =	vperm.xlane v0, v1;
	v18 =	vsub.f32 v4, v27  }
0xbc: {  	v1 =	vimm.s32 $0x6;
	v8 =	vsub.f32 v4, v29;
	v10 =	vsub.f32 v4, v61  }
0xbd: {  	v47 =	vperm.xlane v3, v1;
	v11 =	vsub.f32 v4, v30;
	v12 =	vsub.f32 v4, v63  }
0xbe: {  	v42 =	vperm.xlane v2, v1;
	v13 =	vsub.f32 v4, v33;
	v16 =	vsub.f32 v4, v56  }
0xbf: {  	[tilespmem:$0x1FB50] =	vst v23;
	v1 =	vimm.s32 $0x7;
	v22 =	vsub.f32 v4, v6;
	v23 =	vsub.f32 v15, v23  }
0xc0: {  	[tilespmem:$0x1FB60] =	vst v24;
	v43 =	vperm.xlane v3, v1;
	v45 =	vperm.xlane v2, v1;
	v1 =	vimm.s32 $0x8  }
0xc1: {  	[tilespmem:$0x1FB70] =	vst v25;
	v24 =	vsub.f32 v15, v24;
	v25 =	vsub.f32 v15, v25;
	v36 =	vperm.xlane v3, v1  }
0xc2: {  	v51 =	vperm.xlane v2, v1;
	v3 =	vperm.xlane v2, v9;
	v9 =	vsub.f32 v4, v28  }
0xc3: {  	v17 =	vsub.f32 v4, v47;
	v5 =	vmul.f32 v18, v18;
	v18 =	vsub.f32 v4, v19  }
0xc4: {  	[tilespmem:$0x1FF10] =	vst v19;
	v11 =	vmul.f32 v11, v11;
	v8 =	vmul.f32 v8, v8;
	v19 =	vsub.f32 v4, v20  }
0xc5: {  	[tilespmem:$0x1FF30] =	vst v20;
	v13 =	vmul.f32 v13, v13;
	v10 =	vmul.f32 v10, v10;
	v20 =	vsub.f32 v4, v21  }
0xc6: {  	[tilespmem:$0x1FF50] =	vst v21;
	v21 =	vsub.f32 v15, v32;
	v12 =	vmul.f32 v12, v12;
	v23 =	vmul.f32 v23, v23  }
0xc7: {  	v16 =	vmul.f32 v16, v16;
	v22 =	vmul.f32 v22, v22;
	v14 =	vsub.f32 v4, v43  }
0xc8: {  	v1 =	vld [tilespmem:s25+$0x100];
	v2 =	vsub.f32 v4, v36;
	v9 =	vmul.f32 v9, v9;
	v17 =	vmul.f32 v17, v17  }
0xc9: {  	v21 =	vmul.f32 v21, v21;
	[tilespmem:$0x1FB90] =	vst v3;
	v3 =	vsub.f32 v15, v3;
	v8 =	vadd.f32 v23, v8  }
0xca: {  	v23 =	vsub.f32 v15, v57;
	v20 =	vmul.f32 v20, v20;
	v19 =	vmul.f32 v19, v19  }
0xcb: {  	[tilespmem:$0x1FBA0] =	vst v57;
	v4 =	vsub.f32 v4, v49;
	v57 =	vimm.s32 $0x8;
	v14 =	vmul.f32 v14, v14  }
0xcc: {  	v2 =	vmul.f32 v2, v2;
	v5 =	vadd.f32 v21, v5;
	v21 =	vmul.f32 v24, v24  }
0xcd: {  	v24 =	vmul.f32 v25, v25;
	v3 =	vmul.f32 v3, v3;
	v31 =	vsub.f32 v1, v62  }
0xce: {  	v23 =	vmul.f32 v23, v23;
	v7 =	vsub.f32 v1, v53;
	v9 =	vadd.f32 v21, v9  }
0xcf: {  	[tilespmem:$0x1FF60] =	vst v6;
	v4 =	vmul.f32 v4, v4;
	v21 =	vsub.f32 v15, v58;
	v10 =	vadd.f32 v24, v10  }
0xd0: {  	[tilespmem:$0x1FBB0] =	vst v58;
	v25 =	vmovc v49;
	v49 =	vimm.s32 $0x6;
	v24 =	vsub.f32 v15, v45;
	v3 =	vadd.f32 v3, v11  }
0xd1: {  	[tilespmem:$0x1FBE0] =	vst v41;
	v11 =	vmul.f32 v18, v18;
	v18 =	vsub.f32 v15, v51;
	v21 =	vmul.f32 v21, v21  }
0xd2: {  	[tilespmem:$0x1FC00] =	vst v38;
	v12 =	vadd.f32 v23, v12;
	v23 =	vsub.f32 v15, v41;
	v24 =	vmul.f32 v24, v24  }
0xd3: {  	[tilespmem:$0x1FC10] =	vst v40;
	v18 =	vmul.f32 v18, v18;
	v13 =	vadd.f32 v21, v13;
	v21 =	vsub.f32 v15, v42  }
0xd4: {  	[tilespmem:$0x1FC90] =	vst v62;
	v23 =	vmul.f32 v23, v23;
	v14 =	vadd.f32 v24, v14;
	v24 =	vsub.f32 v15, v38  }
0xd5: {  	[tilespmem:$0x1FCF0] =	vst v26;
	v7 =	vmul.f32 v7, v7;
	v2 =	vadd.f32 v18, v2;
	v18 =	vsub.f32 v15, v40  }
0xd6: {  	[tilespmem:$0x1FDD0] =	vst v44;
	v16 =	vadd.f32 v23, v16;
	v23 =	vsub.f32 v15, v39;
	v21 =	vmul.f32 v21, v21  }
0xd7: {  	[tilespmem:$0x1FE70] =	vst v27;
	v46 =	vsub.f32 v1, v26;
	v24 =	vmul.f32 v24, v24;
	v18 =	vmul.f32 v18, v18  }
0xd8: {  	[tilespmem:$0x1FE80] =	vst v28;
	v23 =	vmul.f32 v23, v23;
	v17 =	vadd.f32 v21, v17;
	v21 =	vsub.f32 v15, v37  }
0xd9: {  	[tilespmem:$0x1FE90] =	vst v29;
	v22 =	vadd.f32 v24, v22;
	v24 =	vperm.xlane v0, v60;
	v11 =	vadd.f32 v18, v11  }
0xda: {  	[tilespmem:$0x1FC40] =	vst v35;
	v18 =	vsub.f32 v1, v44;
	v20 =	vadd.f32 v23, v20;
	v23 =	vperm.xlane v0, v34  }
0xdb: {  	[tilespmem:$0x1FC30] =	vst v37;
	v15 =	vsub.f32 v15, v35;
	v35 =	vmul.f32 v31, v31;
	v37 =	vsub.f32 v1, v55  }
0xdc: {  	[tilespmem:$0x1FEA0] =	vst v61;
	v21 =	vmul.f32 v21, v21;
	v18 =	vmul.f32 v18, v18;
	v40 =	vadd.f32 v7, v20  }
0xdd: {  	s23 =	sadd.s32 s23, s24;
	[tilespmem:$0x1FB80] =	vst v5;
	v15 =	vmul.f32 v15, v15;
	v5 =	vadd.f32 v35, v9;
	v38 =	vsub.f32 v1, v24  }
0xde: {  	[tilespmem:$0x1FC20] =	vst v39;
	v34 =	vld [tilespmem:s23+$0x100];
	v7 =	vmul.f32 v37, v37;
	v39 =	vadd.f32 v18, v22;
	v18 =	vsub.f32 v1, v23  }
0xdf: {  	[tilespmem:$0x1FEB0] =	vst v30;
	v20 =	vperm.xlane v0, v57;
	v4 =	vadd.f32 v15, v4;
	v15 =	vperm.xlane v0, v48  }
0xe0: {  	[tilespmem:$0x1FBD0] =	vst v51;
	v51 =	vimm.s32 $0x7;
	v48 =	vmul.f32 v46, v46;
	v9 =	vmul.f32 v18, v18  }
0xe1: {  	v19 =	vadd.f32 v21, v19;
	v21 =	vsub.f32 v1, v54;
	[tilespmem:$0x1FC50] =	vst v5;
	v5 =	vmul.f32 v38, v38  }
0xe2: {  	[tilespmem:$0x1FBF0] =	vst v42;
	v3 =	vadd.f32 v48, v3;
	v8 =	vadd.f32 v9, v8;
	v9 =	vperm.xlane v0, v52  }
0xe3: {  	[tilespmem:$0x1FBC0] =	vst v45;
	v35 =	vsub.f32 v34, v26;
	v42 =	vsub.f32 v34, v20;
	v21 =	vmul.f32 v21, v21  }
0xe4: {  	v45 =	vsub.f32 v1, v15;
	v18 =	vperm.xlane v0, v59;
	[tilespmem:$0x1FC70] =	vst v3;
	v3 =	vsub.f32 v1, v9  }
0xe5: {  	[tilespmem:$0x1FEC0] =	vst v33;
	v31 =	vadd.f32 v7, v19;
	v19 =	vperm.xlane v0, v51;
	v7 =	vsub.f32 v34, v44  }
0xe6: {  	[tilespmem:$0x1FED0] =	vst v63;
	v41 =	vadd.f32 v21, v4;
	v52 =	vsub.f32 v1, v18;
	v3 =	vmul.f32 v3, v3  }
0xe7: {  	[tilespmem:$0x1FF20] =	vst v56;
	v4 =	vmul.f32 v45, v45;
	v45 =	vadd.f32 v5, v11;
	v60 =	vsub.f32 v1, v19  }
0xe8: {  	[tilespmem:$0x1FDC0] =	vst v53;
	v37 =	vsub.f32 v34, v18;
	v48 =	vadd.f32 v3, v16;
	v3 =	vmul.f32 v52, v52  }
0xe9: {  	[tilespmem:$0x1FF70] =	vst v32;
	v11 =	vperm.xlane v0, v49;
	v38 =	vsub.f32 v34, v19;
	v4 =	vadd.f32 v4, v10  }
0xea: {  	[tilespmem:$0x1FDB0] =	vst v54;
	v10 =	vperm.xlane v0, v50;
	v46 =	vadd.f32 v3, v13;
	v3 =	vimm.s32 $0xF  }
0xeb: {  	[tilespmem:$0x1FDA0] =	vst v24;
	v59 =	vsub.f32 v1, v11;
	v13 =	vperm.xlane v0, v3;
	v0 =	vmul.f32 v60, v60  }
0xec: {  	v26 =	vimm.f32 $1.000000020e+30;
	[tilespmem:$0x1FC60] =	vst v8;
	v8 =	vsub.f32 v1, v20;
	v58 =	vsub.f32 v1, v10  }
0xed: {  	[tilespmem:$0x1FCE0] =	vst v15;
	v6 =	vmul.f32 v59, v59;
	v51 =	vadd.f32 v0, v14;
	v0 =	vsub.f32 v1, v13  }
0xee: {  	s31 =	sand.u32 $0xFFFFFF80, s21;
	[tilespmem:$0x1FC80] =	vst v4;
	v4 =	vmul.f32 v35, v35;
	v3 =	vmul.f32 v8, v8;
	v1 =	vsub.f32 v34, v62  }
0xef: {  	s24 =	sor.u32 s30, s31;
	[tilespmem:$0x1FD20] =	vst v18;
	v18 =	vimm.f32 $1.000000020e+30;
	v5 =	vmul.f32 v58, v58;
	v0 =	vmul.f32 v0, v0  }
0xf0: {  	[tilespmem:$0x1FD70] =	vst v9;
	v50 =	vadd.f32 v6, v17;
	v52 =	vadd.f32 v3, v2;
	v3 =	vld [tilespmem:s24+$0x8080];
	v1 =	vmul.f32 v1, v1  }
0xf1: {  	v35 =	vimm.f32 $1.000000020e+30;
	v49 =	vadd.f32 v5, v12;
	[tilespmem:$0x1FCA0] =	vst v0;
	v0 =	vsub.f32 v34, v13  }
0xf2: {  	v12 =	vsub.f32 v34, v53;
	v5 =	vmul.f32 v37, v37;
	[tilespmem:$0x1FCD0] =	vst v1;
	v1 =	vsub.f32 v34, v15  }
0xf3: {  	[tilespmem:$0x1FD80] =	vst v11;
	v37 =	vimm.f32 $1.000000020e+30;
	v2 =	vsub.f32 v34, v23;
	v0 =	vmul.f32 v0, v0  }
0xf4: {  	[tilespmem:$0x1FD10] =	vst v10;
	v8 =	vsub.f32 v34, v11;
	v11 =	vsub.f32 v34, v54;
	v1 =	vmul.f32 v1, v1  }
0xf5: {  	v2 =	vmul.f32 v2, v2;
	v3 =	vmin.f32 v3, v39;
	[tilespmem:$0x1FD00] =	vst v0;
	v0 =	vsub.f32 v34, v10  }
0xf6: {  	v59 =	vmul.f32 v11, v11;
	v3 =	vmin.f32 v3, v40;
	[tilespmem:$0x1FDF0] =	vst v1;
	v1 =	vmul.f32 v42, v42  }
0xf7: {  	v62 =	vmul.f32 v12, v12;
	[tilespmem:$0x1FD60] =	vst v2;
	v3 =	vmin.f32 v3, v41;
	v0 =	vmul.f32 v0, v0  }
0xf8: {  	v11 =	vimm.f32 $1.000000020e+30;
	v12 =	vimm.f32 $1.000000020e+30;
	[tilespmem:$0x1FE00] =	vst v1;
	v1 =	vmin.f32 v3, v31;
	v3 =	vld [tilespmem:s23+$0x0]  }
0xf9: {  	v14 =	vimm.f32 $1.000000020e+30;
	v2 =	vsub.f32 v34, v9;
	[tilespmem:$0x1FE10] =	vst v0;
	v0 =	vmul.f32 v38, v38  }
0xfa: {  	[tilespmem:$0x1FCB0] =	vst v13;
	v9 =	vsub.f32 v34, v55;
	v13 =	vimm.f32 $1.000000020e+30;
	v15 =	vimm.f32 $1.000000020e+30  }
0xfb: {  	v10 =	vsub.f32 v34, v24;
	v24 =	vmul.f32 v7, v7;
	[tilespmem:$0x1FE20] =	vst v0;
	v0 =	vmin.f32 v1, v45  }
0xfc: {  	[tilespmem:$0x1FD50] =	vst v20;
	v20 =	vld [tilespmem:s23+$0x80];
	v34 =	vimm.f32 $1.000000020e+30;
	v1 =	vmul.f32 v8, v8;
	v0 =	vmin.f32 v0, v48  }
0xfd: {  	[tilespmem:$0x1FEF0] =	vst v47;
	v42 =	vimm.f32 $1.000000020e+30;
	v44 =	vsub.f32 v3, v29;
	v0 =	vmin.f32 v0, v50  }
0xfe: {  	v47 =	vsub.f32 v3, v47;
	[tilespmem:$0x1FE30] =	vst v1;
	v1 =	vmul.f32 v2, v2;
	v0 =	vmin.f32 v0, v51  }
0xff: {  	[tilespmem:$0x1FD90] =	vst v55;
	v53 =	vsub.f32 v3, v43;
	v2 =	vsub.f32 v3, v28;
	v0 =	vmin.f32 v0, v52  }
0x100: {  	v28 =	vsub.f32 v3, v25;
	[tilespmem:$0x1FE40] =	vst v1;
	v1 =	vmul.f32 v10, v10;
	v0 =	vmin.f32 v0, v49  }
0x101: {  	[tilespmem:$0x1FF40] =	vst v25;
	v25 =	vsub.f32 v20, v32;
	v57 =	vmin.f32 v0, v46;
	v0 =	vsub.f32 v3, v61  }
0x102: {  	v54 =	vld [tilespmem:$0x1FF30];
	v60 =	vmul.f32 v2, v2;
	v2 =	vsub.f32 v3, v33;
	[tilespmem:$0x1FE50] =	vst v1;
	v1 =	vmul.f32 v9, v9  }
0x103: {  	[tilespmem:$0x1FF00] =	vst v43;
	v55 =	vld [tilespmem:$0x1FF50];
	v21 =	vmul.f32 v53, v53;
	v16 =	vmul.f32 v0, v0;
	v0 =	vsub.f32 v3, v63  }
0x104: {  	v17 =	vmul.f32 v2, v2;
	v2 =	vsub.f32 v3, v56;
	v56 =	vld [tilespmem:$0x1FF60];
	[tilespmem:$0x1FE60] =	vst v1;
	v1 =	vsub.f32 v3, v27  }
0x105: {  	p1 =	sne.s32 s14, $0x1;
	[tilespmem:$0x1FD40] =	vst v19;
	v22 =	vmul.f32 v47, v47;
	v53 =	vimm.f32 $1.000000020e+30;
	v19 =	vmul.f32 v0, v0;
	v0 =	vld [tilespmem:$0x1FF10]  }
.Ltmp9:
0x106: {  	[tilespmem:$0x1FEE0] =	vst v36;
	v61 =	vmul.f32 v44, v44;
	v58 =	vmul.f32 v1, v1;
	v1 =	vsub.f32 v3, v30;
	(pc) =	sbr.rel @!p1 .LBB2_12-.Ltmp9, $4  }
0x107: {  	[tilespmem:$0x1FCC0] =	vst v23;
	v27 =	vsub.f32 v3, v54;
	v23 =	vmul.f32 v2, v2;
	v2 =	vimm.f32 $1.000000020e+30  }
0x108: {  	[tilespmem:$0x1FD30] =	vst v4;
	v54 =	vimm.f32 $1.000000020e+30;
	v63 =	vmul.f32 v1, v1;
	v1 =	vsub.f32 v3, v36  }
0x109: {  	[tilespmem:$0x1FDE0] =	vst v5;
	v30 =	vsub.f32 v3, v55;
	v55 =	vimm.f32 $1.000000020e+30;
	v29 =	vsub.f32 v3, v56  }
0x10a: {  	s22 =	sadd.s32 $0xFFFFFFFF, s14;
	s23 =	simm.s32 $0x0;
	[tilespmem:$0x1FF80] =	vst v2;
	v56 =	vimm.f32 $1.000000020e+30;
	v1 =	vmul.f32 v1, v1;
	v0 =	vsub.f32 v3, v0  }
.LBB2_11:
0x10b: {  	v2 =	vld [tilespmem:$0x1FB50];
	_ =	sdelay $0x4  }
0x10c: {  	v32 =	vsub.f32 v20, v2;
	v2 =	vld [tilespmem:$0x1FB60];
	_ =	sdelay $0x4  }
0x10d: {  	v33 =	vsub.f32 v20, v2;
	v2 =	vld [tilespmem:$0x1FB70];
	_ =	sdelay $0x4  }
0x10e: {  	v36 =	vsub.f32 v20, v2;
	v2 =	vld [tilespmem:$0x1FB90];
	_ =	sdelay $0x4  }
0x10f: {  	v38 =	vsub.f32 v20, v2;
	v2 =	vld [tilespmem:$0x1FBA0];
	_ =	sdelay $0x4  }
0x110: {  	v43 =	vsub.f32 v20, v2;
	v2 =	vld [tilespmem:$0x1FBB0];
	_ =	sdelay $0x1  }
0x111: {  	v3 =	vld [tilespmem:$0x1FBE0]  }
0x112: {  	v4 =	vld [tilespmem:$0x1FBF0]  }
0x113: {  	v5 =	vld [tilespmem:$0x1FC10]  }
0x114: {  	v44 =	vsub.f32 v20, v2;
	v2 =	vld [tilespmem:$0x1FBC0]  }
0x115: {  	v6 =	vld [tilespmem:$0x1FC00]  }
0x116: {  	v7 =	vld [tilespmem:$0x1FC20]  }
0x117: {  	v8 =	vld [tilespmem:$0x1FC40]  }
0x118: {  	v10 =	vld [tilespmem:$0x1FC30]  }
0x119: {  	v47 =	vsub.f32 v20, v2;
	v2 =	vld [tilespmem:$0x1FBD0];
	_ =	sdelay $0x1  }
0x11a: {  	v3 =	vsub.f32 v20, v3;
	v4 =	vsub.f32 v20, v4  }
0x11b: {  	v5 =	vsub.f32 v20, v5;
	v6 =	vsub.f32 v20, v6  }
0x11c: {  	v7 =	vsub.f32 v20, v7;
	v8 =	vsub.f32 v20, v8  }
0x11d: {  	v2 =	vsub.f32 v20, v2;
	v20 =	vsub.f32 v20, v10;
	v10 =	vld [tilespmem:$0x1FE50]  }
0x11e: {  	v0 =	vmul.f32 v0, v0;
	v5 =	vmul.f32 v5, v5;
	_ =	sdelay $0x1  }
0x11f: {  	v0 =	vadd.f32 v5, v0;
	_ =	sdelay $0x1  }
0x120: {  	v0 =	vadd.f32 v10, v0;
	v10 =	vld [tilespmem:$0x1FE40]  }
0x121: {  	v3 =	vmul.f32 v3, v3;
	_ =	sdelay $0x1  }
0x122: {  	v3 =	vadd.f32 v3, v23;
	_ =	sdelay $0x1  }
0x123: {  	v3 =	vadd.f32 v10, v3;
	v10 =	vld [tilespmem:$0x1FE30]  }
0x124: {  	v4 =	vmul.f32 v4, v4;
	_ =	sdelay $0x1  }
0x125: {  	v4 =	vadd.f32 v4, v22;
	_ =	sdelay $0x1  }
0x126: {  	v4 =	vadd.f32 v10, v4;
	v10 =	vld [tilespmem:$0x1FE00]  }
0x127: {  	v2 =	vmul.f32 v2, v2;
	_ =	sdelay $0x1  }
0x128: {  	v1 =	vadd.f32 v2, v1;
	_ =	sdelay $0x1  }
0x129: {  	v1 =	vadd.f32 v10, v1;
	v10 =	vld [tilespmem:$0x1FE10]  }
0x12a: {  	v43 =	vmul.f32 v43, v43  }
0x12b: {  	s25 =	sshra.s32 s21, $0x2;
	v29 =	vmul.f32 v29, v29;
	v6 =	vmul.f32 v6, v6  }
0x12c: {  	v30 =	vmul.f32 v30, v30;
	v9 =	vld [tilespmem:s25+$0x8080];
	v7 =	vmul.f32 v7, v7;
	v19 =	vadd.f32 v43, v19  }
0x12d: {  	v28 =	vmul.f32 v28, v28;
	v6 =	vadd.f32 v6, v29  }
0x12e: {  	v8 =	vmul.f32 v8, v8;
	v7 =	vadd.f32 v7, v30;
	v19 =	vadd.f32 v10, v19;
	v10 =	vld [tilespmem:$0x1FDE0]  }
0x12f: {  	v6 =	vadd.f32 v24, v6;
	v44 =	vmul.f32 v44, v44  }
0x130: {  	v8 =	vadd.f32 v8, v28;
	v7 =	vadd.f32 v62, v7  }
0x131: {  	v9 =	vmin.f32 v9, v6;
	v17 =	vadd.f32 v44, v17  }
0x132: {  	v8 =	vadd.f32 v59, v8;
	v59 =	vmin.f32 v9, v7;
	v9 =	vld [tilespmem:$0x1FE60]  }
0x133: {  	v27 =	vmul.f32 v27, v27;
	v20 =	vmul.f32 v20, v20;
	v17 =	vadd.f32 v10, v17;
	v10 =	vld [tilespmem:$0x1FDF0]  }
0x134: {  	v36 =	vmul.f32 v36, v36  }
0x135: {  	v20 =	vadd.f32 v20, v27  }
0x136: {  	v62 =	vld [tilespmem:$0x1FE20];
	v16 =	vadd.f32 v36, v16  }
0x137: {  	v29 =	vmul.f32 v47, v47;
	v9 =	vadd.f32 v9, v20  }
0x138: {  	v5 =	vmin.f32 v59, v8;
	v16 =	vadd.f32 v10, v16;
	v10 =	vld [tilespmem:$0x1FD30]  }
0x139: {  	v38 =	vmul.f32 v38, v38;
	v20 =	vadd.f32 v29, v21;
	v5 =	vmin.f32 v5, v9  }
0x13a: {  	v5 =	vmin.f32 v5, v0  }
0x13b: {  	v2 =	vmin.f32 v5, v3;
	v5 =	vadd.f32 v62, v20;
	v20 =	vadd.f32 v38, v63;
	_ =	sdelay $0x1  }
0x13c: {  	v20 =	vadd.f32 v10, v20;
	v10 =	vld [tilespmem:$0x1FD60]  }
0x13d: {  	v32 =	vmul.f32 v32, v32;
	_ =	sdelay $0x1  }
0x13e: {  	v21 =	vadd.f32 v32, v61;
	_ =	sdelay $0x1  }
0x13f: {  	v21 =	vadd.f32 v10, v21;
	v10 =	vld [tilespmem:$0x1FCD0]  }
0x140: {  	v33 =	vmul.f32 v33, v33;
	_ =	sdelay $0x1  }
0x141: {  	v22 =	vadd.f32 v33, v60  }
0x142: {  	v25 =	vmul.f32 v25, v25;
	v28 =	vld [tilespmem:$0x1FC70]  }
0x143: {  	v22 =	vadd.f32 v10, v22;
	v10 =	vld [tilespmem:$0x1FD00]  }
0x144: {  	v23 =	vadd.f32 v25, v58;
	v25 =	vld [tilespmem:$0x1FB80]  }
0x145: {  	v30 =	vld [tilespmem:$0x1FCB0]  }
0x146: {  	v58 =	vld [tilespmem:$0x1FBF0]  }
0x147: {  	v6 =	vmin.f32 v6, v39;
	v29 =	vld [tilespmem:$0x1FC80]  }
0x148: {  	v18 =	vmin.f32 v18, v6;
	v8 =	vmin.f32 v8, v41;
	v23 =	vadd.f32 v10, v23;
	v10 =	vld [tilespmem:$0x1FCA0]  }
0x149: {  	[tilespmem:$0x1FAC0] =	vst v18;
	v18 =	vld [tilespmem:$0x1FCE0];
	v11 =	vmin.f32 v11, v8;
	v2 =	vmin.f32 v2, v4  }
0x14a: {  	[tilespmem:$0x1FB20] =	vst v11;
	v11 =	vld [tilespmem:$0x1FDD0];
	v2 =	vmin.f32 v2, v5  }
0x14b: {  	v44 =	vld [tilespmem:$0x1FF80];
	v0 =	vmin.f32 v0, v45;
	v2 =	vmin.f32 v2, v1  }
0x14c: {  	v27 =	vld [tilespmem:$0x1FC60];
	v13 =	vmin.f32 v13, v0;
	v2 =	vmin.f32 v2, v19  }
0x14d: {  	v24 =	vmin.f32 v57, v29;
	v2 =	vmin.f32 v2, v17;
	v25 =	vadd.f32 v10, v25;
	v10 =	vld [tilespmem:$0x1FC50]  }
0x14e: {  	[tilespmem:$0x1FB00] =	vst v13;
	v13 =	vld [tilespmem:$0x1FD90];
	v24 =	vmin.f32 v24, v28;
	v3 =	vmin.f32 v3, v48;
	v2 =	vmin.f32 v2, v16  }
0x14f: {  	v57 =	vld [tilespmem:$0x1FBA0];
	v14 =	vmin.f32 v14, v3;
	v4 =	vmin.f32 v4, v50;
	v2 =	vmin.f32 v2, v20  }
0x150: {  	[tilespmem:$0x1FAE0] =	vst v14;
	v14 =	vld [tilespmem:$0x1FCF0];
	v5 =	vmin.f32 v5, v51;
	v15 =	vmin.f32 v15, v4;
	v2 =	vmin.f32 v2, v21  }
0x151: {  	s21 =	sadd.s32 $0x80, s21;
	s23 =	sadd.s32 $0x20, s23;
	v24 =	vmin.f32 v24, v27;
	[tilespmem:$0x1FAF0] =	vst v15;
	v26 =	vmin.f32 v26, v5;
	v15 =	vld [tilespmem:$0x1FDA0];
	v2 =	vmin.f32 v2, v22  }
0x152: {  	s29 =	sand.u32 $0x60, s23;
	s26 =	sand.u32 $0xFFFFFE00, s21;
	[tilespmem:$0x1FAB0] =	vst v26;
	v26 =	vld [tilespmem:$0x1FD80];
	v2 =	vmin.f32 v2, v23;
	v24 =	vmin.f32 v24, v10  }
0x153: {  	s28 =	sadd.s32 s26, s18;
	s30 =	sor.u32 $0x10, s29;
	v1 =	vmin.f32 v1, v52;
	v52 =	vld [tilespmem:$0x1FBD0];
	[tilespmem:s25+$0x8080] =	vst v2;
	v24 =	vmin.f32 v24, v25  }
0x154: {  	s26 =	sadd.s32 s30, s28;
	v22 =	vmin.f32 v22, v10;
	v10 =	vld [tilespmem:$0x1FC90];
	[tilespmem:s24+$0x8080] =	vst v24  }
0x155: {  	v16 =	vmin.f32 v16, v29;
	v2 =	vmin.f32 v9, v31;
	v9 =	vmin.f32 v19, v49;
	v19 =	vld [tilespmem:s26+$0x100]  }
0x156: {  	v42 =	vmin.f32 v42, v16;
	v16 =	vld [tilespmem:$0x1FCC0]  }
0x157: {  	v34 =	vmin.f32 v34, v1;
	v45 =	vmin.f32 v23, v25;
	v25 =	vld [tilespmem:$0x1FD20]  }
0x158: {  	v17 =	vmin.f32 v17, v46;
	v29 =	vld [tilespmem:$0x1FD50];
	v20 =	vmin.f32 v20, v28;
	v21 =	vmin.f32 v21, v27  }
0x159: {  	v37 =	vmin.f32 v37, v17;
	v53 =	vmin.f32 v53, v20;
	v27 =	vld [tilespmem:$0x1FD10];
	v63 =	vmin.f32 v54, v21  }
0x15a: {  	v28 =	vld [tilespmem:$0x1FD40];
	v12 =	vmin.f32 v12, v2;
	v0 =	vsub.f32 v19, v10;
	v1 =	vsub.f32 v19, v30  }
0x15b: {  	s25 =	sadd.s32 s29, s28;
	v35 =	vmin.f32 v35, v9;
	v24 =	vld [tilespmem:$0x1FD70];
	v2 =	vsub.f32 v19, v14;
	v3 =	vsub.f32 v19, v16  }
0x15c: {  	[tilespmem:$0x1FAD0] =	vst v53;
	v33 =	vld [tilespmem:s25+$0x100];
	v46 =	vsub.f32 v19, v25;
	v47 =	vsub.f32 v19, v18;
	v51 =	vmul.f32 v0, v0  }
0x15d: {  	v17 =	vld [tilespmem:$0x1FDC0];
	[tilespmem:$0x1FB10] =	vst v12;
	v32 =	vsub.f32 v19, v29;
	v0 =	vmul.f32 v1, v1;
	v1 =	vmul.f32 v2, v2  }
0x15e: {  	v53 =	vld [tilespmem:$0x1FF00];
	[tilespmem:$0x1FB30] =	vst v35;
	v56 =	vmin.f32 v56, v45;
	v8 =	vsub.f32 v19, v27;
	v9 =	vsub.f32 v19, v26  }
0x15f: {  	v54 =	vld [tilespmem:$0x1FEC0];
	v20 =	vsub.f32 v19, v28;
	v21 =	vsub.f32 v19, v15;
	[tilespmem:$0x1FA10] =	vst v1;
	v1 =	vmul.f32 v46, v46  }
0x160: {  	v12 =	vld [tilespmem:$0x1FDB0];
	[tilespmem:$0x1FAA0] =	vst v56;
	v55 =	vmin.f32 v55, v22;
	v22 =	vsub.f32 v19, v24;
	v23 =	vsub.f32 v19, v13  }
0x161: {  	v56 =	vld [tilespmem:$0x1FEB0];
	v35 =	vsub.f32 v33, v30;
	v36 =	vsub.f32 v33, v16;
	[tilespmem:$0x1FA30] =	vst v1;
	v1 =	vmul.f32 v47, v47  }
0x162: {  	[tilespmem:$0x1FA90] =	vst v55;
	v55 =	vld [tilespmem:$0x1FE70];
	v38 =	vsub.f32 v33, v10;
	v25 =	vsub.f32 v33, v25  }
0x163: {  	v30 =	vsub.f32 v33, v15;
	v16 =	vld [tilespmem:$0x1FEA0];
	v50 =	vmul.f32 v3, v3;
	[tilespmem:$0x1FA20] =	vst v1;
	v1 =	vmul.f32 v32, v32  }
0x164: {  	[tilespmem:$0x1FA80] =	vst v42;
	v15 =	vld [tilespmem:$0x1FF20];
	v2 =	vsub.f32 v19, v17;
	v3 =	vsub.f32 v19, v11;
	v45 =	vmul.f32 v23, v23  }
0x165: {  	v4 =	vmul.f32 v35, v35;
	v23 =	vsub.f32 v33, v17;
	v17 =	vld [tilespmem:$0x1FF50];
	[tilespmem:$0x1FA70] =	vst v1;
	v1 =	vmul.f32 v8, v8  }
0x166: {  	v41 =	vmul.f32 v25, v25;
	v10 =	vmul.f32 v30, v30;
	v35 =	vld [tilespmem:$0x1FF70];
	[tilespmem:$0x1FCA0] =	vst v0;
	v8 =	vsub.f32 v33, v18  }
0x167: {  	v0 =	vsub.f32 v19, v12;
	v46 =	vmul.f32 v21, v21;
	v19 =	vld [tilespmem:$0x1FE90];
	[tilespmem:$0x1FA50] =	vst v1;
	v1 =	vmul.f32 v9, v9  }
0x168: {  	v7 =	vmin.f32 v7, v40;
	v21 =	vmul.f32 v2, v2;
	[tilespmem:$0x1FE50] =	vst v10;
	v10 =	vld [tilespmem:$0x1FEE0];
	v42 =	vmul.f32 v8, v8  }
0x169: {  	v2 =	vsub.f32 v33, v24;
	v24 =	vsub.f32 v33, v12;
	v12 =	vld [tilespmem:$0x1FF40];
	[tilespmem:$0x1FA40] =	vst v1;
	v1 =	vmul.f32 v20, v20  }
0x16a: {  	v6 =	vmin.f32 v44, v7;
	v49 =	vmul.f32 v22, v22;
	[tilespmem:$0x1FDE0] =	vst v41;
	v41 =	vld [tilespmem:$0x1FB60]  }
0x16b: {  	v7 =	vmul.f32 v38, v38;
	[tilespmem:$0x1FA60] =	vst v1;
	v1 =	vmul.f32 v0, v0;
	v0 =	vsub.f32 v33, v28;
	v28 =	vld [tilespmem:s26+$0x0]  }
0x16c: {  	v20 =	vsub.f32 v33, v27;
	v27 =	vsub.f32 v33, v29;
	[tilespmem:$0x1FDF0] =	vst v42;
	v42 =	vmovc v37;
	v37 =	vmov v34;
	v34 =	vld [tilespmem:$0x1FE80]  }
0x16d: {  	v22 =	vmul.f32 v3, v3;
	v2 =	vmul.f32 v2, v2;
	v18 =	vld [tilespmem:$0x1FEF0]  }
0x16e: {  	v3 =	vsub.f32 v33, v13;
	[tilespmem:$0x1FD00] =	vst v4;
	v29 =	vsub.f32 v33, v26;
	v26 =	vld [tilespmem:$0x1FED0];
	v43 =	vmul.f32 v27, v27  }
0x16f: {  	v4 =	vsub.f32 v33, v11;
	[tilespmem:$0x1FE40] =	vst v2;
	v9 =	vsub.f32 v33, v14;
	v14 =	vld [tilespmem:$0x1FF10];
	v0 =	vmul.f32 v0, v0  }
0x170: {  	v44 =	vmul.f32 v20, v20;
	v59 =	vmul.f32 v29, v29;
	v29 =	vld [tilespmem:s26+$0x80];
	[tilespmem:$0x1FE00] =	vst v43;
	v47 =	vsub.f32 v28, v55  }
0x171: {  	v40 =	vmul.f32 v36, v36;
	v43 =	vld [tilespmem:$0x1FB90];
	[tilespmem:$0x1FE20] =	vst v0;
	v0 =	vsub.f32 v28, v19;
	v48 =	vsub.f32 v28, v34  }
0x172: {  	v3 =	vmul.f32 v3, v3;
	[tilespmem:$0x1FE10] =	vst v44;
	v44 =	vld [tilespmem:$0x1FB50];
	v60 =	vsub.f32 v28, v16;
	v8 =	vsub.f32 v28, v56  }
0x173: {  	v39 =	vmul.f32 v9, v9;
	[tilespmem:$0x1FE30] =	vst v59;
	v59 =	vld [tilespmem:$0x1FBC0];
	v2 =	vsub.f32 v28, v26;
	v9 =	vsub.f32 v28, v54  }
0x174: {  	[tilespmem:$0x1FF80] =	vst v6;
	v20 =	vsub.f32 v28, v53;
	v25 =	vsub.f32 v28, v10;
	v5 =	vmul.f32 v47, v47;
	v47 =	vld [tilespmem:$0x1FBB0]  }
0x175: {  	[tilespmem:$0x1FE60] =	vst v3;
	v3 =	vsub.f32 v28, v15;
	v61 =	vsub.f32 v28, v12;
	v6 =	vmul.f32 v48, v48;
	v48 =	vld [tilespmem:$0x1FB70]  }
0x176: {  	[tilespmem:$0x1FCD0] =	vst v7;
	v27 =	vsub.f32 v28, v18;
	v62 =	vsub.f32 v28, v17;
	v7 =	vmul.f32 v60, v60;
	v60 =	vld [tilespmem:$0x1FC10]  }
0x177: {  	v30 =	vsub.f32 v28, v14;
	v36 =	vsub.f32 v29, v41;
	v32 =	vmul.f32 v61, v61;
	v61 =	vld [tilespmem:$0x1FBE0]  }
0x178: {  	[tilespmem:$0x1FD30] =	vst v39;
	v38 =	vsub.f32 v29, v35;
	v39 =	vsub.f32 v29, v43;
	v33 =	vmul.f32 v62, v62;
	v62 =	vld [tilespmem:$0x1FC30]  }
0x179: {  	[tilespmem:$0x1FD60] =	vst v40;
	v13 =	vld [tilespmem:$0x1FF30];
	v40 =	vsub.f32 v29, v44;
	v44 =	vsub.f32 v29, v52  }
0x17a: {  	v11 =	vld [tilespmem:$0x1FF60];
	v41 =	vsub.f32 v29, v47;
	v43 =	vsub.f32 v29, v48  }
0x17b: {  	v47 =	vsub.f32 v29, v57;
	v57 =	vsub.f32 v29, v60;
	v60 =	vld [tilespmem:$0x1FC40]  }
0x17c: {  	v8 =	vmul.f32 v8, v8;
	v48 =	vsub.f32 v29, v58;
	v58 =	vsub.f32 v29, v61;
	v61 =	vld [tilespmem:$0x1FC20]  }
0x17d: {  	v52 =	vsub.f32 v29, v59;
	v38 =	vmul.f32 v38, v38;
	v59 =	vsub.f32 v29, v62;
	v62 =	vld [tilespmem:$0x1FC00]  }
0x17e: {  	v31 =	vsub.f32 v28, v13;
	v0 =	vmul.f32 v0, v0;
	v9 =	vmul.f32 v9, v9  }
0x17f: {  	v27 =	vmul.f32 v27, v27;
	v20 =	vmul.f32 v20, v20;
	v5 =	vadd.f32 v38, v5  }
0x180: {  	v28 =	vsub.f32 v28, v11;
	v3 =	vmul.f32 v3, v3;
	v30 =	vmul.f32 v30, v30  }
0x181: {  	v31 =	vmul.f32 v31, v31;
	[tilespmem:$0x1FB80] =	vst v5;
	v5 =	vmul.f32 v58, v58;
	v60 =	vsub.f32 v29, v60  }
0x182: {  	v52 =	vmul.f32 v52, v52;
	v61 =	vsub.f32 v29, v61;
	v29 =	vsub.f32 v29, v62  }
0x183: {  	v28 =	vmul.f32 v28, v28;
	v48 =	vmul.f32 v48, v48;
	v3 =	vadd.f32 v5, v3  }
0x184: {  	v20 =	vadd.f32 v52, v20;
	v58 =	vmul.f32 v57, v57;
	v29 =	vmul.f32 v29, v29  }
0x185: {  	v52 =	vadd.f32 v48, v27;
	v62 =	vmul.f32 v59, v59;
	v48 =	vadd.f32 v49, v3;
	v3 =	vld [tilespmem:$0x1FA30]  }
0x186: {  	v25 =	vmul.f32 v25, v25;
	v41 =	vmul.f32 v41, v41;
	v27 =	vadd.f32 v29, v28  }
0x187: {  	v2 =	vmul.f32 v2, v2;
	v29 =	vadd.f32 v58, v30;
	v58 =	vadd.f32 v62, v31  }
0x188: {  	v36 =	vmul.f32 v36, v36;
	v39 =	vmul.f32 v39, v39;
	v9 =	vadd.f32 v41, v9  }
0x189: {  	v40 =	vmul.f32 v40, v40;
	v47 =	vmul.f32 v47, v47;
	v31 =	vadd.f32 v45, v58  }
0x18a: {  	v44 =	vmul.f32 v44, v44;
	v45 =	vadd.f32 v46, v29;
	v46 =	vadd.f32 v3, v9;
	v3 =	vld [tilespmem:$0x1FA40]  }
0x18b: {  	v6 =	vadd.f32 v36, v6;
	v2 =	vadd.f32 v47, v2;
	v47 =	vmul.f32 v61, v61  }
0x18c: {  	s31 =	sand.u32 $0xFFFFFF80, s23;
	v36 =	vld [tilespmem:$0x1FA20];
	v0 =	vadd.f32 v40, v0;
	v8 =	vadd.f32 v39, v8;
	v28 =	vmul.f32 v60, v60  }
0x18d: {  	s24 =	sor.u32 s30, s31;
	v25 =	vadd.f32 v44, v25;
	v30 =	vadd.f32 v47, v33;
	v33 =	vld [tilespmem:$0x1FA10]  }
0x18e: {  	v44 =	vld [tilespmem:s24+$0x8080];
	v39 =	vadd.f32 v22, v27;
	v22 =	vadd.f32 v28, v32  }
0x18f: {  	v0 =	vadd.f32 v50, v0;
	v43 =	vmul.f32 v43, v43;
	v50 =	vadd.f32 v3, v52;
	v3 =	vld [tilespmem:$0x1FA50]  }
0x190: {  	v41 =	vadd.f32 v1, v22;
	v1 =	vld [tilespmem:s25+$0x0]  }
0x191: {  	v7 =	vadd.f32 v43, v7  }
0x192: {  	v59 =	vmul.f32 v24, v24;
	v24 =	vmul.f32 v4, v4;
	v4 =	vadd.f32 v33, v8  }
0x193: {  	v61 =	vadd.f32 v51, v6;
	v40 =	vadd.f32 v21, v30  }
0x194: {  	v62 =	vmul.f32 v23, v23;
	[tilespmem:$0x1FC70] =	vst v4;
	v4 =	vadd.f32 v36, v7;
	v49 =	vadd.f32 v3, v2;
	v2 =	vld [tilespmem:$0x1FA60]  }
0x195: {  	v32 =	vmin.f32 v44, v39;
	v38 =	vsub.f32 v1, v56;
	v56 =	vld [tilespmem:$0x1FAA0];
	v43 =	vsub.f32 v1, v19  }
0x196: {  	[tilespmem:$0x1FC60] =	vst v0;
	v0 =	vmin.f32 v32, v40;
	v44 =	vsub.f32 v1, v54;
	v9 =	vsub.f32 v1, v26;
	v26 =	vld [tilespmem:$0x1FAB0]  }
0x197: {  	v0 =	vmin.f32 v0, v41;
	v47 =	vsub.f32 v1, v16;
	v22 =	vsub.f32 v1, v18;
	v18 =	vld [tilespmem:$0x1FAC0]  }
0x198: {  	v0 =	vmin.f32 v0, v31;
	v8 =	vsub.f32 v1, v10;
	v21 =	vsub.f32 v1, v53;
	v53 =	vld [tilespmem:$0x1FAD0]  }
0x199: {  	v0 =	vmin.f32 v0, v45;
	v23 =	vsub.f32 v1, v15;
	v51 =	vadd.f32 v2, v20;
	v2 =	vld [tilespmem:$0x1FA70]  }
0x19a: {  	v0 =	vmin.f32 v0, v48;
	v15 =	vld [tilespmem:$0x1FAF0];
	v27 =	vsub.f32 v1, v13;
	v28 =	vsub.f32 v1, v12  }
0x19b: {  	[tilespmem:$0x1FC50] =	vst v61;
	v13 =	vld [tilespmem:$0x1FB00];
	v30 =	vsub.f32 v1, v17;
	v61 =	vmul.f32 v43, v43;
	v16 =	vmul.f32 v47, v47  }
0x19c: {  	v54 =	vmovc v63;
	v29 =	vsub.f32 v1, v11;
	v63 =	vmul.f32 v38, v38;
	v19 =	vmul.f32 v9, v9;
	v20 =	vld [tilespmem:s25+$0x80]  }
0x19d: {  	p1 =	sne.s32 s22, $0x1;
	v12 =	vld [tilespmem:$0x1FB10];
	v0 =	vmin.f32 v0, v50;
	v17 =	vmul.f32 v44, v44;
	v21 =	vmul.f32 v21, v21  }
.Ltmp10:
0x19e: {  	v11 =	vld [tilespmem:$0x1FB20];
	v23 =	vmul.f32 v23, v23;
	v3 =	vsub.f32 v1, v55;
	v52 =	vadd.f32 v2, v25;
	(pc) =	sbr.rel @p1 .LBB2_11-.Ltmp10, $4  }
0x19f: {  	v22 =	vmul.f32 v22, v22;
	v55 =	vld [tilespmem:$0x1FA90];
	v0 =	vmin.f32 v0, v51;
	v2 =	vsub.f32 v1, v34  }
0x1a0: {  	v58 =	vmul.f32 v3, v3;
	v34 =	vmovc v37;
	v37 =	vmov v42;
	v42 =	vld [tilespmem:$0x1FA80];
	v0 =	vmin.f32 v0, v52  }
0x1a1: {  	v25 =	vsub.f32 v20, v35;
	v35 =	vld [tilespmem:$0x1FB30];
	v60 =	vmul.f32 v2, v2;
	v0 =	vmin.f32 v0, v49  }
0x1a2: {  	s22 =	sadd.s32 $0xFFFFFFFF, s22;
	[tilespmem:$0x1FC80] =	vst v4;
	v57 =	vmin.f32 v0, v46;
	v0 =	vsub.f32 v1, v14;
	v14 =	vld [tilespmem:$0x1FAE0];
	v1 =	vmul.f32 v8, v8  }
.LBB2_12:
0x1a3: {  	v33 =	vld [tilespmem:$0x1FBD0]  }
0x1a4: {  	v36 =	vld [tilespmem:$0x1FC20]  }
0x1a5: {  	v38 =	vld [tilespmem:$0x1FBE0]  }
0x1a6: {  	v43 =	vld [tilespmem:$0x1FBF0]  }
0x1a7: {  	v44 =	vld [tilespmem:$0x1FC10];
	_ =	sdelay $0x1  }
0x1a8: {  	v3 =	vld [tilespmem:$0x1FB60]  }
0x1a9: {  	v10 =	vld [tilespmem:$0x1FC00];
	v32 =	vsub.f32 v20, v33  }
0x1aa: {  	v6 =	vld [tilespmem:$0x1FBA0];
	v33 =	vsub.f32 v20, v36;
	v36 =	vsub.f32 v20, v38  }
0x1ab: {  	v38 =	vsub.f32 v20, v43;
	v43 =	vsub.f32 v20, v44;
	v44 =	vld [tilespmem:$0x1FC40]  }
0x1ac: {  	v2 =	vld [tilespmem:$0x1FB50]  }
0x1ad: {  	v4 =	vld [tilespmem:$0x1FB70]  }
0x1ae: {  	v5 =	vld [tilespmem:$0x1FB90];
	v8 =	vmul.f32 v30, v30;
	v29 =	vmul.f32 v29, v29;
	v47 =	vsub.f32 v20, v10  }
0x1af: {  	v7 =	vld [tilespmem:$0x1FBB0];
	v28 =	vmul.f32 v28, v28;
	v6 =	vsub.f32 v20, v6;
	v33 =	vmul.f32 v33, v33  }
0x1b0: {  	v9 =	vld [tilespmem:$0x1FBC0];
	v3 =	vsub.f32 v20, v3;
	v30 =	vmul.f32 v47, v47;
	v44 =	vsub.f32 v20, v44  }
0x1b1: {  	v47 =	vld [tilespmem:$0x1FC30];
	v6 =	vmul.f32 v6, v6;
	v8 =	vadd.f32 v33, v8;
	v33 =	vmul.f32 v36, v36  }
0x1b2: {  	v2 =	vsub.f32 v20, v2;
	v36 =	vmul.f32 v38, v38;
	v38 =	vld [tilespmem:$0x1FE60];
	v44 =	vmul.f32 v44, v44  }
0x1b3: {  	v4 =	vsub.f32 v20, v4;
	v3 =	vmul.f32 v3, v3;
	v29 =	vadd.f32 v30, v29;
	v30 =	vld [tilespmem:$0x1FDE0]  }
0x1b4: {  	v6 =	vadd.f32 v6, v19;
	v19 =	vld [tilespmem:$0x1FB80];
	v28 =	vadd.f32 v44, v28  }
0x1b5: {  	v7 =	vsub.f32 v20, v7;
	v3 =	vadd.f32 v3, v60;
	v60 =	vld [tilespmem:$0x1FC60]  }
0x1b6: {  	v27 =	vmul.f32 v27, v27;
	v9 =	vsub.f32 v20, v9;
	v28 =	vadd.f32 v59, v28;
	v59 =	vld [tilespmem:$0x1FE30]  }
0x1b7: {  	v0 =	vmul.f32 v0, v0;
	v5 =	vsub.f32 v20, v5;
	v8 =	vadd.f32 v62, v8;
	v62 =	vld [tilespmem:$0x1FE20]  }
0x1b8: {  	v9 =	vmul.f32 v9, v9;
	v7 =	vmul.f32 v7, v7;
	v24 =	vadd.f32 v24, v29;
	v29 =	vld [tilespmem:$0x1FE10]  }
0x1b9: {  	v4 =	vmul.f32 v4, v4;
	v23 =	vadd.f32 v33, v23;
	v22 =	vadd.f32 v36, v22;
	v33 =	vld [tilespmem:$0x1FD30]  }
0x1ba: {  	s21 =	sshra.s32 s21, $0x2;
	v5 =	vmul.f32 v5, v5;
	v9 =	vadd.f32 v9, v21;
	v7 =	vadd.f32 v7, v17;
	v36 =	vld [tilespmem:$0x1FD60]  }
0x1bb: {  	v17 =	vmul.f32 v25, v25;
	v20 =	vsub.f32 v20, v47;
	v21 =	vadd.f32 v59, v22;
	v22 =	vld [tilespmem:s21+$0x8080]  }
0x1bc: {  	v2 =	vmul.f32 v2, v2;
	v4 =	vadd.f32 v4, v16;
	v47 =	vmul.f32 v43, v43;
	v43 =	vld [tilespmem:$0x1FE50]  }
0x1bd: {  	v5 =	vadd.f32 v5, v63;
	v17 =	vadd.f32 v17, v58;
	v58 =	vld [tilespmem:$0x1FC70];
	v20 =	vmul.f32 v20, v20  }
0x1be: {  	v2 =	vadd.f32 v2, v61;
	v0 =	vadd.f32 v47, v0;
	v44 =	vld [tilespmem:$0x1FE40];
	v47 =	vmul.f32 v32, v32  }
0x1bf: {  	v7 =	vadd.f32 v30, v7;
	v32 =	vld [tilespmem:$0x1FDF0];
	v20 =	vadd.f32 v20, v27  }
0x1c0: {  	v1 =	vadd.f32 v47, v1;
	v9 =	vadd.f32 v62, v9;
	v27 =	vld [tilespmem:$0x1FE00];
	v16 =	vmin.f32 v22, v24  }
0x1c1: {  	v0 =	vadd.f32 v43, v0;
	v43 =	vld [tilespmem:$0x1FD00];
	v20 =	vadd.f32 v38, v20;
	v16 =	vmin.f32 v16, v8  }
0x1c2: {  	v6 =	vadd.f32 v29, v6;
	v2 =	vadd.f32 v36, v2;
	v38 =	vld [tilespmem:$0x1FCD0];
	v16 =	vmin.f32 v16, v28  }
0x1c3: {  	v5 =	vadd.f32 v33, v5;
	v23 =	vadd.f32 v44, v23;
	v44 =	vld [tilespmem:$0x1FCA0];
	v16 =	vmin.f32 v16, v20  }
0x1c4: {  	v62 =	vld [tilespmem:$0x1FC50];
	v47 =	vmin.f32 v28, v41;
	v61 =	vmin.f32 v2, v60;
	v16 =	vmin.f32 v16, v0  }
0x1c5: {  	v4 =	vadd.f32 v32, v4;
	v1 =	vadd.f32 v27, v1;
	v16 =	vmin.f32 v16, v23  }
0x1c6: {  	v48 =	vmin.f32 v23, v48;
	v59 =	vmin.f32 v5, v58;
	v16 =	vmin.f32 v16, v21  }
0x1c7: {  	v17 =	vadd.f32 v43, v17;
	v3 =	vadd.f32 v38, v3;
	v16 =	vmin.f32 v16, v9  }
0x1c8: {  	v50 =	vmin.f32 v21, v50;
	v19 =	vadd.f32 v44, v19;
	v16 =	vmin.f32 v16, v1  }
0x1c9: {  	v63 =	vmin.f32 v3, v62;
	v22 =	vmin.f32 v24, v39;
	v16 =	vmin.f32 v16, v6  }
0x1ca: {  	v8 =	vmin.f32 v8, v40;
	v1 =	vmin.f32 v1, v52;
	v52 =	vld [tilespmem:$0x1FC80];
	v16 =	vmin.f32 v16, v7  }
0x1cb: {  	v9 =	vmin.f32 v9, v51;
	v51 =	vmin.f32 v7, v46;
	v7 =	vmin.f32 v16, v4  }
0x1cc: {  	v20 =	vmin.f32 v20, v31;
	v0 =	vmin.f32 v0, v45;
	v7 =	vmin.f32 v7, v5  }
0x1cd: {  	v20 =	vmin.f32 v12, v20;
	v23 =	vmin.f32 v18, v22;
	v5 =	vmin.f32 v7, v2  }
0x1ce: {  	v18 =	vmin.f32 v14, v48;
	v21 =	vmin.f32 v11, v47;
	v2 =	vmin.f32 v5, v3;
	v3 =	vld [tilespmem:$0x1FF80]  }
0x1cf: {  	v6 =	vmin.f32 v6, v49;
	v16 =	vmin.f32 v57, v52;
	v4 =	vmin.f32 v4, v52  }
0x1d0: {  	v6 =	vmin.f32 v35, v6;
	v16 =	vmin.f32 v16, v58;
	v4 =	vmin.f32 v42, v4  }
.Ltmp11:
0x1d1: {  	v7 =	vmin.f32 v16, v60;
	v2 =	vmin.f32 v2, v17;
	v16 =	vmin.f32 v26, v9;
	(pc) =	sbr.rel .LBB2_13-.Ltmp11, $4  }
0x1d2: {  	v5 =	vmin.f32 v7, v62;
	v7 =	vmin.f32 v34, v1;
	[tilespmem:s21+$0x8080] =	vst v2;
	v2 =	vmin.f32 v53, v59  }
0x1d3: {  	v1 =	vmin.f32 v55, v63;
	v22 =	vmin.f32 v3, v8;
	v3 =	vmin.f32 v5, v19  }
0x1d4: {  	v8 =	vmin.f32 v17, v19;
	v19 =	vmin.f32 v13, v0;
	v17 =	vmin.f32 v15, v50  }
0x1d5: {  	v5 =	vmin.f32 v37, v51;
	v15 =	vld [tilespmem:$0x1FB40];
	[tilespmem:s24+$0x8080] =	vst v3;
	v3 =	vmin.f32 v54, v61;
	v0 =	vmin.f32 v56, v8  }
.LBB2_3:
0x1d6: {  	v15 =	vimm.f32 $0.0e+00  }
.LBB2_14:
0x1d7: {  	s14 =	sadd.s32 $0xF, s13  }
0x1d8: {  	s16 =	sand.u32 $0xF, s14  }
0x1d9: {  	s31 =	sshra.s32 s14, $0x1F;
	p1 =	slt.s32 s14, $0x1;
	p0 =	sne.s32 s16, $0x0  }
0x1da: {  	s16 =	sshrl.u32 s31, $0x1C;
	p0 =	por !p1, !p0  }
0x1db: {  	s14 =	sadd.s32 s16, s14;
	s16 =	simm.s32 $0x1;
	p0 =	por !p0, !p0  }
0x1dc: {  	s14 =	sshra.s32 s14, $0x4;
	s16 =	simm.s32 @!p0 $0x0  }
0x1dd: {  	p0 =	slt.s32 s15, $0x1;
	s14 =	ssub.s32 s14, s16  }
0x1de: {  	p1 =	slt.s32 @!p0 s14, $0x1  }
0x1df: {  	p1 =	por p0, p1  }
.Ltmp12:
0x1e0: {  	_ = 	snop;
	(pc) =	sbr.rel @p1 .LBB2_15-.Ltmp12, $1  }
0x1e1: {  	_ =	sdelay $0x3  }
0x1e2: {  	p1 =	sgt.s32 s14, $0x1  }
.Ltmp13:
0x1e3: {  	_ = 	snop;
	(pc) =	sbr.rel @!p1 .LBB2_17-.Ltmp13, $3  }
0x1e4: {  	_ =	sdelay $0x1  }
0x1e5: {  	v1 =	vmov s13  }
0x1e6: {  	v0 =	vimm.f32 $-1.000000020e+30;
	s15 =	simm.s32 $0x8080;
	s13 =	simm.s32 $0x0;
	p0 =	por $0x0, $0x0;
	v8 =	vimm.f32 $1.000000020e+30;
	v5 =	vlaneseq.u32  }
0x1e7: {  	v2 =	vld [tilespmem:s15+$0x0];
	p1 =	sgt.s32 s14, $0x2  }
.Ltmp14:
0x1e8: {  	_ = 	snop;
	(pc) =	sbr.rel @!p1 .LBB2_19-.Ltmp14, $4  }
0x1e9: {  	_ = 	snop  }
0x1ea: {  	v3 =	vor.u32 s13, v5  }
0x1eb: {  	s16 =	simm.s32 $0x2;
	vm0 =	vlt.s32 v3, v1  }
0x1ec: {  	s15 =	simm.s32 $0x8090;
	p0 =	por $0x1, $0x1;
	s17 =	simm.s32 $0x0;
	v3 =	vnsel vm0, $0xF149F2CA, v2;
	v2 =	vimm.f32 $-1.000000020e+30  }
.LBB2_20:
0x1ed: {  	s16 =	sadd.s32 $0x1, s16  }
0x1ee: {  	v4 =	vld [tilespmem:s15+$0x0];
	v2 =	vmax.f32 v2, v3;
	s17 =	sadd.s32 $0x10, s17;
	p1 =	sgt.s32 s14, s16  }
.Ltmp15:
0x1ef: {  	(pc) =	sbr.rel @p1 .LBB2_20-.Ltmp15, $4  }
0x1f0: {  	_ = 	snop  }
0x1f1: {  	v3 =	vor.u32 s17, v5  }
0x1f2: {  	vm0 =	vlt.s32 v3, v1  }
0x1f3: {  	s15 =	sadd.s32 $0x10, s15;
	v3 =	vnsel vm0, $0xF149F2CA, v4  }
.LBB2_21:
0x1f4: {  	v4 =	vld [tilespmem:s15+$0x0]  }
0x1f5: {  	s14 =	sadd.s32 @p0 $0x10, s17  }
.Ltmp16:
0x1f6: {  	s13 =	smov.u32 @p0 s14;
	(pc) =	sbr.rel .LBB2_22-.Ltmp16, $4  }
0x1f7: {  	v5 =	vor.u32 s13, v5  }
0x1f8: {  	v2 =	vmax.f32 @p0 v2, v3;
	vm0 =	vlt.s32 v5, v1  }
0x1f9: {  	v0 =	vpsel p0, v2, v0;
	v1 =	vnsel vm0, $0xF149F2CA, v4  }
0x1fa: {  	v0 =	vmax.f32 v0, v1  }
.LBB2_17:
.Ltmp17:
0x1fb: {  	(pc) =	sbr.rel .LBB2_21-.Ltmp17, $2  }
0x1fc: {  	_ =	sdelay $0x2  }
0x1fd: {  	v2 =	vimm.f32 $-1.000000020e+30;
	s17 =	simm.s32 $0x0  }
.LBB2_19:
.Ltmp18:
0x1fe: {  	(pc) =	sbr.rel .LBB2_21-.Ltmp18, $2  }
0x1ff: {  	_ =	sdelay $0x2  }
0x200: {  	v2 =	vimm.f32 $-1.000000020e+30;
	s17 =	simm.s32 $0x0  }
.LBB2_23:
0x201: {  	_ =	sfence.sel $0x180000  }
0x202: {  	[bflag:$0x0] =	sbarrier.arrive $0xFFFF  }
0x203: {  	p0 =	sne.s32 s1, $0x0;
	_ =	strace $0x90000047  }
0x204: {  	s0 =	sadd.s32 @!p0 $0x100000, s0;
	[bflag:$0x2] =	sbarrier.arrive $0xFFFF  }
0x205: {  	[sflag:s0] =	ssyncadd.tile.s32 @!p0 $0x1;
	_ =	shalt  }
.Lfunc_end2:
_tile_overlayer_lowered:
.L_overlay_start_2:
0x206: {  	(tag) =	ssettag $0x2  }
0x207: {  	s0 =	rddreg [dreg:$0x0];
	s2 =	stileid.u32  }
0x208: {  	s1 =	rddreg [dreg:$0x1];
	p0 =	sne.s32 s2, $0x0  }
0x209: {  	s3 =	rddreg [dreg:$0x2];
	[bflag:$0x3] =	sbarrier.arrive $0xFFFF;
	s2 =	simm.s32 @!p0 $0x1C01  }
0x20a: {  	[timem:s3], [sflag:s2] =	dma.local @!p0 [hbm:s0], s1  }
0x20b: {  	s0 =	simm.s32 @!p0 $0x1  }
0x20c: {  	_ =	swait.ge @!p0 [sflag:s0], s1  }
0x20d: {  	s1 =	ssub.s32 @!p0 $0x0, s1;
	[sflag:s0] =	ssyncset.done @!p0 $0x0  }
0x20e: {  	[sflag:s0] =	ssyncadd.s32 @!p0 s1  }
0x20f: {  	[bflag:$0x3] =	sbarrier.arrive $0xFFFF  }
0x210: {  	_ =	shalt  }

</sc_bundles>
